<compile_context>
chip_gen: v7x
topology: tpu7x:2x2x1
jax: 0.10.2.dev20260603
libtpu: 0.0.44.dev20260713+nightly
codegen_flags: <defaults>
</compile_context>

<pallas_src>
import functools

import jax
import jax.numpy as jnp
import numpy as np
from jax import lax
from jax.experimental import pallas as pl
from jax.experimental.pallas import tpu as pltpu
from jax.experimental.pallas import tpu_sc as plsc

N = 10000
E = 320000
F = 64
NT = 32
_ROWS = 1000

_MESH = dict(core_axis_name="c", subcore_axis_name="s")
_SC_PARAMS = pltpu.CompilerParams(needs_layout_passes=False)


def _pack_body(e_ref, sd_ref):
    sd_ref[...] = e_ref[1:2, :] * 16384 + e_ref[0:1, :]


def _pack(edge_index):
    L = 32000
    sd = pl.pallas_call(
        _pack_body,
        grid=(E // L,),
        in_specs=[pl.BlockSpec((2, L), lambda i: (0, i))],
        out_specs=pl.BlockSpec((1, L), lambda i: (0, i)),
        out_shape=jax.ShapeDtypeStruct((1, E), jnp.int32),
    )(edge_index)
    return sd.reshape(E)


def _prepare_core(x, w_ref, wl_ref, wr_ref, ft_ref, a1_ref, a2_ref, m_ref):
    ft = jnp.dot(x, w_ref[...].T, preferred_element_type=jnp.float32)
    ft_ref[...] = ft.T
    a1 = jnp.dot(ft, wl_ref[...], preferred_element_type=jnp.float32)
    a1_ref[...] = a1.T
    a2 = jnp.dot(ft, wr_ref[...], preferred_element_type=jnp.float32)
    a2_ref[...] = a2.T
    m_ref[...] = jnp.max(a2, axis=0, keepdims=True)


def _prepare_body(x_ref, w_ref, wl_ref, wr_ref, ft_ref, a1_ref, a2_ref, m_ref):
    _prepare_core(x_ref[...], w_ref, wl_ref, wr_ref, ft_ref, a1_ref, a2_ref, m_ref)


def _blockdiag(w):
    H, _, D = w.shape
    mask = jnp.asarray(np.kron(np.eye(H), np.ones((D, 1))), dtype=jnp.float32)
    return w.reshape(1, H * D).T * mask


def _prepare(last, Wfc, wl, wr):
    H, D, Din = Wfc.shape
    ft, a1, a2, a2m = pl.pallas_call(
        _prepare_body,
        out_shape=[
            jax.ShapeDtypeStruct((F, N), jnp.float32),
            jax.ShapeDtypeStruct((H, N), jnp.float32),
            jax.ShapeDtypeStruct((H, N), jnp.float32),
            jax.ShapeDtypeStruct((1, H), jnp.float32),
        ],
    )(last, Wfc.reshape(F, Din), _blockdiag(wl), _blockdiag(wr))
    return ft, a1, a2, a2m


def _phase_a(H, CH, UN):
    Q = NT // H
    EQ = E // Q
    nchunk = EQ // CH
    G = 16 * UN

    @functools.partial(
        pl.kernel,
        out_type=[
            jax.ShapeDtypeStruct((H * E,), jnp.float32),
            jax.ShapeDtypeStruct((NT * N,), jnp.float32),
        ],
        mesh=plsc.VectorSubcoreMesh(**_MESH),
        compiler_params=_SC_PARAMS,
        scratch_types=[
            pltpu.VMEM((N,), jnp.float32),
            pltpu.VMEM((N,), jnp.float32),
            pltpu.VMEM((16,), jnp.float32),
            pltpu.VMEM((N,), jnp.float32),
            [pltpu.VMEM((CH,), jnp.int32)] * 2,
            [pltpu.VMEM((CH,), jnp.float32)] * 2,
            [pltpu.SemaphoreType.DMA] * 2,
            [pltpu.SemaphoreType.DMA] * 2,
        ],
    )
    def k(sd_hbm, a1t_hbm, a2t_hbm, a2m_hbm, ee_hbm, denp_hbm,
          A1v, A2v, Mv, DENv, SDs, EEs, semi, semo):
        wid = lax.axis_index("s") * 2 + lax.axis_index("c")
        h = wid // Q
        q = wid % Q
        pltpu.sync_copy(a1t_hbm.at[h], A1v)
        pltpu.sync_copy(a2t_hbm.at[h], A2v)
        pltpu.sync_copy(a2m_hbm.at[h], Mv)

        def zero(i, _):
            DENv[pl.ds(i * 16, 16)] = jnp.zeros((16,), jnp.float32)
            return 0
        lax.fori_loop(0, N // 16, zero, 0)
        a2m = Mv[pl.ds(0, 16)]

        def start_in(kk, b):
            off = q * EQ + kk * CH
            pltpu.make_async_copy(sd_hbm.at[pl.ds(off, CH)], SDs[b], semi[b]).start()

        def wait_in(b):
            pltpu.make_async_copy(sd_hbm.at[pl.ds(0, CH)], SDs[b], semi[b]).wait()

        def wait_out(b):
            pltpu.make_async_copy(EEs[b], ee_hbm.at[pl.ds(0, CH)], semo[b]).wait()

        def compute(kk, b):
            SDv, EEv = SDs[b], EEs[b]

            @plsc.parallel_loop(0, CH // 16, unroll=UN)
            def body(i):
                ds_ = pl.ds(i * 16, 16)
                sd16 = SDv[ds_]
                s16 = sd16 & 16383
                d16 = lax.shift_right_logical(sd16, 14)
                a1d = plsc.load_gather(A1v, [d16])
                a2s = plsc.load_gather(A2v, [s16])
                t = a1d + a2s
                cm = a1d + a2m
                c = jnp.maximum(cm, cm * 0.01)
                ee = jnp.exp(jnp.maximum(t, t * 0.01) - c)
                EEv[ds_] = ee
                plsc.addupdate_scatter(DENv, [d16], ee)
            off = q * EQ + kk * CH
            pltpu.make_async_copy(EEv, ee_hbm.at[pl.ds(h * E + off, CH)], semo[b]).start()

        if nchunk >= 2:
            start_in(0, 0)

            def pair(pp, _):
                base = 2 * pp

                @pl.when(base + 1 < nchunk)
                def _():
                    start_in(base + 1, 1)
                wait_in(0)

                @pl.when(pp > 0)
                def _():
                    wait_out(0)
                compute(base, 0)

                @pl.when(base + 2 < nchunk)
                def _():
                    start_in(base + 2, 0)
                wait_in(1)

                @pl.when(pp > 0)
                def _():
                    wait_out(1)
                compute(base + 1, 1)
                return 0
            lax.fori_loop(0, nchunk // 2, pair, 0)
            wait_out(0)
            wait_out(1)
        else:
            start_in(0, 0)
            wait_in(0)
            compute(0, 0)
            wait_out(0)
        pltpu.sync_copy(DENv, denp_hbm.at[pl.ds(wid * N, N)])

    return k


def _denprep_body(H, denp_ref, den_ref):
    den_ref[...] = jnp.sum(denp_ref[...].reshape(H, NT // H, N), axis=1)


def _denprep(denp, H):
    return pl.pallas_call(
        functools.partial(_denprep_body, H),
        out_shape=jax.ShapeDtypeStruct((H, N), jnp.float32),
    )(denp)


def _phase_b(H, CH, UN):
    nchunk = E // CH
    G = 16 * UN

    @functools.partial(
        pl.kernel,
        out_type=jax.ShapeDtypeStruct((F, N), jnp.float32),
        mesh=plsc.VectorSubcoreMesh(**_MESH),
        compiler_params=_SC_PARAMS,
        scratch_types=[
            pltpu.VMEM((N,), jnp.float32),
            pltpu.VMEM((N,), jnp.float32),
            pltpu.VMEM((N,), jnp.float32),
            pltpu.VMEM((N,), jnp.float32),
            pltpu.VMEM((N,), jnp.float32),
            pltpu.VMEM((N,), jnp.float32),
            [pltpu.VMEM((CH,), jnp.int32)] * 2,
            [pltpu.VMEM((CH,), jnp.float32)] * 2,
            [pltpu.SemaphoreType.DMA] * 2,
        ],
    )
    def k(sd_hbm, ftt_hbm, ee_hbm, den_hbm, acct_hbm,
          FTa, FTb, ACCa, ACCb, DIv, TMPv, SDs, EEs, semi):
        wid = lax.axis_index("s") * 2 + lax.axis_index("c")
        h = wid // (NT // H)
        pltpu.sync_copy(ftt_hbm.at[2 * wid], FTa)
        pltpu.sync_copy(ftt_hbm.at[2 * wid + 1], FTb)
        if H == 8:
            pltpu.sync_copy(den_hbm.at[pl.ds((4 * h) * N, N)], DIv)
            for r in range(1, 4):
                pltpu.sync_copy(den_hbm.at[pl.ds((4 * h + r) * N, N)], TMPv)

                @plsc.parallel_loop(0, N // 16, unroll=5)
                def _(i):
                    ds_ = pl.ds(i * 16, 16)
                    DIv[ds_] = DIv[ds_] + TMPv[ds_]
        else:
            pltpu.sync_copy(den_hbm.at[h], DIv)

        def zero(i, _):
            z = jnp.zeros((16,), jnp.float32)
            ACCa[pl.ds(i * 16, 16)] = z
            ACCb[pl.ds(i * 16, 16)] = z
            return 0
        lax.fori_loop(0, N // 16, zero, 0)

        def start_in(kk, b):
            off = kk * CH
            pltpu.make_async_copy(sd_hbm.at[pl.ds(off, CH)], SDs[b], semi[b]).start()
            pltpu.make_async_copy(ee_hbm.at[pl.ds(h * E + off, CH)], EEs[b], semi[b]).start()

        def wait_in(b):
            pltpu.make_async_copy(sd_hbm.at[pl.ds(0, CH)], SDs[b], semi[b]).wait()
            pltpu.make_async_copy(ee_hbm.at[pl.ds(0, CH)], EEs[b], semi[b]).wait()

        def compute(b):
            SDv, EEv = SDs[b], EEs[b]

            @plsc.parallel_loop(0, CH // 16, unroll=UN)
            def body(i):
                ds_ = pl.ds(i * 16, 16)
                sd16 = SDv[ds_]
                s16 = sd16 & 16383
                d16 = lax.shift_right_logical(sd16, 14)
                w16 = EEv[ds_]
                fa = plsc.load_gather(FTa, [s16])
                plsc.addupdate_scatter(ACCa, [d16], w16 * fa)
                fb = plsc.load_gather(FTb, [s16])
                plsc.addupdate_scatter(ACCb, [d16], w16 * fb)

        start_in(0, 0)

        def pair(pp, _):
            base = 2 * pp

            @pl.when(base + 1 < nchunk)
            def _():
                start_in(base + 1, 1)
            wait_in(0)
            compute(0)

            @pl.when(base + 2 < nchunk)
            def _():
                start_in(base + 2, 0)
            wait_in(1)
            compute(1)
            return 0
        lax.fori_loop(0, nchunk // 2, pair, 0)

        @plsc.parallel_loop(0, N // 16, unroll=5)
        def norm(i):
            ds_ = pl.ds(i * 16, 16)
            den16 = DIv[ds_]
            dv = 1.0 / jnp.where(den16 > 0.0, den16, 1.0)
            ACCa[ds_] = ACCa[ds_] * dv
            ACCb[ds_] = ACCb[ds_] * dv
        pltpu.sync_copy(ACCa, acct_hbm.at[2 * wid])
        pltpu.sync_copy(ACCb, acct_hbm.at[2 * wid + 1])

    return k


def _finalize_res_body(acc_ref, last_ref, wres_ref, out_ref):
    v = acc_ref[...].T + jnp.dot(last_ref[...], wres_ref[...].T,
                                 preferred_element_type=jnp.float32)
    out_ref[...] = jnp.where(v > 0.0, v, jnp.exp(v) - 1.0)


def _finalize_nores_body(acc_ref, out_ref):
    v = acc_ref[...].T
    out_ref[...] = jnp.where(v > 0.0, v, jnp.exp(v) - 1.0)


def _finalize(accum, last, Wres):
    if Wres is None:
        return pl.pallas_call(
            _finalize_nores_body,
            out_shape=jax.ShapeDtypeStruct((N, F), jnp.float32),
        )(accum)
    H, D, Din = Wres.shape
    return pl.pallas_call(
        _finalize_res_body,
        out_shape=jax.ShapeDtypeStruct((N, F), jnp.float32),
    )(accum, last, Wres.reshape(F, Din))




def _fuse_res_body(acc_ref, last_ref, wres_ref, w_ref, wl_ref, wr_ref,
                   out_ref, ft_ref, a1_ref, a2_ref, m_ref):
    v = acc_ref[...].T + jnp.dot(last_ref[...], wres_ref[...].T,
                                 preferred_element_type=jnp.float32)
    out = jnp.where(v > 0.0, v, jnp.exp(v) - 1.0)
    out_ref[...] = out
    _prepare_core(out, w_ref, wl_ref, wr_ref, ft_ref, a1_ref, a2_ref, m_ref)


def _fuse_nores_body(acc_ref, w_ref, wl_ref, wr_ref,
                     out_ref, ft_ref, a1_ref, a2_ref, m_ref):
    v = acc_ref[...].T
    out = jnp.where(v > 0.0, v, jnp.exp(v) - 1.0)
    out_ref[...] = out
    _prepare_core(out, w_ref, wl_ref, wr_ref, ft_ref, a1_ref, a2_ref, m_ref)


def _fuse(acct, last, Wres, Wfc, wl, wr):
    Hn, Dn, Dinn = Wfc.shape
    out_shape = [
        jax.ShapeDtypeStruct((N, F), jnp.float32),
        jax.ShapeDtypeStruct((F, N), jnp.float32),
        jax.ShapeDtypeStruct((Hn, N), jnp.float32),
        jax.ShapeDtypeStruct((Hn, N), jnp.float32),
        jax.ShapeDtypeStruct((1, Hn), jnp.float32),
    ]
    wfc = Wfc.reshape(F, Dinn)
    if Wres is None:
        return pl.pallas_call(_fuse_nores_body, out_shape=out_shape)(
            acct, wfc, _blockdiag(wl), _blockdiag(wr))
    Hr, Dr, Dinr = Wres.shape
    return pl.pallas_call(_fuse_res_body, out_shape=out_shape)(
        acct, last, Wres.reshape(Hr * Dr, Dinr), wfc,
        _blockdiag(wl), _blockdiag(wr))


def _edge(H, sd, ftt, a1t, a2t, a2m):
    a2mb = jnp.broadcast_to(a2m.reshape(H, 1), (H, 16))
    if H == 8:
        ee, denp = _phase_a(H, 8000, 5)(sd, a1t, a2t, a2mb)
        return _phase_b(H, 8000, 5)(sd, ftt, ee, denp)
    ee, denp = _phase_a(H, 10000, 5)(sd, a1t, a2t, a2mb)
    den = _denprep(denp.reshape(NT, N), H)
    return _phase_b(H, 8000, 5)(sd, ftt, ee, den)


def kernel(x, edge_index, Wfc0, wl0, wr0, Wfc1, wl1, wr1, Wres1, Wfc2, wl2, wr2, Wres2):
    sd = _pack(edge_index)
    ftt, a1t, a2t, a2m = _prepare(x, Wfc0, wl0, wr0)
    acct0 = _edge(8, sd, ftt, a1t, a2t, a2m)
    out0, ftt, a1t, a2t, a2m = _fuse(acct0, None, None, Wfc1, wl1, wr1)
    acct1 = _edge(8, sd, ftt, a1t, a2t, a2m)
    out1, ftt, a1t, a2t, a2m = _fuse(acct1, out0, Wres1, Wfc2, wl2, wr2)
    acct2 = _edge(1, sd, ftt, a1t, a2t, a2m)
    return _finalize(acct2, out1, Wres2)

# --- scband reference (transcript-rebuilt; emitter-appended) ---
"""Pipeline reference for scband-gat-47459388621528 (READ-ONLY COPY).

The authoritative reference and input builder live on the scoring server;
editing this copy changes nothing except your own understanding.
"""

import jax, jax.numpy as jnp
import numpy as np

N = 10000
E = 320000
IN_DIM = 128
HID = 8
NH0 = 8
NH1 = 8
NC = 64


def _head(x, Wfc, wl, wr, src, dst, Wres, residual):
    # GATPrepare: ft = Linear(x), a1 = Linear(ft), a2 = Linear(ft)
    ft = x @ Wfc.T
    a1 = ft @ wl.T  # [N,1]
    a2 = ft @ wr.T  # [N,1]
    # gat_message + GATReduce: per-edge logits, segment softmax over incoming edges of dst
    e = jax.nn.leaky_relu(a1[dst] + a2[src], negative_slope=0.01)  # [E,1]
    emax = jax.ops.segment_max(e, dst, num_segments=N)
    emax = jax.lax.stop_gradient(jnp.where(jnp.isfinite(emax), emax, 0.0))
    ee = jnp.exp(e - emax[dst])
    den = jax.ops.segment_sum(ee, dst, num_segments=N)
    dd = den[dst]
    alpha = ee / jnp.where(dd > 0.0, dd, 1.0)
    accum = jax.ops.segment_sum(alpha * ft[src], dst, num_segments=N)
    # GATFinalize: optional residual projection + activation (elu)
    if residual:
        accum = x @ Wres.T + accum
    return jax.nn.elu(accum)


def setup_inputs(seed: int = 0):
    key = jax.random.key(seed)
    ks = jax.random.split(key, 14)
    x = jax.random.normal(ks[0], (N, IN_DIM), dtype=jnp.float32)
    edge_index = jax.random.randint(ks[1], (2, E), 0, N, dtype=jnp.int32)

    def xav(k, shape):
        fan_out, fan_in = shape[-2], shape[-1]
        std = 1.414 * np.sqrt(2.0 / (fan_in + fan_out))
        return jax.random.normal(k, shape, dtype=jnp.float32) * std

    Wfc0 = xav(ks[2], (NH0, HID, IN_DIM))
    wl0 = xav(ks[3], (NH0, 1, HID))
    wr0 = xav(ks[4], (NH0, 1, HID))
    Wfc1 = xav(ks[5], (NH1, HID, HID * NH0))
    wl1 = xav(ks[6], (NH1, 1, HID))
    wr1 = xav(ks[7], (NH1, 1, HID))
    Wres1 = xav(ks[8], (NH1, HID, HID * NH0))
    Wfc2 = xav(ks[9], (1, NC, HID * NH1))
    wl2 = xav(ks[10], (1, 1, NC))
    wr2 = xav(ks[11], (1, 1, NC))
    Wres2 = xav(ks[12], (1, NC, HID * NH1))
    return {"x": x, "edge_index": edge_index, "Wfc0": Wfc0, "wl0": wl0, "wr0": wr0,
            "Wfc1": Wfc1, "wl1": wl1, "wr1": wr1, "Wres1": Wres1,
            "Wfc2": Wfc2, "wl2": wl2, "wr2": wr2, "Wres2": Wres2}


def reference(x, edge_index, Wfc0, wl0, wr0, Wfc1, wl1, wr1, Wres1, Wfc2, wl2, wr2, Wres2):
    src = edge_index[0]
    dst = edge_index[1]
    last = x
    # layer 0: 8 heads, no residual
    heads = [_head(last, Wfc0[h], wl0[h], wr0[h], src, dst, None, False) for h in range(NH0)]
    last = jnp.concatenate(heads, axis=1)
    # layer 1: 8 heads, residual with projection (indim 64 != hidden 8)
    heads = [_head(last, Wfc1[h], wl1[h], wr1[h], src, dst, Wres1[h], True) for h in range(NH1)]
    last = jnp.concatenate(heads, axis=1)
    # final: 1 head to num_classes, residual with projection, averaged over final heads (1)
    out = _head(last, Wfc2[0], wl2[0], wr2[0], src, dst, Wres2[0], True)
    out = out / 1.0
    return out

if __name__ == "__main__":
    import jax
    _d = setup_inputs()
    print(jax.jit(kernel)(*tuple(_d.values())))

</pallas_src>

<mosaic_0001>
#map = affine_map<(d0, d1) -> (0)>
#map1 = affine_map<(d0, d1) -> (0, 0)>
module attributes {stable_mosaic.version = 14 : i64} {
  func.func @k(%arg0: i32, %arg1: i32, %arg2: memref<320000xi32, #tpu.memory_space<hbm>>, %arg3: memref<64x10000xf32, #tpu.memory_space<hbm>>, %arg4: memref<2560000xf32, #tpu.memory_space<hbm>>, %arg5: memref<320000xf32, #tpu.memory_space<hbm>>, %arg6: memref<64x10000xf32, #tpu.memory_space<hbm>>, %arg7: memref<10000xf32, #tpu.memory_space<vmem>>, %arg8: memref<10000xf32, #tpu.memory_space<vmem>>, %arg9: memref<10000xf32, #tpu.memory_space<vmem>>, %arg10: memref<10000xf32, #tpu.memory_space<vmem>>, %arg11: memref<10000xf32, #tpu.memory_space<vmem>>, %arg12: memref<10000xf32, #tpu.memory_space<vmem>>, %arg13: memref<8000xi32, #tpu.memory_space<vmem>>, %arg14: memref<8000xi32, #tpu.memory_space<vmem>>, %arg15: memref<8000xf32, #tpu.memory_space<vmem>>, %arg16: memref<8000xf32, #tpu.memory_space<vmem>>, %arg17: memref<!tpu.dma_semaphore, #tpu.memory_space<semaphore_mem>>, %arg18: memref<!tpu.dma_semaphore, #tpu.memory_space<semaphore_mem>>) attributes {dimension_semantics = [#tpu.dimension_semantics<core_parallel>, #tpu.dimension_semantics<subcore_parallel>], iteration_bounds = array<i64: 2, 16>, scalar_prefetch = 0 : i64, scratch_operands = 12 : i64, tpu.core_type = #tpu.core_type<sc_vector_subcore>, window_params = [{transform_indices = #map}, {transform_indices = #map1}, {transform_indices = #map}, {transform_indices = #map}, {transform_indices = #map1}]} {
    %mul3A = arith.constant 2 : i32
    %mul3A_0 = arith.muli %arg1, %mul3A : i32
    %add3A = arith.addi %mul3A_0, %arg0 : i32
    %jit3A = arith.constant 4 : i32
    %div3A = arith.divsi %add3A, %jit3A : i32
    %sign3A = arith.constant 0 : i32
    %sign3A_1 = arith.cmpi sgt, %add3A, %sign3A : i32
    %sign3A_2 = arith.extui %sign3A_1 : i1 to i32
    %sign3A_3 = arith.constant 0 : i32
    %sign3A_4 = arith.cmpi slt, %add3A, %sign3A_3 : i32
    %sign3A_5 = arith.extui %sign3A_4 : i1 to i32
    %sign3A_6 = arith.subi %sign3A_2, %sign3A_5 : i32
    %sign3A_7 = arith.constant 0 : i32
    %sign3A_8 = arith.cmpi sgt, %jit3A, %sign3A_7 : i32
    %sign3A_9 = arith.extui %sign3A_8 : i1 to i32
    %sign3A_10 = arith.constant 0 : i32
    %sign3A_11 = arith.cmpi slt, %jit3A, %sign3A_10 : i32
    %sign3A_12 = arith.extui %sign3A_11 : i1 to i32
    %sign3A_13 = arith.subi %sign3A_9, %sign3A_12 : i32
    %ne3A = arith.cmpi ne, %sign3A_6, %sign3A_13 : i32
    %rem3A = arith.remsi %add3A, %jit3A : i32
    %ne3A_14 = arith.constant 0 : i32
    %ne3A_15 = arith.cmpi ne, %rem3A, %ne3A_14 : i32
    %and3A = arith.andi %ne3A, %ne3A_15 : i1
    %sub3A = arith.constant 1 : i32
    %sub3A_16 = arith.subi %div3A, %sub3A : i32
    %select_n3A = arith.select %and3A, %sub3A_16, %div3A : i32
    %mul3A_17 = arith.constant 2 : i32
    %mul3A_18 = arith.muli %mul3A_17, %add3A : i32
    "tpu.region"() ({
      %run_scoped3A = tpu.sem_alloc : memref<!tpu.dma_semaphore, #tpu.memory_space<semaphore_mem>>
      %dma_start3A_84 = arith.constant 0 : i32
      %dma_start3A_85 = tpu.memref_slice %arg3[%mul3A_18, %dma_start3A_84] : memref<64x10000xf32, #tpu.memory_space<hbm>> -> memref<1x10000xf32, #tpu.memory_space<hbm>>
      %dma_start3A_86 = tpu.memref_squeeze %dma_start3A_85 : memref<1x10000xf32, #tpu.memory_space<hbm>> -> memref<10000xf32, #tpu.memory_space<hbm>>
      %dma_start3A_87 = arith.constant 0 : i32
      %dma_start3A_88 = tpu.memref_slice %arg3[%mul3A_18, %dma_start3A_87] : memref<64x10000xf32, #tpu.memory_space<hbm>> -> memref<1x10000xf32, #tpu.memory_space<hbm>>
      %dma_start3A_89 = tpu.memref_squeeze %dma_start3A_88 : memref<1x10000xf32, #tpu.memory_space<hbm>> -> memref<10000xf32, #tpu.memory_space<hbm>>
      tpu.enqueue_dma source(%dma_start3A_89 : memref<10000xf32, #tpu.memory_space<hbm>>) target(%arg7 : memref<10000xf32, #tpu.memory_space<vmem>>) target_semaphore(%run_scoped3A : memref<!tpu.dma_semaphore, #tpu.memory_space<semaphore_mem>>)
      %dma_wait3A = arith.constant 0 : i32
      %dma_wait3A_90 = tpu.memref_slice %arg3[%mul3A_18, %dma_wait3A] : memref<64x10000xf32, #tpu.memory_space<hbm>> -> memref<1x10000xf32, #tpu.memory_space<hbm>>
      %dma_wait3A_91 = tpu.memref_squeeze %dma_wait3A_90 : memref<1x10000xf32, #tpu.memory_space<hbm>> -> memref<10000xf32, #tpu.memory_space<hbm>>
      %dma_wait3A_92 = arith.constant 0 : i32
      %dma_wait3A_93 = tpu.memref_slice %arg3[%mul3A_18, %dma_wait3A_92] : memref<64x10000xf32, #tpu.memory_space<hbm>> -> memref<1x10000xf32, #tpu.memory_space<hbm>>
      %dma_wait3A_94 = tpu.memref_squeeze %dma_wait3A_93 : memref<1x10000xf32, #tpu.memory_space<hbm>> -> memref<10000xf32, #tpu.memory_space<hbm>>
      tpu.wait_dma2 semaphore(%run_scoped3A : memref<!tpu.dma_semaphore, #tpu.memory_space<semaphore_mem>>) src(%dma_wait3A_94 : memref<10000xf32, #tpu.memory_space<hbm>>) dst(%arg7 : memref<10000xf32, #tpu.memory_space<vmem>>)
      tpu.yield
    }) : () -> ()
    %mul3A_19 = arith.constant 2 : i32
    %mul3A_20 = arith.muli %mul3A_19, %add3A : i32
    %add3A_21 = arith.constant 1 : i32
    %add3A_22 = arith.addi %mul3A_20, %add3A_21 : i32
    "tpu.region"() ({
      %run_scoped3A = tpu.sem_alloc : memref<!tpu.dma_semaphore, #tpu.memory_space<semaphore_mem>>
      %dma_start3A_84 = arith.constant 0 : i32
      %dma_start3A_85 = tpu.memref_slice %arg3[%add3A_22, %dma_start3A_84] : memref<64x10000xf32, #tpu.memory_space<hbm>> -> memref<1x10000xf32, #tpu.memory_space<hbm>>
      %dma_start3A_86 = tpu.memref_squeeze %dma_start3A_85 : memref<1x10000xf32, #tpu.memory_space<hbm>> -> memref<10000xf32, #tpu.memory_space<hbm>>
      %dma_start3A_87 = arith.constant 0 : i32
      %dma_start3A_88 = tpu.memref_slice %arg3[%add3A_22, %dma_start3A_87] : memref<64x10000xf32, #tpu.memory_space<hbm>> -> memref<1x10000xf32, #tpu.memory_space<hbm>>
      %dma_start3A_89 = tpu.memref_squeeze %dma_start3A_88 : memref<1x10000xf32, #tpu.memory_space<hbm>> -> memref<10000xf32, #tpu.memory_space<hbm>>
      tpu.enqueue_dma source(%dma_start3A_89 : memref<10000xf32, #tpu.memory_space<hbm>>) target(%arg8 : memref<10000xf32, #tpu.memory_space<vmem>>) target_semaphore(%run_scoped3A : memref<!tpu.dma_semaphore, #tpu.memory_space<semaphore_mem>>)
      %dma_wait3A = arith.constant 0 : i32
      %dma_wait3A_90 = tpu.memref_slice %arg3[%add3A_22, %dma_wait3A] : memref<64x10000xf32, #tpu.memory_space<hbm>> -> memref<1x10000xf32, #tpu.memory_space<hbm>>
      %dma_wait3A_91 = tpu.memref_squeeze %dma_wait3A_90 : memref<1x10000xf32, #tpu.memory_space<hbm>> -> memref<10000xf32, #tpu.memory_space<hbm>>
      %dma_wait3A_92 = arith.constant 0 : i32
      %dma_wait3A_93 = tpu.memref_slice %arg3[%add3A_22, %dma_wait3A_92] : memref<64x10000xf32, #tpu.memory_space<hbm>> -> memref<1x10000xf32, #tpu.memory_space<hbm>>
      %dma_wait3A_94 = tpu.memref_squeeze %dma_wait3A_93 : memref<1x10000xf32, #tpu.memory_space<hbm>> -> memref<10000xf32, #tpu.memory_space<hbm>>
      tpu.wait_dma2 semaphore(%run_scoped3A : memref<!tpu.dma_semaphore, #tpu.memory_space<semaphore_mem>>) src(%dma_wait3A_94 : memref<10000xf32, #tpu.memory_space<hbm>>) dst(%arg8 : memref<10000xf32, #tpu.memory_space<vmem>>)
      tpu.yield
    }) : () -> ()
    %mul3A_23 = arith.constant 4 : i32
    %mul3A_24 = arith.muli %mul3A_23, %select_n3A : i32
    %mul3A_25 = arith.constant 10000 : i32
    %mul3A_26 = arith.muli %mul3A_24, %mul3A_25 : i32
    "tpu.region"() ({
      %run_scoped3A = tpu.sem_alloc : memref<!tpu.dma_semaphore, #tpu.memory_space<semaphore_mem>>
      %dma_start3A_84 = tpu.memref_slice %arg5[%mul3A_26] : memref<320000xf32, #tpu.memory_space<hbm>> -> memref<10000xf32, #tpu.memory_space<hbm>>
      %dma_start3A_85 = tpu.memref_slice %arg5[%mul3A_26] : memref<320000xf32, #tpu.memory_space<hbm>> -> memref<10000xf32, #tpu.memory_space<hbm>>
      tpu.enqueue_dma source(%dma_start3A_85 : memref<10000xf32, #tpu.memory_space<hbm>>) target(%arg11 : memref<10000xf32, #tpu.memory_space<vmem>>) target_semaphore(%run_scoped3A : memref<!tpu.dma_semaphore, #tpu.memory_space<semaphore_mem>>)
      %dma_wait3A = tpu.memref_slice %arg5[%mul3A_26] : memref<320000xf32, #tpu.memory_space<hbm>> -> memref<10000xf32, #tpu.memory_space<hbm>>
      %dma_wait3A_86 = tpu.memref_slice %arg5[%mul3A_26] : memref<320000xf32, #tpu.memory_space<hbm>> -> memref<10000xf32, #tpu.memory_space<hbm>>
      tpu.wait_dma2 semaphore(%run_scoped3A : memref<!tpu.dma_semaphore, #tpu.memory_space<semaphore_mem>>) src(%dma_wait3A_86 : memref<10000xf32, #tpu.memory_space<hbm>>) dst(%arg11 : memref<10000xf32, #tpu.memory_space<vmem>>)
      tpu.yield
    }) : () -> ()
    %mul3A_27 = arith.constant 4 : i32
    %mul3A_28 = arith.muli %mul3A_27, %select_n3A : i32
    %add3A_29 = arith.constant 1 : i32
    %add3A_30 = arith.addi %mul3A_28, %add3A_29 : i32
    %mul3A_31 = arith.constant 10000 : i32
    %mul3A_32 = arith.muli %add3A_30, %mul3A_31 : i32
    "tpu.region"() ({
      %run_scoped3A = tpu.sem_alloc : memref<!tpu.dma_semaphore, #tpu.memory_space<semaphore_mem>>
      %dma_start3A_84 = tpu.memref_slice %arg5[%mul3A_32] : memref<320000xf32, #tpu.memory_space<hbm>> -> memref<10000xf32, #tpu.memory_space<hbm>>
      %dma_start3A_85 = tpu.memref_slice %arg5[%mul3A_32] : memref<320000xf32, #tpu.memory_space<hbm>> -> memref<10000xf32, #tpu.memory_space<hbm>>
      tpu.enqueue_dma source(%dma_start3A_85 : memref<10000xf32, #tpu.memory_space<hbm>>) target(%arg12 : memref<10000xf32, #tpu.memory_space<vmem>>) target_semaphore(%run_scoped3A : memref<!tpu.dma_semaphore, #tpu.memory_space<semaphore_mem>>)
      %dma_wait3A = tpu.memref_slice %arg5[%mul3A_32] : memref<320000xf32, #tpu.memory_space<hbm>> -> memref<10000xf32, #tpu.memory_space<hbm>>
      %dma_wait3A_86 = tpu.memref_slice %arg5[%mul3A_32] : memref<320000xf32, #tpu.memory_space<hbm>> -> memref<10000xf32, #tpu.memory_space<hbm>>
      tpu.wait_dma2 semaphore(%run_scoped3A : memref<!tpu.dma_semaphore, #tpu.memory_space<semaphore_mem>>) src(%dma_wait3A_86 : memref<10000xf32, #tpu.memory_space<hbm>>) dst(%arg12 : memref<10000xf32, #tpu.memory_space<vmem>>)
      tpu.yield
    }) : () -> ()
    %parallel_loop3A = arith.constant 0 : i32
    %parallel_loop3A_33 = arith.constant 625 : i32
    %parallel_loop3A_34 = arith.constant 1 : i32
    scf.for %parallel_loop3A_84 = %parallel_loop3A to %parallel_loop3A_33 step %parallel_loop3A_34  : i32 {
      %parallel_loop3A_85 = arith.constant 16 : i32
      %parallel_loop3A_86 = arith.muli %parallel_loop3A_84, %parallel_loop3A_85 : i32
      %parallel_loop3A_87 = arith.index_cast %parallel_loop3A_86 : i32 to index
      %parallel_loop3A_88 = tpu.vector_load %arg11[%parallel_loop3A_87] {strides = array<i32>} : memref<10000xf32, #tpu.memory_space<vmem>>, vector<16xf32>,
      %parallel_loop3A_89 = arith.index_cast %parallel_loop3A_86 : i32 to index
      %parallel_loop3A_90 = tpu.vector_load %arg12[%parallel_loop3A_89] {strides = array<i32>} : memref<10000xf32, #tpu.memory_space<vmem>>, vector<16xf32>,
      %parallel_loop3A_91 = arith.addf %parallel_loop3A_88, %parallel_loop3A_90 : vector<16xf32>
      %parallel_loop3A_92 = arith.index_cast %parallel_loop3A_86 : i32 to index
      %parallel_loop3A_93 = tpu.vector_load %arg11[%parallel_loop3A_92] {strides = array<i32>} : memref<10000xf32, #tpu.memory_space<vmem>>, vector<16xf32>,
      tpu.vector_store %arg11[%parallel_loop3A_92], %parallel_loop3A_91 {strides = array<i32>} : memref<10000xf32, #tpu.memory_space<vmem>>, vector<16xf32>,
    } {sc.loop_unroll_factor = 5 : i64, sc.parallel_access}
    %mul3A_35 = arith.constant 4 : i32
    %mul3A_36 = arith.muli %mul3A_35, %select_n3A : i32
    %add3A_37 = arith.constant 2 : i32
    %add3A_38 = arith.addi %mul3A_36, %add3A_37 : i32
    %mul3A_39 = arith.constant 10000 : i32
    %mul3A_40 = arith.muli %add3A_38, %mul3A_39 : i32
    "tpu.region"() ({
      %run_scoped3A = tpu.sem_alloc : memref<!tpu.dma_semaphore, #tpu.memory_space<semaphore_mem>>
      %dma_start3A_84 = tpu.memref_slice %arg5[%mul3A_40] : memref<320000xf32, #tpu.memory_space<hbm>> -> memref<10000xf32, #tpu.memory_space<hbm>>
      %dma_start3A_85 = tpu.memref_slice %arg5[%mul3A_40] : memref<320000xf32, #tpu.memory_space<hbm>> -> memref<10000xf32, #tpu.memory_space<hbm>>
      tpu.enqueue_dma source(%dma_start3A_85 : memref<10000xf32, #tpu.memory_space<hbm>>) target(%arg12 : memref<10000xf32, #tpu.memory_space<vmem>>) target_semaphore(%run_scoped3A : memref<!tpu.dma_semaphore, #tpu.memory_space<semaphore_mem>>)
      %dma_wait3A = tpu.memref_slice %arg5[%mul3A_40] : memref<320000xf32, #tpu.memory_space<hbm>> -> memref<10000xf32, #tpu.memory_space<hbm>>
      %dma_wait3A_86 = tpu.memref_slice %arg5[%mul3A_40] : memref<320000xf32, #tpu.memory_space<hbm>> -> memref<10000xf32, #tpu.memory_space<hbm>>
      tpu.wait_dma2 semaphore(%run_scoped3A : memref<!tpu.dma_semaphore, #tpu.memory_space<semaphore_mem>>) src(%dma_wait3A_86 : memref<10000xf32, #tpu.memory_space<hbm>>) dst(%arg12 : memref<10000xf32, #tpu.memory_space<vmem>>)
      tpu.yield
    }) : () -> ()
    %parallel_loop3A_41 = arith.constant 0 : i32
    %parallel_loop3A_42 = arith.constant 625 : i32
    %parallel_loop3A_43 = arith.constant 1 : i32
    scf.for %parallel_loop3A_84 = %parallel_loop3A_41 to %parallel_loop3A_42 step %parallel_loop3A_43  : i32 {
      %parallel_loop3A_85 = arith.constant 16 : i32
      %parallel_loop3A_86 = arith.muli %parallel_loop3A_84, %parallel_loop3A_85 : i32
      %parallel_loop3A_87 = arith.index_cast %parallel_loop3A_86 : i32 to index
      %parallel_loop3A_88 = tpu.vector_load %arg11[%parallel_loop3A_87] {strides = array<i32>} : memref<10000xf32, #tpu.memory_space<vmem>>, vector<16xf32>,
      %parallel_loop3A_89 = arith.index_cast %parallel_loop3A_86 : i32 to index
      %parallel_loop3A_90 = tpu.vector_load %arg12[%parallel_loop3A_89] {strides = array<i32>} : memref<10000xf32, #tpu.memory_space<vmem>>, vector<16xf32>,
      %parallel_loop3A_91 = arith.addf %parallel_loop3A_88, %parallel_loop3A_90 : vector<16xf32>
      %parallel_loop3A_92 = arith.index_cast %parallel_loop3A_86 : i32 to index
      %parallel_loop3A_93 = tpu.vector_load %arg11[%parallel_loop3A_92] {strides = array<i32>} : memref<10000xf32, #tpu.memory_space<vmem>>, vector<16xf32>,
      tpu.vector_store %arg11[%parallel_loop3A_92], %parallel_loop3A_91 {strides = array<i32>} : memref<10000xf32, #tpu.memory_space<vmem>>, vector<16xf32>,
    } {sc.loop_unroll_factor = 5 : i64, sc.parallel_access}
    %mul3A_44 = arith.constant 4 : i32
    %mul3A_45 = arith.muli %mul3A_44, %select_n3A : i32
    %add3A_46 = arith.constant 3 : i32
    %add3A_47 = arith.addi %mul3A_45, %add3A_46 : i32
    %mul3A_48 = arith.constant 10000 : i32
    %mul3A_49 = arith.muli %add3A_47, %mul3A_48 : i32
    "tpu.region"() ({
      %run_scoped3A = tpu.sem_alloc : memref<!tpu.dma_semaphore, #tpu.memory_space<semaphore_mem>>
      %dma_start3A_84 = tpu.memref_slice %arg5[%mul3A_49] : memref<320000xf32, #tpu.memory_space<hbm>> -> memref<10000xf32, #tpu.memory_space<hbm>>
      %dma_start3A_85 = tpu.memref_slice %arg5[%mul3A_49] : memref<320000xf32, #tpu.memory_space<hbm>> -> memref<10000xf32, #tpu.memory_space<hbm>>
      tpu.enqueue_dma source(%dma_start3A_85 : memref<10000xf32, #tpu.memory_space<hbm>>) target(%arg12 : memref<10000xf32, #tpu.memory_space<vmem>>) target_semaphore(%run_scoped3A : memref<!tpu.dma_semaphore, #tpu.memory_space<semaphore_mem>>)
      %dma_wait3A = tpu.memref_slice %arg5[%mul3A_49] : memref<320000xf32, #tpu.memory_space<hbm>> -> memref<10000xf32, #tpu.memory_space<hbm>>
      %dma_wait3A_86 = tpu.memref_slice %arg5[%mul3A_49] : memref<320000xf32, #tpu.memory_space<hbm>> -> memref<10000xf32, #tpu.memory_space<hbm>>
      tpu.wait_dma2 semaphore(%run_scoped3A : memref<!tpu.dma_semaphore, #tpu.memory_space<semaphore_mem>>) src(%dma_wait3A_86 : memref<10000xf32, #tpu.memory_space<hbm>>) dst(%arg12 : memref<10000xf32, #tpu.memory_space<vmem>>)
      tpu.yield
    }) : () -> ()
    %parallel_loop3A_50 = arith.constant 0 : i32
    %parallel_loop3A_51 = arith.constant 625 : i32
    %parallel_loop3A_52 = arith.constant 1 : i32
    scf.for %parallel_loop3A_84 = %parallel_loop3A_50 to %parallel_loop3A_51 step %parallel_loop3A_52  : i32 {
      %parallel_loop3A_85 = arith.constant 16 : i32
      %parallel_loop3A_86 = arith.muli %parallel_loop3A_84, %parallel_loop3A_85 : i32
      %parallel_loop3A_87 = arith.index_cast %parallel_loop3A_86 : i32 to index
      %parallel_loop3A_88 = tpu.vector_load %arg11[%parallel_loop3A_87] {strides = array<i32>} : memref<10000xf32, #tpu.memory_space<vmem>>, vector<16xf32>,
      %parallel_loop3A_89 = arith.index_cast %parallel_loop3A_86 : i32 to index
      %parallel_loop3A_90 = tpu.vector_load %arg12[%parallel_loop3A_89] {strides = array<i32>} : memref<10000xf32, #tpu.memory_space<vmem>>, vector<16xf32>,
      %parallel_loop3A_91 = arith.addf %parallel_loop3A_88, %parallel_loop3A_90 : vector<16xf32>
      %parallel_loop3A_92 = arith.index_cast %parallel_loop3A_86 : i32 to index
      %parallel_loop3A_93 = tpu.vector_load %arg11[%parallel_loop3A_92] {strides = array<i32>} : memref<10000xf32, #tpu.memory_space<vmem>>, vector<16xf32>,
      tpu.vector_store %arg11[%parallel_loop3A_92], %parallel_loop3A_91 {strides = array<i32>} : memref<10000xf32, #tpu.memory_space<vmem>>, vector<16xf32>,
    } {sc.loop_unroll_factor = 5 : i64, sc.parallel_access}
    %scan3A = arith.constant 0 : i32
    %scan3A_53 = arith.constant 0 : i32
    %scan3A_54 = arith.constant 625 : i32
    %scan3A_55 = arith.addi %scan3A_53, %scan3A_54 : i32
    %scan3A_56 = arith.constant 1 : i32
    %scan3A_57 = scf.for %scan3A_84 = %scan3A_53 to %scan3A_55 step %scan3A_56 iter_args(%scan3A_85 = %scan3A) -> (i32)  : i32 {
      %broadcast_in_dim3A = arith.constant 0.000000e+00 : f32
      %broadcast_in_dim3A_86 = vector.broadcast %broadcast_in_dim3A : f32 to vector<16xf32>
      %mul3A_87 = arith.constant 16 : i32
      %mul3A_88 = arith.muli %scan3A_84, %mul3A_87 : i32
      %swap3A = arith.index_cast %mul3A_88 : i32 to index
      %swap3A_89 = tpu.vector_load %arg9[%swap3A] {strides = array<i32>} : memref<10000xf32, #tpu.memory_space<vmem>>, vector<16xf32>,
      tpu.vector_store %arg9[%swap3A], %broadcast_in_dim3A_86 {strides = array<i32>} : memref<10000xf32, #tpu.memory_space<vmem>>, vector<16xf32>,
      %mul3A_90 = arith.constant 16 : i32
      %mul3A_91 = arith.muli %scan3A_84, %mul3A_90 : i32
      %swap3A_92 = arith.index_cast %mul3A_91 : i32 to index
      %swap3A_93 = tpu.vector_load %arg10[%swap3A_92] {strides = array<i32>} : memref<10000xf32, #tpu.memory_space<vmem>>, vector<16xf32>,
      tpu.vector_store %arg10[%swap3A_92], %broadcast_in_dim3A_86 {strides = array<i32>} : memref<10000xf32, #tpu.memory_space<vmem>>, vector<16xf32>,
      %scan3A_94 = arith.constant 0 : i32
      scf.yield %scan3A_94 : i32
    }
    %scan3A_58 = arith.constant 625 : i32
    %dma_start3A = arith.constant 0 : i32
    %dma_start3A_59 = tpu.memref_slice %arg2[%dma_start3A] : memref<320000xi32, #tpu.memory_space<hbm>> -> memref<8000xi32, #tpu.memory_space<hbm>>
    %dma_start3A_60 = arith.constant 0 : i32
    %dma_start3A_61 = tpu.memref_slice %arg2[%dma_start3A_60] : memref<320000xi32, #tpu.memory_space<hbm>> -> memref<8000xi32, #tpu.memory_space<hbm>>
    tpu.enqueue_dma source(%dma_start3A_61 : memref<8000xi32, #tpu.memory_space<hbm>>) target(%arg13 : memref<8000xi32, #tpu.memory_space<vmem>>) target_semaphore(%arg17 : memref<!tpu.dma_semaphore, #tpu.memory_space<semaphore_mem>>)
    %mul3A_62 = arith.constant 320000 : i32
    %mul3A_63 = arith.muli %select_n3A, %mul3A_62 : i32
    %add3A_64 = arith.constant 0 : i32
    %add3A_65 = arith.addi %mul3A_63, %add3A_64 : i32
    %dma_start3A_66 = tpu.memref_slice %arg4[%add3A_65] : memref<2560000xf32, #tpu.memory_space<hbm>> -> memref<8000xf32, #tpu.memory_space<hbm>>
    %dma_start3A_67 = tpu.memref_slice %arg4[%add3A_65] : memref<2560000xf32, #tpu.memory_space<hbm>> -> memref<8000xf32, #tpu.memory_space<hbm>>
    tpu.enqueue_dma source(%dma_start3A_67 : memref<8000xf32, #tpu.memory_space<hbm>>) target(%arg15 : memref<8000xf32, #tpu.memory_space<vmem>>) target_semaphore(%arg17 : memref<!tpu.dma_semaphore, #tpu.memory_space<semaphore_mem>>)
    %scan3A_68 = arith.constant 0 : i32
    %scan3A_69 = arith.constant 0 : i32
    %scan3A_70 = arith.constant 20 : i32
    %scan3A_71 = arith.addi %scan3A_69, %scan3A_70 : i32
    %scan3A_72 = arith.constant 1 : i32
    %scan3A_73 = scf.for %scan3A_84 = %scan3A_69 to %scan3A_71 step %scan3A_72 iter_args(%scan3A_85 = %scan3A_68) -> (i32)  : i32 {
      %mul3A_86 = arith.constant 2 : i32
      %mul3A_87 = arith.muli %mul3A_86, %scan3A_84 : i32
      %add3A_88 = arith.constant 1 : i32
      %add3A_89 = arith.addi %mul3A_87, %add3A_88 : i32
      %lt3A = arith.constant 40 : i32
      %lt3A_90 = arith.cmpi slt, %add3A_89, %lt3A : i32
      %convert_element_type3A = arith.extui %lt3A_90 : i1 to i32
      %cond3A = arith.constant 0 : i32
      %cond3A_91 = arith.cmpi ne, %convert_element_type3A, %cond3A : i32
      scf.if %cond3A_91 {
        %add3A_121 = arith.constant 1 : i32
        %add3A_122 = arith.addi %mul3A_87, %add3A_121 : i32
        %mul3A_123 = arith.constant 8000 : i32
        %mul3A_124 = arith.muli %add3A_122, %mul3A_123 : i32
        %dma_start3A_125 = tpu.memref_slice %arg2[%mul3A_124] : memref<320000xi32, #tpu.memory_space<hbm>> -> memref<8000xi32, #tpu.memory_space<hbm>>
        %dma_start3A_126 = tpu.memref_slice %arg2[%mul3A_124] : memref<320000xi32, #tpu.memory_space<hbm>> -> memref<8000xi32, #tpu.memory_space<hbm>>
        tpu.enqueue_dma source(%dma_start3A_126 : memref<8000xi32, #tpu.memory_space<hbm>>) target(%arg14 : memref<8000xi32, #tpu.memory_space<vmem>>) target_semaphore(%arg18 : memref<!tpu.dma_semaphore, #tpu.memory_space<semaphore_mem>>)
        %mul3A_127 = arith.constant 320000 : i32
        %mul3A_128 = arith.muli %select_n3A, %mul3A_127 : i32
        %add3A_129 = arith.addi %mul3A_128, %mul3A_124 : i32
        %dma_start3A_130 = tpu.memref_slice %arg4[%add3A_129] : memref<2560000xf32, #tpu.memory_space<hbm>> -> memref<8000xf32, #tpu.memory_space<hbm>>
        %dma_start3A_131 = tpu.memref_slice %arg4[%add3A_129] : memref<2560000xf32, #tpu.memory_space<hbm>> -> memref<8000xf32, #tpu.memory_space<hbm>>
        tpu.enqueue_dma source(%dma_start3A_131 : memref<8000xf32, #tpu.memory_space<hbm>>) target(%arg16 : memref<8000xf32, #tpu.memory_space<vmem>>) target_semaphore(%arg18 : memref<!tpu.dma_semaphore, #tpu.memory_space<semaphore_mem>>)
      } else {
      }
      %dma_wait3A = arith.constant 0 : i32
      %dma_wait3A_92 = tpu.memref_slice %arg2[%dma_wait3A] : memref<320000xi32, #tpu.memory_space<hbm>> -> memref<8000xi32, #tpu.memory_space<hbm>>
      %dma_wait3A_93 = arith.constant 0 : i32
      %dma_wait3A_94 = tpu.memref_slice %arg2[%dma_wait3A_93] : memref<320000xi32, #tpu.memory_space<hbm>> -> memref<8000xi32, #tpu.memory_space<hbm>>
      tpu.wait_dma2 semaphore(%arg17 : memref<!tpu.dma_semaphore, #tpu.memory_space<semaphore_mem>>) src(%dma_wait3A_94 : memref<8000xi32, #tpu.memory_space<hbm>>) dst(%arg13 : memref<8000xi32, #tpu.memory_space<vmem>>)
      %dma_wait3A_95 = arith.constant 0 : i32
      %dma_wait3A_96 = tpu.memref_slice %arg4[%dma_wait3A_95] : memref<2560000xf32, #tpu.memory_space<hbm>> -> memref<8000xf32, #tpu.memory_space<hbm>>
      %dma_wait3A_97 = arith.constant 0 : i32
      %dma_wait3A_98 = tpu.memref_slice %arg4[%dma_wait3A_97] : memref<2560000xf32, #tpu.memory_space<hbm>> -> memref<8000xf32, #tpu.memory_space<hbm>>
      tpu.wait_dma2 semaphore(%arg17 : memref<!tpu.dma_semaphore, #tpu.memory_space<semaphore_mem>>) src(%dma_wait3A_98 : memref<8000xf32, #tpu.memory_space<hbm>>) dst(%arg15 : memref<8000xf32, #tpu.memory_space<vmem>>)
      %parallel_loop3A_99 = arith.constant 0 : i32
      %parallel_loop3A_100 = arith.constant 500 : i32
      %parallel_loop3A_101 = arith.constant 1 : i32
      scf.for %parallel_loop3A_121 = %parallel_loop3A_99 to %parallel_loop3A_100 step %parallel_loop3A_101  : i32 {
        %parallel_loop3A_122 = arith.constant 16 : i32
        %parallel_loop3A_123 = arith.muli %parallel_loop3A_121, %parallel_loop3A_122 : i32
        %parallel_loop3A_124 = arith.index_cast %parallel_loop3A_123 : i32 to index
        %parallel_loop3A_125 = tpu.vector_load %arg13[%parallel_loop3A_124] {strides = array<i32>} : memref<8000xi32, #tpu.memory_space<vmem>>, vector<16xi32>,
        %parallel_loop3A_126 = arith.constant 16383 : i32
        %parallel_loop3A_127 = vector.broadcast %parallel_loop3A_126 : i32 to vector<16xi32>
        %parallel_loop3A_128 = arith.andi %parallel_loop3A_125, %parallel_loop3A_127 : vector<16xi32>
        %parallel_loop3A_129 = arith.constant 14 : i32
        %parallel_loop3A_130 = vector.broadcast %parallel_loop3A_129 : i32 to vector<16xi32>
        %parallel_loop3A_131 = arith.shrui %parallel_loop3A_125, %parallel_loop3A_130 : vector<16xi32>
        %parallel_loop3A_132 = arith.index_cast %parallel_loop3A_123 : i32 to index
        %parallel_loop3A_133 = tpu.vector_load %arg15[%parallel_loop3A_132] {strides = array<i32>} : memref<8000xf32, #tpu.memory_space<vmem>>, vector<16xf32>,
        %parallel_loop3A_134 = tpu.vector_load_idx %arg7[%parallel_loop3A_128] : memref<10000xf32, #tpu.memory_space<vmem>>[vector<16xi32>], vector<16xf32>,
        %parallel_loop3A_135 = arith.mulf %parallel_loop3A_133, %parallel_loop3A_134 : vector<16xf32>
        tpu.vector_store_idx %arg9[%parallel_loop3A_131], %parallel_loop3A_135 {add = true} : memref<10000xf32, #tpu.memory_space<vmem>>[vector<16xi32>], vector<16xf32>,
        %parallel_loop3A_136 = tpu.vector_load_idx %arg8[%parallel_loop3A_128] : memref<10000xf32, #tpu.memory_space<vmem>>[vector<16xi32>], vector<16xf32>,
        %parallel_loop3A_137 = arith.mulf %parallel_loop3A_133, %parallel_loop3A_136 : vector<16xf32>
        tpu.vector_store_idx %arg10[%parallel_loop3A_131], %parallel_loop3A_137 {add = true} : memref<10000xf32, #tpu.memory_space<vmem>>[vector<16xi32>], vector<16xf32>,
      } {sc.loop_unroll_factor = 5 : i64, sc.parallel_access}
      %add3A_102 = arith.constant 2 : i32
      %add3A_103 = arith.addi %mul3A_87, %add3A_102 : i32
      %lt3A_104 = arith.constant 40 : i32
      %lt3A_105 = arith.cmpi slt, %add3A_103, %lt3A_104 : i32
      %convert_element_type3A_106 = arith.extui %lt3A_105 : i1 to i32
      %cond3A_107 = arith.constant 0 : i32
      %cond3A_108 = arith.cmpi ne, %convert_element_type3A_106, %cond3A_107 : i32
      scf.if %cond3A_108 {
        %add3A_121 = arith.constant 2 : i32
        %add3A_122 = arith.addi %mul3A_87, %add3A_121 : i32
        %mul3A_123 = arith.constant 8000 : i32
        %mul3A_124 = arith.muli %add3A_122, %mul3A_123 : i32
        %dma_start3A_125 = tpu.memref_slice %arg2[%mul3A_124] : memref<320000xi32, #tpu.memory_space<hbm>> -> memref<8000xi32, #tpu.memory_space<hbm>>
        %dma_start3A_126 = tpu.memref_slice %arg2[%mul3A_124] : memref<320000xi32, #tpu.memory_space<hbm>> -> memref<8000xi32, #tpu.memory_space<hbm>>
        tpu.enqueue_dma source(%dma_start3A_126 : memref<8000xi32, #tpu.memory_space<hbm>>) target(%arg13 : memref<8000xi32, #tpu.memory_space<vmem>>) target_semaphore(%arg17 : memref<!tpu.dma_semaphore, #tpu.memory_space<semaphore_mem>>)
        %mul3A_127 = arith.constant 320000 : i32
        %mul3A_128 = arith.muli %select_n3A, %mul3A_127 : i32
        %add3A_129 = arith.addi %mul3A_128, %mul3A_124 : i32
        %dma_start3A_130 = tpu.memref_slice %arg4[%add3A_129] : memref<2560000xf32, #tpu.memory_space<hbm>> -> memref<8000xf32, #tpu.memory_space<hbm>>
        %dma_start3A_131 = tpu.memref_slice %arg4[%add3A_129] : memref<2560000xf32, #tpu.memory_space<hbm>> -> memref<8000xf32, #tpu.memory_space<hbm>>
        tpu.enqueue_dma source(%dma_start3A_131 : memref<8000xf32, #tpu.memory_space<hbm>>) target(%arg15 : memref<8000xf32, #tpu.memory_space<vmem>>) target_semaphore(%arg17 : memref<!tpu.dma_semaphore, #tpu.memory_space<semaphore_mem>>)
      } else {
      }
      %dma_wait3A_109 = arith.constant 0 : i32
      %dma_wait3A_110 = tpu.memref_slice %arg2[%dma_wait3A_109] : memref<320000xi32, #tpu.memory_space<hbm>> -> memref<8000xi32, #tpu.memory_space<hbm>>
      %dma_wait3A_111 = arith.constant 0 : i32
      %dma_wait3A_112 = tpu.memref_slice %arg2[%dma_wait3A_111] : memref<320000xi32, #tpu.memory_space<hbm>> -> memref<8000xi32, #tpu.memory_space<hbm>>
      tpu.wait_dma2 semaphore(%arg18 : memref<!tpu.dma_semaphore, #tpu.memory_space<semaphore_mem>>) src(%dma_wait3A_112 : memref<8000xi32, #tpu.memory_space<hbm>>) dst(%arg14 : memref<8000xi32, #tpu.memory_space<vmem>>)
      %dma_wait3A_113 = arith.constant 0 : i32
      %dma_wait3A_114 = tpu.memref_slice %arg4[%dma_wait3A_113] : memref<2560000xf32, #tpu.memory_space<hbm>> -> memref<8000xf32, #tpu.memory_space<hbm>>
      %dma_wait3A_115 = arith.constant 0 : i32
      %dma_wait3A_116 = tpu.memref_slice %arg4[%dma_wait3A_115] : memref<2560000xf32, #tpu.memory_space<hbm>> -> memref<8000xf32, #tpu.memory_space<hbm>>
      tpu.wait_dma2 semaphore(%arg18 : memref<!tpu.dma_semaphore, #tpu.memory_space<semaphore_mem>>) src(%dma_wait3A_116 : memref<8000xf32, #tpu.memory_space<hbm>>) dst(%arg16 : memref<8000xf32, #tpu.memory_space<vmem>>)
      %parallel_loop3A_117 = arith.constant 0 : i32
      %parallel_loop3A_118 = arith.constant 500 : i32
      %parallel_loop3A_119 = arith.constant 1 : i32
      scf.for %parallel_loop3A_121 = %parallel_loop3A_117 to %parallel_loop3A_118 step %parallel_loop3A_119  : i32 {
        %parallel_loop3A_122 = arith.constant 16 : i32
        %parallel_loop3A_123 = arith.muli %parallel_loop3A_121, %parallel_loop3A_122 : i32
        %parallel_loop3A_124 = arith.index_cast %parallel_loop3A_123 : i32 to index
        %parallel_loop3A_125 = tpu.vector_load %arg14[%parallel_loop3A_124] {strides = array<i32>} : memref<8000xi32, #tpu.memory_space<vmem>>, vector<16xi32>,
        %parallel_loop3A_126 = arith.constant 16383 : i32
        %parallel_loop3A_127 = vector.broadcast %parallel_loop3A_126 : i32 to vector<16xi32>
        %parallel_loop3A_128 = arith.andi %parallel_loop3A_125, %parallel_loop3A_127 : vector<16xi32>
        %parallel_loop3A_129 = arith.constant 14 : i32
        %parallel_loop3A_130 = vector.broadcast %parallel_loop3A_129 : i32 to vector<16xi32>
        %parallel_loop3A_131 = arith.shrui %parallel_loop3A_125, %parallel_loop3A_130 : vector<16xi32>
        %parallel_loop3A_132 = arith.index_cast %parallel_loop3A_123 : i32 to index
        %parallel_loop3A_133 = tpu.vector_load %arg16[%parallel_loop3A_132] {strides = array<i32>} : memref<8000xf32, #tpu.memory_space<vmem>>, vector<16xf32>,
        %parallel_loop3A_134 = tpu.vector_load_idx %arg7[%parallel_loop3A_128] : memref<10000xf32, #tpu.memory_space<vmem>>[vector<16xi32>], vector<16xf32>,
        %parallel_loop3A_135 = arith.mulf %parallel_loop3A_133, %parallel_loop3A_134 : vector<16xf32>
        tpu.vector_store_idx %arg9[%parallel_loop3A_131], %parallel_loop3A_135 {add = true} : memref<10000xf32, #tpu.memory_space<vmem>>[vector<16xi32>], vector<16xf32>,
        %parallel_loop3A_136 = tpu.vector_load_idx %arg8[%parallel_loop3A_128] : memref<10000xf32, #tpu.memory_space<vmem>>[vector<16xi32>], vector<16xf32>,
        %parallel_loop3A_137 = arith.mulf %parallel_loop3A_133, %parallel_loop3A_136 : vector<16xf32>
        tpu.vector_store_idx %arg10[%parallel_loop3A_131], %parallel_loop3A_137 {add = true} : memref<10000xf32, #tpu.memory_space<vmem>>[vector<16xi32>], vector<16xf32>,
      } {sc.loop_unroll_factor = 5 : i64, sc.parallel_access}
      %scan3A_120 = arith.constant 0 : i32
      scf.yield %scan3A_120 : i32
    }
    %scan3A_74 = arith.constant 20 : i32
    %parallel_loop3A_75 = arith.constant 0 : i32
    %parallel_loop3A_76 = arith.constant 625 : i32
    %parallel_loop3A_77 = arith.constant 1 : i32
    scf.for %parallel_loop3A_84 = %parallel_loop3A_75 to %parallel_loop3A_76 step %parallel_loop3A_77  : i32 {
      %parallel_loop3A_85 = arith.constant 16 : i32
      %parallel_loop3A_86 = arith.muli %parallel_loop3A_84, %parallel_loop3A_85 : i32
      %parallel_loop3A_87 = arith.index_cast %parallel_loop3A_86 : i32 to index
      %parallel_loop3A_88 = tpu.vector_load %arg11[%parallel_loop3A_87] {strides = array<i32>} : memref<10000xf32, #tpu.memory_space<vmem>>, vector<16xf32>,
      %parallel_loop3A_89 = arith.constant 0.000000e+00 : f32
      %parallel_loop3A_90 = vector.broadcast %parallel_loop3A_89 : f32 to vector<16xf32>
      %parallel_loop3A_91 = arith.cmpf ogt, %parallel_loop3A_88, %parallel_loop3A_90 : vector<16xf32>
      %parallel_loop3A_92 = arith.constant 1.000000e+00 : f32
      %parallel_loop3A_93 = vector.broadcast %parallel_loop3A_92 : f32 to vector<16xf32>
      %parallel_loop3A_94 = arith.select %parallel_loop3A_91, %parallel_loop3A_88, %parallel_loop3A_93 : vector<16xi1>, vector<16xf32>
      %parallel_loop3A_95 = arith.constant 1.000000e+00 : f32
      %parallel_loop3A_96 = vector.broadcast %parallel_loop3A_95 : f32 to vector<16xf32>
      %parallel_loop3A_97 = arith.divf %parallel_loop3A_96, %parallel_loop3A_94 : vector<16xf32>
      %parallel_loop3A_98 = arith.index_cast %parallel_loop3A_86 : i32 to index
      %parallel_loop3A_99 = tpu.vector_load %arg9[%parallel_loop3A_98] {strides = array<i32>} : memref<10000xf32, #tpu.memory_space<vmem>>, vector<16xf32>,
      %parallel_loop3A_100 = arith.mulf %parallel_loop3A_99, %parallel_loop3A_97 : vector<16xf32>
      %parallel_loop3A_101 = arith.index_cast %parallel_loop3A_86 : i32 to index
      %parallel_loop3A_102 = tpu.vector_load %arg9[%parallel_loop3A_101] {strides = array<i32>} : memref<10000xf32, #tpu.memory_space<vmem>>, vector<16xf32>,
      tpu.vector_store %arg9[%parallel_loop3A_101], %parallel_loop3A_100 {strides = array<i32>} : memref<10000xf32, #tpu.memory_space<vmem>>, vector<16xf32>,
      %parallel_loop3A_103 = arith.index_cast %parallel_loop3A_86 : i32 to index
      %parallel_loop3A_104 = tpu.vector_load %arg10[%parallel_loop3A_103] {strides = array<i32>} : memref<10000xf32, #tpu.memory_space<vmem>>, vector<16xf32>,
      %parallel_loop3A_105 = arith.mulf %parallel_loop3A_104, %parallel_loop3A_97 : vector<16xf32>
      %parallel_loop3A_106 = arith.index_cast %parallel_loop3A_86 : i32 to index
      %parallel_loop3A_107 = tpu.vector_load %arg10[%parallel_loop3A_106] {strides = array<i32>} : memref<10000xf32, #tpu.memory_space<vmem>>, vector<16xf32>,
      tpu.vector_store %arg10[%parallel_loop3A_106], %parallel_loop3A_105 {strides = array<i32>} : memref<10000xf32, #tpu.memory_space<vmem>>, vector<16xf32>,
    } {sc.loop_unroll_factor = 5 : i64, sc.parallel_access}
    %mul3A_78 = arith.constant 2 : i32
    %mul3A_79 = arith.muli %mul3A_78, %add3A : i32
    "tpu.region"() ({
      %run_scoped3A = tpu.sem_alloc : memref<!tpu.dma_semaphore, #tpu.memory_space<semaphore_mem>>
      %dma_start3A_84 = arith.constant 0 : i32
      %dma_start3A_85 = tpu.memref_slice %arg6[%mul3A_79, %dma_start3A_84] : memref<64x10000xf32, #tpu.memory_space<hbm>> -> memref<1x10000xf32, #tpu.memory_space<hbm>>
      %dma_start3A_86 = tpu.memref_squeeze %dma_start3A_85 : memref<1x10000xf32, #tpu.memory_space<hbm>> -> memref<10000xf32, #tpu.memory_space<hbm>>
      %dma_start3A_87 = arith.constant 0 : i32
      %dma_start3A_88 = tpu.memref_slice %arg6[%mul3A_79, %dma_start3A_87] : memref<64x10000xf32, #tpu.memory_space<hbm>> -> memref<1x10000xf32, #tpu.memory_space<hbm>>
      %dma_start3A_89 = tpu.memref_squeeze %dma_start3A_88 : memref<1x10000xf32, #tpu.memory_space<hbm>> -> memref<10000xf32, #tpu.memory_space<hbm>>
      tpu.enqueue_dma source(%arg9 : memref<10000xf32, #tpu.memory_space<vmem>>) target(%dma_start3A_89 : memref<10000xf32, #tpu.memory_space<hbm>>) target_semaphore(%run_scoped3A : memref<!tpu.dma_semaphore, #tpu.memory_space<semaphore_mem>>)
      %dma_wait3A = arith.constant 0 : i32
      %dma_wait3A_90 = tpu.memref_slice %arg6[%mul3A_79, %dma_wait3A] : memref<64x10000xf32, #tpu.memory_space<hbm>> -> memref<1x10000xf32, #tpu.memory_space<hbm>>
      %dma_wait3A_91 = tpu.memref_squeeze %dma_wait3A_90 : memref<1x10000xf32, #tpu.memory_space<hbm>> -> memref<10000xf32, #tpu.memory_space<hbm>>
      %dma_wait3A_92 = arith.constant 0 : i32
      %dma_wait3A_93 = tpu.memref_slice %arg6[%mul3A_79, %dma_wait3A_92] : memref<64x10000xf32, #tpu.memory_space<hbm>> -> memref<1x10000xf32, #tpu.memory_space<hbm>>
      %dma_wait3A_94 = tpu.memref_squeeze %dma_wait3A_93 : memref<1x10000xf32, #tpu.memory_space<hbm>> -> memref<10000xf32, #tpu.memory_space<hbm>>
      tpu.wait_dma2 semaphore(%run_scoped3A : memref<!tpu.dma_semaphore, #tpu.memory_space<semaphore_mem>>) src(%arg9 : memref<10000xf32, #tpu.memory_space<vmem>>) dst(%dma_wait3A_94 : memref<10000xf32, #tpu.memory_space<hbm>>)
      tpu.yield
    }) : () -> ()
    %mul3A_80 = arith.constant 2 : i32
    %mul3A_81 = arith.muli %mul3A_80, %add3A : i32
    %add3A_82 = arith.constant 1 : i32
    %add3A_83 = arith.addi %mul3A_81, %add3A_82 : i32
    "tpu.region"() ({
      %run_scoped3A = tpu.sem_alloc : memref<!tpu.dma_semaphore, #tpu.memory_space<semaphore_mem>>
      %dma_start3A_84 = arith.constant 0 : i32
      %dma_start3A_85 = tpu.memref_slice %arg6[%add3A_83, %dma_start3A_84] : memref<64x10000xf32, #tpu.memory_space<hbm>> -> memref<1x10000xf32, #tpu.memory_space<hbm>>
      %dma_start3A_86 = tpu.memref_squeeze %dma_start3A_85 : memref<1x10000xf32, #tpu.memory_space<hbm>> -> memref<10000xf32, #tpu.memory_space<hbm>>
      %dma_start3A_87 = arith.constant 0 : i32
      %dma_start3A_88 = tpu.memref_slice %arg6[%add3A_83, %dma_start3A_87] : memref<64x10000xf32, #tpu.memory_space<hbm>> -> memref<1x10000xf32, #tpu.memory_space<hbm>>
      %dma_start3A_89 = tpu.memref_squeeze %dma_start3A_88 : memref<1x10000xf32, #tpu.memory_space<hbm>> -> memref<10000xf32, #tpu.memory_space<hbm>>
      tpu.enqueue_dma source(%arg10 : memref<10000xf32, #tpu.memory_space<vmem>>) target(%dma_start3A_89 : memref<10000xf32, #tpu.memory_space<hbm>>) target_semaphore(%run_scoped3A : memref<!tpu.dma_semaphore, #tpu.memory_space<semaphore_mem>>)
      %dma_wait3A = arith.constant 0 : i32
      %dma_wait3A_90 = tpu.memref_slice %arg6[%add3A_83, %dma_wait3A] : memref<64x10000xf32, #tpu.memory_space<hbm>> -> memref<1x10000xf32, #tpu.memory_space<hbm>>
      %dma_wait3A_91 = tpu.memref_squeeze %dma_wait3A_90 : memref<1x10000xf32, #tpu.memory_space<hbm>> -> memref<10000xf32, #tpu.memory_space<hbm>>
      %dma_wait3A_92 = arith.constant 0 : i32
      %dma_wait3A_93 = tpu.memref_slice %arg6[%add3A_83, %dma_wait3A_92] : memref<64x10000xf32, #tpu.memory_space<hbm>> -> memref<1x10000xf32, #tpu.memory_space<hbm>>
      %dma_wait3A_94 = tpu.memref_squeeze %dma_wait3A_93 : memref<1x10000xf32, #tpu.memory_space<hbm>> -> memref<10000xf32, #tpu.memory_space<hbm>>
      tpu.wait_dma2 semaphore(%run_scoped3A : memref<!tpu.dma_semaphore, #tpu.memory_space<semaphore_mem>>) src(%arg10 : memref<10000xf32, #tpu.memory_space<vmem>>) dst(%dma_wait3A_94 : memref<10000xf32, #tpu.memory_space<hbm>>)
      tpu.yield
    }) : () -> ()
    return
  }
}

#map = affine_map<(d0, d1) -> (0)>
#map1 = affine_map<(d0, d1) -> (0, 0)>
module attributes {stable_mosaic.version = 14 : i64} {
  func.func @k(%arg0: i32, %arg1: i32, %arg2: memref<320000xi32, #tpu.memory_space<hbm>>, %arg3: memref<8x10000xf32, #tpu.memory_space<hbm>>, %arg4: memref<8x10000xf32, #tpu.memory_space<hbm>>, %arg5: memref<8x16xf32, #tpu.memory_space<hbm>>, %arg6: memref<2560000xf32, #tpu.memory_space<hbm>>, %arg7: memref<320000xf32, #tpu.memory_space<hbm>>, %arg8: memref<10000xf32, #tpu.memory_space<vmem>>, %arg9: memref<10000xf32, #tpu.memory_space<vmem>>, %arg10: memref<16xf32, #tpu.memory_space<vmem>>, %arg11: memref<10000xf32, #tpu.memory_space<vmem>>, %arg12: memref<8000xi32, #tpu.memory_space<vmem>>, %arg13: memref<8000xi32, #tpu.memory_space<vmem>>, %arg14: memref<8000xf32, #tpu.memory_space<vmem>>, %arg15: memref<8000xf32, #tpu.memory_space<vmem>>, %arg16: memref<!tpu.dma_semaphore, #tpu.memory_space<semaphore_mem>>, %arg17: memref<!tpu.dma_semaphore, #tpu.memory_space<semaphore_mem>>, %arg18: memref<!tpu.dma_semaphore, #tpu.memory_space<semaphore_mem>>, %arg19: memref<!tpu.dma_semaphore, #tpu.memory_space<semaphore_mem>>) attributes {dimension_semantics = [#tpu.dimension_semantics<core_parallel>, #tpu.dimension_semantics<subcore_parallel>], iteration_bounds = array<i64: 2, 16>, scalar_prefetch = 0 : i64, scratch_operands = 12 : i64, tpu.core_type = #tpu.core_type<sc_vector_subcore>, window_params = [{transform_indices = #map}, {transform_indices = #map1}, {transform_indices = #map1}, {transform_indices = #map1}, {transform_indices = #map}, {transform_indices = #map}]} {
    %mul3A = arith.constant 2 : i32
    %mul3A_0 = arith.muli %arg1, %mul3A : i32
    %add3A = arith.addi %mul3A_0, %arg0 : i32
    %jit3A = arith.constant 4 : i32
    %div3A = arith.divsi %add3A, %jit3A : i32
    %sign3A = arith.constant 0 : i32
    %sign3A_1 = arith.cmpi sgt, %add3A, %sign3A : i32
    %sign3A_2 = arith.extui %sign3A_1 : i1 to i32
    %sign3A_3 = arith.constant 0 : i32
    %sign3A_4 = arith.cmpi slt, %add3A, %sign3A_3 : i32
    %sign3A_5 = arith.extui %sign3A_4 : i1 to i32
    %sign3A_6 = arith.subi %sign3A_2, %sign3A_5 : i32
    %sign3A_7 = arith.constant 0 : i32
    %sign3A_8 = arith.cmpi sgt, %jit3A, %sign3A_7 : i32
    %sign3A_9 = arith.extui %sign3A_8 : i1 to i32
    %sign3A_10 = arith.constant 0 : i32
    %sign3A_11 = arith.cmpi slt, %jit3A, %sign3A_10 : i32
    %sign3A_12 = arith.extui %sign3A_11 : i1 to i32
    %sign3A_13 = arith.subi %sign3A_9, %sign3A_12 : i32
    %ne3A = arith.cmpi ne, %sign3A_6, %sign3A_13 : i32
    %rem3A = arith.remsi %add3A, %jit3A : i32
    %ne3A_14 = arith.constant 0 : i32
    %ne3A_15 = arith.cmpi ne, %rem3A, %ne3A_14 : i32
    %and3A = arith.andi %ne3A, %ne3A_15 : i1
    %sub3A = arith.constant 1 : i32
    %sub3A_16 = arith.subi %div3A, %sub3A : i32
    %select_n3A = arith.select %and3A, %sub3A_16, %div3A : i32
    %jit3A_17 = arith.constant 4 : i32
    %eq3A = arith.constant 0 : i32
    %eq3A_18 = arith.cmpi eq, %jit3A_17, %eq3A : i32
    %jit3A_19 = arith.constant 1 : i32
    %select_n3A_20 = arith.select %eq3A_18, %jit3A_19, %jit3A_17 : i32
    %rem3A_21 = arith.remsi %add3A, %select_n3A_20 : i32
    %ne3A_22 = arith.constant 0 : i32
    %ne3A_23 = arith.cmpi ne, %rem3A_21, %ne3A_22 : i32
    %lt3A = arith.constant 0 : i32
    %lt3A_24 = arith.cmpi slt, %rem3A_21, %lt3A : i32
    %lt3A_25 = arith.constant 0 : i32
    %lt3A_26 = arith.cmpi slt, %select_n3A_20, %lt3A_25 : i32
    %ne3A_27 = arith.xori %lt3A_24, %lt3A_26 : i1
    %and3A_28 = arith.andi %ne3A_27, %ne3A_23 : i1
    %add3A_29 = arith.addi %rem3A_21, %select_n3A_20 : i32
    %select_n3A_30 = arith.select %and3A_28, %add3A_29, %rem3A_21 : i32
    "tpu.region"() ({
      %run_scoped3A = tpu.sem_alloc : memref<!tpu.dma_semaphore, #tpu.memory_space<semaphore_mem>>
      %dma_start3A_59 = arith.constant 0 : i32
      %dma_start3A_60 = tpu.memref_slice %arg3[%select_n3A, %dma_start3A_59] : memref<8x10000xf32, #tpu.memory_space<hbm>> -> memref<1x10000xf32, #tpu.memory_space<hbm>>
      %dma_start3A_61 = tpu.memref_squeeze %dma_start3A_60 : memref<1x10000xf32, #tpu.memory_space<hbm>> -> memref<10000xf32, #tpu.memory_space<hbm>>
      %dma_start3A_62 = arith.constant 0 : i32
      %dma_start3A_63 = tpu.memref_slice %arg3[%select_n3A, %dma_start3A_62] : memref<8x10000xf32, #tpu.memory_space<hbm>> -> memref<1x10000xf32, #tpu.memory_space<hbm>>
      %dma_start3A_64 = tpu.memref_squeeze %dma_start3A_63 : memref<1x10000xf32, #tpu.memory_space<hbm>> -> memref<10000xf32, #tpu.memory_space<hbm>>
      tpu.enqueue_dma source(%dma_start3A_64 : memref<10000xf32, #tpu.memory_space<hbm>>) target(%arg8 : memref<10000xf32, #tpu.memory_space<vmem>>) target_semaphore(%run_scoped3A : memref<!tpu.dma_semaphore, #tpu.memory_space<semaphore_mem>>)
      %dma_wait3A_65 = arith.constant 0 : i32
      %dma_wait3A_66 = tpu.memref_slice %arg3[%select_n3A, %dma_wait3A_65] : memref<8x10000xf32, #tpu.memory_space<hbm>> -> memref<1x10000xf32, #tpu.memory_space<hbm>>
      %dma_wait3A_67 = tpu.memref_squeeze %dma_wait3A_66 : memref<1x10000xf32, #tpu.memory_space<hbm>> -> memref<10000xf32, #tpu.memory_space<hbm>>
      %dma_wait3A_68 = arith.constant 0 : i32
      %dma_wait3A_69 = tpu.memref_slice %arg3[%select_n3A, %dma_wait3A_68] : memref<8x10000xf32, #tpu.memory_space<hbm>> -> memref<1x10000xf32, #tpu.memory_space<hbm>>
      %dma_wait3A_70 = tpu.memref_squeeze %dma_wait3A_69 : memref<1x10000xf32, #tpu.memory_space<hbm>> -> memref<10000xf32, #tpu.memory_space<hbm>>
      tpu.wait_dma2 semaphore(%run_scoped3A : memref<!tpu.dma_semaphore, #tpu.memory_space<semaphore_mem>>) src(%dma_wait3A_70 : memref<10000xf32, #tpu.memory_space<hbm>>) dst(%arg8 : memref<10000xf32, #tpu.memory_space<vmem>>)
      tpu.yield
    }) : () -> ()
    "tpu.region"() ({
      %run_scoped3A = tpu.sem_alloc : memref<!tpu.dma_semaphore, #tpu.memory_space<semaphore_mem>>
      %dma_start3A_59 = arith.constant 0 : i32
      %dma_start3A_60 = tpu.memref_slice %arg4[%select_n3A, %dma_start3A_59] : memref<8x10000xf32, #tpu.memory_space<hbm>> -> memref<1x10000xf32, #tpu.memory_space<hbm>>
      %dma_start3A_61 = tpu.memref_squeeze %dma_start3A_60 : memref<1x10000xf32, #tpu.memory_space<hbm>> -> memref<10000xf32, #tpu.memory_space<hbm>>
      %dma_start3A_62 = arith.constant 0 : i32
      %dma_start3A_63 = tpu.memref_slice %arg4[%select_n3A, %dma_start3A_62] : memref<8x10000xf32, #tpu.memory_space<hbm>> -> memref<1x10000xf32, #tpu.memory_space<hbm>>
      %dma_start3A_64 = tpu.memref_squeeze %dma_start3A_63 : memref<1x10000xf32, #tpu.memory_space<hbm>> -> memref<10000xf32, #tpu.memory_space<hbm>>
      tpu.enqueue_dma source(%dma_start3A_64 : memref<10000xf32, #tpu.memory_space<hbm>>) target(%arg9 : memref<10000xf32, #tpu.memory_space<vmem>>) target_semaphore(%run_scoped3A : memref<!tpu.dma_semaphore, #tpu.memory_space<semaphore_mem>>)
      %dma_wait3A_65 = arith.constant 0 : i32
      %dma_wait3A_66 = tpu.memref_slice %arg4[%select_n3A, %dma_wait3A_65] : memref<8x10000xf32, #tpu.memory_space<hbm>> -> memref<1x10000xf32, #tpu.memory_space<hbm>>
      %dma_wait3A_67 = tpu.memref_squeeze %dma_wait3A_66 : memref<1x10000xf32, #tpu.memory_space<hbm>> -> memref<10000xf32, #tpu.memory_space<hbm>>
      %dma_wait3A_68 = arith.constant 0 : i32
      %dma_wait3A_69 = tpu.memref_slice %arg4[%select_n3A, %dma_wait3A_68] : memref<8x10000xf32, #tpu.memory_space<hbm>> -> memref<1x10000xf32, #tpu.memory_space<hbm>>
      %dma_wait3A_70 = tpu.memref_squeeze %dma_wait3A_69 : memref<1x10000xf32, #tpu.memory_space<hbm>> -> memref<10000xf32, #tpu.memory_space<hbm>>
      tpu.wait_dma2 semaphore(%run_scoped3A : memref<!tpu.dma_semaphore, #tpu.memory_space<semaphore_mem>>) src(%dma_wait3A_70 : memref<10000xf32, #tpu.memory_space<hbm>>) dst(%arg9 : memref<10000xf32, #tpu.memory_space<vmem>>)
      tpu.yield
    }) : () -> ()
    "tpu.region"() ({
      %run_scoped3A = tpu.sem_alloc : memref<!tpu.dma_semaphore, #tpu.memory_space<semaphore_mem>>
      %dma_start3A_59 = arith.constant 0 : i32
      %dma_start3A_60 = tpu.memref_slice %arg5[%select_n3A, %dma_start3A_59] : memref<8x16xf32, #tpu.memory_space<hbm>> -> memref<1x16xf32, #tpu.memory_space<hbm>>
      %dma_start3A_61 = tpu.memref_squeeze %dma_start3A_60 : memref<1x16xf32, #tpu.memory_space<hbm>> -> memref<16xf32, #tpu.memory_space<hbm>>
      %dma_start3A_62 = arith.constant 0 : i32
      %dma_start3A_63 = tpu.memref_slice %arg5[%select_n3A, %dma_start3A_62] : memref<8x16xf32, #tpu.memory_space<hbm>> -> memref<1x16xf32, #tpu.memory_space<hbm>>
      %dma_start3A_64 = tpu.memref_squeeze %dma_start3A_63 : memref<1x16xf32, #tpu.memory_space<hbm>> -> memref<16xf32, #tpu.memory_space<hbm>>
      tpu.enqueue_dma source(%dma_start3A_64 : memref<16xf32, #tpu.memory_space<hbm>>) target(%arg10 : memref<16xf32, #tpu.memory_space<vmem>>) target_semaphore(%run_scoped3A : memref<!tpu.dma_semaphore, #tpu.memory_space<semaphore_mem>>)
      %dma_wait3A_65 = arith.constant 0 : i32
      %dma_wait3A_66 = tpu.memref_slice %arg5[%select_n3A, %dma_wait3A_65] : memref<8x16xf32, #tpu.memory_space<hbm>> -> memref<1x16xf32, #tpu.memory_space<hbm>>
      %dma_wait3A_67 = tpu.memref_squeeze %dma_wait3A_66 : memref<1x16xf32, #tpu.memory_space<hbm>> -> memref<16xf32, #tpu.memory_space<hbm>>
      %dma_wait3A_68 = arith.constant 0 : i32
      %dma_wait3A_69 = tpu.memref_slice %arg5[%select_n3A, %dma_wait3A_68] : memref<8x16xf32, #tpu.memory_space<hbm>> -> memref<1x16xf32, #tpu.memory_space<hbm>>
      %dma_wait3A_70 = tpu.memref_squeeze %dma_wait3A_69 : memref<1x16xf32, #tpu.memory_space<hbm>> -> memref<16xf32, #tpu.memory_space<hbm>>
      tpu.wait_dma2 semaphore(%run_scoped3A : memref<!tpu.dma_semaphore, #tpu.memory_space<semaphore_mem>>) src(%dma_wait3A_70 : memref<16xf32, #tpu.memory_space<hbm>>) dst(%arg10 : memref<16xf32, #tpu.memory_space<vmem>>)
      tpu.yield
    }) : () -> ()
    %scan3A = arith.constant 0 : i32
    %scan3A_31 = arith.constant 0 : i32
    %scan3A_32 = arith.constant 625 : i32
    %scan3A_33 = arith.addi %scan3A_31, %scan3A_32 : i32
    %scan3A_34 = arith.constant 1 : i32
    %scan3A_35 = scf.for %scan3A_59 = %scan3A_31 to %scan3A_33 step %scan3A_34 iter_args(%scan3A_60 = %scan3A) -> (i32)  : i32 {
      %broadcast_in_dim3A = arith.constant 0.000000e+00 : f32
      %broadcast_in_dim3A_61 = vector.broadcast %broadcast_in_dim3A : f32 to vector<16xf32>
      %mul3A_62 = arith.constant 16 : i32
      %mul3A_63 = arith.muli %scan3A_59, %mul3A_62 : i32
      %swap3A = arith.index_cast %mul3A_63 : i32 to index
      %swap3A_64 = tpu.vector_load %arg11[%swap3A] {strides = array<i32>} : memref<10000xf32, #tpu.memory_space<vmem>>, vector<16xf32>,
      tpu.vector_store %arg11[%swap3A], %broadcast_in_dim3A_61 {strides = array<i32>} : memref<10000xf32, #tpu.memory_space<vmem>>, vector<16xf32>,
      %scan3A_65 = arith.constant 0 : i32
      scf.yield %scan3A_65 : i32
    }
    %scan3A_36 = arith.constant 625 : i32
    %get3A = arith.constant 0 : index
    %get3A_37 = tpu.vector_load %arg10[%get3A] {strides = array<i32>} : memref<16xf32, #tpu.memory_space<vmem>>, vector<16xf32>,
    %mul3A_38 = arith.constant 80000 : i32
    %mul3A_39 = arith.muli %select_n3A_30, %mul3A_38 : i32
    %add3A_40 = arith.constant 0 : i32
    %add3A_41 = arith.addi %mul3A_39, %add3A_40 : i32
    %dma_start3A = tpu.memref_slice %arg2[%add3A_41] : memref<320000xi32, #tpu.memory_space<hbm>> -> memref<8000xi32, #tpu.memory_space<hbm>>
    %dma_start3A_42 = tpu.memref_slice %arg2[%add3A_41] : memref<320000xi32, #tpu.memory_space<hbm>> -> memref<8000xi32, #tpu.memory_space<hbm>>
    tpu.enqueue_dma source(%dma_start3A_42 : memref<8000xi32, #tpu.memory_space<hbm>>) target(%arg12 : memref<8000xi32, #tpu.memory_space<vmem>>) target_semaphore(%arg16 : memref<!tpu.dma_semaphore, #tpu.memory_space<semaphore_mem>>)
    %scan3A_43 = arith.constant 0 : i32
    %scan3A_44 = arith.constant 0 : i32
    %scan3A_45 = arith.constant 5 : i32
    %scan3A_46 = arith.addi %scan3A_44, %scan3A_45 : i32
    %scan3A_47 = arith.constant 1 : i32
    %scan3A_48 = scf.for %scan3A_59 = %scan3A_44 to %scan3A_46 step %scan3A_47 iter_args(%scan3A_60 = %scan3A_43) -> (i32)  : i32 {
      %mul3A_61 = arith.constant 2 : i32
      %mul3A_62 = arith.muli %mul3A_61, %scan3A_59 : i32
      %add3A_63 = arith.constant 1 : i32
      %add3A_64 = arith.addi %mul3A_62, %add3A_63 : i32
      %lt3A_65 = arith.constant 10 : i32
      %lt3A_66 = arith.cmpi slt, %add3A_64, %lt3A_65 : i32
      %convert_element_type3A = arith.extui %lt3A_66 : i1 to i32
      %cond3A = arith.constant 0 : i32
      %cond3A_67 = arith.cmpi ne, %convert_element_type3A, %cond3A : i32
      scf.if %cond3A_67 {
        %add3A_120 = arith.constant 1 : i32
        %add3A_121 = arith.addi %mul3A_62, %add3A_120 : i32
        %mul3A_122 = arith.constant 80000 : i32
        %mul3A_123 = arith.muli %select_n3A_30, %mul3A_122 : i32
        %mul3A_124 = arith.constant 8000 : i32
        %mul3A_125 = arith.muli %add3A_121, %mul3A_124 : i32
        %add3A_126 = arith.addi %mul3A_123, %mul3A_125 : i32
        %dma_start3A_127 = tpu.memref_slice %arg2[%add3A_126] : memref<320000xi32, #tpu.memory_space<hbm>> -> memref<8000xi32, #tpu.memory_space<hbm>>
        %dma_start3A_128 = tpu.memref_slice %arg2[%add3A_126] : memref<320000xi32, #tpu.memory_space<hbm>> -> memref<8000xi32, #tpu.memory_space<hbm>>
        tpu.enqueue_dma source(%dma_start3A_128 : memref<8000xi32, #tpu.memory_space<hbm>>) target(%arg13 : memref<8000xi32, #tpu.memory_space<vmem>>) target_semaphore(%arg17 : memref<!tpu.dma_semaphore, #tpu.memory_space<semaphore_mem>>)
      } else {
      }
      %dma_wait3A_68 = arith.constant 0 : i32
      %dma_wait3A_69 = tpu.memref_slice %arg2[%dma_wait3A_68] : memref<320000xi32, #tpu.memory_space<hbm>> -> memref<8000xi32, #tpu.memory_space<hbm>>
      %dma_wait3A_70 = arith.constant 0 : i32
      %dma_wait3A_71 = tpu.memref_slice %arg2[%dma_wait3A_70] : memref<320000xi32, #tpu.memory_space<hbm>> -> memref<8000xi32, #tpu.memory_space<hbm>>
      tpu.wait_dma2 semaphore(%arg16 : memref<!tpu.dma_semaphore, #tpu.memory_space<semaphore_mem>>) src(%dma_wait3A_71 : memref<8000xi32, #tpu.memory_space<hbm>>) dst(%arg12 : memref<8000xi32, #tpu.memory_space<vmem>>)
      %gt3A = arith.constant 0 : i32
      %gt3A_72 = arith.cmpi sgt, %scan3A_59, %gt3A : i32
      %convert_element_type3A_73 = arith.extui %gt3A_72 : i1 to i32
      %cond3A_74 = arith.constant 0 : i32
      %cond3A_75 = arith.cmpi ne, %convert_element_type3A_73, %cond3A_74 : i32
      scf.if %cond3A_75 {
        %dma_wait3A_120 = arith.constant 0 : i32
        %dma_wait3A_121 = tpu.memref_slice %arg6[%dma_wait3A_120] : memref<2560000xf32, #tpu.memory_space<hbm>> -> memref<8000xf32, #tpu.memory_space<hbm>>
        %dma_wait3A_122 = arith.constant 0 : i32
        %dma_wait3A_123 = tpu.memref_slice %arg6[%dma_wait3A_122] : memref<2560000xf32, #tpu.memory_space<hbm>> -> memref<8000xf32, #tpu.memory_space<hbm>>
        tpu.wait_dma2 semaphore(%arg18 : memref<!tpu.dma_semaphore, #tpu.memory_space<semaphore_mem>>) src(%arg14 : memref<8000xf32, #tpu.memory_space<vmem>>) dst(%dma_wait3A_123 : memref<8000xf32, #tpu.memory_space<hbm>>)
      } else {
      }
      %parallel_loop3A = arith.constant 0 : i32
      %parallel_loop3A_76 = arith.constant 500 : i32
      %parallel_loop3A_77 = arith.constant 1 : i32
      scf.for %parallel_loop3A_120 = %parallel_loop3A to %parallel_loop3A_76 step %parallel_loop3A_77  : i32 {
        %parallel_loop3A_121 = arith.constant 16 : i32
        %parallel_loop3A_122 = arith.muli %parallel_loop3A_120, %parallel_loop3A_121 : i32
        %parallel_loop3A_123 = arith.index_cast %parallel_loop3A_122 : i32 to index
        %parallel_loop3A_124 = tpu.vector_load %arg12[%parallel_loop3A_123] {strides = array<i32>} : memref<8000xi32, #tpu.memory_space<vmem>>, vector<16xi32>,
        %parallel_loop3A_125 = arith.constant 16383 : i32
        %parallel_loop3A_126 = vector.broadcast %parallel_loop3A_125 : i32 to vector<16xi32>
        %parallel_loop3A_127 = arith.andi %parallel_loop3A_124, %parallel_loop3A_126 : vector<16xi32>
        %parallel_loop3A_128 = arith.constant 14 : i32
        %parallel_loop3A_129 = vector.broadcast %parallel_loop3A_128 : i32 to vector<16xi32>
        %parallel_loop3A_130 = arith.shrui %parallel_loop3A_124, %parallel_loop3A_129 : vector<16xi32>
        %parallel_loop3A_131 = tpu.vector_load_idx %arg8[%parallel_loop3A_130] : memref<10000xf32, #tpu.memory_space<vmem>>[vector<16xi32>], vector<16xf32>,
        %parallel_loop3A_132 = tpu.vector_load_idx %arg9[%parallel_loop3A_127] : memref<10000xf32, #tpu.memory_space<vmem>>[vector<16xi32>], vector<16xf32>,
        %parallel_loop3A_133 = arith.addf %parallel_loop3A_131, %parallel_loop3A_132 : vector<16xf32>
        %parallel_loop3A_134 = arith.addf %parallel_loop3A_131, %get3A_37 : vector<16xf32>
        %parallel_loop3A_135 = arith.constant 0.00999999977 : f32
        %parallel_loop3A_136 = vector.broadcast %parallel_loop3A_135 : f32 to vector<16xf32>
        %parallel_loop3A_137 = arith.mulf %parallel_loop3A_134, %parallel_loop3A_136 : vector<16xf32>
        %parallel_loop3A_138 = arith.maximumf %parallel_loop3A_134, %parallel_loop3A_137 : vector<16xf32>
        %parallel_loop3A_139 = arith.constant 0.00999999977 : f32
        %parallel_loop3A_140 = vector.broadcast %parallel_loop3A_139 : f32 to vector<16xf32>
        %parallel_loop3A_141 = arith.mulf %parallel_loop3A_133, %parallel_loop3A_140 : vector<16xf32>
        %parallel_loop3A_142 = arith.maximumf %parallel_loop3A_133, %parallel_loop3A_141 : vector<16xf32>
        %parallel_loop3A_143 = arith.subf %parallel_loop3A_142, %parallel_loop3A_138 : vector<16xf32>
        %parallel_loop3A_144 = math.exp %parallel_loop3A_143 : vector<16xf32>
        %parallel_loop3A_145 = arith.index_cast %parallel_loop3A_122 : i32 to index
        %parallel_loop3A_146 = tpu.vector_load %arg14[%parallel_loop3A_145] {strides = array<i32>} : memref<8000xf32, #tpu.memory_space<vmem>>, vector<16xf32>,
        tpu.vector_store %arg14[%parallel_loop3A_145], %parallel_loop3A_144 {strides = array<i32>} : memref<8000xf32, #tpu.memory_space<vmem>>, vector<16xf32>,
        tpu.vector_store_idx %arg11[%parallel_loop3A_130], %parallel_loop3A_144 {add = true} : memref<10000xf32, #tpu.memory_space<vmem>>[vector<16xi32>], vector<16xf32>,
      } {sc.loop_unroll_factor = 5 : i64, sc.parallel_access}
      %mul3A_78 = arith.constant 80000 : i32
      %mul3A_79 = arith.muli %select_n3A_30, %mul3A_78 : i32
      %mul3A_80 = arith.constant 8000 : i32
      %mul3A_81 = arith.muli %mul3A_62, %mul3A_80 : i32
      %add3A_82 = arith.addi %mul3A_79, %mul3A_81 : i32
      %mul3A_83 = arith.constant 320000 : i32
      %mul3A_84 = arith.muli %select_n3A, %mul3A_83 : i32
      %add3A_85 = arith.addi %mul3A_84, %add3A_82 : i32
      %dma_start3A_86 = tpu.memref_slice %arg6[%add3A_85] : memref<2560000xf32, #tpu.memory_space<hbm>> -> memref<8000xf32, #tpu.memory_space<hbm>>
      %dma_start3A_87 = tpu.memref_slice %arg6[%add3A_85] : memref<2560000xf32, #tpu.memory_space<hbm>> -> memref<8000xf32, #tpu.memory_space<hbm>>
      tpu.enqueue_dma source(%arg14 : memref<8000xf32, #tpu.memory_space<vmem>>) target(%dma_start3A_87 : memref<8000xf32, #tpu.memory_space<hbm>>) target_semaphore(%arg18 : memref<!tpu.dma_semaphore, #tpu.memory_space<semaphore_mem>>)
      %add3A_88 = arith.constant 2 : i32
      %add3A_89 = arith.addi %mul3A_62, %add3A_88 : i32
      %lt3A_90 = arith.constant 10 : i32
      %lt3A_91 = arith.cmpi slt, %add3A_89, %lt3A_90 : i32
      %convert_element_type3A_92 = arith.extui %lt3A_91 : i1 to i32
      %cond3A_93 = arith.constant 0 : i32
      %cond3A_94 = arith.cmpi ne, %convert_element_type3A_92, %cond3A_93 : i32
      scf.if %cond3A_94 {
        %add3A_120 = arith.constant 2 : i32
        %add3A_121 = arith.addi %mul3A_62, %add3A_120 : i32
        %mul3A_122 = arith.constant 80000 : i32
        %mul3A_123 = arith.muli %select_n3A_30, %mul3A_122 : i32
        %mul3A_124 = arith.constant 8000 : i32
        %mul3A_125 = arith.muli %add3A_121, %mul3A_124 : i32
        %add3A_126 = arith.addi %mul3A_123, %mul3A_125 : i32
        %dma_start3A_127 = tpu.memref_slice %arg2[%add3A_126] : memref<320000xi32, #tpu.memory_space<hbm>> -> memref<8000xi32, #tpu.memory_space<hbm>>
        %dma_start3A_128 = tpu.memref_slice %arg2[%add3A_126] : memref<320000xi32, #tpu.memory_space<hbm>> -> memref<8000xi32, #tpu.memory_space<hbm>>
        tpu.enqueue_dma source(%dma_start3A_128 : memref<8000xi32, #tpu.memory_space<hbm>>) target(%arg12 : memref<8000xi32, #tpu.memory_space<vmem>>) target_semaphore(%arg16 : memref<!tpu.dma_semaphore, #tpu.memory_space<semaphore_mem>>)
      } else {
      }
      %dma_wait3A_95 = arith.constant 0 : i32
      %dma_wait3A_96 = tpu.memref_slice %arg2[%dma_wait3A_95] : memref<320000xi32, #tpu.memory_space<hbm>> -> memref<8000xi32, #tpu.memory_space<hbm>>
      %dma_wait3A_97 = arith.constant 0 : i32
      %dma_wait3A_98 = tpu.memref_slice %arg2[%dma_wait3A_97] : memref<320000xi32, #tpu.memory_space<hbm>> -> memref<8000xi32, #tpu.memory_space<hbm>>
      tpu.wait_dma2 semaphore(%arg17 : memref<!tpu.dma_semaphore, #tpu.memory_space<semaphore_mem>>) src(%dma_wait3A_98 : memref<8000xi32, #tpu.memory_space<hbm>>) dst(%arg13 : memref<8000xi32, #tpu.memory_space<vmem>>)
      %gt3A_99 = arith.constant 0 : i32
      %gt3A_100 = arith.cmpi sgt, %scan3A_59, %gt3A_99 : i32
      %convert_element_type3A_101 = arith.extui %gt3A_100 : i1 to i32
      %cond3A_102 = arith.constant 0 : i32
      %cond3A_103 = arith.cmpi ne, %convert_element_type3A_101, %cond3A_102 : i32
      scf.if %cond3A_103 {
        %dma_wait3A_120 = arith.constant 0 : i32
        %dma_wait3A_121 = tpu.memref_slice %arg6[%dma_wait3A_120] : memref<2560000xf32, #tpu.memory_space<hbm>> -> memref<8000xf32, #tpu.memory_space<hbm>>
        %dma_wait3A_122 = arith.constant 0 : i32
        %dma_wait3A_123 = tpu.memref_slice %arg6[%dma_wait3A_122] : memref<2560000xf32, #tpu.memory_space<hbm>> -> memref<8000xf32, #tpu.memory_space<hbm>>
        tpu.wait_dma2 semaphore(%arg19 : memref<!tpu.dma_semaphore, #tpu.memory_space<semaphore_mem>>) src(%arg15 : memref<8000xf32, #tpu.memory_space<vmem>>) dst(%dma_wait3A_123 : memref<8000xf32, #tpu.memory_space<hbm>>)
      } else {
      }
      %add3A_104 = arith.constant 1 : i32
      %add3A_105 = arith.addi %mul3A_62, %add3A_104 : i32
      %parallel_loop3A_106 = arith.constant 0 : i32
      %parallel_loop3A_107 = arith.constant 500 : i32
      %parallel_loop3A_108 = arith.constant 1 : i32
      scf.for %parallel_loop3A_120 = %parallel_loop3A_106 to %parallel_loop3A_107 step %parallel_loop3A_108  : i32 {
        %parallel_loop3A_121 = arith.constant 16 : i32
        %parallel_loop3A_122 = arith.muli %parallel_loop3A_120, %parallel_loop3A_121 : i32
        %parallel_loop3A_123 = arith.index_cast %parallel_loop3A_122 : i32 to index
        %parallel_loop3A_124 = tpu.vector_load %arg13[%parallel_loop3A_123] {strides = array<i32>} : memref<8000xi32, #tpu.memory_space<vmem>>, vector<16xi32>,
        %parallel_loop3A_125 = arith.constant 16383 : i32
        %parallel_loop3A_126 = vector.broadcast %parallel_loop3A_125 : i32 to vector<16xi32>
        %parallel_loop3A_127 = arith.andi %parallel_loop3A_124, %parallel_loop3A_126 : vector<16xi32>
        %parallel_loop3A_128 = arith.constant 14 : i32
        %parallel_loop3A_129 = vector.broadcast %parallel_loop3A_128 : i32 to vector<16xi32>
        %parallel_loop3A_130 = arith.shrui %parallel_loop3A_124, %parallel_loop3A_129 : vector<16xi32>
        %parallel_loop3A_131 = tpu.vector_load_idx %arg8[%parallel_loop3A_130] : memref<10000xf32, #tpu.memory_space<vmem>>[vector<16xi32>], vector<16xf32>,
        %parallel_loop3A_132 = tpu.vector_load_idx %arg9[%parallel_loop3A_127] : memref<10000xf32, #tpu.memory_space<vmem>>[vector<16xi32>], vector<16xf32>,
        %parallel_loop3A_133 = arith.addf %parallel_loop3A_131, %parallel_loop3A_132 : vector<16xf32>
        %parallel_loop3A_134 = arith.addf %parallel_loop3A_131, %get3A_37 : vector<16xf32>
        %parallel_loop3A_135 = arith.constant 0.00999999977 : f32
        %parallel_loop3A_136 = vector.broadcast %parallel_loop3A_135 : f32 to vector<16xf32>
        %parallel_loop3A_137 = arith.mulf %parallel_loop3A_134, %parallel_loop3A_136 : vector<16xf32>
        %parallel_loop3A_138 = arith.maximumf %parallel_loop3A_134, %parallel_loop3A_137 : vector<16xf32>
        %parallel_loop3A_139 = arith.constant 0.00999999977 : f32
        %parallel_loop3A_140 = vector.broadcast %parallel_loop3A_139 : f32 to vector<16xf32>
        %parallel_loop3A_141 = arith.mulf %parallel_loop3A_133, %parallel_loop3A_140 : vector<16xf32>
        %parallel_loop3A_142 = arith.maximumf %parallel_loop3A_133, %parallel_loop3A_141 : vector<16xf32>
        %parallel_loop3A_143 = arith.subf %parallel_loop3A_142, %parallel_loop3A_138 : vector<16xf32>
        %parallel_loop3A_144 = math.exp %parallel_loop3A_143 : vector<16xf32>
        %parallel_loop3A_145 = arith.index_cast %parallel_loop3A_122 : i32 to index
        %parallel_loop3A_146 = tpu.vector_load %arg15[%parallel_loop3A_145] {strides = array<i32>} : memref<8000xf32, #tpu.memory_space<vmem>>, vector<16xf32>,
        tpu.vector_store %arg15[%parallel_loop3A_145], %parallel_loop3A_144 {strides = array<i32>} : memref<8000xf32, #tpu.memory_space<vmem>>, vector<16xf32>,
        tpu.vector_store_idx %arg11[%parallel_loop3A_130], %parallel_loop3A_144 {add = true} : memref<10000xf32, #tpu.memory_space<vmem>>[vector<16xi32>], vector<16xf32>,
      } {sc.loop_unroll_factor = 5 : i64, sc.parallel_access}
      %mul3A_109 = arith.constant 80000 : i32
      %mul3A_110 = arith.muli %select_n3A_30, %mul3A_109 : i32
      %mul3A_111 = arith.constant 8000 : i32
      %mul3A_112 = arith.muli %add3A_105, %mul3A_111 : i32
      %add3A_113 = arith.addi %mul3A_110, %mul3A_112 : i32
      %mul3A_114 = arith.constant 320000 : i32
      %mul3A_115 = arith.muli %select_n3A, %mul3A_114 : i32
      %add3A_116 = arith.addi %mul3A_115, %add3A_113 : i32
      %dma_start3A_117 = tpu.memref_slice %arg6[%add3A_116] : memref<2560000xf32, #tpu.memory_space<hbm>> -> memref<8000xf32, #tpu.memory_space<hbm>>
      %dma_start3A_118 = tpu.memref_slice %arg6[%add3A_116] : memref<2560000xf32, #tpu.memory_space<hbm>> -> memref<8000xf32, #tpu.memory_space<hbm>>
      tpu.enqueue_dma source(%arg15 : memref<8000xf32, #tpu.memory_space<vmem>>) target(%dma_start3A_118 : memref<8000xf32, #tpu.memory_space<hbm>>) target_semaphore(%arg19 : memref<!tpu.dma_semaphore, #tpu.memory_space<semaphore_mem>>)
      %scan3A_119 = arith.constant 0 : i32
      scf.yield %scan3A_119 : i32
    }
    %scan3A_49 = arith.constant 5 : i32
    %dma_wait3A = arith.constant 0 : i32
    %dma_wait3A_50 = tpu.memref_slice %arg6[%dma_wait3A] : memref<2560000xf32, #tpu.memory_space<hbm>> -> memref<8000xf32, #tpu.memory_space<hbm>>
    %dma_wait3A_51 = arith.constant 0 : i32
    %dma_wait3A_52 = tpu.memref_slice %arg6[%dma_wait3A_51] : memref<2560000xf32, #tpu.memory_space<hbm>> -> memref<8000xf32, #tpu.memory_space<hbm>>
    tpu.wait_dma2 semaphore(%arg18 : memref<!tpu.dma_semaphore, #tpu.memory_space<semaphore_mem>>) src(%arg14 : memref<8000xf32, #tpu.memory_space<vmem>>) dst(%dma_wait3A_52 : memref<8000xf32, #tpu.memory_space<hbm>>)
    %dma_wait3A_53 = arith.constant 0 : i32
    %dma_wait3A_54 = tpu.memref_slice %arg6[%dma_wait3A_53] : memref<2560000xf32, #tpu.memory_space<hbm>> -> memref<8000xf32, #tpu.memory_space<hbm>>
    %dma_wait3A_55 = arith.constant 0 : i32
    %dma_wait3A_56 = tpu.memref_slice %arg6[%dma_wait3A_55] : memref<2560000xf32, #tpu.memory_space<hbm>> -> memref<8000xf32, #tpu.memory_space<hbm>>
    tpu.wait_dma2 semaphore(%arg19 : memref<!tpu.dma_semaphore, #tpu.memory_space<semaphore_mem>>) src(%arg15 : memref<8000xf32, #tpu.memory_space<vmem>>) dst(%dma_wait3A_56 : memref<8000xf32, #tpu.memory_space<hbm>>)
    %mul3A_57 = arith.constant 10000 : i32
    %mul3A_58 = arith.muli %add3A, %mul3A_57 : i32
    "tpu.region"() ({
      %run_scoped3A = tpu.sem_alloc : memref<!tpu.dma_semaphore, #tpu.memory_space<semaphore_mem>>
      %dma_start3A_59 = tpu.memref_slice %arg7[%mul3A_58] : memref<320000xf32, #tpu.memory_space<hbm>> -> memref<10000xf32, #tpu.memory_space<hbm>>
      %dma_start3A_60 = tpu.memref_slice %arg7[%mul3A_58] : memref<320000xf32, #tpu.memory_space<hbm>> -> memref<10000xf32, #tpu.memory_space<hbm>>
      tpu.enqueue_dma source(%arg11 : memref<10000xf32, #tpu.memory_space<vmem>>) target(%dma_start3A_60 : memref<10000xf32, #tpu.memory_space<hbm>>) target_semaphore(%run_scoped3A : memref<!tpu.dma_semaphore, #tpu.memory_space<semaphore_mem>>)
      %dma_wait3A_61 = tpu.memref_slice %arg7[%mul3A_58] : memref<320000xf32, #tpu.memory_space<hbm>> -> memref<10000xf32, #tpu.memory_space<hbm>>
      %dma_wait3A_62 = tpu.memref_slice %arg7[%mul3A_58] : memref<320000xf32, #tpu.memory_space<hbm>> -> memref<10000xf32, #tpu.memory_space<hbm>>
      tpu.wait_dma2 semaphore(%run_scoped3A : memref<!tpu.dma_semaphore, #tpu.memory_space<semaphore_mem>>) src(%arg11 : memref<10000xf32, #tpu.memory_space<vmem>>) dst(%dma_wait3A_62 : memref<10000xf32, #tpu.memory_space<hbm>>)
      tpu.yield
    }) : () -> ()
    return
  }
}

#map = affine_map<(d0, d1) -> (0)>
#map1 = affine_map<(d0, d1) -> (0, 0)>
module attributes {stable_mosaic.version = 14 : i64} {
  func.func @k(%arg0: i32, %arg1: i32, %arg2: memref<320000xi32, #tpu.memory_space<hbm>>, %arg3: memref<8x10000xf32, #tpu.memory_space<hbm>>, %arg4: memref<8x10000xf32, #tpu.memory_space<hbm>>, %arg5: memref<8x16xf32, #tpu.memory_space<hbm>>, %arg6: memref<2560000xf32, #tpu.memory_space<hbm>>, %arg7: memref<320000xf32, #tpu.memory_space<hbm>>, %arg8: memref<10000xf32, #tpu.memory_space<vmem>>, %arg9: memref<10000xf32, #tpu.memory_space<vmem>>, %arg10: memref<16xf32, #tpu.memory_space<vmem>>, %arg11: memref<10000xf32, #tpu.memory_space<vmem>>, %arg12: memref<8000xi32, #tpu.memory_space<vmem>>, %arg13: memref<8000xi32, #tpu.memory_space<vmem>>, %arg14: memref<8000xf32, #tpu.memory_space<vmem>>, %arg15: memref<8000xf32, #tpu.memory_space<vmem>>, %arg16: memref<!tpu.dma_semaphore, #tpu.memory_space<semaphore_mem>>, %arg17: memref<!tpu.dma_semaphore, #tpu.memory_space<semaphore_mem>>, %arg18: memref<!tpu.dma_semaphore, #tpu.memory_space<semaphore_mem>>, %arg19: memref<!tpu.dma_semaphore, #tpu.memory_space<semaphore_mem>>) attributes {dimension_semantics = [#tpu.dimension_semantics<core_parallel>, #tpu.dimension_semantics<subcore_parallel>], iteration_bounds = array<i64: 2, 16>, scalar_prefetch = 0 : i64, scratch_operands = 12 : i64, tpu.core_type = #tpu.core_type<sc_vector_subcore>, window_params = [{transform_indices = #map}, {transform_indices = #map1}, {transform_indices = #map1}, {transform_indices = #map1}, {transform_indices = #map}, {transform_indices = #map}]} {
    %mul3A = arith.constant 2 : i32
    %mul3A_0 = arith.muli %arg1, %mul3A : i32
    %add3A = arith.addi %mul3A_0, %arg0 : i32
    %jit3A = arith.constant 4 : i32
    %div3A = arith.divsi %add3A, %jit3A : i32
    %sign3A = arith.constant 0 : i32
    %sign3A_1 = arith.cmpi sgt, %add3A, %sign3A : i32
    %sign3A_2 = arith.extui %sign3A_1 : i1 to i32
    %sign3A_3 = arith.constant 0 : i32
    %sign3A_4 = arith.cmpi slt, %add3A, %sign3A_3 : i32
    %sign3A_5 = arith.extui %sign3A_4 : i1 to i32
    %sign3A_6 = arith.subi %sign3A_2, %sign3A_5 : i32
    %sign3A_7 = arith.constant 0 : i32
    %sign3A_8 = arith.cmpi sgt, %jit3A, %sign3A_7 : i32
    %sign3A_9 = arith.extui %sign3A_8 : i1 to i32
    %sign3A_10 = arith.constant 0 : i32
    %sign3A_11 = arith.cmpi slt, %jit3A, %sign3A_10 : i32
    %sign3A_12 = arith.extui %sign3A_11 : i1 to i32
    %sign3A_13 = arith.subi %sign3A_9, %sign3A_12 : i32
    %ne3A = arith.cmpi ne, %sign3A_6, %sign3A_13 : i32
    %rem3A = arith.remsi %add3A, %jit3A : i32
    %ne3A_14 = arith.constant 0 : i32
    %ne3A_15 = arith.cmpi ne, %rem3A, %ne3A_14 : i32
    %and3A = arith.andi %ne3A, %ne3A_15 : i1
    %sub3A = arith.constant 1 : i32
    %sub3A_16 = arith.subi %div3A, %sub3A : i32
    %select_n3A = arith.select %and3A, %sub3A_16, %div3A : i32
    %jit3A_17 = arith.constant 4 : i32
    %eq3A = arith.constant 0 : i32
    %eq3A_18 = arith.cmpi eq, %jit3A_17, %eq3A : i32
    %jit3A_19 = arith.constant 1 : i32
    %select_n3A_20 = arith.select %eq3A_18, %jit3A_19, %jit3A_17 : i32
    %rem3A_21 = arith.remsi %add3A, %select_n3A_20 : i32
    %ne3A_22 = arith.constant 0 : i32
    %ne3A_23 = arith.cmpi ne, %rem3A_21, %ne3A_22 : i32
    %lt3A = arith.constant 0 : i32
    %lt3A_24 = arith.cmpi slt, %rem3A_21, %lt3A : i32
    %lt3A_25 = arith.constant 0 : i32
    %lt3A_26 = arith.cmpi slt, %select_n3A_20, %lt3A_25 : i32
    %ne3A_27 = arith.xori %lt3A_24, %lt3A_26 : i1
    %and3A_28 = arith.andi %ne3A_27, %ne3A_23 : i1
    %add3A_29 = arith.addi %rem3A_21, %select_n3A_20 : i32
    %select_n3A_30 = arith.select %and3A_28, %add3A_29, %rem3A_21 : i32
    "tpu.region"() ({
      %run_scoped3A = tpu.sem_alloc : memref<!tpu.dma_semaphore, #tpu.memory_space<semaphore_mem>>
      %dma_start3A_59 = arith.constant 0 : i32
      %dma_start3A_60 = tpu.memref_slice %arg3[%select_n3A, %dma_start3A_59] : memref<8x10000xf32, #tpu.memory_space<hbm>> -> memref<1x10000xf32, #tpu.memory_space<hbm>>
      %dma_start3A_61 = tpu.memref_squeeze %dma_start3A_60 : memref<1x10000xf32, #tpu.memory_space<hbm>> -> memref<10000xf32, #tpu.memory_space<hbm>>
      %dma_start3A_62 = arith.constant 0 : i32
      %dma_start3A_63 = tpu.memref_slice %arg3[%select_n3A, %dma_start3A_62] : memref<8x10000xf32, #tpu.memory_space<hbm>> -> memref<1x10000xf32, #tpu.memory_space<hbm>>
      %dma_start3A_64 = tpu.memref_squeeze %dma_start3A_63 : memref<1x10000xf32, #tpu.memory_space<hbm>> -> memref<10000xf32, #tpu.memory_space<hbm>>
      tpu.enqueue_dma source(%dma_start3A_64 : memref<10000xf32, #tpu.memory_space<hbm>>) target(%arg8 : memref<10000xf32, #tpu.memory_space<vmem>>) target_semaphore(%run_scoped3A : memref<!tpu.dma_semaphore, #tpu.memory_space<semaphore_mem>>)
      %dma_wait3A_65 = arith.constant 0 : i32
      %dma_wait3A_66 = tpu.memref_slice %arg3[%select_n3A, %dma_wait3A_65] : memref<8x10000xf32, #tpu.memory_space<hbm>> -> memref<1x10000xf32, #tpu.memory_space<hbm>>
      %dma_wait3A_67 = tpu.memref_squeeze %dma_wait3A_66 : memref<1x10000xf32, #tpu.memory_space<hbm>> -> memref<10000xf32, #tpu.memory_space<hbm>>
      %dma_wait3A_68 = arith.constant 0 : i32
      %dma_wait3A_69 = tpu.memref_slice %arg3[%select_n3A, %dma_wait3A_68] : memref<8x10000xf32, #tpu.memory_space<hbm>> -> memref<1x10000xf32, #tpu.memory_space<hbm>>
      %dma_wait3A_70 = tpu.memref_squeeze %dma_wait3A_69 : memref<1x10000xf32, #tpu.memory_space<hbm>> -> memref<10000xf32, #tpu.memory_space<hbm>>
      tpu.wait_dma2 semaphore(%run_scoped3A : memref<!tpu.dma_semaphore, #tpu.memory_space<semaphore_mem>>) src(%dma_wait3A_70 : memref<10000xf32, #tpu.memory_space<hbm>>) dst(%arg8 : memref<10000xf32, #tpu.memory_space<vmem>>)
      tpu.yield
    }) : () -> ()
    "tpu.region"() ({
      %run_scoped3A = tpu.sem_alloc : memref<!tpu.dma_semaphore, #tpu.memory_space<semaphore_mem>>
      %dma_start3A_59 = arith.constant 0 : i32
      %dma_start3A_60 = tpu.memref_slice %arg4[%select_n3A, %dma_start3A_59] : memref<8x10000xf32, #tpu.memory_space<hbm>> -> memref<1x10000xf32, #tpu.memory_space<hbm>>
      %dma_start3A_61 = tpu.memref_squeeze %dma_start3A_60 : memref<1x10000xf32, #tpu.memory_space<hbm>> -> memref<10000xf32, #tpu.memory_space<hbm>>
      %dma_start3A_62 = arith.constant 0 : i32
      %dma_start3A_63 = tpu.memref_slice %arg4[%select_n3A, %dma_start3A_62] : memref<8x10000xf32, #tpu.memory_space<hbm>> -> memref<1x10000xf32, #tpu.memory_space<hbm>>
      %dma_start3A_64 = tpu.memref_squeeze %dma_start3A_63 : memref<1x10000xf32, #tpu.memory_space<hbm>> -> memref<10000xf32, #tpu.memory_space<hbm>>
      tpu.enqueue_dma source(%dma_start3A_64 : memref<10000xf32, #tpu.memory_space<hbm>>) target(%arg9 : memref<10000xf32, #tpu.memory_space<vmem>>) target_semaphore(%run_scoped3A : memref<!tpu.dma_semaphore, #tpu.memory_space<semaphore_mem>>)
      %dma_wait3A_65 = arith.constant 0 : i32
      %dma_wait3A_66 = tpu.memref_slice %arg4[%select_n3A, %dma_wait3A_65] : memref<8x10000xf32, #tpu.memory_space<hbm>> -> memref<1x10000xf32, #tpu.memory_space<hbm>>
      %dma_wait3A_67 = tpu.memref_squeeze %dma_wait3A_66 : memref<1x10000xf32, #tpu.memory_space<hbm>> -> memref<10000xf32, #tpu.memory_space<hbm>>
      %dma_wait3A_68 = arith.constant 0 : i32
      %dma_wait3A_69 = tpu.memref_slice %arg4[%select_n3A, %dma_wait3A_68] : memref<8x10000xf32, #tpu.memory_space<hbm>> -> memref<1x10000xf32, #tpu.memory_space<hbm>>
      %dma_wait3A_70 = tpu.memref_squeeze %dma_wait3A_69 : memref<1x10000xf32, #tpu.memory_space<hbm>> -> memref<10000xf32, #tpu.memory_space<hbm>>
      tpu.wait_dma2 semaphore(%run_scoped3A : memref<!tpu.dma_semaphore, #tpu.memory_space<semaphore_mem>>) src(%dma_wait3A_70 : memref<10000xf32, #tpu.memory_space<hbm>>) dst(%arg9 : memref<10000xf32, #tpu.memory_space<vmem>>)
      tpu.yield
    }) : () -> ()
    "tpu.region"() ({
      %run_scoped3A = tpu.sem_alloc : memref<!tpu.dma_semaphore, #tpu.memory_space<semaphore_mem>>
      %dma_start3A_59 = arith.constant 0 : i32
      %dma_start3A_60 = tpu.memref_slice %arg5[%select_n3A, %dma_start3A_59] : memref<8x16xf32, #tpu.memory_space<hbm>> -> memref<1x16xf32, #tpu.memory_space<hbm>>
      %dma_start3A_61 = tpu.memref_squeeze %dma_start3A_60 : memref<1x16xf32, #tpu.memory_space<hbm>> -> memref<16xf32, #tpu.memory_space<hbm>>
      %dma_start3A_62 = arith.constant 0 : i32
      %dma_start3A_63 = tpu.memref_slice %arg5[%select_n3A, %dma_start3A_62] : memref<8x16xf32, #tpu.memory_space<hbm>> -> memref<1x16xf32, #tpu.memory_space<hbm>>
      %dma_start3A_64 = tpu.memref_squeeze %dma_start3A_63 : memref<1x16xf32, #tpu.memory_space<hbm>> -> memref<16xf32, #tpu.memory_space<hbm>>
      tpu.enqueue_dma source(%dma_start3A_64 : memref<16xf32, #tpu.memory_space<hbm>>) target(%arg10 : memref<16xf32, #tpu.memory_space<vmem>>) target_semaphore(%run_scoped3A : memref<!tpu.dma_semaphore, #tpu.memory_space<semaphore_mem>>)
      %dma_wait3A_65 = arith.constant 0 : i32
      %dma_wait3A_66 = tpu.memref_slice %arg5[%select_n3A, %dma_wait3A_65] : memref<8x16xf32, #tpu.memory_space<hbm>> -> memref<1x16xf32, #tpu.memory_space<hbm>>
      %dma_wait3A_67 = tpu.memref_squeeze %dma_wait3A_66 : memref<1x16xf32, #tpu.memory_space<hbm>> -> memref<16xf32, #tpu.memory_space<hbm>>
      %dma_wait3A_68 = arith.constant 0 : i32
      %dma_wait3A_69 = tpu.memref_slice %arg5[%select_n3A, %dma_wait3A_68] : memref<8x16xf32, #tpu.memory_space<hbm>> -> memref<1x16xf32, #tpu.memory_space<hbm>>
      %dma_wait3A_70 = tpu.memref_squeeze %dma_wait3A_69 : memref<1x16xf32, #tpu.memory_space<hbm>> -> memref<16xf32, #tpu.memory_space<hbm>>
      tpu.wait_dma2 semaphore(%run_scoped3A : memref<!tpu.dma_semaphore, #tpu.memory_space<semaphore_mem>>) src(%dma_wait3A_70 : memref<16xf32, #tpu.memory_space<hbm>>) dst(%arg10 : memref<16xf32, #tpu.memory_space<vmem>>)
      tpu.yield
    }) : () -> ()
    %scan3A = arith.constant 0 : i32
    %scan3A_31 = arith.constant 0 : i32
    %scan3A_32 = arith.constant 625 : i32
    %scan3A_33 = arith.addi %scan3A_31, %scan3A_32 : i32
    %scan3A_34 = arith.constant 1 : i32
    %scan3A_35 = scf.for %scan3A_59 = %scan3A_31 to %scan3A_33 step %scan3A_34 iter_args(%scan3A_60 = %scan3A) -> (i32)  : i32 {
      %broadcast_in_dim3A = arith.constant 0.000000e+00 : f32
      %broadcast_in_dim3A_61 = vector.broadcast %broadcast_in_dim3A : f32 to vector<16xf32>
      %mul3A_62 = arith.constant 16 : i32
      %mul3A_63 = arith.muli %scan3A_59, %mul3A_62 : i32
      %swap3A = arith.index_cast %mul3A_63 : i32 to index
      %swap3A_64 = tpu.vector_load %arg11[%swap3A] {strides = array<i32>} : memref<10000xf32, #tpu.memory_space<vmem>>, vector<16xf32>,
      tpu.vector_store %arg11[%swap3A], %broadcast_in_dim3A_61 {strides = array<i32>} : memref<10000xf32, #tpu.memory_space<vmem>>, vector<16xf32>,
      %scan3A_65 = arith.constant 0 : i32
      scf.yield %scan3A_65 : i32
    }
    %scan3A_36 = arith.constant 625 : i32
    %get3A = arith.constant 0 : index
    %get3A_37 = tpu.vector_load %arg10[%get3A] {strides = array<i32>} : memref<16xf32, #tpu.memory_space<vmem>>, vector<16xf32>,
    %mul3A_38 = arith.constant 80000 : i32
    %mul3A_39 = arith.muli %select_n3A_30, %mul3A_38 : i32
    %add3A_40 = arith.constant 0 : i32
    %add3A_41 = arith.addi %mul3A_39, %add3A_40 : i32
    %dma_start3A = tpu.memref_slice %arg2[%add3A_41] : memref<320000xi32, #tpu.memory_space<hbm>> -> memref<8000xi32, #tpu.memory_space<hbm>>
    %dma_start3A_42 = tpu.memref_slice %arg2[%add3A_41] : memref<320000xi32, #tpu.memory_space<hbm>> -> memref<8000xi32, #tpu.memory_space<hbm>>
    tpu.enqueue_dma source(%dma_start3A_42 : memref<8000xi32, #tpu.memory_space<hbm>>) target(%arg12 : memref<8000xi32, #tpu.memory_space<vmem>>) target_semaphore(%arg16 : memref<!tpu.dma_semaphore, #tpu.memory_space<semaphore_mem>>)
    %scan3A_43 = arith.constant 0 : i32
    %scan3A_44 = arith.constant 0 : i32
    %scan3A_45 = arith.constant 5 : i32
    %scan3A_46 = arith.addi %scan3A_44, %scan3A_45 : i32
    %scan3A_47 = arith.constant 1 : i32
    %scan3A_48 = scf.for %scan3A_59 = %scan3A_44 to %scan3A_46 step %scan3A_47 iter_args(%scan3A_60 = %scan3A_43) -> (i32)  : i32 {
      %mul3A_61 = arith.constant 2 : i32
      %mul3A_62 = arith.muli %mul3A_61, %scan3A_59 : i32
      %add3A_63 = arith.constant 1 : i32
      %add3A_64 = arith.addi %mul3A_62, %add3A_63 : i32
      %lt3A_65 = arith.constant 10 : i32
      %lt3A_66 = arith.cmpi slt, %add3A_64, %lt3A_65 : i32
      %convert_element_type3A = arith.extui %lt3A_66 : i1 to i32
      %cond3A = arith.constant 0 : i32
      %cond3A_67 = arith.cmpi ne, %convert_element_type3A, %cond3A : i32
      scf.if %cond3A_67 {
        %add3A_120 = arith.constant 1 : i32
        %add3A_121 = arith.addi %mul3A_62, %add3A_120 : i32
        %mul3A_122 = arith.constant 80000 : i32
        %mul3A_123 = arith.muli %select_n3A_30, %mul3A_122 : i32
        %mul3A_124 = arith.constant 8000 : i32
        %mul3A_125 = arith.muli %add3A_121, %mul3A_124 : i32
        %add3A_126 = arith.addi %mul3A_123, %mul3A_125 : i32
        %dma_start3A_127 = tpu.memref_slice %arg2[%add3A_126] : memref<320000xi32, #tpu.memory_space<hbm>> -> memref<8000xi32, #tpu.memory_space<hbm>>
        %dma_start3A_128 = tpu.memref_slice %arg2[%add3A_126] : memref<320000xi32, #tpu.memory_space<hbm>> -> memref<8000xi32, #tpu.memory_space<hbm>>
        tpu.enqueue_dma source(%dma_start3A_128 : memref<8000xi32, #tpu.memory_space<hbm>>) target(%arg13 : memref<8000xi32, #tpu.memory_space<vmem>>) target_semaphore(%arg17 : memref<!tpu.dma_semaphore, #tpu.memory_space<semaphore_mem>>)
      } else {
      }
      %dma_wait3A_68 = arith.constant 0 : i32
      %dma_wait3A_69 = tpu.memref_slice %arg2[%dma_wait3A_68] : memref<320000xi32, #tpu.memory_space<hbm>> -> memref<8000xi32, #tpu.memory_space<hbm>>
      %dma_wait3A_70 = arith.constant 0 : i32
      %dma_wait3A_71 = tpu.memref_slice %arg2[%dma_wait3A_70] : memref<320000xi32, #tpu.memory_space<hbm>> -> memref<8000xi32, #tpu.memory_space<hbm>>
      tpu.wait_dma2 semaphore(%arg16 : memref<!tpu.dma_semaphore, #tpu.memory_space<semaphore_mem>>) src(%dma_wait3A_71 : memref<8000xi32, #tpu.memory_space<hbm>>) dst(%arg12 : memref<8000xi32, #tpu.memory_space<vmem>>)
      %gt3A = arith.constant 0 : i32
      %gt3A_72 = arith.cmpi sgt, %scan3A_59, %gt3A : i32
      %convert_element_type3A_73 = arith.extui %gt3A_72 : i1 to i32
      %cond3A_74 = arith.constant 0 : i32
      %cond3A_75 = arith.cmpi ne, %convert_element_type3A_73, %cond3A_74 : i32
      scf.if %cond3A_75 {
        %dma_wait3A_120 = arith.constant 0 : i32
        %dma_wait3A_121 = tpu.memref_slice %arg6[%dma_wait3A_120] : memref<2560000xf32, #tpu.memory_space<hbm>> -> memref<8000xf32, #tpu.memory_space<hbm>>
        %dma_wait3A_122 = arith.constant 0 : i32
        %dma_wait3A_123 = tpu.memref_slice %arg6[%dma_wait3A_122] : memref<2560000xf32, #tpu.memory_space<hbm>> -> memref<8000xf32, #tpu.memory_space<hbm>>
        tpu.wait_dma2 semaphore(%arg18 : memref<!tpu.dma_semaphore, #tpu.memory_space<semaphore_mem>>) src(%arg14 : memref<8000xf32, #tpu.memory_space<vmem>>) dst(%dma_wait3A_123 : memref<8000xf32, #tpu.memory_space<hbm>>)
      } else {
      }
      %parallel_loop3A = arith.constant 0 : i32
      %parallel_loop3A_76 = arith.constant 500 : i32
      %parallel_loop3A_77 = arith.constant 1 : i32
      scf.for %parallel_loop3A_120 = %parallel_loop3A to %parallel_loop3A_76 step %parallel_loop3A_77  : i32 {
        %parallel_loop3A_121 = arith.constant 16 : i32
        %parallel_loop3A_122 = arith.muli %parallel_loop3A_120, %parallel_loop3A_121 : i32
        %parallel_loop3A_123 = arith.index_cast %parallel_loop3A_122 : i32 to index
        %parallel_loop3A_124 = tpu.vector_load %arg12[%parallel_loop3A_123] {strides = array<i32>} : memref<8000xi32, #tpu.memory_space<vmem>>, vector<16xi32>,
        %parallel_loop3A_125 = arith.constant 16383 : i32
        %parallel_loop3A_126 = vector.broadcast %parallel_loop3A_125 : i32 to vector<16xi32>
        %parallel_loop3A_127 = arith.andi %parallel_loop3A_124, %parallel_loop3A_126 : vector<16xi32>
        %parallel_loop3A_128 = arith.constant 14 : i32
        %parallel_loop3A_129 = vector.broadcast %parallel_loop3A_128 : i32 to vector<16xi32>
        %parallel_loop3A_130 = arith.shrui %parallel_loop3A_124, %parallel_loop3A_129 : vector<16xi32>
        %parallel_loop3A_131 = tpu.vector_load_idx %arg8[%parallel_loop3A_130] : memref<10000xf32, #tpu.memory_space<vmem>>[vector<16xi32>], vector<16xf32>,
        %parallel_loop3A_132 = tpu.vector_load_idx %arg9[%parallel_loop3A_127] : memref<10000xf32, #tpu.memory_space<vmem>>[vector<16xi32>], vector<16xf32>,
        %parallel_loop3A_133 = arith.addf %parallel_loop3A_131, %parallel_loop3A_132 : vector<16xf32>
        %parallel_loop3A_134 = arith.addf %parallel_loop3A_131, %get3A_37 : vector<16xf32>
        %parallel_loop3A_135 = arith.constant 0.00999999977 : f32
        %parallel_loop3A_136 = vector.broadcast %parallel_loop3A_135 : f32 to vector<16xf32>
        %parallel_loop3A_137 = arith.mulf %parallel_loop3A_134, %parallel_loop3A_136 : vector<16xf32>
        %parallel_loop3A_138 = arith.maximumf %parallel_loop3A_134, %parallel_loop3A_137 : vector<16xf32>
        %parallel_loop3A_139 = arith.constant 0.00999999977 : f32
        %parallel_loop3A_140 = vector.broadcast %parallel_loop3A_139 : f32 to vector<16xf32>
        %parallel_loop3A_141 = arith.mulf %parallel_loop3A_133, %parallel_loop3A_140 : vector<16xf32>
        %parallel_loop3A_142 = arith.maximumf %parallel_loop3A_133, %parallel_loop3A_141 : vector<16xf32>
        %parallel_loop3A_143 = arith.subf %parallel_loop3A_142, %parallel_loop3A_138 : vector<16xf32>
        %parallel_loop3A_144 = math.exp %parallel_loop3A_143 : vector<16xf32>
        %parallel_loop3A_145 = arith.index_cast %parallel_loop3A_122 : i32 to index
        %parallel_loop3A_146 = tpu.vector_load %arg14[%parallel_loop3A_145] {strides = array<i32>} : memref<8000xf32, #tpu.memory_space<vmem>>, vector<16xf32>,
        tpu.vector_store %arg14[%parallel_loop3A_145], %parallel_loop3A_144 {strides = array<i32>} : memref<8000xf32, #tpu.memory_space<vmem>>, vector<16xf32>,
        tpu.vector_store_idx %arg11[%parallel_loop3A_130], %parallel_loop3A_144 {add = true} : memref<10000xf32, #tpu.memory_space<vmem>>[vector<16xi32>], vector<16xf32>,
      } {sc.loop_unroll_factor = 5 : i64, sc.parallel_access}
      %mul3A_78 = arith.constant 80000 : i32
      %mul3A_79 = arith.muli %select_n3A_30, %mul3A_78 : i32
      %mul3A_80 = arith.constant 8000 : i32
      %mul3A_81 = arith.muli %mul3A_62, %mul3A_80 : i32
      %add3A_82 = arith.addi %mul3A_79, %mul3A_81 : i32
      %mul3A_83 = arith.constant 320000 : i32
      %mul3A_84 = arith.muli %select_n3A, %mul3A_83 : i32
      %add3A_85 = arith.addi %mul3A_84, %add3A_82 : i32
      %dma_start3A_86 = tpu.memref_slice %arg6[%add3A_85] : memref<2560000xf32, #tpu.memory_space<hbm>> -> memref<8000xf32, #tpu.memory_space<hbm>>
      %dma_start3A_87 = tpu.memref_slice %arg6[%add3A_85] : memref<2560000xf32, #tpu.memory_space<hbm>> -> memref<8000xf32, #tpu.memory_space<hbm>>
      tpu.enqueue_dma source(%arg14 : memref<8000xf32, #tpu.memory_space<vmem>>) target(%dma_start3A_87 : memref<8000xf32, #tpu.memory_space<hbm>>) target_semaphore(%arg18 : memref<!tpu.dma_semaphore, #tpu.memory_space<semaphore_mem>>)
      %add3A_88 = arith.constant 2 : i32
      %add3A_89 = arith.addi %mul3A_62, %add3A_88 : i32
      %lt3A_90 = arith.constant 10 : i32
      %lt3A_91 = arith.cmpi slt, %add3A_89, %lt3A_90 : i32
      %convert_element_type3A_92 = arith.extui %lt3A_91 : i1 to i32
      %cond3A_93 = arith.constant 0 : i32
      %cond3A_94 = arith.cmpi ne, %convert_element_type3A_92, %cond3A_93 : i32
      scf.if %cond3A_94 {
        %add3A_120 = arith.constant 2 : i32
        %add3A_121 = arith.addi %mul3A_62, %add3A_120 : i32
        %mul3A_122 = arith.constant 80000 : i32
        %mul3A_123 = arith.muli %select_n3A_30, %mul3A_122 : i32
        %mul3A_124 = arith.constant 8000 : i32
        %mul3A_125 = arith.muli %add3A_121, %mul3A_124 : i32
        %add3A_126 = arith.addi %mul3A_123, %mul3A_125 : i32
        %dma_start3A_127 = tpu.memref_slice %arg2[%add3A_126] : memref<320000xi32, #tpu.memory_space<hbm>> -> memref<8000xi32, #tpu.memory_space<hbm>>
        %dma_start3A_128 = tpu.memref_slice %arg2[%add3A_126] : memref<320000xi32, #tpu.memory_space<hbm>> -> memref<8000xi32, #tpu.memory_space<hbm>>
        tpu.enqueue_dma source(%dma_start3A_128 : memref<8000xi32, #tpu.memory_space<hbm>>) target(%arg12 : memref<8000xi32, #tpu.memory_space<vmem>>) target_semaphore(%arg16 : memref<!tpu.dma_semaphore, #tpu.memory_space<semaphore_mem>>)
      } else {
      }
      %dma_wait3A_95 = arith.constant 0 : i32
      %dma_wait3A_96 = tpu.memref_slice %arg2[%dma_wait3A_95] : memref<320000xi32, #tpu.memory_space<hbm>> -> memref<8000xi32, #tpu.memory_space<hbm>>
      %dma_wait3A_97 = arith.constant 0 : i32
      %dma_wait3A_98 = tpu.memref_slice %arg2[%dma_wait3A_97] : memref<320000xi32, #tpu.memory_space<hbm>> -> memref<8000xi32, #tpu.memory_space<hbm>>
      tpu.wait_dma2 semaphore(%arg17 : memref<!tpu.dma_semaphore, #tpu.memory_space<semaphore_mem>>) src(%dma_wait3A_98 : memref<8000xi32, #tpu.memory_space<hbm>>) dst(%arg13 : memref<8000xi32, #tpu.memory_space<vmem>>)
      %gt3A_99 = arith.constant 0 : i32
      %gt3A_100 = arith.cmpi sgt, %scan3A_59, %gt3A_99 : i32
      %convert_element_type3A_101 = arith.extui %gt3A_100 : i1 to i32
      %cond3A_102 = arith.constant 0 : i32
      %cond3A_103 = arith.cmpi ne, %convert_element_type3A_101, %cond3A_102 : i32
      scf.if %cond3A_103 {
        %dma_wait3A_120 = arith.constant 0 : i32
        %dma_wait3A_121 = tpu.memref_slice %arg6[%dma_wait3A_120] : memref<2560000xf32, #tpu.memory_space<hbm>> -> memref<8000xf32, #tpu.memory_space<hbm>>
        %dma_wait3A_122 = arith.constant 0 : i32
        %dma_wait3A_123 = tpu.memref_slice %arg6[%dma_wait3A_122] : memref<2560000xf32, #tpu.memory_space<hbm>> -> memref<8000xf32, #tpu.memory_space<hbm>>
        tpu.wait_dma2 semaphore(%arg19 : memref<!tpu.dma_semaphore, #tpu.memory_space<semaphore_mem>>) src(%arg15 : memref<8000xf32, #tpu.memory_space<vmem>>) dst(%dma_wait3A_123 : memref<8000xf32, #tpu.memory_space<hbm>>)
      } else {
      }
      %add3A_104 = arith.constant 1 : i32
      %add3A_105 = arith.addi %mul3A_62, %add3A_104 : i32
      %parallel_loop3A_106 = arith.constant 0 : i32
      %parallel_loop3A_107 = arith.constant 500 : i32
      %parallel_loop3A_108 = arith.constant 1 : i32
      scf.for %parallel_loop3A_120 = %parallel_loop3A_106 to %parallel_loop3A_107 step %parallel_loop3A_108  : i32 {
        %parallel_loop3A_121 = arith.constant 16 : i32
        %parallel_loop3A_122 = arith.muli %parallel_loop3A_120, %parallel_loop3A_121 : i32
        %parallel_loop3A_123 = arith.index_cast %parallel_loop3A_122 : i32 to index
        %parallel_loop3A_124 = tpu.vector_load %arg13[%parallel_loop3A_123] {strides = array<i32>} : memref<8000xi32, #tpu.memory_space<vmem>>, vector<16xi32>,
        %parallel_loop3A_125 = arith.constant 16383 : i32
        %parallel_loop3A_126 = vector.broadcast %parallel_loop3A_125 : i32 to vector<16xi32>
        %parallel_loop3A_127 = arith.andi %parallel_loop3A_124, %parallel_loop3A_126 : vector<16xi32>
        %parallel_loop3A_128 = arith.constant 14 : i32
        %parallel_loop3A_129 = vector.broadcast %parallel_loop3A_128 : i32 to vector<16xi32>
        %parallel_loop3A_130 = arith.shrui %parallel_loop3A_124, %parallel_loop3A_129 : vector<16xi32>
        %parallel_loop3A_131 = tpu.vector_load_idx %arg8[%parallel_loop3A_130] : memref<10000xf32, #tpu.memory_space<vmem>>[vector<16xi32>], vector<16xf32>,
        %parallel_loop3A_132 = tpu.vector_load_idx %arg9[%parallel_loop3A_127] : memref<10000xf32, #tpu.memory_space<vmem>>[vector<16xi32>], vector<16xf32>,
        %parallel_loop3A_133 = arith.addf %parallel_loop3A_131, %parallel_loop3A_132 : vector<16xf32>
        %parallel_loop3A_134 = arith.addf %parallel_loop3A_131, %get3A_37 : vector<16xf32>
        %parallel_loop3A_135 = arith.constant 0.00999999977 : f32
        %parallel_loop3A_136 = vector.broadcast %parallel_loop3A_135 : f32 to vector<16xf32>
        %parallel_loop3A_137 = arith.mulf %parallel_loop3A_134, %parallel_loop3A_136 : vector<16xf32>
        %parallel_loop3A_138 = arith.maximumf %parallel_loop3A_134, %parallel_loop3A_137 : vector<16xf32>
        %parallel_loop3A_139 = arith.constant 0.00999999977 : f32
        %parallel_loop3A_140 = vector.broadcast %parallel_loop3A_139 : f32 to vector<16xf32>
        %parallel_loop3A_141 = arith.mulf %parallel_loop3A_133, %parallel_loop3A_140 : vector<16xf32>
        %parallel_loop3A_142 = arith.maximumf %parallel_loop3A_133, %parallel_loop3A_141 : vector<16xf32>
        %parallel_loop3A_143 = arith.subf %parallel_loop3A_142, %parallel_loop3A_138 : vector<16xf32>
        %parallel_loop3A_144 = math.exp %parallel_loop3A_143 : vector<16xf32>
        %parallel_loop3A_145 = arith.index_cast %parallel_loop3A_122 : i32 to index
        %parallel_loop3A_146 = tpu.vector_load %arg15[%parallel_loop3A_145] {strides = array<i32>} : memref<8000xf32, #tpu.memory_space<vmem>>, vector<16xf32>,
        tpu.vector_store %arg15[%parallel_loop3A_145], %parallel_loop3A_144 {strides = array<i32>} : memref<8000xf32, #tpu.memory_space<vmem>>, vector<16xf32>,
        tpu.vector_store_idx %arg11[%parallel_loop3A_130], %parallel_loop3A_144 {add = true} : memref<10000xf32, #tpu.memory_space<vmem>>[vector<16xi32>], vector<16xf32>,
      } {sc.loop_unroll_factor = 5 : i64, sc.parallel_access}
      %mul3A_109 = arith.constant 80000 : i32
      %mul3A_110 = arith.muli %select_n3A_30, %mul3A_109 : i32
      %mul3A_111 = arith.constant 8000 : i32
      %mul3A_112 = arith.muli %add3A_105, %mul3A_111 : i32
      %add3A_113 = arith.addi %mul3A_110, %mul3A_112 : i32
      %mul3A_114 = arith.constant 320000 : i32
      %mul3A_115 = arith.muli %select_n3A, %mul3A_114 : i32
      %add3A_116 = arith.addi %mul3A_115, %add3A_113 : i32
      %dma_start3A_117 = tpu.memref_slice %arg6[%add3A_116] : memref<2560000xf32, #tpu.memory_space<hbm>> -> memref<8000xf32, #tpu.memory_space<hbm>>
      %dma_start3A_118 = tpu.memref_slice %arg6[%add3A_116] : memref<2560000xf32, #tpu.memory_space<hbm>> -> memref<8000xf32, #tpu.memory_space<hbm>>
      tpu.enqueue_dma source(%arg15 : memref<8000xf32, #tpu.memory_space<vmem>>) target(%dma_start3A_118 : memref<8000xf32, #tpu.memory_space<hbm>>) target_semaphore(%arg19 : memref<!tpu.dma_semaphore, #tpu.memory_space<semaphore_mem>>)
      %scan3A_119 = arith.constant 0 : i32
      scf.yield %scan3A_119 : i32
    }
    %scan3A_49 = arith.constant 5 : i32
    %dma_wait3A = arith.constant 0 : i32
    %dma_wait3A_50 = tpu.memref_slice %arg6[%dma_wait3A] : memref<2560000xf32, #tpu.memory_space<hbm>> -> memref<8000xf32, #tpu.memory_space<hbm>>
    %dma_wait3A_51 = arith.constant 0 : i32
    %dma_wait3A_52 = tpu.memref_slice %arg6[%dma_wait3A_51] : memref<2560000xf32, #tpu.memory_space<hbm>> -> memref<8000xf32, #tpu.memory_space<hbm>>
    tpu.wait_dma2 semaphore(%arg18 : memref<!tpu.dma_semaphore, #tpu.memory_space<semaphore_mem>>) src(%arg14 : memref<8000xf32, #tpu.memory_space<vmem>>) dst(%dma_wait3A_52 : memref<8000xf32, #tpu.memory_space<hbm>>)
    %dma_wait3A_53 = arith.constant 0 : i32
    %dma_wait3A_54 = tpu.memref_slice %arg6[%dma_wait3A_53] : memref<2560000xf32, #tpu.memory_space<hbm>> -> memref<8000xf32, #tpu.memory_space<hbm>>
    %dma_wait3A_55 = arith.constant 0 : i32
    %dma_wait3A_56 = tpu.memref_slice %arg6[%dma_wait3A_55] : memref<2560000xf32, #tpu.memory_space<hbm>> -> memref<8000xf32, #tpu.memory_space<hbm>>
    tpu.wait_dma2 semaphore(%arg19 : memref<!tpu.dma_semaphore, #tpu.memory_space<semaphore_mem>>) src(%arg15 : memref<8000xf32, #tpu.memory_space<vmem>>) dst(%dma_wait3A_56 : memref<8000xf32, #tpu.memory_space<hbm>>)
    %mul3A_57 = arith.constant 10000 : i32
    %mul3A_58 = arith.muli %add3A, %mul3A_57 : i32
    "tpu.region"() ({
      %run_scoped3A = tpu.sem_alloc : memref<!tpu.dma_semaphore, #tpu.memory_space<semaphore_mem>>
      %dma_start3A_59 = tpu.memref_slice %arg7[%mul3A_58] : memref<320000xf32, #tpu.memory_space<hbm>> -> memref<10000xf32, #tpu.memory_space<hbm>>
      %dma_start3A_60 = tpu.memref_slice %arg7[%mul3A_58] : memref<320000xf32, #tpu.memory_space<hbm>> -> memref<10000xf32, #tpu.memory_space<hbm>>
      tpu.enqueue_dma source(%arg11 : memref<10000xf32, #tpu.memory_space<vmem>>) target(%dma_start3A_60 : memref<10000xf32, #tpu.memory_space<hbm>>) target_semaphore(%run_scoped3A : memref<!tpu.dma_semaphore, #tpu.memory_space<semaphore_mem>>)
      %dma_wait3A_61 = tpu.memref_slice %arg7[%mul3A_58] : memref<320000xf32, #tpu.memory_space<hbm>> -> memref<10000xf32, #tpu.memory_space<hbm>>
      %dma_wait3A_62 = tpu.memref_slice %arg7[%mul3A_58] : memref<320000xf32, #tpu.memory_space<hbm>> -> memref<10000xf32, #tpu.memory_space<hbm>>
      tpu.wait_dma2 semaphore(%run_scoped3A : memref<!tpu.dma_semaphore, #tpu.memory_space<semaphore_mem>>) src(%arg11 : memref<10000xf32, #tpu.memory_space<vmem>>) dst(%dma_wait3A_62 : memref<10000xf32, #tpu.memory_space<hbm>>)
      tpu.yield
    }) : () -> ()
    return
  }
}

#map = affine_map<(d0, d1) -> (0)>
#map1 = affine_map<(d0, d1) -> (0, 0)>
module attributes {stable_mosaic.version = 14 : i64} {
  func.func @k(%arg0: i32, %arg1: i32, %arg2: memref<320000xi32, #tpu.memory_space<hbm>>, %arg3: memref<64x10000xf32, #tpu.memory_space<hbm>>, %arg4: memref<2560000xf32, #tpu.memory_space<hbm>>, %arg5: memref<320000xf32, #tpu.memory_space<hbm>>, %arg6: memref<64x10000xf32, #tpu.memory_space<hbm>>, %arg7: memref<10000xf32, #tpu.memory_space<vmem>>, %arg8: memref<10000xf32, #tpu.memory_space<vmem>>, %arg9: memref<10000xf32, #tpu.memory_space<vmem>>, %arg10: memref<10000xf32, #tpu.memory_space<vmem>>, %arg11: memref<10000xf32, #tpu.memory_space<vmem>>, %arg12: memref<10000xf32, #tpu.memory_space<vmem>>, %arg13: memref<8000xi32, #tpu.memory_space<vmem>>, %arg14: memref<8000xi32, #tpu.memory_space<vmem>>, %arg15: memref<8000xf32, #tpu.memory_space<vmem>>, %arg16: memref<8000xf32, #tpu.memory_space<vmem>>, %arg17: memref<!tpu.dma_semaphore, #tpu.memory_space<semaphore_mem>>, %arg18: memref<!tpu.dma_semaphore, #tpu.memory_space<semaphore_mem>>) attributes {dimension_semantics = [#tpu.dimension_semantics<core_parallel>, #tpu.dimension_semantics<subcore_parallel>], iteration_bounds = array<i64: 2, 16>, scalar_prefetch = 0 : i64, scratch_operands = 12 : i64, tpu.core_type = #tpu.core_type<sc_vector_subcore>, window_params = [{transform_indices = #map}, {transform_indices = #map1}, {transform_indices = #map}, {transform_indices = #map}, {transform_indices = #map1}]} {
    %mul3A = arith.constant 2 : i32
    %mul3A_0 = arith.muli %arg1, %mul3A : i32
    %add3A = arith.addi %mul3A_0, %arg0 : i32
    %jit3A = arith.constant 4 : i32
    %div3A = arith.divsi %add3A, %jit3A : i32
    %sign3A = arith.constant 0 : i32
    %sign3A_1 = arith.cmpi sgt, %add3A, %sign3A : i32
    %sign3A_2 = arith.extui %sign3A_1 : i1 to i32
    %sign3A_3 = arith.constant 0 : i32
    %sign3A_4 = arith.cmpi slt, %add3A, %sign3A_3 : i32
    %sign3A_5 = arith.extui %sign3A_4 : i1 to i32
    %sign3A_6 = arith.subi %sign3A_2, %sign3A_5 : i32
    %sign3A_7 = arith.constant 0 : i32
    %sign3A_8 = arith.cmpi sgt, %jit3A, %sign3A_7 : i32
    %sign3A_9 = arith.extui %sign3A_8 : i1 to i32
    %sign3A_10 = arith.constant 0 : i32
    %sign3A_11 = arith.cmpi slt, %jit3A, %sign3A_10 : i32
    %sign3A_12 = arith.extui %sign3A_11 : i1 to i32
    %sign3A_13 = arith.subi %sign3A_9, %sign3A_12 : i32
    %ne3A = arith.cmpi ne, %sign3A_6, %sign3A_13 : i32
    %rem3A = arith.remsi %add3A, %jit3A : i32
    %ne3A_14 = arith.constant 0 : i32
    %ne3A_15 = arith.cmpi ne, %rem3A, %ne3A_14 : i32
    %and3A = arith.andi %ne3A, %ne3A_15 : i1
    %sub3A = arith.constant 1 : i32
    %sub3A_16 = arith.subi %div3A, %sub3A : i32
    %select_n3A = arith.select %and3A, %sub3A_16, %div3A : i32
    %mul3A_17 = arith.constant 2 : i32
    %mul3A_18 = arith.muli %mul3A_17, %add3A : i32
    "tpu.region"() ({
      %run_scoped3A = tpu.sem_alloc : memref<!tpu.dma_semaphore, #tpu.memory_space<semaphore_mem>>
      %dma_start3A_84 = arith.constant 0 : i32
      %dma_start3A_85 = tpu.memref_slice %arg3[%mul3A_18, %dma_start3A_84] : memref<64x10000xf32, #tpu.memory_space<hbm>> -> memref<1x10000xf32, #tpu.memory_space<hbm>>
      %dma_start3A_86 = tpu.memref_squeeze %dma_start3A_85 : memref<1x10000xf32, #tpu.memory_space<hbm>> -> memref<10000xf32, #tpu.memory_space<hbm>>
      %dma_start3A_87 = arith.constant 0 : i32
      %dma_start3A_88 = tpu.memref_slice %arg3[%mul3A_18, %dma_start3A_87] : memref<64x10000xf32, #tpu.memory_space<hbm>> -> memref<1x10000xf32, #tpu.memory_space<hbm>>
      %dma_start3A_89 = tpu.memref_squeeze %dma_start3A_88 : memref<1x10000xf32, #tpu.memory_space<hbm>> -> memref<10000xf32, #tpu.memory_space<hbm>>
      tpu.enqueue_dma source(%dma_start3A_89 : memref<10000xf32, #tpu.memory_space<hbm>>) target(%arg7 : memref<10000xf32, #tpu.memory_space<vmem>>) target_semaphore(%run_scoped3A : memref<!tpu.dma_semaphore, #tpu.memory_space<semaphore_mem>>)
      %dma_wait3A = arith.constant 0 : i32
      %dma_wait3A_90 = tpu.memref_slice %arg3[%mul3A_18, %dma_wait3A] : memref<64x10000xf32, #tpu.memory_space<hbm>> -> memref<1x10000xf32, #tpu.memory_space<hbm>>
      %dma_wait3A_91 = tpu.memref_squeeze %dma_wait3A_90 : memref<1x10000xf32, #tpu.memory_space<hbm>> -> memref<10000xf32, #tpu.memory_space<hbm>>
      %dma_wait3A_92 = arith.constant 0 : i32
      %dma_wait3A_93 = tpu.memref_slice %arg3[%mul3A_18, %dma_wait3A_92] : memref<64x10000xf32, #tpu.memory_space<hbm>> -> memref<1x10000xf32, #tpu.memory_space<hbm>>
      %dma_wait3A_94 = tpu.memref_squeeze %dma_wait3A_93 : memref<1x10000xf32, #tpu.memory_space<hbm>> -> memref<10000xf32, #tpu.memory_space<hbm>>
      tpu.wait_dma2 semaphore(%run_scoped3A : memref<!tpu.dma_semaphore, #tpu.memory_space<semaphore_mem>>) src(%dma_wait3A_94 : memref<10000xf32, #tpu.memory_space<hbm>>) dst(%arg7 : memref<10000xf32, #tpu.memory_space<vmem>>)
      tpu.yield
    }) : () -> ()
    %mul3A_19 = arith.constant 2 : i32
    %mul3A_20 = arith.muli %mul3A_19, %add3A : i32
    %add3A_21 = arith.constant 1 : i32
    %add3A_22 = arith.addi %mul3A_20, %add3A_21 : i32
    "tpu.region"() ({
      %run_scoped3A = tpu.sem_alloc : memref<!tpu.dma_semaphore, #tpu.memory_space<semaphore_mem>>
      %dma_start3A_84 = arith.constant 0 : i32
      %dma_start3A_85 = tpu.memref_slice %arg3[%add3A_22, %dma_start3A_84] : memref<64x10000xf32, #tpu.memory_space<hbm>> -> memref<1x10000xf32, #tpu.memory_space<hbm>>
      %dma_start3A_86 = tpu.memref_squeeze %dma_start3A_85 : memref<1x10000xf32, #tpu.memory_space<hbm>> -> memref<10000xf32, #tpu.memory_space<hbm>>
      %dma_start3A_87 = arith.constant 0 : i32
      %dma_start3A_88 = tpu.memref_slice %arg3[%add3A_22, %dma_start3A_87] : memref<64x10000xf32, #tpu.memory_space<hbm>> -> memref<1x10000xf32, #tpu.memory_space<hbm>>
      %dma_start3A_89 = tpu.memref_squeeze %dma_start3A_88 : memref<1x10000xf32, #tpu.memory_space<hbm>> -> memref<10000xf32, #tpu.memory_space<hbm>>
      tpu.enqueue_dma source(%dma_start3A_89 : memref<10000xf32, #tpu.memory_space<hbm>>) target(%arg8 : memref<10000xf32, #tpu.memory_space<vmem>>) target_semaphore(%run_scoped3A : memref<!tpu.dma_semaphore, #tpu.memory_space<semaphore_mem>>)
      %dma_wait3A = arith.constant 0 : i32
      %dma_wait3A_90 = tpu.memref_slice %arg3[%add3A_22, %dma_wait3A] : memref<64x10000xf32, #tpu.memory_space<hbm>> -> memref<1x10000xf32, #tpu.memory_space<hbm>>
      %dma_wait3A_91 = tpu.memref_squeeze %dma_wait3A_90 : memref<1x10000xf32, #tpu.memory_space<hbm>> -> memref<10000xf32, #tpu.memory_space<hbm>>
      %dma_wait3A_92 = arith.constant 0 : i32
      %dma_wait3A_93 = tpu.memref_slice %arg3[%add3A_22, %dma_wait3A_92] : memref<64x10000xf32, #tpu.memory_space<hbm>> -> memref<1x10000xf32, #tpu.memory_space<hbm>>
      %dma_wait3A_94 = tpu.memref_squeeze %dma_wait3A_93 : memref<1x10000xf32, #tpu.memory_space<hbm>> -> memref<10000xf32, #tpu.memory_space<hbm>>
      tpu.wait_dma2 semaphore(%run_scoped3A : memref<!tpu.dma_semaphore, #tpu.memory_space<semaphore_mem>>) src(%dma_wait3A_94 : memref<10000xf32, #tpu.memory_space<hbm>>) dst(%arg8 : memref<10000xf32, #tpu.memory_space<vmem>>)
      tpu.yield
    }) : () -> ()
    %mul3A_23 = arith.constant 4 : i32
    %mul3A_24 = arith.muli %mul3A_23, %select_n3A : i32
    %mul3A_25 = arith.constant 10000 : i32
    %mul3A_26 = arith.muli %mul3A_24, %mul3A_25 : i32
    "tpu.region"() ({
      %run_scoped3A = tpu.sem_alloc : memref<!tpu.dma_semaphore, #tpu.memory_space<semaphore_mem>>
      %dma_start3A_84 = tpu.memref_slice %arg5[%mul3A_26] : memref<320000xf32, #tpu.memory_space<hbm>> -> memref<10000xf32, #tpu.memory_space<hbm>>
      %dma_start3A_85 = tpu.memref_slice %arg5[%mul3A_26] : memref<320000xf32, #tpu.memory_space<hbm>> -> memref<10000xf32, #tpu.memory_space<hbm>>
      tpu.enqueue_dma source(%dma_start3A_85 : memref<10000xf32, #tpu.memory_space<hbm>>) target(%arg11 : memref<10000xf32, #tpu.memory_space<vmem>>) target_semaphore(%run_scoped3A : memref<!tpu.dma_semaphore, #tpu.memory_space<semaphore_mem>>)
      %dma_wait3A = tpu.memref_slice %arg5[%mul3A_26] : memref<320000xf32, #tpu.memory_space<hbm>> -> memref<10000xf32, #tpu.memory_space<hbm>>
      %dma_wait3A_86 = tpu.memref_slice %arg5[%mul3A_26] : memref<320000xf32, #tpu.memory_space<hbm>> -> memref<10000xf32, #tpu.memory_space<hbm>>
      tpu.wait_dma2 semaphore(%run_scoped3A : memref<!tpu.dma_semaphore, #tpu.memory_space<semaphore_mem>>) src(%dma_wait3A_86 : memref<10000xf32, #tpu.memory_space<hbm>>) dst(%arg11 : memref<10000xf32, #tpu.memory_space<vmem>>)
      tpu.yield
    }) : () -> ()
    %mul3A_27 = arith.constant 4 : i32
    %mul3A_28 = arith.muli %mul3A_27, %select_n3A : i32
    %add3A_29 = arith.constant 1 : i32
    %add3A_30 = arith.addi %mul3A_28, %add3A_29 : i32
    %mul3A_31 = arith.constant 10000 : i32
    %mul3A_32 = arith.muli %add3A_30, %mul3A_31 : i32
    "tpu.region"() ({
      %run_scoped3A = tpu.sem_alloc : memref<!tpu.dma_semaphore, #tpu.memory_space<semaphore_mem>>
      %dma_start3A_84 = tpu.memref_slice %arg5[%mul3A_32] : memref<320000xf32, #tpu.memory_space<hbm>> -> memref<10000xf32, #tpu.memory_space<hbm>>
      %dma_start3A_85 = tpu.memref_slice %arg5[%mul3A_32] : memref<320000xf32, #tpu.memory_space<hbm>> -> memref<10000xf32, #tpu.memory_space<hbm>>
      tpu.enqueue_dma source(%dma_start3A_85 : memref<10000xf32, #tpu.memory_space<hbm>>) target(%arg12 : memref<10000xf32, #tpu.memory_space<vmem>>) target_semaphore(%run_scoped3A : memref<!tpu.dma_semaphore, #tpu.memory_space<semaphore_mem>>)
      %dma_wait3A = tpu.memref_slice %arg5[%mul3A_32] : memref<320000xf32, #tpu.memory_space<hbm>> -> memref<10000xf32, #tpu.memory_space<hbm>>
      %dma_wait3A_86 = tpu.memref_slice %arg5[%mul3A_32] : memref<320000xf32, #tpu.memory_space<hbm>> -> memref<10000xf32, #tpu.memory_space<hbm>>
      tpu.wait_dma2 semaphore(%run_scoped3A : memref<!tpu.dma_semaphore, #tpu.memory_space<semaphore_mem>>) src(%dma_wait3A_86 : memref<10000xf32, #tpu.memory_space<hbm>>) dst(%arg12 : memref<10000xf32, #tpu.memory_space<vmem>>)
      tpu.yield
    }) : () -> ()
    %parallel_loop3A = arith.constant 0 : i32
    %parallel_loop3A_33 = arith.constant 625 : i32
    %parallel_loop3A_34 = arith.constant 1 : i32
    scf.for %parallel_loop3A_84 = %parallel_loop3A to %parallel_loop3A_33 step %parallel_loop3A_34  : i32 {
      %parallel_loop3A_85 = arith.constant 16 : i32
      %parallel_loop3A_86 = arith.muli %parallel_loop3A_84, %parallel_loop3A_85 : i32
      %parallel_loop3A_87 = arith.index_cast %parallel_loop3A_86 : i32 to index
      %parallel_loop3A_88 = tpu.vector_load %arg11[%parallel_loop3A_87] {strides = array<i32>} : memref<10000xf32, #tpu.memory_space<vmem>>, vector<16xf32>,
      %parallel_loop3A_89 = arith.index_cast %parallel_loop3A_86 : i32 to index
      %parallel_loop3A_90 = tpu.vector_load %arg12[%parallel_loop3A_89] {strides = array<i32>} : memref<10000xf32, #tpu.memory_space<vmem>>, vector<16xf32>,
      %parallel_loop3A_91 = arith.addf %parallel_loop3A_88, %parallel_loop3A_90 : vector<16xf32>
      %parallel_loop3A_92 = arith.index_cast %parallel_loop3A_86 : i32 to index
      %parallel_loop3A_93 = tpu.vector_load %arg11[%parallel_loop3A_92] {strides = array<i32>} : memref<10000xf32, #tpu.memory_space<vmem>>, vector<16xf32>,
      tpu.vector_store %arg11[%parallel_loop3A_92], %parallel_loop3A_91 {strides = array<i32>} : memref<10000xf32, #tpu.memory_space<vmem>>, vector<16xf32>,
    } {sc.loop_unroll_factor = 5 : i64, sc.parallel_access}
    %mul3A_35 = arith.constant 4 : i32
    %mul3A_36 = arith.muli %mul3A_35, %select_n3A : i32
    %add3A_37 = arith.constant 2 : i32
    %add3A_38 = arith.addi %mul3A_36, %add3A_37 : i32
    %mul3A_39 = arith.constant 10000 : i32
    %mul3A_40 = arith.muli %add3A_38, %mul3A_39 : i32
    "tpu.region"() ({
      %run_scoped3A = tpu.sem_alloc : memref<!tpu.dma_semaphore, #tpu.memory_space<semaphore_mem>>
      %dma_start3A_84 = tpu.memref_slice %arg5[%mul3A_40] : memref<320000xf32, #tpu.memory_space<hbm>> -> memref<10000xf32, #tpu.memory_space<hbm>>
      %dma_start3A_85 = tpu.memref_slice %arg5[%mul3A_40] : memref<320000xf32, #tpu.memory_space<hbm>> -> memref<10000xf32, #tpu.memory_space<hbm>>
      tpu.enqueue_dma source(%dma_start3A_85 : memref<10000xf32, #tpu.memory_space<hbm>>) target(%arg12 : memref<10000xf32, #tpu.memory_space<vmem>>) target_semaphore(%run_scoped3A : memref<!tpu.dma_semaphore, #tpu.memory_space<semaphore_mem>>)
      %dma_wait3A = tpu.memref_slice %arg5[%mul3A_40] : memref<320000xf32, #tpu.memory_space<hbm>> -> memref<10000xf32, #tpu.memory_space<hbm>>
      %dma_wait3A_86 = tpu.memref_slice %arg5[%mul3A_40] : memref<320000xf32, #tpu.memory_space<hbm>> -> memref<10000xf32, #tpu.memory_space<hbm>>
      tpu.wait_dma2 semaphore(%run_scoped3A : memref<!tpu.dma_semaphore, #tpu.memory_space<semaphore_mem>>) src(%dma_wait3A_86 : memref<10000xf32, #tpu.memory_space<hbm>>) dst(%arg12 : memref<10000xf32, #tpu.memory_space<vmem>>)
      tpu.yield
    }) : () -> ()
    %parallel_loop3A_41 = arith.constant 0 : i32
    %parallel_loop3A_42 = arith.constant 625 : i32
    %parallel_loop3A_43 = arith.constant 1 : i32
    scf.for %parallel_loop3A_84 = %parallel_loop3A_41 to %parallel_loop3A_42 step %parallel_loop3A_43  : i32 {
      %parallel_loop3A_85 = arith.constant 16 : i32
      %parallel_loop3A_86 = arith.muli %parallel_loop3A_84, %parallel_loop3A_85 : i32
      %parallel_loop3A_87 = arith.index_cast %parallel_loop3A_86 : i32 to index
      %parallel_loop3A_88 = tpu.vector_load %arg11[%parallel_loop3A_87] {strides = array<i32>} : memref<10000xf32, #tpu.memory_space<vmem>>, vector<16xf32>,
      %parallel_loop3A_89 = arith.index_cast %parallel_loop3A_86 : i32 to index
      %parallel_loop3A_90 = tpu.vector_load %arg12[%parallel_loop3A_89] {strides = array<i32>} : memref<10000xf32, #tpu.memory_space<vmem>>, vector<16xf32>,
      %parallel_loop3A_91 = arith.addf %parallel_loop3A_88, %parallel_loop3A_90 : vector<16xf32>
      %parallel_loop3A_92 = arith.index_cast %parallel_loop3A_86 : i32 to index
      %parallel_loop3A_93 = tpu.vector_load %arg11[%parallel_loop3A_92] {strides = array<i32>} : memref<10000xf32, #tpu.memory_space<vmem>>, vector<16xf32>,
      tpu.vector_store %arg11[%parallel_loop3A_92], %parallel_loop3A_91 {strides = array<i32>} : memref<10000xf32, #tpu.memory_space<vmem>>, vector<16xf32>,
    } {sc.loop_unroll_factor = 5 : i64, sc.parallel_access}
    %mul3A_44 = arith.constant 4 : i32
    %mul3A_45 = arith.muli %mul3A_44, %select_n3A : i32
    %add3A_46 = arith.constant 3 : i32
    %add3A_47 = arith.addi %mul3A_45, %add3A_46 : i32
    %mul3A_48 = arith.constant 10000 : i32
    %mul3A_49 = arith.muli %add3A_47, %mul3A_48 : i32
    "tpu.region"() ({
      %run_scoped3A = tpu.sem_alloc : memref<!tpu.dma_semaphore, #tpu.memory_space<semaphore_mem>>
      %dma_start3A_84 = tpu.memref_slice %arg5[%mul3A_49] : memref<320000xf32, #tpu.memory_space<hbm>> -> memref<10000xf32, #tpu.memory_space<hbm>>
      %dma_start3A_85 = tpu.memref_slice %arg5[%mul3A_49] : memref<320000xf32, #tpu.memory_space<hbm>> -> memref<10000xf32, #tpu.memory_space<hbm>>
      tpu.enqueue_dma source(%dma_start3A_85 : memref<10000xf32, #tpu.memory_space<hbm>>) target(%arg12 : memref<10000xf32, #tpu.memory_space<vmem>>) target_semaphore(%run_scoped3A : memref<!tpu.dma_semaphore, #tpu.memory_space<semaphore_mem>>)
      %dma_wait3A = tpu.memref_slice %arg5[%mul3A_49] : memref<320000xf32, #tpu.memory_space<hbm>> -> memref<10000xf32, #tpu.memory_space<hbm>>
      %dma_wait3A_86 = tpu.memref_slice %arg5[%mul3A_49] : memref<320000xf32, #tpu.memory_space<hbm>> -> memref<10000xf32, #tpu.memory_space<hbm>>
      tpu.wait_dma2 semaphore(%run_scoped3A : memref<!tpu.dma_semaphore, #tpu.memory_space<semaphore_mem>>) src(%dma_wait3A_86 : memref<10000xf32, #tpu.memory_space<hbm>>) dst(%arg12 : memref<10000xf32, #tpu.memory_space<vmem>>)
      tpu.yield
    }) : () -> ()
    %parallel_loop3A_50 = arith.constant 0 : i32
    %parallel_loop3A_51 = arith.constant 625 : i32
    %parallel_loop3A_52 = arith.constant 1 : i32
    scf.for %parallel_loop3A_84 = %parallel_loop3A_50 to %parallel_loop3A_51 step %parallel_loop3A_52  : i32 {
      %parallel_loop3A_85 = arith.constant 16 : i32
      %parallel_loop3A_86 = arith.muli %parallel_loop3A_84, %parallel_loop3A_85 : i32
      %parallel_loop3A_87 = arith.index_cast %parallel_loop3A_86 : i32 to index
      %parallel_loop3A_88 = tpu.vector_load %arg11[%parallel_loop3A_87] {strides = array<i32>} : memref<10000xf32, #tpu.memory_space<vmem>>, vector<16xf32>,
      %parallel_loop3A_89 = arith.index_cast %parallel_loop3A_86 : i32 to index
      %parallel_loop3A_90 = tpu.vector_load %arg12[%parallel_loop3A_89] {strides = array<i32>} : memref<10000xf32, #tpu.memory_space<vmem>>, vector<16xf32>,
      %parallel_loop3A_91 = arith.addf %parallel_loop3A_88, %parallel_loop3A_90 : vector<16xf32>
      %parallel_loop3A_92 = arith.index_cast %parallel_loop3A_86 : i32 to index
      %parallel_loop3A_93 = tpu.vector_load %arg11[%parallel_loop3A_92] {strides = array<i32>} : memref<10000xf32, #tpu.memory_space<vmem>>, vector<16xf32>,
      tpu.vector_store %arg11[%parallel_loop3A_92], %parallel_loop3A_91 {strides = array<i32>} : memref<10000xf32, #tpu.memory_space<vmem>>, vector<16xf32>,
    } {sc.loop_unroll_factor = 5 : i64, sc.parallel_access}
    %scan3A = arith.constant 0 : i32
    %scan3A_53 = arith.constant 0 : i32
    %scan3A_54 = arith.constant 625 : i32
    %scan3A_55 = arith.addi %scan3A_53, %scan3A_54 : i32
    %scan3A_56 = arith.constant 1 : i32
    %scan3A_57 = scf.for %scan3A_84 = %scan3A_53 to %scan3A_55 step %scan3A_56 iter_args(%scan3A_85 = %scan3A) -> (i32)  : i32 {
      %broadcast_in_dim3A = arith.constant 0.000000e+00 : f32
      %broadcast_in_dim3A_86 = vector.broadcast %broadcast_in_dim3A : f32 to vector<16xf32>
      %mul3A_87 = arith.constant 16 : i32
      %mul3A_88 = arith.muli %scan3A_84, %mul3A_87 : i32
      %swap3A = arith.index_cast %mul3A_88 : i32 to index
      %swap3A_89 = tpu.vector_load %arg9[%swap3A] {strides = array<i32>} : memref<10000xf32, #tpu.memory_space<vmem>>, vector<16xf32>,
      tpu.vector_store %arg9[%swap3A], %broadcast_in_dim3A_86 {strides = array<i32>} : memref<10000xf32, #tpu.memory_space<vmem>>, vector<16xf32>,
      %mul3A_90 = arith.constant 16 : i32
      %mul3A_91 = arith.muli %scan3A_84, %mul3A_90 : i32
      %swap3A_92 = arith.index_cast %mul3A_91 : i32 to index
      %swap3A_93 = tpu.vector_load %arg10[%swap3A_92] {strides = array<i32>} : memref<10000xf32, #tpu.memory_space<vmem>>, vector<16xf32>,
      tpu.vector_store %arg10[%swap3A_92], %broadcast_in_dim3A_86 {strides = array<i32>} : memref<10000xf32, #tpu.memory_space<vmem>>, vector<16xf32>,
      %scan3A_94 = arith.constant 0 : i32
      scf.yield %scan3A_94 : i32
    }
    %scan3A_58 = arith.constant 625 : i32
    %dma_start3A = arith.constant 0 : i32
    %dma_start3A_59 = tpu.memref_slice %arg2[%dma_start3A] : memref<320000xi32, #tpu.memory_space<hbm>> -> memref<8000xi32, #tpu.memory_space<hbm>>
    %dma_start3A_60 = arith.constant 0 : i32
    %dma_start3A_61 = tpu.memref_slice %arg2[%dma_start3A_60] : memref<320000xi32, #tpu.memory_space<hbm>> -> memref<8000xi32, #tpu.memory_space<hbm>>
    tpu.enqueue_dma source(%dma_start3A_61 : memref<8000xi32, #tpu.memory_space<hbm>>) target(%arg13 : memref<8000xi32, #tpu.memory_space<vmem>>) target_semaphore(%arg17 : memref<!tpu.dma_semaphore, #tpu.memory_space<semaphore_mem>>)
    %mul3A_62 = arith.constant 320000 : i32
    %mul3A_63 = arith.muli %select_n3A, %mul3A_62 : i32
    %add3A_64 = arith.constant 0 : i32
    %add3A_65 = arith.addi %mul3A_63, %add3A_64 : i32
    %dma_start3A_66 = tpu.memref_slice %arg4[%add3A_65] : memref<2560000xf32, #tpu.memory_space<hbm>> -> memref<8000xf32, #tpu.memory_space<hbm>>
    %dma_start3A_67 = tpu.memref_slice %arg4[%add3A_65] : memref<2560000xf32, #tpu.memory_space<hbm>> -> memref<8000xf32, #tpu.memory_space<hbm>>
    tpu.enqueue_dma source(%dma_start3A_67 : memref<8000xf32, #tpu.memory_space<hbm>>) target(%arg15 : memref<8000xf32, #tpu.memory_space<vmem>>) target_semaphore(%arg17 : memref<!tpu.dma_semaphore, #tpu.memory_space<semaphore_mem>>)
    %scan3A_68 = arith.constant 0 : i32
    %scan3A_69 = arith.constant 0 : i32
    %scan3A_70 = arith.constant 20 : i32
    %scan3A_71 = arith.addi %scan3A_69, %scan3A_70 : i32
    %scan3A_72 = arith.constant 1 : i32
    %scan3A_73 = scf.for %scan3A_84 = %scan3A_69 to %scan3A_71 step %scan3A_72 iter_args(%scan3A_85 = %scan3A_68) -> (i32)  : i32 {
      %mul3A_86 = arith.constant 2 : i32
      %mul3A_87 = arith.muli %mul3A_86, %scan3A_84 : i32
      %add3A_88 = arith.constant 1 : i32
      %add3A_89 = arith.addi %mul3A_87, %add3A_88 : i32
      %lt3A = arith.constant 40 : i32
      %lt3A_90 = arith.cmpi slt, %add3A_89, %lt3A : i32
      %convert_element_type3A = arith.extui %lt3A_90 : i1 to i32
      %cond3A = arith.constant 0 : i32
      %cond3A_91 = arith.cmpi ne, %convert_element_type3A, %cond3A : i32
      scf.if %cond3A_91 {
        %add3A_121 = arith.constant 1 : i32
        %add3A_122 = arith.addi %mul3A_87, %add3A_121 : i32
        %mul3A_123 = arith.constant 8000 : i32
        %mul3A_124 = arith.muli %add3A_122, %mul3A_123 : i32
        %dma_start3A_125 = tpu.memref_slice %arg2[%mul3A_124] : memref<320000xi32, #tpu.memory_space<hbm>> -> memref<8000xi32, #tpu.memory_space<hbm>>
        %dma_start3A_126 = tpu.memref_slice %arg2[%mul3A_124] : memref<320000xi32, #tpu.memory_space<hbm>> -> memref<8000xi32, #tpu.memory_space<hbm>>
        tpu.enqueue_dma source(%dma_start3A_126 : memref<8000xi32, #tpu.memory_space<hbm>>) target(%arg14 : memref<8000xi32, #tpu.memory_space<vmem>>) target_semaphore(%arg18 : memref<!tpu.dma_semaphore, #tpu.memory_space<semaphore_mem>>)
        %mul3A_127 = arith.constant 320000 : i32
        %mul3A_128 = arith.muli %select_n3A, %mul3A_127 : i32
        %add3A_129 = arith.addi %mul3A_128, %mul3A_124 : i32
        %dma_start3A_130 = tpu.memref_slice %arg4[%add3A_129] : memref<2560000xf32, #tpu.memory_space<hbm>> -> memref<8000xf32, #tpu.memory_space<hbm>>
        %dma_start3A_131 = tpu.memref_slice %arg4[%add3A_129] : memref<2560000xf32, #tpu.memory_space<hbm>> -> memref<8000xf32, #tpu.memory_space<hbm>>
        tpu.enqueue_dma source(%dma_start3A_131 : memref<8000xf32, #tpu.memory_space<hbm>>) target(%arg16 : memref<8000xf32, #tpu.memory_space<vmem>>) target_semaphore(%arg18 : memref<!tpu.dma_semaphore, #tpu.memory_space<semaphore_mem>>)
      } else {
      }
      %dma_wait3A = arith.constant 0 : i32
      %dma_wait3A_92 = tpu.memref_slice %arg2[%dma_wait3A] : memref<320000xi32, #tpu.memory_space<hbm>> -> memref<8000xi32, #tpu.memory_space<hbm>>
      %dma_wait3A_93 = arith.constant 0 : i32
      %dma_wait3A_94 = tpu.memref_slice %arg2[%dma_wait3A_93] : memref<320000xi32, #tpu.memory_space<hbm>> -> memref<8000xi32, #tpu.memory_space<hbm>>
      tpu.wait_dma2 semaphore(%arg17 : memref<!tpu.dma_semaphore, #tpu.memory_space<semaphore_mem>>) src(%dma_wait3A_94 : memref<8000xi32, #tpu.memory_space<hbm>>) dst(%arg13 : memref<8000xi32, #tpu.memory_space<vmem>>)
      %dma_wait3A_95 = arith.constant 0 : i32
      %dma_wait3A_96 = tpu.memref_slice %arg4[%dma_wait3A_95] : memref<2560000xf32, #tpu.memory_space<hbm>> -> memref<8000xf32, #tpu.memory_space<hbm>>
      %dma_wait3A_97 = arith.constant 0 : i32
      %dma_wait3A_98 = tpu.memref_slice %arg4[%dma_wait3A_97] : memref<2560000xf32, #tpu.memory_space<hbm>> -> memref<8000xf32, #tpu.memory_space<hbm>>
      tpu.wait_dma2 semaphore(%arg17 : memref<!tpu.dma_semaphore, #tpu.memory_space<semaphore_mem>>) src(%dma_wait3A_98 : memref<8000xf32, #tpu.memory_space<hbm>>) dst(%arg15 : memref<8000xf32, #tpu.memory_space<vmem>>)
      %parallel_loop3A_99 = arith.constant 0 : i32
      %parallel_loop3A_100 = arith.constant 500 : i32
      %parallel_loop3A_101 = arith.constant 1 : i32
      scf.for %parallel_loop3A_121 = %parallel_loop3A_99 to %parallel_loop3A_100 step %parallel_loop3A_101  : i32 {
        %parallel_loop3A_122 = arith.constant 16 : i32
        %parallel_loop3A_123 = arith.muli %parallel_loop3A_121, %parallel_loop3A_122 : i32
        %parallel_loop3A_124 = arith.index_cast %parallel_loop3A_123 : i32 to index
        %parallel_loop3A_125 = tpu.vector_load %arg13[%parallel_loop3A_124] {strides = array<i32>} : memref<8000xi32, #tpu.memory_space<vmem>>, vector<16xi32>,
        %parallel_loop3A_126 = arith.constant 16383 : i32
        %parallel_loop3A_127 = vector.broadcast %parallel_loop3A_126 : i32 to vector<16xi32>
        %parallel_loop3A_128 = arith.andi %parallel_loop3A_125, %parallel_loop3A_127 : vector<16xi32>
        %parallel_loop3A_129 = arith.constant 14 : i32
        %parallel_loop3A_130 = vector.broadcast %parallel_loop3A_129 : i32 to vector<16xi32>
        %parallel_loop3A_131 = arith.shrui %parallel_loop3A_125, %parallel_loop3A_130 : vector<16xi32>
        %parallel_loop3A_132 = arith.index_cast %parallel_loop3A_123 : i32 to index
        %parallel_loop3A_133 = tpu.vector_load %arg15[%parallel_loop3A_132] {strides = array<i32>} : memref<8000xf32, #tpu.memory_space<vmem>>, vector<16xf32>,
        %parallel_loop3A_134 = tpu.vector_load_idx %arg7[%parallel_loop3A_128] : memref<10000xf32, #tpu.memory_space<vmem>>[vector<16xi32>], vector<16xf32>,
        %parallel_loop3A_135 = arith.mulf %parallel_loop3A_133, %parallel_loop3A_134 : vector<16xf32>
        tpu.vector_store_idx %arg9[%parallel_loop3A_131], %parallel_loop3A_135 {add = true} : memref<10000xf32, #tpu.memory_space<vmem>>[vector<16xi32>], vector<16xf32>,
        %parallel_loop3A_136 = tpu.vector_load_idx %arg8[%parallel_loop3A_128] : memref<10000xf32, #tpu.memory_space<vmem>>[vector<16xi32>], vector<16xf32>,
        %parallel_loop3A_137 = arith.mulf %parallel_loop3A_133, %parallel_loop3A_136 : vector<16xf32>
        tpu.vector_store_idx %arg10[%parallel_loop3A_131], %parallel_loop3A_137 {add = true} : memref<10000xf32, #tpu.memory_space<vmem>>[vector<16xi32>], vector<16xf32>,
      } {sc.loop_unroll_factor = 5 : i64, sc.parallel_access}
      %add3A_102 = arith.constant 2 : i32
      %add3A_103 = arith.addi %mul3A_87, %add3A_102 : i32
      %lt3A_104 = arith.constant 40 : i32
      %lt3A_105 = arith.cmpi slt, %add3A_103, %lt3A_104 : i32
      %convert_element_type3A_106 = arith.extui %lt3A_105 : i1 to i32
      %cond3A_107 = arith.constant 0 : i32
      %cond3A_108 = arith.cmpi ne, %convert_element_type3A_106, %cond3A_107 : i32
      scf.if %cond3A_108 {
        %add3A_121 = arith.constant 2 : i32
        %add3A_122 = arith.addi %mul3A_87, %add3A_121 : i32
        %mul3A_123 = arith.constant 8000 : i32
        %mul3A_124 = arith.muli %add3A_122, %mul3A_123 : i32
        %dma_start3A_125 = tpu.memref_slice %arg2[%mul3A_124] : memref<320000xi32, #tpu.memory_space<hbm>> -> memref<8000xi32, #tpu.memory_space<hbm>>
        %dma_start3A_126 = tpu.memref_slice %arg2[%mul3A_124] : memref<320000xi32, #tpu.memory_space<hbm>> -> memref<8000xi32, #tpu.memory_space<hbm>>
        tpu.enqueue_dma source(%dma_start3A_126 : memref<8000xi32, #tpu.memory_space<hbm>>) target(%arg13 : memref<8000xi32, #tpu.memory_space<vmem>>) target_semaphore(%arg17 : memref<!tpu.dma_semaphore, #tpu.memory_space<semaphore_mem>>)
        %mul3A_127 = arith.constant 320000 : i32
        %mul3A_128 = arith.muli %select_n3A, %mul3A_127 : i32
        %add3A_129 = arith.addi %mul3A_128, %mul3A_124 : i32
        %dma_start3A_130 = tpu.memref_slice %arg4[%add3A_129] : memref<2560000xf32, #tpu.memory_space<hbm>> -> memref<8000xf32, #tpu.memory_space<hbm>>
        %dma_start3A_131 = tpu.memref_slice %arg4[%add3A_129] : memref<2560000xf32, #tpu.memory_space<hbm>> -> memref<8000xf32, #tpu.memory_space<hbm>>
        tpu.enqueue_dma source(%dma_start3A_131 : memref<8000xf32, #tpu.memory_space<hbm>>) target(%arg15 : memref<8000xf32, #tpu.memory_space<vmem>>) target_semaphore(%arg17 : memref<!tpu.dma_semaphore, #tpu.memory_space<semaphore_mem>>)
      } else {
      }
      %dma_wait3A_109 = arith.constant 0 : i32
      %dma_wait3A_110 = tpu.memref_slice %arg2[%dma_wait3A_109] : memref<320000xi32, #tpu.memory_space<hbm>> -> memref<8000xi32, #tpu.memory_space<hbm>>
      %dma_wait3A_111 = arith.constant 0 : i32
      %dma_wait3A_112 = tpu.memref_slice %arg2[%dma_wait3A_111] : memref<320000xi32, #tpu.memory_space<hbm>> -> memref<8000xi32, #tpu.memory_space<hbm>>
      tpu.wait_dma2 semaphore(%arg18 : memref<!tpu.dma_semaphore, #tpu.memory_space<semaphore_mem>>) src(%dma_wait3A_112 : memref<8000xi32, #tpu.memory_space<hbm>>) dst(%arg14 : memref<8000xi32, #tpu.memory_space<vmem>>)
      %dma_wait3A_113 = arith.constant 0 : i32
      %dma_wait3A_114 = tpu.memref_slice %arg4[%dma_wait3A_113] : memref<2560000xf32, #tpu.memory_space<hbm>> -> memref<8000xf32, #tpu.memory_space<hbm>>
      %dma_wait3A_115 = arith.constant 0 : i32
      %dma_wait3A_116 = tpu.memref_slice %arg4[%dma_wait3A_115] : memref<2560000xf32, #tpu.memory_space<hbm>> -> memref<8000xf32, #tpu.memory_space<hbm>>
      tpu.wait_dma2 semaphore(%arg18 : memref<!tpu.dma_semaphore, #tpu.memory_space<semaphore_mem>>) src(%dma_wait3A_116 : memref<8000xf32, #tpu.memory_space<hbm>>) dst(%arg16 : memref<8000xf32, #tpu.memory_space<vmem>>)
      %parallel_loop3A_117 = arith.constant 0 : i32
      %parallel_loop3A_118 = arith.constant 500 : i32
      %parallel_loop3A_119 = arith.constant 1 : i32
      scf.for %parallel_loop3A_121 = %parallel_loop3A_117 to %parallel_loop3A_118 step %parallel_loop3A_119  : i32 {
        %parallel_loop3A_122 = arith.constant 16 : i32
        %parallel_loop3A_123 = arith.muli %parallel_loop3A_121, %parallel_loop3A_122 : i32
        %parallel_loop3A_124 = arith.index_cast %parallel_loop3A_123 : i32 to index
        %parallel_loop3A_125 = tpu.vector_load %arg14[%parallel_loop3A_124] {strides = array<i32>} : memref<8000xi32, #tpu.memory_space<vmem>>, vector<16xi32>,
        %parallel_loop3A_126 = arith.constant 16383 : i32
        %parallel_loop3A_127 = vector.broadcast %parallel_loop3A_126 : i32 to vector<16xi32>
        %parallel_loop3A_128 = arith.andi %parallel_loop3A_125, %parallel_loop3A_127 : vector<16xi32>
        %parallel_loop3A_129 = arith.constant 14 : i32
        %parallel_loop3A_130 = vector.broadcast %parallel_loop3A_129 : i32 to vector<16xi32>
        %parallel_loop3A_131 = arith.shrui %parallel_loop3A_125, %parallel_loop3A_130 : vector<16xi32>
        %parallel_loop3A_132 = arith.index_cast %parallel_loop3A_123 : i32 to index
        %parallel_loop3A_133 = tpu.vector_load %arg16[%parallel_loop3A_132] {strides = array<i32>} : memref<8000xf32, #tpu.memory_space<vmem>>, vector<16xf32>,
        %parallel_loop3A_134 = tpu.vector_load_idx %arg7[%parallel_loop3A_128] : memref<10000xf32, #tpu.memory_space<vmem>>[vector<16xi32>], vector<16xf32>,
        %parallel_loop3A_135 = arith.mulf %parallel_loop3A_133, %parallel_loop3A_134 : vector<16xf32>
        tpu.vector_store_idx %arg9[%parallel_loop3A_131], %parallel_loop3A_135 {add = true} : memref<10000xf32, #tpu.memory_space<vmem>>[vector<16xi32>], vector<16xf32>,
        %parallel_loop3A_136 = tpu.vector_load_idx %arg8[%parallel_loop3A_128] : memref<10000xf32, #tpu.memory_space<vmem>>[vector<16xi32>], vector<16xf32>,
        %parallel_loop3A_137 = arith.mulf %parallel_loop3A_133, %parallel_loop3A_136 : vector<16xf32>
        tpu.vector_store_idx %arg10[%parallel_loop3A_131], %parallel_loop3A_137 {add = true} : memref<10000xf32, #tpu.memory_space<vmem>>[vector<16xi32>], vector<16xf32>,
      } {sc.loop_unroll_factor = 5 : i64, sc.parallel_access}
      %scan3A_120 = arith.constant 0 : i32
      scf.yield %scan3A_120 : i32
    }
    %scan3A_74 = arith.constant 20 : i32
    %parallel_loop3A_75 = arith.constant 0 : i32
    %parallel_loop3A_76 = arith.constant 625 : i32
    %parallel_loop3A_77 = arith.constant 1 : i32
    scf.for %parallel_loop3A_84 = %parallel_loop3A_75 to %parallel_loop3A_76 step %parallel_loop3A_77  : i32 {
      %parallel_loop3A_85 = arith.constant 16 : i32
      %parallel_loop3A_86 = arith.muli %parallel_loop3A_84, %parallel_loop3A_85 : i32
      %parallel_loop3A_87 = arith.index_cast %parallel_loop3A_86 : i32 to index
      %parallel_loop3A_88 = tpu.vector_load %arg11[%parallel_loop3A_87] {strides = array<i32>} : memref<10000xf32, #tpu.memory_space<vmem>>, vector<16xf32>,
      %parallel_loop3A_89 = arith.constant 0.000000e+00 : f32
      %parallel_loop3A_90 = vector.broadcast %parallel_loop3A_89 : f32 to vector<16xf32>
      %parallel_loop3A_91 = arith.cmpf ogt, %parallel_loop3A_88, %parallel_loop3A_90 : vector<16xf32>
      %parallel_loop3A_92 = arith.constant 1.000000e+00 : f32
      %parallel_loop3A_93 = vector.broadcast %parallel_loop3A_92 : f32 to vector<16xf32>
      %parallel_loop3A_94 = arith.select %parallel_loop3A_91, %parallel_loop3A_88, %parallel_loop3A_93 : vector<16xi1>, vector<16xf32>
      %parallel_loop3A_95 = arith.constant 1.000000e+00 : f32
      %parallel_loop3A_96 = vector.broadcast %parallel_loop3A_95 : f32 to vector<16xf32>
      %parallel_loop3A_97 = arith.divf %parallel_loop3A_96, %parallel_loop3A_94 : vector<16xf32>
      %parallel_loop3A_98 = arith.index_cast %parallel_loop3A_86 : i32 to index
      %parallel_loop3A_99 = tpu.vector_load %arg9[%parallel_loop3A_98] {strides = array<i32>} : memref<10000xf32, #tpu.memory_space<vmem>>, vector<16xf32>,
      %parallel_loop3A_100 = arith.mulf %parallel_loop3A_99, %parallel_loop3A_97 : vector<16xf32>
      %parallel_loop3A_101 = arith.index_cast %parallel_loop3A_86 : i32 to index
      %parallel_loop3A_102 = tpu.vector_load %arg9[%parallel_loop3A_101] {strides = array<i32>} : memref<10000xf32, #tpu.memory_space<vmem>>, vector<16xf32>,
      tpu.vector_store %arg9[%parallel_loop3A_101], %parallel_loop3A_100 {strides = array<i32>} : memref<10000xf32, #tpu.memory_space<vmem>>, vector<16xf32>,
      %parallel_loop3A_103 = arith.index_cast %parallel_loop3A_86 : i32 to index
      %parallel_loop3A_104 = tpu.vector_load %arg10[%parallel_loop3A_103] {strides = array<i32>} : memref<10000xf32, #tpu.memory_space<vmem>>, vector<16xf32>,
      %parallel_loop3A_105 = arith.mulf %parallel_loop3A_104, %parallel_loop3A_97 : vector<16xf32>
      %parallel_loop3A_106 = arith.index_cast %parallel_loop3A_86 : i32 to index
      %parallel_loop3A_107 = tpu.vector_load %arg10[%parallel_loop3A_106] {strides = array<i32>} : memref<10000xf32, #tpu.memory_space<vmem>>, vector<16xf32>,
      tpu.vector_store %arg10[%parallel_loop3A_106], %parallel_loop3A_105 {strides = array<i32>} : memref<10000xf32, #tpu.memory_space<vmem>>, vector<16xf32>,
    } {sc.loop_unroll_factor = 5 : i64, sc.parallel_access}
    %mul3A_78 = arith.constant 2 : i32
    %mul3A_79 = arith.muli %mul3A_78, %add3A : i32
    "tpu.region"() ({
      %run_scoped3A = tpu.sem_alloc : memref<!tpu.dma_semaphore, #tpu.memory_space<semaphore_mem>>
      %dma_start3A_84 = arith.constant 0 : i32
      %dma_start3A_85 = tpu.memref_slice %arg6[%mul3A_79, %dma_start3A_84] : memref<64x10000xf32, #tpu.memory_space<hbm>> -> memref<1x10000xf32, #tpu.memory_space<hbm>>
      %dma_start3A_86 = tpu.memref_squeeze %dma_start3A_85 : memref<1x10000xf32, #tpu.memory_space<hbm>> -> memref<10000xf32, #tpu.memory_space<hbm>>
      %dma_start3A_87 = arith.constant 0 : i32
      %dma_start3A_88 = tpu.memref_slice %arg6[%mul3A_79, %dma_start3A_87] : memref<64x10000xf32, #tpu.memory_space<hbm>> -> memref<1x10000xf32, #tpu.memory_space<hbm>>
      %dma_start3A_89 = tpu.memref_squeeze %dma_start3A_88 : memref<1x10000xf32, #tpu.memory_space<hbm>> -> memref<10000xf32, #tpu.memory_space<hbm>>
      tpu.enqueue_dma source(%arg9 : memref<10000xf32, #tpu.memory_space<vmem>>) target(%dma_start3A_89 : memref<10000xf32, #tpu.memory_space<hbm>>) target_semaphore(%run_scoped3A : memref<!tpu.dma_semaphore, #tpu.memory_space<semaphore_mem>>)
      %dma_wait3A = arith.constant 0 : i32
      %dma_wait3A_90 = tpu.memref_slice %arg6[%mul3A_79, %dma_wait3A] : memref<64x10000xf32, #tpu.memory_space<hbm>> -> memref<1x10000xf32, #tpu.memory_space<hbm>>
      %dma_wait3A_91 = tpu.memref_squeeze %dma_wait3A_90 : memref<1x10000xf32, #tpu.memory_space<hbm>> -> memref<10000xf32, #tpu.memory_space<hbm>>
      %dma_wait3A_92 = arith.constant 0 : i32
      %dma_wait3A_93 = tpu.memref_slice %arg6[%mul3A_79, %dma_wait3A_92] : memref<64x10000xf32, #tpu.memory_space<hbm>> -> memref<1x10000xf32, #tpu.memory_space<hbm>>
      %dma_wait3A_94 = tpu.memref_squeeze %dma_wait3A_93 : memref<1x10000xf32, #tpu.memory_space<hbm>> -> memref<10000xf32, #tpu.memory_space<hbm>>
      tpu.wait_dma2 semaphore(%run_scoped3A : memref<!tpu.dma_semaphore, #tpu.memory_space<semaphore_mem>>) src(%arg9 : memref<10000xf32, #tpu.memory_space<vmem>>) dst(%dma_wait3A_94 : memref<10000xf32, #tpu.memory_space<hbm>>)
      tpu.yield
    }) : () -> ()
    %mul3A_80 = arith.constant 2 : i32
    %mul3A_81 = arith.muli %mul3A_80, %add3A : i32
    %add3A_82 = arith.constant 1 : i32
    %add3A_83 = arith.addi %mul3A_81, %add3A_82 : i32
    "tpu.region"() ({
      %run_scoped3A = tpu.sem_alloc : memref<!tpu.dma_semaphore, #tpu.memory_space<semaphore_mem>>
      %dma_start3A_84 = arith.constant 0 : i32
      %dma_start3A_85 = tpu.memref_slice %arg6[%add3A_83, %dma_start3A_84] : memref<64x10000xf32, #tpu.memory_space<hbm>> -> memref<1x10000xf32, #tpu.memory_space<hbm>>
      %dma_start3A_86 = tpu.memref_squeeze %dma_start3A_85 : memref<1x10000xf32, #tpu.memory_space<hbm>> -> memref<10000xf32, #tpu.memory_space<hbm>>
      %dma_start3A_87 = arith.constant 0 : i32
      %dma_start3A_88 = tpu.memref_slice %arg6[%add3A_83, %dma_start3A_87] : memref<64x10000xf32, #tpu.memory_space<hbm>> -> memref<1x10000xf32, #tpu.memory_space<hbm>>
      %dma_start3A_89 = tpu.memref_squeeze %dma_start3A_88 : memref<1x10000xf32, #tpu.memory_space<hbm>> -> memref<10000xf32, #tpu.memory_space<hbm>>
      tpu.enqueue_dma source(%arg10 : memref<10000xf32, #tpu.memory_space<vmem>>) target(%dma_start3A_89 : memref<10000xf32, #tpu.memory_space<hbm>>) target_semaphore(%run_scoped3A : memref<!tpu.dma_semaphore, #tpu.memory_space<semaphore_mem>>)
      %dma_wait3A = arith.constant 0 : i32
      %dma_wait3A_90 = tpu.memref_slice %arg6[%add3A_83, %dma_wait3A] : memref<64x10000xf32, #tpu.memory_space<hbm>> -> memref<1x10000xf32, #tpu.memory_space<hbm>>
      %dma_wait3A_91 = tpu.memref_squeeze %dma_wait3A_90 : memref<1x10000xf32, #tpu.memory_space<hbm>> -> memref<10000xf32, #tpu.memory_space<hbm>>
      %dma_wait3A_92 = arith.constant 0 : i32
      %dma_wait3A_93 = tpu.memref_slice %arg6[%add3A_83, %dma_wait3A_92] : memref<64x10000xf32, #tpu.memory_space<hbm>> -> memref<1x10000xf32, #tpu.memory_space<hbm>>
      %dma_wait3A_94 = tpu.memref_squeeze %dma_wait3A_93 : memref<1x10000xf32, #tpu.memory_space<hbm>> -> memref<10000xf32, #tpu.memory_space<hbm>>
      tpu.wait_dma2 semaphore(%run_scoped3A : memref<!tpu.dma_semaphore, #tpu.memory_space<semaphore_mem>>) src(%arg10 : memref<10000xf32, #tpu.memory_space<vmem>>) dst(%dma_wait3A_94 : memref<10000xf32, #tpu.memory_space<hbm>>)
      tpu.yield
    }) : () -> ()
    return
  }
}

#map = affine_map<(d0, d1) -> (0)>
#map1 = affine_map<(d0, d1) -> (0, 0)>
module attributes {stable_mosaic.version = 14 : i64} {
  func.func @k(%arg0: i32, %arg1: i32, %arg2: memref<320000xi32, #tpu.memory_space<hbm>>, %arg3: memref<1x10000xf32, #tpu.memory_space<hbm>>, %arg4: memref<1x10000xf32, #tpu.memory_space<hbm>>, %arg5: memref<1x16xf32, #tpu.memory_space<hbm>>, %arg6: memref<320000xf32, #tpu.memory_space<hbm>>, %arg7: memref<320000xf32, #tpu.memory_space<hbm>>, %arg8: memref<10000xf32, #tpu.memory_space<vmem>>, %arg9: memref<10000xf32, #tpu.memory_space<vmem>>, %arg10: memref<16xf32, #tpu.memory_space<vmem>>, %arg11: memref<10000xf32, #tpu.memory_space<vmem>>, %arg12: memref<10000xi32, #tpu.memory_space<vmem>>, %arg13: memref<10000xi32, #tpu.memory_space<vmem>>, %arg14: memref<10000xf32, #tpu.memory_space<vmem>>, %arg15: memref<10000xf32, #tpu.memory_space<vmem>>, %arg16: memref<!tpu.dma_semaphore, #tpu.memory_space<semaphore_mem>>, %arg17: memref<!tpu.dma_semaphore, #tpu.memory_space<semaphore_mem>>, %arg18: memref<!tpu.dma_semaphore, #tpu.memory_space<semaphore_mem>>, %arg19: memref<!tpu.dma_semaphore, #tpu.memory_space<semaphore_mem>>) attributes {dimension_semantics = [#tpu.dimension_semantics<core_parallel>, #tpu.dimension_semantics<subcore_parallel>], iteration_bounds = array<i64: 2, 16>, scalar_prefetch = 0 : i64, scratch_operands = 12 : i64, tpu.core_type = #tpu.core_type<sc_vector_subcore>, window_params = [{transform_indices = #map}, {transform_indices = #map1}, {transform_indices = #map1}, {transform_indices = #map1}, {transform_indices = #map}, {transform_indices = #map}]} {
    %mul3A = arith.constant 2 : i32
    %mul3A_0 = arith.muli %arg1, %mul3A : i32
    %add3A = arith.addi %mul3A_0, %arg0 : i32
    %jit3A = arith.constant 32 : i32
    %div3A = arith.divsi %add3A, %jit3A : i32
    %sign3A = arith.constant 0 : i32
    %sign3A_1 = arith.cmpi sgt, %add3A, %sign3A : i32
    %sign3A_2 = arith.extui %sign3A_1 : i1 to i32
    %sign3A_3 = arith.constant 0 : i32
    %sign3A_4 = arith.cmpi slt, %add3A, %sign3A_3 : i32
    %sign3A_5 = arith.extui %sign3A_4 : i1 to i32
    %sign3A_6 = arith.subi %sign3A_2, %sign3A_5 : i32
    %sign3A_7 = arith.constant 0 : i32
    %sign3A_8 = arith.cmpi sgt, %jit3A, %sign3A_7 : i32
    %sign3A_9 = arith.extui %sign3A_8 : i1 to i32
    %sign3A_10 = arith.constant 0 : i32
    %sign3A_11 = arith.cmpi slt, %jit3A, %sign3A_10 : i32
    %sign3A_12 = arith.extui %sign3A_11 : i1 to i32
    %sign3A_13 = arith.subi %sign3A_9, %sign3A_12 : i32
    %ne3A = arith.cmpi ne, %sign3A_6, %sign3A_13 : i32
    %rem3A = arith.remsi %add3A, %jit3A : i32
    %ne3A_14 = arith.constant 0 : i32
    %ne3A_15 = arith.cmpi ne, %rem3A, %ne3A_14 : i32
    %and3A = arith.andi %ne3A, %ne3A_15 : i1
    %sub3A = arith.constant 1 : i32
    %sub3A_16 = arith.subi %div3A, %sub3A : i32
    %select_n3A = arith.select %and3A, %sub3A_16, %div3A : i32
    %jit3A_17 = arith.constant 32 : i32
    %eq3A = arith.constant 0 : i32
    %eq3A_18 = arith.cmpi eq, %jit3A_17, %eq3A : i32
    %jit3A_19 = arith.constant 1 : i32
    %select_n3A_20 = arith.select %eq3A_18, %jit3A_19, %jit3A_17 : i32
    %rem3A_21 = arith.remsi %add3A, %select_n3A_20 : i32
    %ne3A_22 = arith.constant 0 : i32
    %ne3A_23 = arith.cmpi ne, %rem3A_21, %ne3A_22 : i32
    %lt3A = arith.constant 0 : i32
    %lt3A_24 = arith.cmpi slt, %rem3A_21, %lt3A : i32
    %lt3A_25 = arith.constant 0 : i32
    %lt3A_26 = arith.cmpi slt, %select_n3A_20, %lt3A_25 : i32
    %ne3A_27 = arith.xori %lt3A_24, %lt3A_26 : i1
    %and3A_28 = arith.andi %ne3A_27, %ne3A_23 : i1
    %add3A_29 = arith.addi %rem3A_21, %select_n3A_20 : i32
    %select_n3A_30 = arith.select %and3A_28, %add3A_29, %rem3A_21 : i32
    "tpu.region"() ({
      %run_scoped3A = tpu.sem_alloc : memref<!tpu.dma_semaphore, #tpu.memory_space<semaphore_mem>>
      %dma_start3A_63 = arith.constant 0 : i32
      %dma_start3A_64 = tpu.memref_slice %arg3[%select_n3A, %dma_start3A_63] : memref<1x10000xf32, #tpu.memory_space<hbm>> -> memref<1x10000xf32, #tpu.memory_space<hbm>>
      %dma_start3A_65 = tpu.memref_squeeze %dma_start3A_64 : memref<1x10000xf32, #tpu.memory_space<hbm>> -> memref<10000xf32, #tpu.memory_space<hbm>>
      %dma_start3A_66 = arith.constant 0 : i32
      %dma_start3A_67 = tpu.memref_slice %arg3[%select_n3A, %dma_start3A_66] : memref<1x10000xf32, #tpu.memory_space<hbm>> -> memref<1x10000xf32, #tpu.memory_space<hbm>>
      %dma_start3A_68 = tpu.memref_squeeze %dma_start3A_67 : memref<1x10000xf32, #tpu.memory_space<hbm>> -> memref<10000xf32, #tpu.memory_space<hbm>>
      tpu.enqueue_dma source(%dma_start3A_68 : memref<10000xf32, #tpu.memory_space<hbm>>) target(%arg8 : memref<10000xf32, #tpu.memory_space<vmem>>) target_semaphore(%run_scoped3A : memref<!tpu.dma_semaphore, #tpu.memory_space<semaphore_mem>>)
      %dma_wait3A_69 = arith.constant 0 : i32
      %dma_wait3A_70 = tpu.memref_slice %arg3[%select_n3A, %dma_wait3A_69] : memref<1x10000xf32, #tpu.memory_space<hbm>> -> memref<1x10000xf32, #tpu.memory_space<hbm>>
      %dma_wait3A_71 = tpu.memref_squeeze %dma_wait3A_70 : memref<1x10000xf32, #tpu.memory_space<hbm>> -> memref<10000xf32, #tpu.memory_space<hbm>>
      %dma_wait3A_72 = arith.constant 0 : i32
      %dma_wait3A_73 = tpu.memref_slice %arg3[%select_n3A, %dma_wait3A_72] : memref<1x10000xf32, #tpu.memory_space<hbm>> -> memref<1x10000xf32, #tpu.memory_space<hbm>>
      %dma_wait3A_74 = tpu.memref_squeeze %dma_wait3A_73 : memref<1x10000xf32, #tpu.memory_space<hbm>> -> memref<10000xf32, #tpu.memory_space<hbm>>
      tpu.wait_dma2 semaphore(%run_scoped3A : memref<!tpu.dma_semaphore, #tpu.memory_space<semaphore_mem>>) src(%dma_wait3A_74 : memref<10000xf32, #tpu.memory_space<hbm>>) dst(%arg8 : memref<10000xf32, #tpu.memory_space<vmem>>)
      tpu.yield
    }) : () -> ()
    "tpu.region"() ({
      %run_scoped3A = tpu.sem_alloc : memref<!tpu.dma_semaphore, #tpu.memory_space<semaphore_mem>>
      %dma_start3A_63 = arith.constant 0 : i32
      %dma_start3A_64 = tpu.memref_slice %arg4[%select_n3A, %dma_start3A_63] : memref<1x10000xf32, #tpu.memory_space<hbm>> -> memref<1x10000xf32, #tpu.memory_space<hbm>>
      %dma_start3A_65 = tpu.memref_squeeze %dma_start3A_64 : memref<1x10000xf32, #tpu.memory_space<hbm>> -> memref<10000xf32, #tpu.memory_space<hbm>>
      %dma_start3A_66 = arith.constant 0 : i32
      %dma_start3A_67 = tpu.memref_slice %arg4[%select_n3A, %dma_start3A_66] : memref<1x10000xf32, #tpu.memory_space<hbm>> -> memref<1x10000xf32, #tpu.memory_space<hbm>>
      %dma_start3A_68 = tpu.memref_squeeze %dma_start3A_67 : memref<1x10000xf32, #tpu.memory_space<hbm>> -> memref<10000xf32, #tpu.memory_space<hbm>>
      tpu.enqueue_dma source(%dma_start3A_68 : memref<10000xf32, #tpu.memory_space<hbm>>) target(%arg9 : memref<10000xf32, #tpu.memory_space<vmem>>) target_semaphore(%run_scoped3A : memref<!tpu.dma_semaphore, #tpu.memory_space<semaphore_mem>>)
      %dma_wait3A_69 = arith.constant 0 : i32
      %dma_wait3A_70 = tpu.memref_slice %arg4[%select_n3A, %dma_wait3A_69] : memref<1x10000xf32, #tpu.memory_space<hbm>> -> memref<1x10000xf32, #tpu.memory_space<hbm>>
      %dma_wait3A_71 = tpu.memref_squeeze %dma_wait3A_70 : memref<1x10000xf32, #tpu.memory_space<hbm>> -> memref<10000xf32, #tpu.memory_space<hbm>>
      %dma_wait3A_72 = arith.constant 0 : i32
      %dma_wait3A_73 = tpu.memref_slice %arg4[%select_n3A, %dma_wait3A_72] : memref<1x10000xf32, #tpu.memory_space<hbm>> -> memref<1x10000xf32, #tpu.memory_space<hbm>>
      %dma_wait3A_74 = tpu.memref_squeeze %dma_wait3A_73 : memref<1x10000xf32, #tpu.memory_space<hbm>> -> memref<10000xf32, #tpu.memory_space<hbm>>
      tpu.wait_dma2 semaphore(%run_scoped3A : memref<!tpu.dma_semaphore, #tpu.memory_space<semaphore_mem>>) src(%dma_wait3A_74 : memref<10000xf32, #tpu.memory_space<hbm>>) dst(%arg9 : memref<10000xf32, #tpu.memory_space<vmem>>)
      tpu.yield
    }) : () -> ()
    "tpu.region"() ({
      %run_scoped3A = tpu.sem_alloc : memref<!tpu.dma_semaphore, #tpu.memory_space<semaphore_mem>>
      %dma_start3A_63 = arith.constant 0 : i32
      %dma_start3A_64 = tpu.memref_slice %arg5[%select_n3A, %dma_start3A_63] : memref<1x16xf32, #tpu.memory_space<hbm>> -> memref<1x16xf32, #tpu.memory_space<hbm>>
      %dma_start3A_65 = tpu.memref_squeeze %dma_start3A_64 : memref<1x16xf32, #tpu.memory_space<hbm>> -> memref<16xf32, #tpu.memory_space<hbm>>
      %dma_start3A_66 = arith.constant 0 : i32
      %dma_start3A_67 = tpu.memref_slice %arg5[%select_n3A, %dma_start3A_66] : memref<1x16xf32, #tpu.memory_space<hbm>> -> memref<1x16xf32, #tpu.memory_space<hbm>>
      %dma_start3A_68 = tpu.memref_squeeze %dma_start3A_67 : memref<1x16xf32, #tpu.memory_space<hbm>> -> memref<16xf32, #tpu.memory_space<hbm>>
      tpu.enqueue_dma source(%dma_start3A_68 : memref<16xf32, #tpu.memory_space<hbm>>) target(%arg10 : memref<16xf32, #tpu.memory_space<vmem>>) target_semaphore(%run_scoped3A : memref<!tpu.dma_semaphore, #tpu.memory_space<semaphore_mem>>)
      %dma_wait3A_69 = arith.constant 0 : i32
      %dma_wait3A_70 = tpu.memref_slice %arg5[%select_n3A, %dma_wait3A_69] : memref<1x16xf32, #tpu.memory_space<hbm>> -> memref<1x16xf32, #tpu.memory_space<hbm>>
      %dma_wait3A_71 = tpu.memref_squeeze %dma_wait3A_70 : memref<1x16xf32, #tpu.memory_space<hbm>> -> memref<16xf32, #tpu.memory_space<hbm>>
      %dma_wait3A_72 = arith.constant 0 : i32
      %dma_wait3A_73 = tpu.memref_slice %arg5[%select_n3A, %dma_wait3A_72] : memref<1x16xf32, #tpu.memory_space<hbm>> -> memref<1x16xf32, #tpu.memory_space<hbm>>
      %dma_wait3A_74 = tpu.memref_squeeze %dma_wait3A_73 : memref<1x16xf32, #tpu.memory_space<hbm>> -> memref<16xf32, #tpu.memory_space<hbm>>
      tpu.wait_dma2 semaphore(%run_scoped3A : memref<!tpu.dma_semaphore, #tpu.memory_space<semaphore_mem>>) src(%dma_wait3A_74 : memref<16xf32, #tpu.memory_space<hbm>>) dst(%arg10 : memref<16xf32, #tpu.memory_space<vmem>>)
      tpu.yield
    }) : () -> ()
    %scan3A = arith.constant 0 : i32
    %scan3A_31 = arith.constant 0 : i32
    %scan3A_32 = arith.constant 625 : i32
    %scan3A_33 = arith.addi %scan3A_31, %scan3A_32 : i32
    %scan3A_34 = arith.constant 1 : i32
    %scan3A_35 = scf.for %scan3A_63 = %scan3A_31 to %scan3A_33 step %scan3A_34 iter_args(%scan3A_64 = %scan3A) -> (i32)  : i32 {
      %broadcast_in_dim3A = arith.constant 0.000000e+00 : f32
      %broadcast_in_dim3A_65 = vector.broadcast %broadcast_in_dim3A : f32 to vector<16xf32>
      %mul3A_66 = arith.constant 16 : i32
      %mul3A_67 = arith.muli %scan3A_63, %mul3A_66 : i32
      %swap3A = arith.index_cast %mul3A_67 : i32 to index
      %swap3A_68 = tpu.vector_load %arg11[%swap3A] {strides = array<i32>} : memref<10000xf32, #tpu.memory_space<vmem>>, vector<16xf32>,
      tpu.vector_store %arg11[%swap3A], %broadcast_in_dim3A_65 {strides = array<i32>} : memref<10000xf32, #tpu.memory_space<vmem>>, vector<16xf32>,
      %scan3A_69 = arith.constant 0 : i32
      scf.yield %scan3A_69 : i32
    }
    %scan3A_36 = arith.constant 625 : i32
    %get3A = arith.constant 0 : index
    %get3A_37 = tpu.vector_load %arg10[%get3A] {strides = array<i32>} : memref<16xf32, #tpu.memory_space<vmem>>, vector<16xf32>,
    %mul3A_38 = arith.constant 10000 : i32
    %mul3A_39 = arith.muli %select_n3A_30, %mul3A_38 : i32
    %add3A_40 = arith.constant 0 : i32
    %add3A_41 = arith.addi %mul3A_39, %add3A_40 : i32
    %dma_start3A = tpu.memref_slice %arg2[%add3A_41] : memref<320000xi32, #tpu.memory_space<hbm>> -> memref<10000xi32, #tpu.memory_space<hbm>>
    %dma_start3A_42 = tpu.memref_slice %arg2[%add3A_41] : memref<320000xi32, #tpu.memory_space<hbm>> -> memref<10000xi32, #tpu.memory_space<hbm>>
    tpu.enqueue_dma source(%dma_start3A_42 : memref<10000xi32, #tpu.memory_space<hbm>>) target(%arg12 : memref<10000xi32, #tpu.memory_space<vmem>>) target_semaphore(%arg16 : memref<!tpu.dma_semaphore, #tpu.memory_space<semaphore_mem>>)
    %dma_wait3A = arith.constant 0 : i32
    %dma_wait3A_43 = tpu.memref_slice %arg2[%dma_wait3A] : memref<320000xi32, #tpu.memory_space<hbm>> -> memref<10000xi32, #tpu.memory_space<hbm>>
    %dma_wait3A_44 = arith.constant 0 : i32
    %dma_wait3A_45 = tpu.memref_slice %arg2[%dma_wait3A_44] : memref<320000xi32, #tpu.memory_space<hbm>> -> memref<10000xi32, #tpu.memory_space<hbm>>
    tpu.wait_dma2 semaphore(%arg16 : memref<!tpu.dma_semaphore, #tpu.memory_space<semaphore_mem>>) src(%dma_wait3A_45 : memref<10000xi32, #tpu.memory_space<hbm>>) dst(%arg12 : memref<10000xi32, #tpu.memory_space<vmem>>)
    %parallel_loop3A = arith.constant 0 : i32
    %parallel_loop3A_46 = arith.constant 625 : i32
    %parallel_loop3A_47 = arith.constant 1 : i32
    scf.for %parallel_loop3A_63 = %parallel_loop3A to %parallel_loop3A_46 step %parallel_loop3A_47  : i32 {
      %parallel_loop3A_64 = arith.constant 16 : i32
      %parallel_loop3A_65 = arith.muli %parallel_loop3A_63, %parallel_loop3A_64 : i32
      %parallel_loop3A_66 = arith.index_cast %parallel_loop3A_65 : i32 to index
      %parallel_loop3A_67 = tpu.vector_load %arg12[%parallel_loop3A_66] {strides = array<i32>} : memref<10000xi32, #tpu.memory_space<vmem>>, vector<16xi32>,
      %parallel_loop3A_68 = arith.constant 16383 : i32
      %parallel_loop3A_69 = vector.broadcast %parallel_loop3A_68 : i32 to vector<16xi32>
      %parallel_loop3A_70 = arith.andi %parallel_loop3A_67, %parallel_loop3A_69 : vector<16xi32>
      %parallel_loop3A_71 = arith.constant 14 : i32
      %parallel_loop3A_72 = vector.broadcast %parallel_loop3A_71 : i32 to vector<16xi32>
      %parallel_loop3A_73 = arith.shrui %parallel_loop3A_67, %parallel_loop3A_72 : vector<16xi32>
      %parallel_loop3A_74 = tpu.vector_load_idx %arg8[%parallel_loop3A_73] : memref<10000xf32, #tpu.memory_space<vmem>>[vector<16xi32>], vector<16xf32>,
      %parallel_loop3A_75 = tpu.vector_load_idx %arg9[%parallel_loop3A_70] : memref<10000xf32, #tpu.memory_space<vmem>>[vector<16xi32>], vector<16xf32>,
      %parallel_loop3A_76 = arith.addf %parallel_loop3A_74, %parallel_loop3A_75 : vector<16xf32>
      %parallel_loop3A_77 = arith.addf %parallel_loop3A_74, %get3A_37 : vector<16xf32>
      %parallel_loop3A_78 = arith.constant 0.00999999977 : f32
      %parallel_loop3A_79 = vector.broadcast %parallel_loop3A_78 : f32 to vector<16xf32>
      %parallel_loop3A_80 = arith.mulf %parallel_loop3A_77, %parallel_loop3A_79 : vector<16xf32>
      %parallel_loop3A_81 = arith.maximumf %parallel_loop3A_77, %parallel_loop3A_80 : vector<16xf32>
      %parallel_loop3A_82 = arith.constant 0.00999999977 : f32
      %parallel_loop3A_83 = vector.broadcast %parallel_loop3A_82 : f32 to vector<16xf32>
      %parallel_loop3A_84 = arith.mulf %parallel_loop3A_76, %parallel_loop3A_83 : vector<16xf32>
      %parallel_loop3A_85 = arith.maximumf %parallel_loop3A_76, %parallel_loop3A_84 : vector<16xf32>
      %parallel_loop3A_86 = arith.subf %parallel_loop3A_85, %parallel_loop3A_81 : vector<16xf32>
      %parallel_loop3A_87 = math.exp %parallel_loop3A_86 : vector<16xf32>
      %parallel_loop3A_88 = arith.index_cast %parallel_loop3A_65 : i32 to index
      %parallel_loop3A_89 = tpu.vector_load %arg14[%parallel_loop3A_88] {strides = array<i32>} : memref<10000xf32, #tpu.memory_space<vmem>>, vector<16xf32>,
      tpu.vector_store %arg14[%parallel_loop3A_88], %parallel_loop3A_87 {strides = array<i32>} : memref<10000xf32, #tpu.memory_space<vmem>>, vector<16xf32>,
      tpu.vector_store_idx %arg11[%parallel_loop3A_73], %parallel_loop3A_87 {add = true} : memref<10000xf32, #tpu.memory_space<vmem>>[vector<16xi32>], vector<16xf32>,
    } {sc.loop_unroll_factor = 5 : i64, sc.parallel_access}
    %mul3A_48 = arith.constant 10000 : i32
    %mul3A_49 = arith.muli %select_n3A_30, %mul3A_48 : i32
    %add3A_50 = arith.constant 0 : i32
    %add3A_51 = arith.addi %mul3A_49, %add3A_50 : i32
    %mul3A_52 = arith.constant 320000 : i32
    %mul3A_53 = arith.muli %select_n3A, %mul3A_52 : i32
    %add3A_54 = arith.addi %mul3A_53, %add3A_51 : i32
    %dma_start3A_55 = tpu.memref_slice %arg6[%add3A_54] : memref<320000xf32, #tpu.memory_space<hbm>> -> memref<10000xf32, #tpu.memory_space<hbm>>
    %dma_start3A_56 = tpu.memref_slice %arg6[%add3A_54] : memref<320000xf32, #tpu.memory_space<hbm>> -> memref<10000xf32, #tpu.memory_space<hbm>>
    tpu.enqueue_dma source(%arg14 : memref<10000xf32, #tpu.memory_space<vmem>>) target(%dma_start3A_56 : memref<10000xf32, #tpu.memory_space<hbm>>) target_semaphore(%arg18 : memref<!tpu.dma_semaphore, #tpu.memory_space<semaphore_mem>>)
    %dma_wait3A_57 = arith.constant 0 : i32
    %dma_wait3A_58 = tpu.memref_slice %arg6[%dma_wait3A_57] : memref<320000xf32, #tpu.memory_space<hbm>> -> memref<10000xf32, #tpu.memory_space<hbm>>
    %dma_wait3A_59 = arith.constant 0 : i32
    %dma_wait3A_60 = tpu.memref_slice %arg6[%dma_wait3A_59] : memref<320000xf32, #tpu.memory_space<hbm>> -> memref<10000xf32, #tpu.memory_space<hbm>>
    tpu.wait_dma2 semaphore(%arg18 : memref<!tpu.dma_semaphore, #tpu.memory_space<semaphore_mem>>) src(%arg14 : memref<10000xf32, #tpu.memory_space<vmem>>) dst(%dma_wait3A_60 : memref<10000xf32, #tpu.memory_space<hbm>>)
    %mul3A_61 = arith.constant 10000 : i32
    %mul3A_62 = arith.muli %add3A, %mul3A_61 : i32
    "tpu.region"() ({
      %run_scoped3A = tpu.sem_alloc : memref<!tpu.dma_semaphore, #tpu.memory_space<semaphore_mem>>
      %dma_start3A_63 = tpu.memref_slice %arg7[%mul3A_62] : memref<320000xf32, #tpu.memory_space<hbm>> -> memref<10000xf32, #tpu.memory_space<hbm>>
      %dma_start3A_64 = tpu.memref_slice %arg7[%mul3A_62] : memref<320000xf32, #tpu.memory_space<hbm>> -> memref<10000xf32, #tpu.memory_space<hbm>>
      tpu.enqueue_dma source(%arg11 : memref<10000xf32, #tpu.memory_space<vmem>>) target(%dma_start3A_64 : memref<10000xf32, #tpu.memory_space<hbm>>) target_semaphore(%run_scoped3A : memref<!tpu.dma_semaphore, #tpu.memory_space<semaphore_mem>>)
      %dma_wait3A_65 = tpu.memref_slice %arg7[%mul3A_62] : memref<320000xf32, #tpu.memory_space<hbm>> -> memref<10000xf32, #tpu.memory_space<hbm>>
      %dma_wait3A_66 = tpu.memref_slice %arg7[%mul3A_62] : memref<320000xf32, #tpu.memory_space<hbm>> -> memref<10000xf32, #tpu.memory_space<hbm>>
      tpu.wait_dma2 semaphore(%run_scoped3A : memref<!tpu.dma_semaphore, #tpu.memory_space<semaphore_mem>>) src(%arg11 : memref<10000xf32, #tpu.memory_space<vmem>>) dst(%dma_wait3A_66 : memref<10000xf32, #tpu.memory_space<hbm>>)
      tpu.yield
    }) : () -> ()
    return
  }
}

#map = affine_map<(d0, d1) -> (0)>
#map1 = affine_map<(d0, d1) -> (0, 0)>
module attributes {stable_mosaic.version = 14 : i64} {
  func.func @k(%arg0: i32, %arg1: i32, %arg2: memref<320000xi32, #tpu.memory_space<hbm>>, %arg3: memref<64x10000xf32, #tpu.memory_space<hbm>>, %arg4: memref<320000xf32, #tpu.memory_space<hbm>>, %arg5: memref<1x10000xf32, #tpu.memory_space<hbm>>, %arg6: memref<64x10000xf32, #tpu.memory_space<hbm>>, %arg7: memref<10000xf32, #tpu.memory_space<vmem>>, %arg8: memref<10000xf32, #tpu.memory_space<vmem>>, %arg9: memref<10000xf32, #tpu.memory_space<vmem>>, %arg10: memref<10000xf32, #tpu.memory_space<vmem>>, %arg11: memref<10000xf32, #tpu.memory_space<vmem>>, %arg12: memref<10000xf32, #tpu.memory_space<vmem>>, %arg13: memref<8000xi32, #tpu.memory_space<vmem>>, %arg14: memref<8000xi32, #tpu.memory_space<vmem>>, %arg15: memref<8000xf32, #tpu.memory_space<vmem>>, %arg16: memref<8000xf32, #tpu.memory_space<vmem>>, %arg17: memref<!tpu.dma_semaphore, #tpu.memory_space<semaphore_mem>>, %arg18: memref<!tpu.dma_semaphore, #tpu.memory_space<semaphore_mem>>) attributes {dimension_semantics = [#tpu.dimension_semantics<core_parallel>, #tpu.dimension_semantics<subcore_parallel>], iteration_bounds = array<i64: 2, 16>, scalar_prefetch = 0 : i64, scratch_operands = 12 : i64, tpu.core_type = #tpu.core_type<sc_vector_subcore>, window_params = [{transform_indices = #map}, {transform_indices = #map1}, {transform_indices = #map}, {transform_indices = #map1}, {transform_indices = #map1}]} {
    %mul3A = arith.constant 2 : i32
    %mul3A_0 = arith.muli %arg1, %mul3A : i32
    %add3A = arith.addi %mul3A_0, %arg0 : i32
    %jit3A = arith.constant 32 : i32
    %div3A = arith.divsi %add3A, %jit3A : i32
    %sign3A = arith.constant 0 : i32
    %sign3A_1 = arith.cmpi sgt, %add3A, %sign3A : i32
    %sign3A_2 = arith.extui %sign3A_1 : i1 to i32
    %sign3A_3 = arith.constant 0 : i32
    %sign3A_4 = arith.cmpi slt, %add3A, %sign3A_3 : i32
    %sign3A_5 = arith.extui %sign3A_4 : i1 to i32
    %sign3A_6 = arith.subi %sign3A_2, %sign3A_5 : i32
    %sign3A_7 = arith.constant 0 : i32
    %sign3A_8 = arith.cmpi sgt, %jit3A, %sign3A_7 : i32
    %sign3A_9 = arith.extui %sign3A_8 : i1 to i32
    %sign3A_10 = arith.constant 0 : i32
    %sign3A_11 = arith.cmpi slt, %jit3A, %sign3A_10 : i32
    %sign3A_12 = arith.extui %sign3A_11 : i1 to i32
    %sign3A_13 = arith.subi %sign3A_9, %sign3A_12 : i32
    %ne3A = arith.cmpi ne, %sign3A_6, %sign3A_13 : i32
    %rem3A = arith.remsi %add3A, %jit3A : i32
    %ne3A_14 = arith.constant 0 : i32
    %ne3A_15 = arith.cmpi ne, %rem3A, %ne3A_14 : i32
    %and3A = arith.andi %ne3A, %ne3A_15 : i1
    %sub3A = arith.constant 1 : i32
    %sub3A_16 = arith.subi %div3A, %sub3A : i32
    %select_n3A = arith.select %and3A, %sub3A_16, %div3A : i32
    %mul3A_17 = arith.constant 2 : i32
    %mul3A_18 = arith.muli %mul3A_17, %add3A : i32
    "tpu.region"() ({
      %run_scoped3A = tpu.sem_alloc : memref<!tpu.dma_semaphore, #tpu.memory_space<semaphore_mem>>
      %dma_start3A_53 = arith.constant 0 : i32
      %dma_start3A_54 = tpu.memref_slice %arg3[%mul3A_18, %dma_start3A_53] : memref<64x10000xf32, #tpu.memory_space<hbm>> -> memref<1x10000xf32, #tpu.memory_space<hbm>>
      %dma_start3A_55 = tpu.memref_squeeze %dma_start3A_54 : memref<1x10000xf32, #tpu.memory_space<hbm>> -> memref<10000xf32, #tpu.memory_space<hbm>>
      %dma_start3A_56 = arith.constant 0 : i32
      %dma_start3A_57 = tpu.memref_slice %arg3[%mul3A_18, %dma_start3A_56] : memref<64x10000xf32, #tpu.memory_space<hbm>> -> memref<1x10000xf32, #tpu.memory_space<hbm>>
      %dma_start3A_58 = tpu.memref_squeeze %dma_start3A_57 : memref<1x10000xf32, #tpu.memory_space<hbm>> -> memref<10000xf32, #tpu.memory_space<hbm>>
      tpu.enqueue_dma source(%dma_start3A_58 : memref<10000xf32, #tpu.memory_space<hbm>>) target(%arg7 : memref<10000xf32, #tpu.memory_space<vmem>>) target_semaphore(%run_scoped3A : memref<!tpu.dma_semaphore, #tpu.memory_space<semaphore_mem>>)
      %dma_wait3A = arith.constant 0 : i32
      %dma_wait3A_59 = tpu.memref_slice %arg3[%mul3A_18, %dma_wait3A] : memref<64x10000xf32, #tpu.memory_space<hbm>> -> memref<1x10000xf32, #tpu.memory_space<hbm>>
      %dma_wait3A_60 = tpu.memref_squeeze %dma_wait3A_59 : memref<1x10000xf32, #tpu.memory_space<hbm>> -> memref<10000xf32, #tpu.memory_space<hbm>>
      %dma_wait3A_61 = arith.constant 0 : i32
      %dma_wait3A_62 = tpu.memref_slice %arg3[%mul3A_18, %dma_wait3A_61] : memref<64x10000xf32, #tpu.memory_space<hbm>> -> memref<1x10000xf32, #tpu.memory_space<hbm>>
      %dma_wait3A_63 = tpu.memref_squeeze %dma_wait3A_62 : memref<1x10000xf32, #tpu.memory_space<hbm>> -> memref<10000xf32, #tpu.memory_space<hbm>>
      tpu.wait_dma2 semaphore(%run_scoped3A : memref<!tpu.dma_semaphore, #tpu.memory_space<semaphore_mem>>) src(%dma_wait3A_63 : memref<10000xf32, #tpu.memory_space<hbm>>) dst(%arg7 : memref<10000xf32, #tpu.memory_space<vmem>>)
      tpu.yield
    }) : () -> ()
    %mul3A_19 = arith.constant 2 : i32
    %mul3A_20 = arith.muli %mul3A_19, %add3A : i32
    %add3A_21 = arith.constant 1 : i32
    %add3A_22 = arith.addi %mul3A_20, %add3A_21 : i32
    "tpu.region"() ({
      %run_scoped3A = tpu.sem_alloc : memref<!tpu.dma_semaphore, #tpu.memory_space<semaphore_mem>>
      %dma_start3A_53 = arith.constant 0 : i32
      %dma_start3A_54 = tpu.memref_slice %arg3[%add3A_22, %dma_start3A_53] : memref<64x10000xf32, #tpu.memory_space<hbm>> -> memref<1x10000xf32, #tpu.memory_space<hbm>>
      %dma_start3A_55 = tpu.memref_squeeze %dma_start3A_54 : memref<1x10000xf32, #tpu.memory_space<hbm>> -> memref<10000xf32, #tpu.memory_space<hbm>>
      %dma_start3A_56 = arith.constant 0 : i32
      %dma_start3A_57 = tpu.memref_slice %arg3[%add3A_22, %dma_start3A_56] : memref<64x10000xf32, #tpu.memory_space<hbm>> -> memref<1x10000xf32, #tpu.memory_space<hbm>>
      %dma_start3A_58 = tpu.memref_squeeze %dma_start3A_57 : memref<1x10000xf32, #tpu.memory_space<hbm>> -> memref<10000xf32, #tpu.memory_space<hbm>>
      tpu.enqueue_dma source(%dma_start3A_58 : memref<10000xf32, #tpu.memory_space<hbm>>) target(%arg8 : memref<10000xf32, #tpu.memory_space<vmem>>) target_semaphore(%run_scoped3A : memref<!tpu.dma_semaphore, #tpu.memory_space<semaphore_mem>>)
      %dma_wait3A = arith.constant 0 : i32
      %dma_wait3A_59 = tpu.memref_slice %arg3[%add3A_22, %dma_wait3A] : memref<64x10000xf32, #tpu.memory_space<hbm>> -> memref<1x10000xf32, #tpu.memory_space<hbm>>
      %dma_wait3A_60 = tpu.memref_squeeze %dma_wait3A_59 : memref<1x10000xf32, #tpu.memory_space<hbm>> -> memref<10000xf32, #tpu.memory_space<hbm>>
      %dma_wait3A_61 = arith.constant 0 : i32
      %dma_wait3A_62 = tpu.memref_slice %arg3[%add3A_22, %dma_wait3A_61] : memref<64x10000xf32, #tpu.memory_space<hbm>> -> memref<1x10000xf32, #tpu.memory_space<hbm>>
      %dma_wait3A_63 = tpu.memref_squeeze %dma_wait3A_62 : memref<1x10000xf32, #tpu.memory_space<hbm>> -> memref<10000xf32, #tpu.memory_space<hbm>>
      tpu.wait_dma2 semaphore(%run_scoped3A : memref<!tpu.dma_semaphore, #tpu.memory_space<semaphore_mem>>) src(%dma_wait3A_63 : memref<10000xf32, #tpu.memory_space<hbm>>) dst(%arg8 : memref<10000xf32, #tpu.memory_space<vmem>>)
      tpu.yield
    }) : () -> ()
    "tpu.region"() ({
      %run_scoped3A = tpu.sem_alloc : memref<!tpu.dma_semaphore, #tpu.memory_space<semaphore_mem>>
      %dma_start3A_53 = arith.constant 0 : i32
      %dma_start3A_54 = tpu.memref_slice %arg5[%select_n3A, %dma_start3A_53] : memref<1x10000xf32, #tpu.memory_space<hbm>> -> memref<1x10000xf32, #tpu.memory_space<hbm>>
      %dma_start3A_55 = tpu.memref_squeeze %dma_start3A_54 : memref<1x10000xf32, #tpu.memory_space<hbm>> -> memref<10000xf32, #tpu.memory_space<hbm>>
      %dma_start3A_56 = arith.constant 0 : i32
      %dma_start3A_57 = tpu.memref_slice %arg5[%select_n3A, %dma_start3A_56] : memref<1x10000xf32, #tpu.memory_space<hbm>> -> memref<1x10000xf32, #tpu.memory_space<hbm>>
      %dma_start3A_58 = tpu.memref_squeeze %dma_start3A_57 : memref<1x10000xf32, #tpu.memory_space<hbm>> -> memref<10000xf32, #tpu.memory_space<hbm>>
      tpu.enqueue_dma source(%dma_start3A_58 : memref<10000xf32, #tpu.memory_space<hbm>>) target(%arg11 : memref<10000xf32, #tpu.memory_space<vmem>>) target_semaphore(%run_scoped3A : memref<!tpu.dma_semaphore, #tpu.memory_space<semaphore_mem>>)
      %dma_wait3A = arith.constant 0 : i32
      %dma_wait3A_59 = tpu.memref_slice %arg5[%select_n3A, %dma_wait3A] : memref<1x10000xf32, #tpu.memory_space<hbm>> -> memref<1x10000xf32, #tpu.memory_space<hbm>>
      %dma_wait3A_60 = tpu.memref_squeeze %dma_wait3A_59 : memref<1x10000xf32, #tpu.memory_space<hbm>> -> memref<10000xf32, #tpu.memory_space<hbm>>
      %dma_wait3A_61 = arith.constant 0 : i32
      %dma_wait3A_62 = tpu.memref_slice %arg5[%select_n3A, %dma_wait3A_61] : memref<1x10000xf32, #tpu.memory_space<hbm>> -> memref<1x10000xf32, #tpu.memory_space<hbm>>
      %dma_wait3A_63 = tpu.memref_squeeze %dma_wait3A_62 : memref<1x10000xf32, #tpu.memory_space<hbm>> -> memref<10000xf32, #tpu.memory_space<hbm>>
      tpu.wait_dma2 semaphore(%run_scoped3A : memref<!tpu.dma_semaphore, #tpu.memory_space<semaphore_mem>>) src(%dma_wait3A_63 : memref<10000xf32, #tpu.memory_space<hbm>>) dst(%arg11 : memref<10000xf32, #tpu.memory_space<vmem>>)
      tpu.yield
    }) : () -> ()
    %scan3A = arith.constant 0 : i32
    %scan3A_23 = arith.constant 0 : i32
    %scan3A_24 = arith.constant 625 : i32
    %scan3A_25 = arith.addi %scan3A_23, %scan3A_24 : i32
    %scan3A_26 = arith.constant 1 : i32
    %scan3A_27 = scf.for %scan3A_53 = %scan3A_23 to %scan3A_25 step %scan3A_26 iter_args(%scan3A_54 = %scan3A) -> (i32)  : i32 {
      %broadcast_in_dim3A = arith.constant 0.000000e+00 : f32
      %broadcast_in_dim3A_55 = vector.broadcast %broadcast_in_dim3A : f32 to vector<16xf32>
      %mul3A_56 = arith.constant 16 : i32
      %mul3A_57 = arith.muli %scan3A_53, %mul3A_56 : i32
      %swap3A = arith.index_cast %mul3A_57 : i32 to index
      %swap3A_58 = tpu.vector_load %arg9[%swap3A] {strides = array<i32>} : memref<10000xf32, #tpu.memory_space<vmem>>, vector<16xf32>,
      tpu.vector_store %arg9[%swap3A], %broadcast_in_dim3A_55 {strides = array<i32>} : memref<10000xf32, #tpu.memory_space<vmem>>, vector<16xf32>,
      %mul3A_59 = arith.constant 16 : i32
      %mul3A_60 = arith.muli %scan3A_53, %mul3A_59 : i32
      %swap3A_61 = arith.index_cast %mul3A_60 : i32 to index
      %swap3A_62 = tpu.vector_load %arg10[%swap3A_61] {strides = array<i32>} : memref<10000xf32, #tpu.memory_space<vmem>>, vector<16xf32>,
      tpu.vector_store %arg10[%swap3A_61], %broadcast_in_dim3A_55 {strides = array<i32>} : memref<10000xf32, #tpu.memory_space<vmem>>, vector<16xf32>,
      %scan3A_63 = arith.constant 0 : i32
      scf.yield %scan3A_63 : i32
    }
    %scan3A_28 = arith.constant 625 : i32
    %dma_start3A = arith.constant 0 : i32
    %dma_start3A_29 = tpu.memref_slice %arg2[%dma_start3A] : memref<320000xi32, #tpu.memory_space<hbm>> -> memref<8000xi32, #tpu.memory_space<hbm>>
    %dma_start3A_30 = arith.constant 0 : i32
    %dma_start3A_31 = tpu.memref_slice %arg2[%dma_start3A_30] : memref<320000xi32, #tpu.memory_space<hbm>> -> memref<8000xi32, #tpu.memory_space<hbm>>
    tpu.enqueue_dma source(%dma_start3A_31 : memref<8000xi32, #tpu.memory_space<hbm>>) target(%arg13 : memref<8000xi32, #tpu.memory_space<vmem>>) target_semaphore(%arg17 : memref<!tpu.dma_semaphore, #tpu.memory_space<semaphore_mem>>)
    %mul3A_32 = arith.constant 320000 : i32
    %mul3A_33 = arith.muli %select_n3A, %mul3A_32 : i32
    %add3A_34 = arith.constant 0 : i32
    %add3A_35 = arith.addi %mul3A_33, %add3A_34 : i32
    %dma_start3A_36 = tpu.memref_slice %arg4[%add3A_35] : memref<320000xf32, #tpu.memory_space<hbm>> -> memref<8000xf32, #tpu.memory_space<hbm>>
    %dma_start3A_37 = tpu.memref_slice %arg4[%add3A_35] : memref<320000xf32, #tpu.memory_space<hbm>> -> memref<8000xf32, #tpu.memory_space<hbm>>
    tpu.enqueue_dma source(%dma_start3A_37 : memref<8000xf32, #tpu.memory_space<hbm>>) target(%arg15 : memref<8000xf32, #tpu.memory_space<vmem>>) target_semaphore(%arg17 : memref<!tpu.dma_semaphore, #tpu.memory_space<semaphore_mem>>)
    %scan3A_38 = arith.constant 0 : i32
    %scan3A_39 = arith.constant 0 : i32
    %scan3A_40 = arith.constant 20 : i32
    %scan3A_41 = arith.addi %scan3A_39, %scan3A_40 : i32
    %scan3A_42 = arith.constant 1 : i32
    %scan3A_43 = scf.for %scan3A_53 = %scan3A_39 to %scan3A_41 step %scan3A_42 iter_args(%scan3A_54 = %scan3A_38) -> (i32)  : i32 {
      %mul3A_55 = arith.constant 2 : i32
      %mul3A_56 = arith.muli %mul3A_55, %scan3A_53 : i32
      %add3A_57 = arith.constant 1 : i32
      %add3A_58 = arith.addi %mul3A_56, %add3A_57 : i32
      %lt3A = arith.constant 40 : i32
      %lt3A_59 = arith.cmpi slt, %add3A_58, %lt3A : i32
      %convert_element_type3A = arith.extui %lt3A_59 : i1 to i32
      %cond3A = arith.constant 0 : i32
      %cond3A_60 = arith.cmpi ne, %convert_element_type3A, %cond3A : i32
      scf.if %cond3A_60 {
        %add3A_90 = arith.constant 1 : i32
        %add3A_91 = arith.addi %mul3A_56, %add3A_90 : i32
        %mul3A_92 = arith.constant 8000 : i32
        %mul3A_93 = arith.muli %add3A_91, %mul3A_92 : i32
        %dma_start3A_94 = tpu.memref_slice %arg2[%mul3A_93] : memref<320000xi32, #tpu.memory_space<hbm>> -> memref<8000xi32, #tpu.memory_space<hbm>>
        %dma_start3A_95 = tpu.memref_slice %arg2[%mul3A_93] : memref<320000xi32, #tpu.memory_space<hbm>> -> memref<8000xi32, #tpu.memory_space<hbm>>
        tpu.enqueue_dma source(%dma_start3A_95 : memref<8000xi32, #tpu.memory_space<hbm>>) target(%arg14 : memref<8000xi32, #tpu.memory_space<vmem>>) target_semaphore(%arg18 : memref<!tpu.dma_semaphore, #tpu.memory_space<semaphore_mem>>)
        %mul3A_96 = arith.constant 320000 : i32
        %mul3A_97 = arith.muli %select_n3A, %mul3A_96 : i32
        %add3A_98 = arith.addi %mul3A_97, %mul3A_93 : i32
        %dma_start3A_99 = tpu.memref_slice %arg4[%add3A_98] : memref<320000xf32, #tpu.memory_space<hbm>> -> memref<8000xf32, #tpu.memory_space<hbm>>
        %dma_start3A_100 = tpu.memref_slice %arg4[%add3A_98] : memref<320000xf32, #tpu.memory_space<hbm>> -> memref<8000xf32, #tpu.memory_space<hbm>>
        tpu.enqueue_dma source(%dma_start3A_100 : memref<8000xf32, #tpu.memory_space<hbm>>) target(%arg16 : memref<8000xf32, #tpu.memory_space<vmem>>) target_semaphore(%arg18 : memref<!tpu.dma_semaphore, #tpu.memory_space<semaphore_mem>>)
      } else {
      }
      %dma_wait3A = arith.constant 0 : i32
      %dma_wait3A_61 = tpu.memref_slice %arg2[%dma_wait3A] : memref<320000xi32, #tpu.memory_space<hbm>> -> memref<8000xi32, #tpu.memory_space<hbm>>
      %dma_wait3A_62 = arith.constant 0 : i32
      %dma_wait3A_63 = tpu.memref_slice %arg2[%dma_wait3A_62] : memref<320000xi32, #tpu.memory_space<hbm>> -> memref<8000xi32, #tpu.memory_space<hbm>>
      tpu.wait_dma2 semaphore(%arg17 : memref<!tpu.dma_semaphore, #tpu.memory_space<semaphore_mem>>) src(%dma_wait3A_63 : memref<8000xi32, #tpu.memory_space<hbm>>) dst(%arg13 : memref<8000xi32, #tpu.memory_space<vmem>>)
      %dma_wait3A_64 = arith.constant 0 : i32
      %dma_wait3A_65 = tpu.memref_slice %arg4[%dma_wait3A_64] : memref<320000xf32, #tpu.memory_space<hbm>> -> memref<8000xf32, #tpu.memory_space<hbm>>
      %dma_wait3A_66 = arith.constant 0 : i32
      %dma_wait3A_67 = tpu.memref_slice %arg4[%dma_wait3A_66] : memref<320000xf32, #tpu.memory_space<hbm>> -> memref<8000xf32, #tpu.memory_space<hbm>>
      tpu.wait_dma2 semaphore(%arg17 : memref<!tpu.dma_semaphore, #tpu.memory_space<semaphore_mem>>) src(%dma_wait3A_67 : memref<8000xf32, #tpu.memory_space<hbm>>) dst(%arg15 : memref<8000xf32, #tpu.memory_space<vmem>>)
      %parallel_loop3A_68 = arith.constant 0 : i32
      %parallel_loop3A_69 = arith.constant 500 : i32
      %parallel_loop3A_70 = arith.constant 1 : i32
      scf.for %parallel_loop3A_90 = %parallel_loop3A_68 to %parallel_loop3A_69 step %parallel_loop3A_70  : i32 {
        %parallel_loop3A_91 = arith.constant 16 : i32
        %parallel_loop3A_92 = arith.muli %parallel_loop3A_90, %parallel_loop3A_91 : i32
        %parallel_loop3A_93 = arith.index_cast %parallel_loop3A_92 : i32 to index
        %parallel_loop3A_94 = tpu.vector_load %arg13[%parallel_loop3A_93] {strides = array<i32>} : memref<8000xi32, #tpu.memory_space<vmem>>, vector<16xi32>,
        %parallel_loop3A_95 = arith.constant 16383 : i32
        %parallel_loop3A_96 = vector.broadcast %parallel_loop3A_95 : i32 to vector<16xi32>
        %parallel_loop3A_97 = arith.andi %parallel_loop3A_94, %parallel_loop3A_96 : vector<16xi32>
        %parallel_loop3A_98 = arith.constant 14 : i32
        %parallel_loop3A_99 = vector.broadcast %parallel_loop3A_98 : i32 to vector<16xi32>
        %parallel_loop3A_100 = arith.shrui %parallel_loop3A_94, %parallel_loop3A_99 : vector<16xi32>
        %parallel_loop3A_101 = arith.index_cast %parallel_loop3A_92 : i32 to index
        %parallel_loop3A_102 = tpu.vector_load %arg15[%parallel_loop3A_101] {strides = array<i32>} : memref<8000xf32, #tpu.memory_space<vmem>>, vector<16xf32>,
        %parallel_loop3A_103 = tpu.vector_load_idx %arg7[%parallel_loop3A_97] : memref<10000xf32, #tpu.memory_space<vmem>>[vector<16xi32>], vector<16xf32>,
        %parallel_loop3A_104 = arith.mulf %parallel_loop3A_102, %parallel_loop3A_103 : vector<16xf32>
        tpu.vector_store_idx %arg9[%parallel_loop3A_100], %parallel_loop3A_104 {add = true} : memref<10000xf32, #tpu.memory_space<vmem>>[vector<16xi32>], vector<16xf32>,
        %parallel_loop3A_105 = tpu.vector_load_idx %arg8[%parallel_loop3A_97] : memref<10000xf32, #tpu.memory_space<vmem>>[vector<16xi32>], vector<16xf32>,
        %parallel_loop3A_106 = arith.mulf %parallel_loop3A_102, %parallel_loop3A_105 : vector<16xf32>
        tpu.vector_store_idx %arg10[%parallel_loop3A_100], %parallel_loop3A_106 {add = true} : memref<10000xf32, #tpu.memory_space<vmem>>[vector<16xi32>], vector<16xf32>,
      } {sc.loop_unroll_factor = 5 : i64, sc.parallel_access}
      %add3A_71 = arith.constant 2 : i32
      %add3A_72 = arith.addi %mul3A_56, %add3A_71 : i32
      %lt3A_73 = arith.constant 40 : i32
      %lt3A_74 = arith.cmpi slt, %add3A_72, %lt3A_73 : i32
      %convert_element_type3A_75 = arith.extui %lt3A_74 : i1 to i32
      %cond3A_76 = arith.constant 0 : i32
      %cond3A_77 = arith.cmpi ne, %convert_element_type3A_75, %cond3A_76 : i32
      scf.if %cond3A_77 {
        %add3A_90 = arith.constant 2 : i32
        %add3A_91 = arith.addi %mul3A_56, %add3A_90 : i32
        %mul3A_92 = arith.constant 8000 : i32
        %mul3A_93 = arith.muli %add3A_91, %mul3A_92 : i32
        %dma_start3A_94 = tpu.memref_slice %arg2[%mul3A_93] : memref<320000xi32, #tpu.memory_space<hbm>> -> memref<8000xi32, #tpu.memory_space<hbm>>
        %dma_start3A_95 = tpu.memref_slice %arg2[%mul3A_93] : memref<320000xi32, #tpu.memory_space<hbm>> -> memref<8000xi32, #tpu.memory_space<hbm>>
        tpu.enqueue_dma source(%dma_start3A_95 : memref<8000xi32, #tpu.memory_space<hbm>>) target(%arg13 : memref<8000xi32, #tpu.memory_space<vmem>>) target_semaphore(%arg17 : memref<!tpu.dma_semaphore, #tpu.memory_space<semaphore_mem>>)
        %mul3A_96 = arith.constant 320000 : i32
        %mul3A_97 = arith.muli %select_n3A, %mul3A_96 : i32
        %add3A_98 = arith.addi %mul3A_97, %mul3A_93 : i32
        %dma_start3A_99 = tpu.memref_slice %arg4[%add3A_98] : memref<320000xf32, #tpu.memory_space<hbm>> -> memref<8000xf32, #tpu.memory_space<hbm>>
        %dma_start3A_100 = tpu.memref_slice %arg4[%add3A_98] : memref<320000xf32, #tpu.memory_space<hbm>> -> memref<8000xf32, #tpu.memory_space<hbm>>
        tpu.enqueue_dma source(%dma_start3A_100 : memref<8000xf32, #tpu.memory_space<hbm>>) target(%arg15 : memref<8000xf32, #tpu.memory_space<vmem>>) target_semaphore(%arg17 : memref<!tpu.dma_semaphore, #tpu.memory_space<semaphore_mem>>)
      } else {
      }
      %dma_wait3A_78 = arith.constant 0 : i32
      %dma_wait3A_79 = tpu.memref_slice %arg2[%dma_wait3A_78] : memref<320000xi32, #tpu.memory_space<hbm>> -> memref<8000xi32, #tpu.memory_space<hbm>>
      %dma_wait3A_80 = arith.constant 0 : i32
      %dma_wait3A_81 = tpu.memref_slice %arg2[%dma_wait3A_80] : memref<320000xi32, #tpu.memory_space<hbm>> -> memref<8000xi32, #tpu.memory_space<hbm>>
      tpu.wait_dma2 semaphore(%arg18 : memref<!tpu.dma_semaphore, #tpu.memory_space<semaphore_mem>>) src(%dma_wait3A_81 : memref<8000xi32, #tpu.memory_space<hbm>>) dst(%arg14 : memref<8000xi32, #tpu.memory_space<vmem>>)
      %dma_wait3A_82 = arith.constant 0 : i32
      %dma_wait3A_83 = tpu.memref_slice %arg4[%dma_wait3A_82] : memref<320000xf32, #tpu.memory_space<hbm>> -> memref<8000xf32, #tpu.memory_space<hbm>>
      %dma_wait3A_84 = arith.constant 0 : i32
      %dma_wait3A_85 = tpu.memref_slice %arg4[%dma_wait3A_84] : memref<320000xf32, #tpu.memory_space<hbm>> -> memref<8000xf32, #tpu.memory_space<hbm>>
      tpu.wait_dma2 semaphore(%arg18 : memref<!tpu.dma_semaphore, #tpu.memory_space<semaphore_mem>>) src(%dma_wait3A_85 : memref<8000xf32, #tpu.memory_space<hbm>>) dst(%arg16 : memref<8000xf32, #tpu.memory_space<vmem>>)
      %parallel_loop3A_86 = arith.constant 0 : i32
      %parallel_loop3A_87 = arith.constant 500 : i32
      %parallel_loop3A_88 = arith.constant 1 : i32
      scf.for %parallel_loop3A_90 = %parallel_loop3A_86 to %parallel_loop3A_87 step %parallel_loop3A_88  : i32 {
        %parallel_loop3A_91 = arith.constant 16 : i32
        %parallel_loop3A_92 = arith.muli %parallel_loop3A_90, %parallel_loop3A_91 : i32
        %parallel_loop3A_93 = arith.index_cast %parallel_loop3A_92 : i32 to index
        %parallel_loop3A_94 = tpu.vector_load %arg14[%parallel_loop3A_93] {strides = array<i32>} : memref<8000xi32, #tpu.memory_space<vmem>>, vector<16xi32>,
        %parallel_loop3A_95 = arith.constant 16383 : i32
        %parallel_loop3A_96 = vector.broadcast %parallel_loop3A_95 : i32 to vector<16xi32>
        %parallel_loop3A_97 = arith.andi %parallel_loop3A_94, %parallel_loop3A_96 : vector<16xi32>
        %parallel_loop3A_98 = arith.constant 14 : i32
        %parallel_loop3A_99 = vector.broadcast %parallel_loop3A_98 : i32 to vector<16xi32>
        %parallel_loop3A_100 = arith.shrui %parallel_loop3A_94, %parallel_loop3A_99 : vector<16xi32>
        %parallel_loop3A_101 = arith.index_cast %parallel_loop3A_92 : i32 to index
        %parallel_loop3A_102 = tpu.vector_load %arg16[%parallel_loop3A_101] {strides = array<i32>} : memref<8000xf32, #tpu.memory_space<vmem>>, vector<16xf32>,
        %parallel_loop3A_103 = tpu.vector_load_idx %arg7[%parallel_loop3A_97] : memref<10000xf32, #tpu.memory_space<vmem>>[vector<16xi32>], vector<16xf32>,
        %parallel_loop3A_104 = arith.mulf %parallel_loop3A_102, %parallel_loop3A_103 : vector<16xf32>
        tpu.vector_store_idx %arg9[%parallel_loop3A_100], %parallel_loop3A_104 {add = true} : memref<10000xf32, #tpu.memory_space<vmem>>[vector<16xi32>], vector<16xf32>,
        %parallel_loop3A_105 = tpu.vector_load_idx %arg8[%parallel_loop3A_97] : memref<10000xf32, #tpu.memory_space<vmem>>[vector<16xi32>], vector<16xf32>,
        %parallel_loop3A_106 = arith.mulf %parallel_loop3A_102, %parallel_loop3A_105 : vector<16xf32>
        tpu.vector_store_idx %arg10[%parallel_loop3A_100], %parallel_loop3A_106 {add = true} : memref<10000xf32, #tpu.memory_space<vmem>>[vector<16xi32>], vector<16xf32>,
      } {sc.loop_unroll_factor = 5 : i64, sc.parallel_access}
      %scan3A_89 = arith.constant 0 : i32
      scf.yield %scan3A_89 : i32
    }
    %scan3A_44 = arith.constant 20 : i32
    %parallel_loop3A = arith.constant 0 : i32
    %parallel_loop3A_45 = arith.constant 625 : i32
    %parallel_loop3A_46 = arith.constant 1 : i32
    scf.for %parallel_loop3A_53 = %parallel_loop3A to %parallel_loop3A_45 step %parallel_loop3A_46  : i32 {
      %parallel_loop3A_54 = arith.constant 16 : i32
      %parallel_loop3A_55 = arith.muli %parallel_loop3A_53, %parallel_loop3A_54 : i32
      %parallel_loop3A_56 = arith.index_cast %parallel_loop3A_55 : i32 to index
      %parallel_loop3A_57 = tpu.vector_load %arg11[%parallel_loop3A_56] {strides = array<i32>} : memref<10000xf32, #tpu.memory_space<vmem>>, vector<16xf32>,
      %parallel_loop3A_58 = arith.constant 0.000000e+00 : f32
      %parallel_loop3A_59 = vector.broadcast %parallel_loop3A_58 : f32 to vector<16xf32>
      %parallel_loop3A_60 = arith.cmpf ogt, %parallel_loop3A_57, %parallel_loop3A_59 : vector<16xf32>
      %parallel_loop3A_61 = arith.constant 1.000000e+00 : f32
      %parallel_loop3A_62 = vector.broadcast %parallel_loop3A_61 : f32 to vector<16xf32>
      %parallel_loop3A_63 = arith.select %parallel_loop3A_60, %parallel_loop3A_57, %parallel_loop3A_62 : vector<16xi1>, vector<16xf32>
      %parallel_loop3A_64 = arith.constant 1.000000e+00 : f32
      %parallel_loop3A_65 = vector.broadcast %parallel_loop3A_64 : f32 to vector<16xf32>
      %parallel_loop3A_66 = arith.divf %parallel_loop3A_65, %parallel_loop3A_63 : vector<16xf32>
      %parallel_loop3A_67 = arith.index_cast %parallel_loop3A_55 : i32 to index
      %parallel_loop3A_68 = tpu.vector_load %arg9[%parallel_loop3A_67] {strides = array<i32>} : memref<10000xf32, #tpu.memory_space<vmem>>, vector<16xf32>,
      %parallel_loop3A_69 = arith.mulf %parallel_loop3A_68, %parallel_loop3A_66 : vector<16xf32>
      %parallel_loop3A_70 = arith.index_cast %parallel_loop3A_55 : i32 to index
      %parallel_loop3A_71 = tpu.vector_load %arg9[%parallel_loop3A_70] {strides = array<i32>} : memref<10000xf32, #tpu.memory_space<vmem>>, vector<16xf32>,
      tpu.vector_store %arg9[%parallel_loop3A_70], %parallel_loop3A_69 {strides = array<i32>} : memref<10000xf32, #tpu.memory_space<vmem>>, vector<16xf32>,
      %parallel_loop3A_72 = arith.index_cast %parallel_loop3A_55 : i32 to index
      %parallel_loop3A_73 = tpu.vector_load %arg10[%parallel_loop3A_72] {strides = array<i32>} : memref<10000xf32, #tpu.memory_space<vmem>>, vector<16xf32>,
      %parallel_loop3A_74 = arith.mulf %parallel_loop3A_73, %parallel_loop3A_66 : vector<16xf32>
      %parallel_loop3A_75 = arith.index_cast %parallel_loop3A_55 : i32 to index
      %parallel_loop3A_76 = tpu.vector_load %arg10[%parallel_loop3A_75] {strides = array<i32>} : memref<10000xf32, #tpu.memory_space<vmem>>, vector<16xf32>,
      tpu.vector_store %arg10[%parallel_loop3A_75], %parallel_loop3A_74 {strides = array<i32>} : memref<10000xf32, #tpu.memory_space<vmem>>, vector<16xf32>,
    } {sc.loop_unroll_factor = 5 : i64, sc.parallel_access}
    %mul3A_47 = arith.constant 2 : i32
    %mul3A_48 = arith.muli %mul3A_47, %add3A : i32
    "tpu.region"() ({
      %run_scoped3A = tpu.sem_alloc : memref<!tpu.dma_semaphore, #tpu.memory_space<semaphore_mem>>
      %dma_start3A_53 = arith.constant 0 : i32
      %dma_start3A_54 = tpu.memref_slice %arg6[%mul3A_48, %dma_start3A_53] : memref<64x10000xf32, #tpu.memory_space<hbm>> -> memref<1x10000xf32, #tpu.memory_space<hbm>>
      %dma_start3A_55 = tpu.memref_squeeze %dma_start3A_54 : memref<1x10000xf32, #tpu.memory_space<hbm>> -> memref<10000xf32, #tpu.memory_space<hbm>>
      %dma_start3A_56 = arith.constant 0 : i32
      %dma_start3A_57 = tpu.memref_slice %arg6[%mul3A_48, %dma_start3A_56] : memref<64x10000xf32, #tpu.memory_space<hbm>> -> memref<1x10000xf32, #tpu.memory_space<hbm>>
      %dma_start3A_58 = tpu.memref_squeeze %dma_start3A_57 : memref<1x10000xf32, #tpu.memory_space<hbm>> -> memref<10000xf32, #tpu.memory_space<hbm>>
      tpu.enqueue_dma source(%arg9 : memref<10000xf32, #tpu.memory_space<vmem>>) target(%dma_start3A_58 : memref<10000xf32, #tpu.memory_space<hbm>>) target_semaphore(%run_scoped3A : memref<!tpu.dma_semaphore, #tpu.memory_space<semaphore_mem>>)
      %dma_wait3A = arith.constant 0 : i32
      %dma_wait3A_59 = tpu.memref_slice %arg6[%mul3A_48, %dma_wait3A] : memref<64x10000xf32, #tpu.memory_space<hbm>> -> memref<1x10000xf32, #tpu.memory_space<hbm>>
      %dma_wait3A_60 = tpu.memref_squeeze %dma_wait3A_59 : memref<1x10000xf32, #tpu.memory_space<hbm>> -> memref<10000xf32, #tpu.memory_space<hbm>>
      %dma_wait3A_61 = arith.constant 0 : i32
      %dma_wait3A_62 = tpu.memref_slice %arg6[%mul3A_48, %dma_wait3A_61] : memref<64x10000xf32, #tpu.memory_space<hbm>> -> memref<1x10000xf32, #tpu.memory_space<hbm>>
      %dma_wait3A_63 = tpu.memref_squeeze %dma_wait3A_62 : memref<1x10000xf32, #tpu.memory_space<hbm>> -> memref<10000xf32, #tpu.memory_space<hbm>>
      tpu.wait_dma2 semaphore(%run_scoped3A : memref<!tpu.dma_semaphore, #tpu.memory_space<semaphore_mem>>) src(%arg9 : memref<10000xf32, #tpu.memory_space<vmem>>) dst(%dma_wait3A_63 : memref<10000xf32, #tpu.memory_space<hbm>>)
      tpu.yield
    }) : () -> ()
    %mul3A_49 = arith.constant 2 : i32
    %mul3A_50 = arith.muli %mul3A_49, %add3A : i32
    %add3A_51 = arith.constant 1 : i32
    %add3A_52 = arith.addi %mul3A_50, %add3A_51 : i32
    "tpu.region"() ({
      %run_scoped3A = tpu.sem_alloc : memref<!tpu.dma_semaphore, #tpu.memory_space<semaphore_mem>>
      %dma_start3A_53 = arith.constant 0 : i32
      %dma_start3A_54 = tpu.memref_slice %arg6[%add3A_52, %dma_start3A_53] : memref<64x10000xf32, #tpu.memory_space<hbm>> -> memref<1x10000xf32, #tpu.memory_space<hbm>>
      %dma_start3A_55 = tpu.memref_squeeze %dma_start3A_54 : memref<1x10000xf32, #tpu.memory_space<hbm>> -> memref<10000xf32, #tpu.memory_space<hbm>>
      %dma_start3A_56 = arith.constant 0 : i32
      %dma_start3A_57 = tpu.memref_slice %arg6[%add3A_52, %dma_start3A_56] : memref<64x10000xf32, #tpu.memory_space<hbm>> -> memref<1x10000xf32, #tpu.memory_space<hbm>>
      %dma_start3A_58 = tpu.memref_squeeze %dma_start3A_57 : memref<1x10000xf32, #tpu.memory_space<hbm>> -> memref<10000xf32, #tpu.memory_space<hbm>>
      tpu.enqueue_dma source(%arg10 : memref<10000xf32, #tpu.memory_space<vmem>>) target(%dma_start3A_58 : memref<10000xf32, #tpu.memory_space<hbm>>) target_semaphore(%run_scoped3A : memref<!tpu.dma_semaphore, #tpu.memory_space<semaphore_mem>>)
      %dma_wait3A = arith.constant 0 : i32
      %dma_wait3A_59 = tpu.memref_slice %arg6[%add3A_52, %dma_wait3A] : memref<64x10000xf32, #tpu.memory_space<hbm>> -> memref<1x10000xf32, #tpu.memory_space<hbm>>
      %dma_wait3A_60 = tpu.memref_squeeze %dma_wait3A_59 : memref<1x10000xf32, #tpu.memory_space<hbm>> -> memref<10000xf32, #tpu.memory_space<hbm>>
      %dma_wait3A_61 = arith.constant 0 : i32
      %dma_wait3A_62 = tpu.memref_slice %arg6[%add3A_52, %dma_wait3A_61] : memref<64x10000xf32, #tpu.memory_space<hbm>> -> memref<1x10000xf32, #tpu.memory_space<hbm>>
      %dma_wait3A_63 = tpu.memref_squeeze %dma_wait3A_62 : memref<1x10000xf32, #tpu.memory_space<hbm>> -> memref<10000xf32, #tpu.memory_space<hbm>>
      tpu.wait_dma2 semaphore(%run_scoped3A : memref<!tpu.dma_semaphore, #tpu.memory_space<semaphore_mem>>) src(%arg10 : memref<10000xf32, #tpu.memory_space<vmem>>) dst(%dma_wait3A_63 : memref<10000xf32, #tpu.memory_space<hbm>>)
      tpu.yield
    }) : () -> ()
    return
  }
}

module attributes {stable_mosaic.version = 14 : i64} {
  func.func @_pack_body(%arg0: i32, %arg1: memref<2x32000xi32, #tpu.memory_space<vmem>>, %arg2: memref<1x32000xi32, #tpu.memory_space<vmem>>) attributes {dimension_semantics = [#tpu.dimension_semantics<arbitrary>], iteration_bounds = array<i64: 10>, scalar_prefetch = 0 : i64, scratch_operands = 0 : i64, tpu.core_type = #tpu.core_type<tc>, window_params = [{transform_indices = @transform_0, window_bounds = array<i64: 2, 32000>}, {transform_indices = @transform_1, window_bounds = array<i64: 1, 32000>}]} {
    %get3A = arith.constant 1 : index
    %get3A_0 = arith.constant 0 : index
    %get3A_1 = vector.load %arg1[%get3A, %get3A_0] : memref<2x32000xi32, #tpu.memory_space<vmem>>, vector<1x32000xi32>
    %mul3A = arith.constant 16384 : i32
    %mul3A_2 = vector.broadcast %mul3A : i32 to vector<1x32000xi32>
    %mul3A_3 = arith.muli %get3A_1, %mul3A_2 : vector<1x32000xi32>
    %get3A_4 = arith.constant 0 : index
    %get3A_5 = arith.constant 0 : index
    %get3A_6 = vector.load %arg1[%get3A_4, %get3A_5] : memref<2x32000xi32, #tpu.memory_space<vmem>>, vector<1x32000xi32>
    %add3A = arith.addi %mul3A_3, %get3A_6 : vector<1x32000xi32>
    %swap3A = arith.constant 0 : index
    %swap3A_7 = arith.constant 0 : index
    %swap3A_8 = vector.load %arg2[%swap3A, %swap3A_7] : memref<1x32000xi32, #tpu.memory_space<vmem>>, vector<1x32000xi32>
    tpu.vector_store %arg2[%swap3A, %swap3A_7], %add3A {strides = array<i32>} : memref<1x32000xi32, #tpu.memory_space<vmem>>, vector<1x32000xi32>,
    return
  }
  func.func @transform_0(%arg0: i32) -> (i32, i32) {
    %c0_i32 = arith.constant 0 : i32
    %c0_i32_0 = arith.constant 0 : i32
    return %c0_i32, %arg0 : i32, i32
  }
  func.func @transform_1(%arg0: i32) -> (i32, i32) {
    %c0_i32 = arith.constant 0 : i32
    %c0_i32_0 = arith.constant 0 : i32
    return %c0_i32, %arg0 : i32, i32
  }
}

module attributes {stable_mosaic.version = 14 : i64} {
  func.func @_fuse_nores_body(%arg0: memref<64x10000xf32, #tpu.memory_space<vmem>>, %arg1: memref<64x64xf32, #tpu.memory_space<vmem>>, %arg2: memref<64x8xf32, #tpu.memory_space<vmem>>, %arg3: memref<64x8xf32, #tpu.memory_space<vmem>>, %arg4: memref<10000x64xf32, #tpu.memory_space<vmem>>, %arg5: memref<64x10000xf32, #tpu.memory_space<vmem>>, %arg6: memref<8x10000xf32, #tpu.memory_space<vmem>>, %arg7: memref<8x10000xf32, #tpu.memory_space<vmem>>, %arg8: memref<1x8xf32, #tpu.memory_space<vmem>>) attributes {dimension_semantics = [], scalar_prefetch = 0 : i64, scratch_operands = 0 : i64, tpu.core_type = #tpu.core_type<tc>} {
    %get3A = arith.constant 0 : index
    %get3A_0 = arith.constant 0 : index
    %get3A_1 = vector.load %arg0[%get3A, %get3A_0] : memref<64x10000xf32, #tpu.memory_space<vmem>>, vector<64x10000xf32>
    %transpose3A = tpu.transpose %get3A_1, [1, 0] : vector<64x10000xf32> -> vector<10000x64xf32>
    %gt3A = arith.constant 0.000000e+00 : f32
    %gt3A_2 = vector.broadcast %gt3A : f32 to vector<10000x64xf32>
    %gt3A_3 = arith.cmpf ogt, %transpose3A, %gt3A_2 : vector<10000x64xf32>
    %exp3A = math.exp %transpose3A : vector<10000x64xf32>
    %sub3A = arith.constant 1.000000e+00 : f32
    %sub3A_4 = vector.broadcast %sub3A : f32 to vector<10000x64xf32>
    %sub3A_5 = arith.subf %exp3A, %sub3A_4 : vector<10000x64xf32>
    %select_n3A = arith.select %gt3A_3, %transpose3A, %sub3A_5 : vector<10000x64xi1>, vector<10000x64xf32>
    %swap3A = arith.constant 0 : index
    %swap3A_6 = arith.constant 0 : index
    %swap3A_7 = vector.load %arg4[%swap3A, %swap3A_6] : memref<10000x64xf32, #tpu.memory_space<vmem>>, vector<10000x64xf32>
    tpu.vector_store %arg4[%swap3A, %swap3A_6], %select_n3A {strides = array<i32>} : memref<10000x64xf32, #tpu.memory_space<vmem>>, vector<10000x64xf32>,
    %get3A_8 = arith.constant 0 : index
    %get3A_9 = arith.constant 0 : index
    %get3A_10 = vector.load %arg1[%get3A_8, %get3A_9] : memref<64x64xf32, #tpu.memory_space<vmem>>, vector<64x64xf32>
    %transpose3A_11 = tpu.transpose %get3A_10, [1, 0] : vector<64x64xf32> -> vector<64x64xf32>
    %dot_general3A = arith.constant dense<0.000000e+00> : vector<10000x64xf32>
    %dot_general3A_12 = tpu.matmul %select_n3A, %transpose3A_11, %dot_general3A {dimension_numbers = #tpu.dot_dimension_numbers<[1], [0], [0], [1], [0, 0, 1, 1], [], []>, transpose_lhs_hint = false} : vector<10000x64xf32>, vector<64x64xf32>, vector<10000x64xf32> -> vector<10000x64xf32>
    %transpose3A_13 = tpu.transpose %dot_general3A_12, [1, 0] : vector<10000x64xf32> -> vector<64x10000xf32>
    %swap3A_14 = arith.constant 0 : index
    %swap3A_15 = arith.constant 0 : index
    %swap3A_16 = vector.load %arg5[%swap3A_14, %swap3A_15] : memref<64x10000xf32, #tpu.memory_space<vmem>>, vector<64x10000xf32>
    tpu.vector_store %arg5[%swap3A_14, %swap3A_15], %transpose3A_13 {strides = array<i32>} : memref<64x10000xf32, #tpu.memory_space<vmem>>, vector<64x10000xf32>,
    %get3A_17 = arith.constant 0 : index
    %get3A_18 = arith.constant 0 : index
    %get3A_19 = vector.load %arg2[%get3A_17, %get3A_18] : memref<64x8xf32, #tpu.memory_space<vmem>>, vector<64x8xf32>
    %dot_general3A_20 = arith.constant dense<0.000000e+00> : vector<10000x8xf32>
    %dot_general3A_21 = tpu.matmul %dot_general3A_12, %get3A_19, %dot_general3A_20 {dimension_numbers = #tpu.dot_dimension_numbers<[1], [0], [0], [1], [0, 0, 1, 1], [], []>, transpose_lhs_hint = false} : vector<10000x64xf32>, vector<64x8xf32>, vector<10000x8xf32> -> vector<10000x8xf32>
    %transpose3A_22 = tpu.transpose %dot_general3A_21, [1, 0] : vector<10000x8xf32> -> vector<8x10000xf32>
    %swap3A_23 = arith.constant 0 : index
    %swap3A_24 = arith.constant 0 : index
    %swap3A_25 = vector.load %arg6[%swap3A_23, %swap3A_24] : memref<8x10000xf32, #tpu.memory_space<vmem>>, vector<8x10000xf32>
    tpu.vector_store %arg6[%swap3A_23, %swap3A_24], %transpose3A_22 {strides = array<i32>} : memref<8x10000xf32, #tpu.memory_space<vmem>>, vector<8x10000xf32>,
    %get3A_26 = arith.constant 0 : index
    %get3A_27 = arith.constant 0 : index
    %get3A_28 = vector.load %arg3[%get3A_26, %get3A_27] : memref<64x8xf32, #tpu.memory_space<vmem>>, vector<64x8xf32>
    %dot_general3A_29 = arith.constant dense<0.000000e+00> : vector<10000x8xf32>
    %dot_general3A_30 = tpu.matmul %dot_general3A_12, %get3A_28, %dot_general3A_29 {dimension_numbers = #tpu.dot_dimension_numbers<[1], [0], [0], [1], [0, 0, 1, 1], [], []>, transpose_lhs_hint = false} : vector<10000x64xf32>, vector<64x8xf32>, vector<10000x8xf32> -> vector<10000x8xf32>
    %transpose3A_31 = tpu.transpose %dot_general3A_30, [1, 0] : vector<10000x8xf32> -> vector<8x10000xf32>
    %swap3A_32 = arith.constant 0 : index
    %swap3A_33 = arith.constant 0 : index
    %swap3A_34 = vector.load %arg7[%swap3A_32, %swap3A_33] : memref<8x10000xf32, #tpu.memory_space<vmem>>, vector<8x10000xf32>
    tpu.vector_store %arg7[%swap3A_32, %swap3A_33], %transpose3A_31 {strides = array<i32>} : memref<8x10000xf32, #tpu.memory_space<vmem>>, vector<8x10000xf32>,
    %reduce_max3A = arith.constant dense<0xFF800000> : vector<8xf32>
    %reduce_max3A_35 = vector.multi_reduction <maximumf>, %dot_general3A_30, %reduce_max3A [0] : vector<10000x8xf32> to vector<8xf32>
    %broadcast_in_dim3A = vector.shape_cast %reduce_max3A_35 : vector<8xf32> to vector<1x8xf32>
    %swap3A_36 = arith.constant 0 : index
    %swap3A_37 = arith.constant 0 : index
    %swap3A_38 = vector.load %arg8[%swap3A_36, %swap3A_37] : memref<1x8xf32, #tpu.memory_space<vmem>>, vector<1x8xf32>
    tpu.vector_store %arg8[%swap3A_36, %swap3A_37], %broadcast_in_dim3A {strides = array<i32>} : memref<1x8xf32, #tpu.memory_space<vmem>>, vector<1x8xf32>,
    return
  }
}

module attributes {stable_mosaic.version = 14 : i64} {
  func.func @_fuse_res_body(%arg0: memref<64x10000xf32, #tpu.memory_space<vmem>>, %arg1: memref<10000x64xf32, #tpu.memory_space<vmem>>, %arg2: memref<64x64xf32, #tpu.memory_space<vmem>>, %arg3: memref<64x64xf32, #tpu.memory_space<vmem>>, %arg4: memref<64x1xf32, #tpu.memory_space<vmem>>, %arg5: memref<64x1xf32, #tpu.memory_space<vmem>>, %arg6: memref<10000x64xf32, #tpu.memory_space<vmem>>, %arg7: memref<64x10000xf32, #tpu.memory_space<vmem>>, %arg8: memref<1x10000xf32, #tpu.memory_space<vmem>>, %arg9: memref<1x10000xf32, #tpu.memory_space<vmem>>, %arg10: memref<1x1xf32, #tpu.memory_space<vmem>>) attributes {dimension_semantics = [], scalar_prefetch = 0 : i64, scratch_operands = 0 : i64, tpu.core_type = #tpu.core_type<tc>} {
    %get3A = arith.constant 0 : index
    %get3A_0 = arith.constant 0 : index
    %get3A_1 = vector.load %arg0[%get3A, %get3A_0] : memref<64x10000xf32, #tpu.memory_space<vmem>>, vector<64x10000xf32>
    %transpose3A = tpu.transpose %get3A_1, [1, 0] : vector<64x10000xf32> -> vector<10000x64xf32>
    %get3A_2 = arith.constant 0 : index
    %get3A_3 = arith.constant 0 : index
    %get3A_4 = vector.load %arg1[%get3A_2, %get3A_3] : memref<10000x64xf32, #tpu.memory_space<vmem>>, vector<10000x64xf32>
    %get3A_5 = arith.constant 0 : index
    %get3A_6 = arith.constant 0 : index
    %get3A_7 = vector.load %arg2[%get3A_5, %get3A_6] : memref<64x64xf32, #tpu.memory_space<vmem>>, vector<64x64xf32>
    %transpose3A_8 = tpu.transpose %get3A_7, [1, 0] : vector<64x64xf32> -> vector<64x64xf32>
    %dot_general3A = arith.constant dense<0.000000e+00> : vector<10000x64xf32>
    %dot_general3A_9 = tpu.matmul %get3A_4, %transpose3A_8, %dot_general3A {dimension_numbers = #tpu.dot_dimension_numbers<[1], [0], [0], [1], [0, 0, 1, 1], [], []>, transpose_lhs_hint = false} : vector<10000x64xf32>, vector<64x64xf32>, vector<10000x64xf32> -> vector<10000x64xf32>
    %add3A = arith.addf %transpose3A, %dot_general3A_9 : vector<10000x64xf32>
    %gt3A = arith.constant 0.000000e+00 : f32
    %gt3A_10 = vector.broadcast %gt3A : f32 to vector<10000x64xf32>
    %gt3A_11 = arith.cmpf ogt, %add3A, %gt3A_10 : vector<10000x64xf32>
    %exp3A = math.exp %add3A : vector<10000x64xf32>
    %sub3A = arith.constant 1.000000e+00 : f32
    %sub3A_12 = vector.broadcast %sub3A : f32 to vector<10000x64xf32>
    %sub3A_13 = arith.subf %exp3A, %sub3A_12 : vector<10000x64xf32>
    %select_n3A = arith.select %gt3A_11, %add3A, %sub3A_13 : vector<10000x64xi1>, vector<10000x64xf32>
    %swap3A = arith.constant 0 : index
    %swap3A_14 = arith.constant 0 : index
    %swap3A_15 = vector.load %arg6[%swap3A, %swap3A_14] : memref<10000x64xf32, #tpu.memory_space<vmem>>, vector<10000x64xf32>
    tpu.vector_store %arg6[%swap3A, %swap3A_14], %select_n3A {strides = array<i32>} : memref<10000x64xf32, #tpu.memory_space<vmem>>, vector<10000x64xf32>,
    %get3A_16 = arith.constant 0 : index
    %get3A_17 = arith.constant 0 : index
    %get3A_18 = vector.load %arg3[%get3A_16, %get3A_17] : memref<64x64xf32, #tpu.memory_space<vmem>>, vector<64x64xf32>
    %transpose3A_19 = tpu.transpose %get3A_18, [1, 0] : vector<64x64xf32> -> vector<64x64xf32>
    %dot_general3A_20 = arith.constant dense<0.000000e+00> : vector<10000x64xf32>
    %dot_general3A_21 = tpu.matmul %select_n3A, %transpose3A_19, %dot_general3A_20 {dimension_numbers = #tpu.dot_dimension_numbers<[1], [0], [0], [1], [0, 0, 1, 1], [], []>, transpose_lhs_hint = false} : vector<10000x64xf32>, vector<64x64xf32>, vector<10000x64xf32> -> vector<10000x64xf32>
    %transpose3A_22 = tpu.transpose %dot_general3A_21, [1, 0] : vector<10000x64xf32> -> vector<64x10000xf32>
    %swap3A_23 = arith.constant 0 : index
    %swap3A_24 = arith.constant 0 : index
    %swap3A_25 = vector.load %arg7[%swap3A_23, %swap3A_24] : memref<64x10000xf32, #tpu.memory_space<vmem>>, vector<64x10000xf32>
    tpu.vector_store %arg7[%swap3A_23, %swap3A_24], %transpose3A_22 {strides = array<i32>} : memref<64x10000xf32, #tpu.memory_space<vmem>>, vector<64x10000xf32>,
    %get3A_26 = arith.constant 0 : index
    %get3A_27 = arith.constant 0 : index
    %get3A_28 = vector.load %arg4[%get3A_26, %get3A_27] : memref<64x1xf32, #tpu.memory_space<vmem>>, vector<64x1xf32>
    %dot_general3A_29 = arith.constant dense<0.000000e+00> : vector<10000x1xf32>
    %dot_general3A_30 = tpu.matmul %dot_general3A_21, %get3A_28, %dot_general3A_29 {dimension_numbers = #tpu.dot_dimension_numbers<[1], [0], [0], [1], [0, 0, 1, 1], [], []>, transpose_lhs_hint = false} : vector<10000x64xf32>, vector<64x1xf32>, vector<10000x1xf32> -> vector<10000x1xf32>
    %transpose3A_31 = tpu.transpose %dot_general3A_30, [1, 0] : vector<10000x1xf32> -> vector<1x10000xf32>
    %swap3A_32 = arith.constant 0 : index
    %swap3A_33 = arith.constant 0 : index
    %swap3A_34 = vector.load %arg8[%swap3A_32, %swap3A_33] : memref<1x10000xf32, #tpu.memory_space<vmem>>, vector<1x10000xf32>
    tpu.vector_store %arg8[%swap3A_32, %swap3A_33], %transpose3A_31 {strides = array<i32>} : memref<1x10000xf32, #tpu.memory_space<vmem>>, vector<1x10000xf32>,
    %get3A_35 = arith.constant 0 : index
    %get3A_36 = arith.constant 0 : index
    %get3A_37 = vector.load %arg5[%get3A_35, %get3A_36] : memref<64x1xf32, #tpu.memory_space<vmem>>, vector<64x1xf32>
    %dot_general3A_38 = arith.constant dense<0.000000e+00> : vector<10000x1xf32>
    %dot_general3A_39 = tpu.matmul %dot_general3A_21, %get3A_37, %dot_general3A_38 {dimension_numbers = #tpu.dot_dimension_numbers<[1], [0], [0], [1], [0, 0, 1, 1], [], []>, transpose_lhs_hint = false} : vector<10000x64xf32>, vector<64x1xf32>, vector<10000x1xf32> -> vector<10000x1xf32>
    %transpose3A_40 = tpu.transpose %dot_general3A_39, [1, 0] : vector<10000x1xf32> -> vector<1x10000xf32>
    %swap3A_41 = arith.constant 0 : index
    %swap3A_42 = arith.constant 0 : index
    %swap3A_43 = vector.load %arg9[%swap3A_41, %swap3A_42] : memref<1x10000xf32, #tpu.memory_space<vmem>>, vector<1x10000xf32>
    tpu.vector_store %arg9[%swap3A_41, %swap3A_42], %transpose3A_40 {strides = array<i32>} : memref<1x10000xf32, #tpu.memory_space<vmem>>, vector<1x10000xf32>,
    %reduce_max3A = arith.constant dense<0xFF800000> : vector<1xf32>
    %reduce_max3A_44 = vector.multi_reduction <maximumf>, %dot_general3A_39, %reduce_max3A [0] : vector<10000x1xf32> to vector<1xf32>
    %broadcast_in_dim3A = vector.shape_cast %reduce_max3A_44 : vector<1xf32> to vector<1x1xf32>
    %swap3A_45 = arith.constant 0 : index
    %swap3A_46 = arith.constant 0 : index
    %swap3A_47 = vector.load %arg10[%swap3A_45, %swap3A_46] : memref<1x1xf32, #tpu.memory_space<vmem>>, vector<1x1xf32>
    tpu.vector_store %arg10[%swap3A_45, %swap3A_46], %broadcast_in_dim3A {strides = array<i32>} : memref<1x1xf32, #tpu.memory_space<vmem>>, vector<1x1xf32>,
    return
  }
}

module attributes {stable_mosaic.version = 14 : i64} {
  func.func @_prepare_body(%arg0: memref<10000x128xf32, #tpu.memory_space<vmem>>, %arg1: memref<64x128xf32, #tpu.memory_space<vmem>>, %arg2: memref<64x8xf32, #tpu.memory_space<vmem>>, %arg3: memref<64x8xf32, #tpu.memory_space<vmem>>, %arg4: memref<64x10000xf32, #tpu.memory_space<vmem>>, %arg5: memref<8x10000xf32, #tpu.memory_space<vmem>>, %arg6: memref<8x10000xf32, #tpu.memory_space<vmem>>, %arg7: memref<1x8xf32, #tpu.memory_space<vmem>>) attributes {dimension_semantics = [], scalar_prefetch = 0 : i64, scratch_operands = 0 : i64, tpu.core_type = #tpu.core_type<tc>} {
    %get3A = arith.constant 0 : index
    %get3A_0 = arith.constant 0 : index
    %get3A_1 = vector.load %arg0[%get3A, %get3A_0] : memref<10000x128xf32, #tpu.memory_space<vmem>>, vector<10000x128xf32>
    %get3A_2 = arith.constant 0 : index
    %get3A_3 = arith.constant 0 : index
    %get3A_4 = vector.load %arg1[%get3A_2, %get3A_3] : memref<64x128xf32, #tpu.memory_space<vmem>>, vector<64x128xf32>
    %transpose3A = tpu.transpose %get3A_4, [1, 0] : vector<64x128xf32> -> vector<128x64xf32>
    %dot_general3A = arith.constant dense<0.000000e+00> : vector<10000x64xf32>
    %dot_general3A_5 = tpu.matmul %get3A_1, %transpose3A, %dot_general3A {dimension_numbers = #tpu.dot_dimension_numbers<[1], [0], [0], [1], [0, 0, 1, 1], [], []>, transpose_lhs_hint = false} : vector<10000x128xf32>, vector<128x64xf32>, vector<10000x64xf32> -> vector<10000x64xf32>
    %transpose3A_6 = tpu.transpose %dot_general3A_5, [1, 0] : vector<10000x64xf32> -> vector<64x10000xf32>
    %swap3A = arith.constant 0 : index
    %swap3A_7 = arith.constant 0 : index
    %swap3A_8 = vector.load %arg4[%swap3A, %swap3A_7] : memref<64x10000xf32, #tpu.memory_space<vmem>>, vector<64x10000xf32>
    tpu.vector_store %arg4[%swap3A, %swap3A_7], %transpose3A_6 {strides = array<i32>} : memref<64x10000xf32, #tpu.memory_space<vmem>>, vector<64x10000xf32>,
    %get3A_9 = arith.constant 0 : index
    %get3A_10 = arith.constant 0 : index
    %get3A_11 = vector.load %arg2[%get3A_9, %get3A_10] : memref<64x8xf32, #tpu.memory_space<vmem>>, vector<64x8xf32>
    %dot_general3A_12 = arith.constant dense<0.000000e+00> : vector<10000x8xf32>
    %dot_general3A_13 = tpu.matmul %dot_general3A_5, %get3A_11, %dot_general3A_12 {dimension_numbers = #tpu.dot_dimension_numbers<[1], [0], [0], [1], [0, 0, 1, 1], [], []>, transpose_lhs_hint = false} : vector<10000x64xf32>, vector<64x8xf32>, vector<10000x8xf32> -> vector<10000x8xf32>
    %transpose3A_14 = tpu.transpose %dot_general3A_13, [1, 0] : vector<10000x8xf32> -> vector<8x10000xf32>
    %swap3A_15 = arith.constant 0 : index
    %swap3A_16 = arith.constant 0 : index
    %swap3A_17 = vector.load %arg5[%swap3A_15, %swap3A_16] : memref<8x10000xf32, #tpu.memory_space<vmem>>, vector<8x10000xf32>
    tpu.vector_store %arg5[%swap3A_15, %swap3A_16], %transpose3A_14 {strides = array<i32>} : memref<8x10000xf32, #tpu.memory_space<vmem>>, vector<8x10000xf32>,
    %get3A_18 = arith.constant 0 : index
    %get3A_19 = arith.constant 0 : index
    %get3A_20 = vector.load %arg3[%get3A_18, %get3A_19] : memref<64x8xf32, #tpu.memory_space<vmem>>, vector<64x8xf32>
    %dot_general3A_21 = arith.constant dense<0.000000e+00> : vector<10000x8xf32>
    %dot_general3A_22 = tpu.matmul %dot_general3A_5, %get3A_20, %dot_general3A_21 {dimension_numbers = #tpu.dot_dimension_numbers<[1], [0], [0], [1], [0, 0, 1, 1], [], []>, transpose_lhs_hint = false} : vector<10000x64xf32>, vector<64x8xf32>, vector<10000x8xf32> -> vector<10000x8xf32>
    %transpose3A_23 = tpu.transpose %dot_general3A_22, [1, 0] : vector<10000x8xf32> -> vector<8x10000xf32>
    %swap3A_24 = arith.constant 0 : index
    %swap3A_25 = arith.constant 0 : index
    %swap3A_26 = vector.load %arg6[%swap3A_24, %swap3A_25] : memref<8x10000xf32, #tpu.memory_space<vmem>>, vector<8x10000xf32>
    tpu.vector_store %arg6[%swap3A_24, %swap3A_25], %transpose3A_23 {strides = array<i32>} : memref<8x10000xf32, #tpu.memory_space<vmem>>, vector<8x10000xf32>,
    %reduce_max3A = arith.constant dense<0xFF800000> : vector<8xf32>
    %reduce_max3A_27 = vector.multi_reduction <maximumf>, %dot_general3A_22, %reduce_max3A [0] : vector<10000x8xf32> to vector<8xf32>
    %broadcast_in_dim3A = vector.shape_cast %reduce_max3A_27 : vector<8xf32> to vector<1x8xf32>
    %swap3A_28 = arith.constant 0 : index
    %swap3A_29 = arith.constant 0 : index
    %swap3A_30 = vector.load %arg7[%swap3A_28, %swap3A_29] : memref<1x8xf32, #tpu.memory_space<vmem>>, vector<1x8xf32>
    tpu.vector_store %arg7[%swap3A_28, %swap3A_29], %broadcast_in_dim3A {strides = array<i32>} : memref<1x8xf32, #tpu.memory_space<vmem>>, vector<1x8xf32>,
    return
  }
}

module attributes {stable_mosaic.version = 14 : i64} {
  func.func @_denprep_body(%arg0: memref<32x10000xf32, #tpu.memory_space<vmem>>, %arg1: memref<1x10000xf32, #tpu.memory_space<vmem>>) attributes {dimension_semantics = [], scalar_prefetch = 0 : i64, scratch_operands = 0 : i64, tpu.core_type = #tpu.core_type<tc>} {
    %get3A = arith.constant 0 : index
    %get3A_0 = arith.constant 0 : index
    %get3A_1 = vector.load %arg0[%get3A, %get3A_0] : memref<32x10000xf32, #tpu.memory_space<vmem>>, vector<32x10000xf32>
    %reshape3A = vector.shape_cast %get3A_1 : vector<32x10000xf32> to vector<1x32x10000xf32>
    %reduce_sum3A = arith.constant dense<0.000000e+00> : vector<1x10000xf32>
    %reduce_sum3A_2 = vector.multi_reduction <add>, %reshape3A, %reduce_sum3A [1] : vector<1x32x10000xf32> to vector<1x10000xf32>
    %swap3A = arith.constant 0 : index
    %swap3A_3 = arith.constant 0 : index
    %swap3A_4 = vector.load %arg1[%swap3A, %swap3A_3] : memref<1x10000xf32, #tpu.memory_space<vmem>>, vector<1x10000xf32>
    tpu.vector_store %arg1[%swap3A, %swap3A_3], %reduce_sum3A_2 {strides = array<i32>} : memref<1x10000xf32, #tpu.memory_space<vmem>>, vector<1x10000xf32>,
    return
  }
}

module attributes {stable_mosaic.version = 14 : i64} {
  func.func @_finalize_res_body(%arg0: memref<64x10000xf32, #tpu.memory_space<vmem>>, %arg1: memref<10000x64xf32, #tpu.memory_space<vmem>>, %arg2: memref<64x64xf32, #tpu.memory_space<vmem>>, %arg3: memref<10000x64xf32, #tpu.memory_space<vmem>>) attributes {dimension_semantics = [], scalar_prefetch = 0 : i64, scratch_operands = 0 : i64, tpu.core_type = #tpu.core_type<tc>} {
    %get3A = arith.constant 0 : index
    %get3A_0 = arith.constant 0 : index
    %get3A_1 = vector.load %arg0[%get3A, %get3A_0] : memref<64x10000xf32, #tpu.memory_space<vmem>>, vector<64x10000xf32>
    %transpose3A = tpu.transpose %get3A_1, [1, 0] : vector<64x10000xf32> -> vector<10000x64xf32>
    %get3A_2 = arith.constant 0 : index
    %get3A_3 = arith.constant 0 : index
    %get3A_4 = vector.load %arg1[%get3A_2, %get3A_3] : memref<10000x64xf32, #tpu.memory_space<vmem>>, vector<10000x64xf32>
    %get3A_5 = arith.constant 0 : index
    %get3A_6 = arith.constant 0 : index
    %get3A_7 = vector.load %arg2[%get3A_5, %get3A_6] : memref<64x64xf32, #tpu.memory_space<vmem>>, vector<64x64xf32>
    %transpose3A_8 = tpu.transpose %get3A_7, [1, 0] : vector<64x64xf32> -> vector<64x64xf32>
    %dot_general3A = arith.constant dense<0.000000e+00> : vector<10000x64xf32>
    %dot_general3A_9 = tpu.matmul %get3A_4, %transpose3A_8, %dot_general3A {dimension_numbers = #tpu.dot_dimension_numbers<[1], [0], [0], [1], [0, 0, 1, 1], [], []>, transpose_lhs_hint = false} : vector<10000x64xf32>, vector<64x64xf32>, vector<10000x64xf32> -> vector<10000x64xf32>
    %add3A = arith.addf %transpose3A, %dot_general3A_9 : vector<10000x64xf32>
    %gt3A = arith.constant 0.000000e+00 : f32
    %gt3A_10 = vector.broadcast %gt3A : f32 to vector<10000x64xf32>
    %gt3A_11 = arith.cmpf ogt, %add3A, %gt3A_10 : vector<10000x64xf32>
    %exp3A = math.exp %add3A : vector<10000x64xf32>
    %sub3A = arith.constant 1.000000e+00 : f32
    %sub3A_12 = vector.broadcast %sub3A : f32 to vector<10000x64xf32>
    %sub3A_13 = arith.subf %exp3A, %sub3A_12 : vector<10000x64xf32>
    %select_n3A = arith.select %gt3A_11, %add3A, %sub3A_13 : vector<10000x64xi1>, vector<10000x64xf32>
    %swap3A = arith.constant 0 : index
    %swap3A_14 = arith.constant 0 : index
    %swap3A_15 = vector.load %arg3[%swap3A, %swap3A_14] : memref<10000x64xf32, #tpu.memory_space<vmem>>, vector<10000x64xf32>
    tpu.vector_store %arg3[%swap3A, %swap3A_14], %select_n3A {strides = array<i32>} : memref<10000x64xf32, #tpu.memory_space<vmem>>, vector<10000x64xf32>,
    return
  }
}

</mosaic_0001>

<sc_bundles>
// kernel: kernel.14.cloned.1.call-start
scs
__scs_entry_jumppad:
0x0: {  	(pc) =	sbr.rel $0x88, $3  }
0x1: {  	(tag) =	ssettag $0x0;
	lr =	simm.s32 $0x1  }
0x2: {  	[smem:$0x3F94] =	sst lr;
	_ =	strace $0xD0000000  }
0x3: {  	_ = 	snop  }
0x4: {  	_ = 	snop  }
0x5: {  	_ = 	snop  }
0x6: {  	_ = 	snop  }
0x7: {  	_ = 	snop  }
__scs_overlays_trampoline_lowered:
0x8: {  	[smem:$0x3FA3] =	sst s0  }
0x9: {  	[smem:$0x3FA4] =	sst s1  }
0xa: {  	[smem:$0x3FA5] =	sst s2  }
0xb: {  	[smem:$0x3FA6] =	sst s3  }
0xc: {  	[smem:$0x3FA7] =	sst s4  }
0xd: {  	[smem:$0x3FA8] =	sst s5  }
0xe: {  	[smem:$0x3FA9] =	sst s6  }
0xf: {  	[smem:$0x3FAA] =	sst s7  }
0x10: {  	[smem:$0x3FAB] =	sst s8  }
0x11: {  	[smem:$0x3FAC] =	sst s9;
	s0 =	simm.s32 @!p0 $0x0  }
0x12: {  	s1 =	sld [smem:$0x3F92];
	s0 =	simm.s32 @p0 $0x1  }
0x13: {  	[smem:$0x3FAD] =	sst s0;
	s0 =	simm.s32 @!p1 $0x0  }
0x14: {  	s2 =	sld [smem:$0x3F91];
	s0 =	simm.s32 @p1 $0x1  }
0x15: {  	[smem:$0x3FAE] =	sst s0;
	s0 =	simm.s32 @!p2 $0x0  }
0x16: {  	s3 =	sld [smem:$0x3FDB];
	s0 =	simm.s32 @p2 $0x1  }
0x17: {  	s4 =	simm.s32 $0x1BF5;
	[smem:$0x3FB0] =	sst s0  }
0x18: {  	s0 =	sld [smem:$0x3F93];
	_ =	swait.ge [sflag:s4], $0x0  }
0x19: {  	s7 =	sld [smem:$0x3F94]  }
0x1a: {  	s8 =	sadd.s32 $0xFFFFE003, lr  }
0x1b: {  	s9 =	sadd.s32 $0xFFFFFEF7, lr;
	s5 =	simm.s32 $0xFFFFFFFF;
	p2 =	slt.u32 s8, $0xFFFFF086  }
0x1c: {  	p1 =	slt.u32 s9, $0xF7A;
	s5 =	simm.s32 @!p2 $0x0  }
0x1d: {  	s5 =	simm.s32 @p1 $0x1;
	p0 =	seq.s32 s7, s2  }
0x1e: {  	s7 =	smul.u32 @!p0 $0xF7A, s2;
	p2 =	seq.s32 @!p0 s5, $0x0  }
0x1f: {  	s9 =	smul.u32 $0xF7A, s1;
	s8 =	simm.s32 @!p0 $0x1BF5;
	p2 =	por !p2, p0  }
0x20: {  	[sflag:s8] =	ssyncset.s32 @!p0 $0xFFFFF086;
	s6 =	sadd.s32 @!p0 s3, s7;
	s7 =	simm.s32 @!p0 $0x108  }
0x21: {  	s3 =	sadd.s32 s3, s9;
	s6 =	sadd.s32 @!p0 $0x88, s6;
	s7 =	simm.s32 @p2 $0x1082  }
0x22: {  	[simem:s7], [sflag:s8] =	dma.local @!p0 [hbm:s6], $0xF7A  }
0x23: {  	s9 =	sor.u32 $0xD0000000, s2;
	s6 =	simm.s32 $0x108;
	_ =	swait.ge @!p0 [sflag:s8], $0x0  }
0x24: {  	s3 =	sadd.s32 $0x88, s3;
	s6 =	simm.s32 @!p1 $0x1082;
	[sflag:s4] =	ssyncset.s32 $0xFFFFF086  }
0x25: {  	[simem:s6], [sflag:s4] =	dma.local [hbm:s3], $0xF7A  }
0x26: {  	[smem:$0x3F94] =	sst s1;
	(tag) =	ssettag s2;
	_ =	strace s9  }
0x27: {  	s1 =	sld [smem:$0x3FA4]  }
0x28: {  	s2 =	sld [smem:$0x3FA5]  }
0x29: {  	s4 =	sld [smem:$0x3FA7]  }
0x2a: {  	p0 =	seq.s32 s5, $0x0;
	s5 =	sld [smem:$0x3FA8]  }
0x2b: {  	s6 =	sld [smem:$0x3FA9]  }
0x2c: {  	s7 =	sld [smem:$0x3FAA]  }
0x2d: {  	s3 =	simm.s32 $0x108;
	s8 =	sld [smem:$0x3FAB]  }
0x2e: {  	s3 =	simm.s32 @!p0 $0x1082;
	s9 =	sld [smem:$0x3FAC]  }
0x2f: {  	lr =	sadd.s32 s0, s3;
	s0 =	sld [smem:$0x3FA3]  }
0x30: {  	s3 =	sld [smem:$0x3FA6]  }
0x31: {  	[smem:$0x3FAF] =	sst s10  }
0x32: {  	s10 =	sld [smem:$0x3FAD];
	_ =	sdelay $0x3  }
0x33: {  	p0 =	seq.s32 s10, $0x1;
	s10 =	sld [smem:$0x3FAF];
	_ =	sdelay $0x3  }
0x34: {  	[smem:$0x3FAF] =	sst s10  }
0x35: {  	s10 =	sld [smem:$0x3FAE];
	_ =	sdelay $0x3  }
0x36: {  	p1 =	seq.s32 s10, $0x1;
	s10 =	sld [smem:$0x3FAF];
	_ =	sdelay $0x3  }
0x37: {  	[smem:$0x3FAF] =	sst s10  }
0x38: {  	s10 =	sld [smem:$0x3FB0]  }
0x39: {  	_ = 	snop;
	(pc) =	sbr.ind lr, $3  }
0x3a: {  	_ = 	snop  }
0x3b: {  	_ = 	snop  }
0x3c: {  	p2 =	seq.s32 s10, $0x1;
	s10 =	sld [smem:$0x3FAF]  }
0x3d: {  	_ =	shalt  }
0x3e: {  	_ =	shalt  }
0x3f: {  	_ =	shalt  }
0x40: {  	_ =	shalt  }
0x41: {  	_ =	shalt  }
0x42: {  	_ =	shalt  }
0x43: {  	_ =	shalt  }
0x44: {  	_ =	shalt  }
0x45: {  	_ =	shalt  }
0x46: {  	_ =	shalt  }
0x47: {  	_ =	shalt  }
0x48: {  	_ =	shalt  }
0x49: {  	_ =	shalt  }
0x4a: {  	_ =	shalt  }
0x4b: {  	_ =	shalt  }
0x4c: {  	_ =	shalt  }
0x4d: {  	_ =	shalt  }
0x4e: {  	_ =	shalt  }
0x4f: {  	_ =	shalt  }
0x50: {  	_ =	shalt  }
0x51: {  	_ =	shalt  }
0x52: {  	_ =	shalt  }
0x53: {  	_ =	shalt  }
0x54: {  	_ =	shalt  }
0x55: {  	_ =	shalt  }
0x56: {  	_ =	shalt  }
0x57: {  	_ =	shalt  }
0x58: {  	_ =	shalt  }
0x59: {  	_ =	shalt  }
0x5a: {  	_ =	shalt  }
0x5b: {  	_ =	shalt  }
0x5c: {  	_ =	shalt  }
0x5d: {  	_ =	shalt  }
0x5e: {  	_ =	shalt  }
0x5f: {  	_ =	shalt  }
0x60: {  	_ =	shalt  }
0x61: {  	_ =	shalt  }
0x62: {  	_ =	shalt  }
0x63: {  	_ =	shalt  }
0x64: {  	_ =	shalt  }
0x65: {  	_ =	shalt  }
0x66: {  	_ =	shalt  }
0x67: {  	_ =	shalt  }
0x68: {  	_ =	shalt  }
0x69: {  	_ =	shalt  }
0x6a: {  	_ =	shalt  }
0x6b: {  	_ =	shalt  }
0x6c: {  	_ =	shalt  }
0x6d: {  	_ =	shalt  }
0x6e: {  	_ =	shalt  }
0x6f: {  	_ =	shalt  }
0x70: {  	_ =	shalt  }
0x71: {  	_ =	shalt  }
0x72: {  	_ =	shalt  }
0x73: {  	_ =	shalt  }
0x74: {  	_ =	shalt  }
0x75: {  	_ =	shalt  }
0x76: {  	_ =	shalt  }
0x77: {  	_ =	shalt  }
0x78: {  	_ =	shalt  }
0x79: {  	_ =	shalt  }
0x7a: {  	_ =	shalt  }
0x7b: {  	_ =	shalt  }
0x7c: {  	_ =	shalt  }
0x7d: {  	_ =	shalt  }
0x7e: {  	_ =	shalt  }
0x7f: {  	_ =	shalt  }
0x80: {  	_ =	shalt  }
0x81: {  	_ =	shalt  }
0x82: {  	_ =	shalt  }
0x83: {  	_ =	shalt  }
0x84: {  	_ =	shalt  }
0x85: {  	_ =	shalt  }
0x86: {  	_ =	shalt  }
0x87: {  	_ =	shalt  }
.Lfunc_end0:
.L_simem_size_0:
called_computation_lowered:
.L_overlay_start_0:
0x88: {  	s2 =	sld [smem:$0x3FD9]  }
0x89: {  	s3 =	sld [smem:$0x3FFE];
	_ =	sdelay $0x1  }
0x8a: {  	s1 =	srdreg.scid  }
0x8b: {  	s0 =	sand.u32 $0x1, s1  }
0x8c: {  	s16 =	sshll.u32 s0, $0xA;
	s2 =	sadd.s32 s3, s2  }
0x8d: {  	s2 =	sadd.s32 s2, s16  }
0x8e: {  	[smem:$0x3FBB] =	sst s2  }
0x8f: {  	_ = 	snop  }
0x90: {  	(tm) =	ssettm $0x1  }
0x91: {  	s17 =	sld [smem:$0x3FFB];
	_ =	sdelay $0x3  }
0x92: {  	_ =	strace s17  }
0x93: {  	s2 =	sld [smem:$0x3FFC];
	_ =	sdelay $0x3  }
0x94: {  	_ =	strace s2  }
0x95: {  	s2 =	sld [smem:$0x3FFD];
	_ =	sdelay $0x3  }
0x96: {  	_ =	strace s2  }
0x97: {  	_ =	strace $0x8FFFFFFF  }
0x98: {  	s18 =	sld [smem:$0x3FDB];
	_ =	sdelay $0x1  }
0x99: {  	s19 =	simm.s32 $_scs_section_size  }
0x9a: {  	s4 =	simm.s32 $_size__tile_overlayer_lowered;
	s5 =	simm.s32 $_tile_overlayer_lowered  }
0x9b: {  	s22 =	simm.s32 $0x1BFF;
	s21 =	sshll.u32 s5, $0x1;
	s2 =	sadd.s32 s19, s18  }
0x9c: {  	s6 =	simm.s32 $0x0;
	s20 =	sshll.u32 s4, $0x1;
	s4 =	sadd.s32 s21, s2  }
0x9d: {  	[timem:s6], [sflag:s22] =	dma.local [hbm:s4], s20  }
0x9e: {  	_ =	swait.ge [sflag:s22], s20  }
0x9f: {  	s3 =	ssub.s32 $0x0, s20;
	[sflag:s22] =	ssyncset.done $0x0  }
0xa0: {  	[sflag:s22] =	ssyncadd.s32 s3;
	_ =	sdelay $0x1  }
0xa1: {  	s23 =	simm.s32 $0x1B8B  }
0xa2: {  	_ =	swait.ge [sflag:s23], $0x1  }
0xa3: {  	[sflag:s23] =	ssyncset.done $0x0  }
0xa4: {  	s25 =	simm.s32 $0x1B8E;
	s24 =	sld [smem:$0x3FFE];
	[sflag:s23] =	ssyncadd.s32 $0xFFFFFFFF  }
0xa5: {  	s26 =	simm.s32 $execute0_lowered;
	[smem:$0x3FD2] =	sst s25  }
0xa6: {  	s4 =	sshll.u32 s26, $0x1;
	_ =	strace $0x80000046;
	[dreg:$0x1] =	wrdreg $0xFFFFFFFF  }
0xa7: {  	s28 =	simm.s32 $_size_execute0_lowered;
	s2 =	sadd.s32 s2, s4;
	[dreg:$0x0] =	wrdreg $0x0  }
0xa8: {  	s4 =	sshll.u32 s28, $0x1;
	[dreg:$0x2] =	wrdreg s2  }
0xa9: {  	[dreg:$0x3] =	wrdreg s4  }
0xaa: {  	[dreg:$0x4] =	wrdreg $0xC0  }
0xab: {  	_ =	task [dreg:s6], $0x5FFFF  }
0xac: {  	[dreg:$0x1] =	wrdreg $0xFFFFFFFF  }
0xad: {  	[dreg:$0x0] =	wrdreg $0x60  }
0xae: {  	[dreg:$0x2] =	wrdreg s24  }
0xaf: {  	[dreg:$0x3] =	wrdreg $0x9  }
0xb0: {  	_ =	task.clear_ibuf [dreg:s6], $0x4FFFF;
	_ =	strace $0x90000046  }
0xb1: {  	s29 =	simm.s32 $0x9;
	_ =	strace $0x80000048  }
0xb2: {  	_ =	swait.ge [sflag:s29], $0x1  }
0xb3: {  	[sflag:s29] =	ssyncadd.s32 $0xFFFFFFFF  }
0xb4: {  	_ =	strace $0x90000048  }
0xb5: {  	_ =	sfence  }
0xb6: {  	s30 =	sld [smem:$0x0];
	_ =	sdelay $0x2  }
0xb7: {  	s31 =	sshll.u32 s1, $0xD;
	s1 =	sshrl.u32 s1, $0x2  }
0xb8: {  	s3 =	sand.u32 $0x4000, s31;
	s1 =	sadd.s32 s1, s30  }
0xb9: {  	s0 =	sor.u32 s3, s0;
	s1 =	sshll.u32 s1, $0x11  }
0xba: {  	s0 =	sor.u32 s1, s0  }
0xbb: {  	s0 =	sadd.s32 $0x8F2B, s0  }
0xbc: {  	[sflag:s0] =	ssyncadd.remote.s32 $0x1  }
0xbd: {  	_ =	sfence.sel $0xFFFF  }
0xbe: {  	[dreg:$0x0] =	wrdreg $0xFFFFFFFF;
	(pc) =	sbr.abs _section_cstart, $3  }
0xbf: {  	[dreg:$0x1] =	wrdreg $0xFFFFFFFF  }
0xc0: {  	_ =	task.clear_ibuf [dreg:s6], $0x2FFFF;
	_ =	strace $0x9FFFFFFF  }
0xc1: {  	(tm) =	ssettm $0x7FFFFFFF  }
tec
execute0_lowered:
.L_overlay_start_1:
0x0: {  	(tag) =	ssettag $0x1  }
0x1: {  	s0 =	rddreg [dreg:$0x0]  }
0x2: {  	s2 =	simm.s32 $0x0;
	s3 =	stileid.u32;
	s1 =	srdreg.scid  }
0x3: {  	s17 =	simm.s32 $0x5;
	s18 =	simm.s32 $0x2780;
	s20 =	simm.s32 $0x7700  }
0x4: {  	s21 =	simm.s32 $0x9680;
	s22 =	simm.s32 $0x1;
	s23 =	simm.s32 $0x4F80  }
0x5: {  	s28 =	simm.s32 $0xD580;
	s29 =	simm.s32 $0x3;
	s30 =	simm.s32 $0x0  }
0x6: {  	[smem:$0x7FF] =	sst s2;
	s5 =	sshrl.u32 s3, $0x1;
	s1 =	sand.u32 $0x1, s1  }
0x7: {  	s3 =	sshll.u32 s3, $0x1;
	_ =	strace $0x80000047;
	s4 =	sshll.u32 s5, $0x4  }
0x8: {  	s6 =	sor.u32 s1, s3;
	s3 =	sadd.s32 $0x3E00, s0;
	s1 =	ssub.s32 $0x2, s1  }
0x9: {  	s7 =	sadd.s32 s4, s0;
	s8 =	smul.u32 $0x4E2, s6;
	s6 =	sand.u32 $0x3, s6  }
0xa: {  	s4 =	sadd.s32 $0x12E00, s0;
	s24 =	sshrl.u32 s1, $0x1;
	s12 =	smul.u32 $0x13880, s6  }
0xb: {  	s1 =	ssub.s32 s1, s24;
	s25 =	sadd.s32 $0xDC00, s7;
	s6 =	smul.u32 $0x4E200, s5  }
0xc: {  	s26 =	sadd.s32 $0x10400, s7;
	s24 =	simm.s32 $0xB600;
	[dreg:$0x2] =	wrdreg s25  }
0xd: {  	s0 =	sadd.s32 s8, s0;
	[dreg:$0x3] =	wrdreg s26;
	s8 =	sadd.s32 $0x12C00, s7  }
0xe: {  	s14 =	smax.u32 s1, $0x1;
	s25 =	simm.s32 $0x2;
	s26 =	simm.s32 $0x4  }
0xf: {  	s31 =	sshrl.u32 s12, $0x3;
	s10 =	sadd.s32 $0x1F40, s12;
	s11 =	sadd.s32 s6, s12  }
0x10: {  	v0 =	vimm.f32 $0.0e+00;
	s12 =	sadd.s32 $0x3E80, s12;
	s13 =	sadd.s32 $0x61000, s0;
	s9 =	sadd.s32 s3, s31  }
.LBB2_1:
0x11: {  	s0 =	rddreg [dreg:$0x2];
	s1 =	simm.s32 $0x80;
	s5 =	simm.s32 $0x400  }
0x12: {  	[tilespmem:s2], [sflag:$0x5] =	stream.strided.gather [hbm4b:s0+s1], $0x2780, s5, s1, $0x38;
	[tilespmem:$0xF500] =	vst v63  }
0x13: {  	_ =	swait.ge [sflag:s17], $0x2780  }
0x14: {  	[sflag:s17] =	ssyncset.done $0x0  }
0x15: {  	s19 =	rddreg [dreg:$0x3];
	[sflag:s17] =	ssyncadd.s32 $0xFFFFD880  }
0x16: {  	[tilespmem:s18], [sflag:$0x5] =	stream.strided.gather [hbm4b:s19+s1], $0x2780, s5, s1, $0x38;
	[tilespmem:$0xF500] =	vst v63  }
0x17: {  	_ =	swait.ge [sflag:s17], $0x2780  }
0x18: {  	[sflag:s17] =	ssyncset.done $0x0  }
0x19: {  	s31 =	simm.s32 $0x4F00;
	[sflag:s17] =	ssyncadd.s32 $0xFFFFD880  }
0x1a: {  	[tilespmem:s31], [sflag:$0x5] =	stream.linear.gather [hbm4b:s8+s2], $0x80, $0x38;
	[tilespmem:$0xF500] =	vst v63  }
0x1b: {  	_ =	swait.ge [sflag:s17], $0x80  }
0x1c: {  	[sflag:s17] =	ssyncset.done $0x0  }
0x1d: {  	s0 =	simm.s32 $0x40;
	s1 =	simm.s32 $0x0;
	[sflag:s17] =	ssyncadd.s32 $0xFFFFFF80  }
.LBB2_2:
0x1e: {  	p0 =	sne.s32 s0, $0x9C00;
	[tilespmem:s1+$0x4F80] =	vst v0;
	s1 =	smov.u32 s0;
	s0 =	sadd.s32 $0x40, s0  }
.Ltmp0:
0x1f: {  	(pc) =	sbr.rel @p0 .LBB2_2-.Ltmp0, $2  }
0x20: {  	_ =	sdelay $0x2  }
0x21: {  	s1 =	sshra.s32 s1, $0x2  }
0x22: {  	[tilespmem:s1+$0x4F80] =	vst v0  }
0x23: {  	v1 =	vld [tilespmem:$0x4F00]  }
0x24: {  	s31 =	simm.s32 $0x0  }
0x25: {  	[tilespmem:s20], [sflag:$0x1] =	stream.linear.gather [hbm4b:s9+s31], $0x1F40, $0x38;
	[tilespmem:$0xF500] =	vst v63  }
.LBB2_4:
0x26: {  	s1 =	smul.u32 $0x3E80, s31;
	_ =	sdelay $0x1  }
0x27: {  	s0 =	sadd.s32 s1, s10  }
0x28: {  	s5 =	sshrl.u32 s0, $0x3  }
0x29: {  	s5 =	sadd.s32 s3, s5  }
0x2a: {  	[tilespmem:s21], [sflag:$0x2] =	stream.linear.gather [hbm4b:s5+s2], $0x1F40, $0x38;
	[tilespmem:$0xF500] =	vst v63  }
0x2b: {  	_ =	swait.ge [sflag:s22], $0x1F40  }
0x2c: {  	p0 =	seq.s32 s31, $0x0;
	[sflag:s22] =	ssyncset.done $0x0  }
0x2d: {  	s5 =	simm.s32 @!p0 $0x3;
	[sflag:s22] =	ssyncadd.s32 $0xFFFFE0C0  }
0x2e: {  	_ =	swait.ge @!p0 [sflag:s5], $0x1F40  }
0x2f: {  	[sflag:s5] =	ssyncset.done @!p0 $0x0  }
0x30: {  	s15 =	simm.s32 $0x7720;
	[sflag:s5] =	ssyncadd.s32 @!p0 $0xFFFFE0C0  }
0x31: {  	v2 =	vld [tilespmem:s15+$0x20]  }
0x32: {  	v3 =	vld [tilespmem:s15+$0xFFFFFFF0];
	_ =	sdelay $0x2  }
0x33: {  	v5 =	vld [tilespmem:s15+$0xFFFFFFE0]  }
0x34: {  	v9 =	vshrl.u32 v2, $0xE  }
0x35: {  	v6 =	vld [tilespmem:s15+$0x10];
	v4 =	vshrl.u32 v3, $0xE  }
0x36: {  	s16 =	simm.s32 $0x7770;
	v8 =	vld [tilespmem:s15+$0x0];
	v2 =	vand.u32 $0x3FFF, v2  }
0x37: {  	v13 =	vld [tilespmem:s16+$0x20];
	v3 =	vand.u32 $0x3FFF, v3  }
0x38: {  	v14 =	vld [tilespmem:s16+$0xFFFFFFF0];
	v11 =	vand.u32 $0x3FFF, v5  }
0x39: {  	v15 =	vshrl.u32 v5, $0xE;
	v10 =	vld.idx.msk [tilespmem:v9+s2+$0x0], $0xffff  }
0x3a: {  	v7 =	vshrl.u32 v6, $0xE;
	v12 =	vld.idx.msk [tilespmem:v4+s2+$0x0], $0xffff  }
0x3b: {  	v5 =	vand.u32 $0x3FFF, v6;
	v2 =	vld.idx.msk [tilespmem:v2+s18+$0x0], $0xffff  }
0x3c: {  	v3 =	vld.idx.msk [tilespmem:v3+s18+$0x0], $0xffff  }
0x3d: {  	v11 =	vld.idx.msk [tilespmem:v11+s18+$0x0], $0xffff  }
0x3e: {  	v17 =	vld.idx.msk [tilespmem:v15+s2+$0x0], $0xffff  }
0x3f: {  	v18 =	vand.u32 $0x3FFF, v8;
	v20 =	vld.idx.msk [tilespmem:v7+s2+$0x0], $0xffff  }
0x40: {  	v6 =	vshrl.u32 v8, $0xE;
	v21 =	vld.idx.msk [tilespmem:v5+s18+$0x0], $0xffff;
	_ =	sdelay $0x1  }
0x41: {  	v23 =	vand.u32 $0x3FFF, v14;
	v16 =	vadd.f32 v10, v1;
	v19 =	vadd.f32 v12, v1  }
0x42: {  	v24 =	vld [tilespmem:s16+$0x0];
	v12 =	vadd.f32 v3, v12;
	v8 =	vadd.f32 v2, v10;
	v2 =	vshrl.u32 v13, $0xE  }
0x43: {  	v18 =	vld.idx.msk [tilespmem:v18+s18+$0x0], $0xffff;
	v13 =	vand.u32 $0x3FFF, v13;
	v11 =	vadd.f32 v11, v17;
	v25 =	vadd.f32 v20, v1  }
0x44: {  	v20 =	vadd.f32 v21, v20;
	v21 =	vld.idx.msk [tilespmem:v6+s2+$0x0], $0xffff;
	v10 =	vmul.f32 $9.999999770e-03, v16;
	v5 =	vmul.f32 $9.999999770e-03, v12  }
0x45: {  	v3 =	vshrl.u32 v14, $0xE;
	v17 =	vadd.f32 v17, v1;
	v22 =	vmul.f32 $9.999999770e-03, v19  }
0x46: {  	v14 =	vld [tilespmem:s16+$0xFFFFFFE0];
	v26 =	vmul.f32 $9.999999770e-03, v11;
	v12 =	vmax.f32 v12, v5;
	v16 =	vmax.f32 v16, v10  }
0x47: {  	v5 =	vmul.f32 $9.999999770e-03, v8;
	v19 =	vmax.f32 v19, v22;
	v10 =	vmul.f32 $9.999999770e-03, v17  }
0x48: {  	v23 =	vld.idx.msk [tilespmem:v23+s18+$0x0], $0xffff;
	v11 =	vmax.f32 v11, v26;
	v12 =	vsub.f32 v12, v19;
	v19 =	vmul.f32 $9.999999770e-03, v20  }
0x49: {  	v22 =	vld [tilespmem:s16+$0x10];
	v18 =	vadd.f32 v18, v21;
	v27 =	vmax.f32 v8, v5;
	v5 =	vshrl.u32 v24, $0xE  }
0x4a: {  	v26 =	vld.idx.msk [tilespmem:v3+s2+$0x0], $0xffff;
	v8 =	vmul.f32 $9.999999770e-03, v25;
	v17 =	vmax.f32 v17, v10;
	v24 =	vand.u32 $0x3FFF, v24  }
0x4b: {  	v28 =	vld.idx.msk [tilespmem:v2+s2+$0x0], $0xffff;
	v10 =	vshrl.u32 v14, $0xE;
	v14 =	vand.u32 $0x3FFF, v14;
	v11 =	vsub.f32 v11, v17  }
0x4c: {  	v13 =	vld.idx.msk [tilespmem:v13+s18+$0x0], $0xffff;
	v12 =	vmul.f32 $1.442695020e+00, v12;
	v16 =	vsub.f32 v27, v16;
	v29 =	vmul.f32 $9.999999770e-03, v18  }
0x4d: {  	v17 =	vmax.f32 v25, v8;
	v25 =	vadd.f32 v21, v1;
	v11 =	vmul.f32 $1.442695020e+00, v11  }
0x4e: {  	s19 =	simm.s32 $0x77C0;
	v19 =	vmax.f32 v20, v19;
	v8 =	vshrl.u32 v22, $0xE;
	v22 =	vand.u32 $0x3FFF, v22  }
0x4f: {  	v27 =	vadd.f32 v26, v1;
	v21 =	vmul.f32 $9.999999770e-03, v25;
	(erf) = vpow2.f32 v11;
	v11 =	vld [tilespmem:s19+$0x20]  }
0x50: {  	v16 =	vmul.f32 $1.442695020e+00, v16;
	v23 =	vadd.f32 v23, v26;
	v26 =	vadd.f32 v28, v1;
	v30 =	vld.idx.msk [tilespmem:v14+s18+$0x0], $0xffff  }
0x51: {  	v20 =	vld.idx.msk [tilespmem:v10+s2+$0x0], $0xffff;
	(erf) = vpow2.f32 v12;
	v14 =	vmax.f32 v25, v21;
	v25 =	vadd.f32 v13, v28  }
0x52: {  	v12 =	vld [tilespmem:s19+$0xFFFFFFF0];
	v21 =	vmul.f32 $9.999999770e-03, v26;
	v13 =	vsub.f32 v19, v17;
	v17 =	vmul.f32 $9.999999770e-03, v23  }
0x53: {  	v18 =	vmax.f32 v18, v29;
	(erf) = vpow2.f32 v16;
	v16 =	vmul.f32 $9.999999770e-03, v27;
	v19 =	vld.idx.msk [tilespmem:v8+s2+$0x0], $0xffff  }
0x54: {  	v28 =	vld.idx.msk [tilespmem:v22+s18+$0x0], $0xffff;
	v22 =	vsub.f32 v18, v14;
	v29 =	vmul.f32 $1.442695020e+00, v13  }
0x55: {  	v31 =	vld [tilespmem:s19+$0x0];
	v34 =	vmax.f32 v23, v17;
	v21 =	vmax.f32 v26, v21;
	v35 =	vmax.f32 v27, v16  }
0x56: {  	v23 =	vld [tilespmem:s19+$0xFFFFFFE0];
	v14 =	vshrl.u32 v11, $0xE;
	v33 =	vand.u32 $0x3FFF, v11;
	v30 =	vadd.f32 v30, v20  }
0x57: {  	v18 =	vld.idx.msk [tilespmem:v24+s18+$0x0], $0xffff;
	v32 =	vand.u32 $0x3FFF, v12;
	v13 =	vshrl.u32 v12, $0xE;
	v12 =	vmul.f32 $1.442695020e+00, v22  }
0x58: {  	s15 =	simm.s32 $0xB620;
	v11 =	vmul.f32 $9.999999770e-03, v25;
	v24 =	vadd.f32 v20, v1;
	(erf) = vpow2.f32 v29;
	v22 =	vld [tilespmem:s19+$0x10];
	v17 =	vpop (erf)  }
0x59: {  	v27 =	vadd.f32 v19, v1;
	v20 =	vadd.f32 v28, v19;
	v28 =	vld.idx.msk [tilespmem:v5+s2+$0x0], $0xffff;
	(erf) = vpow2.f32 v12;
	[tilespmem:s15+$0xFFFFFFE0] =	vst v17  }
0x5a: {  	v16 =	vand.u32 $0x3FFF, v31;
	v26 =	vmax.f32 v25, v11;
	v36 =	vmul.f32 $9.999999770e-03, v30;
	[tilespmem:v15+s23+$0x0] =	vst.idx.add.f32.msk $0xffff, v17  }
0x5b: {  	v11 =	vshrl.u32 v23, $0xE;
	v37 =	vmul.f32 $9.999999770e-03, v27;
	v17 =	vld.idx.msk [tilespmem:v14+s2+$0x0], $0xffff;
	v15 =	vmul.f32 $9.999999770e-03, v24  }
0x5c: {  	v29 =	vand.u32 $0x3FFF, v23;
	v12 =	vshrl.u32 v31, $0xE;
	v63 =	vmax.f32 v30, v36;
	v19 =	vpop (erf);
	v25 =	vld.idx.msk [tilespmem:v13+s2+$0x0], $0xffff  }
0x5d: {  	s7 =	simm.s32 $0x7810;
	[tilespmem:s15+$0xFFFFFFF0] =	vst v19;
	v31 =	vpop (erf);
	v30 =	vld.idx.msk [tilespmem:v32+s18+$0x0], $0xffff;
	v23 =	vmax.f32 v27, v37;
	v27 =	vmul.f32 $9.999999770e-03, v20;
	v38 =	vmax.f32 v24, v15  }
0x5e: {  	s5 =	simm.s32 $0xA;
	s16 =	simm.s32 $0xB670;
	s19 =	simm.s32 $0xB670;
	[tilespmem:s15+$0x20] =	vst v31;
	v24 =	vld.idx.msk [tilespmem:v33+s18+$0x0], $0xffff;
	v15 =	vshrl.u32 v22, $0xE;
	v33 =	vsub.f32 v34, v35;
	v32 =	vsub.f32 v63, v38  }
.LBB2_5:
0x5f: {  	s5 =	sadd.s32 $0x5, s5;
	v22 =	vand.u32 $0x3FFF, v22;
	s19 =	sadd.s32 $0x50, s19;
	[tilespmem:v9+s23+$0x0] =	vst.idx.add.f32.msk $0xffff, v31;
	v9 =	vmov v2;
	v2 =	vmov v14  }
0x60: {  	v21 =	vsub.f32 v26, v21;
	p1 =	slt.u32 s5, $0x1EF;
	v14 =	vmul.f32 $1.442695020e+00, v32;
	v31 =	vmul.f32 $1.442695020e+00, v33;
	[tilespmem:v4+s23+$0x0] =	vst.idx.add.f32.msk $0xffff, v19;
	v4 =	vmovc v3  }
0x61: {  	v18 =	vadd.f32 v18, v28;
	v26 =	vadd.f32 v28, v1;
	v3 =	vmov v13;
	v19 =	vld [tilespmem:s7+$0x20];
	v28 =	vpop (erf)  }
0x62: {  	v29 =	vld.idx.msk [tilespmem:v29+s18+$0x0], $0xffff;
	(erf) = vpow2.f32 v14;
	[tilespmem:s15+$0x10] =	vst v28;
	v13 =	vpop (erf)  }
0x63: {  	v32 =	vadd.f32 v25, v1;
	v14 =	vmul.f32 $9.999999770e-03, v26;
	v33 =	vld.idx.msk [tilespmem:v15+s2+$0x0], $0xffff;
	(erf) = vpow2.f32 v31;
	[tilespmem:s15+$0x0] =	vst v13;
	s15 =	smov.u32 s16;
	s16 =	smov.u32 s19  }
0x64: {  	v34 =	vmul.f32 $9.999999770e-03, v18;
	v25 =	vadd.f32 v30, v25;
	v30 =	vadd.f32 v17, v1;
	v31 =	vld [tilespmem:s7+$0xFFFFFFF0]  }
0x65: {  	v20 =	vmax.f32 v20, v27;
	v21 =	vmul.f32 $1.442695020e+00, v21;
	v14 =	vmax.f32 v26, v14;
	v35 =	vld.idx.msk [tilespmem:v11+s2+$0x0], $0xffff  }
0x66: {  	v20 =	vsub.f32 v20, v23;
	v17 =	vadd.f32 v24, v17;
	v24 =	vmul.f32 $9.999999770e-03, v30;
	[tilespmem:v7+s23+$0x0] =	vst.idx.add.f32.msk $0xffff, v28  }
0x67: {  	v18 =	vmax.f32 v18, v34;
	v23 =	vmul.f32 $9.999999770e-03, v25;
	(erf) = vpow2.f32 v21;
	[tilespmem:v6+s23+$0x0] =	vst.idx.add.f32.msk $0xffff, v13;
	v6 =	vmovc v5  }
0x68: {  	v20 =	vmul.f32 $1.442695020e+00, v20;
	v26 =	vmul.f32 $9.999999770e-03, v32;
	v7 =	vmovc v8;
	v5 =	vmovc v12;
	v27 =	vld.idx.msk [tilespmem:v22+s18+$0x0], $0xffff;
	v22 =	vsub.f32 v18, v14  }
0x69: {  	v36 =	vand.u32 $0x3FFF, v19;
	v8 =	vmovc v15;
	v14 =	vshrl.u32 v19, $0xE;
	v34 =	vand.u32 $0x3FFF, v31;
	v28 =	vld [tilespmem:s7+$0x0]  }
0x6a: {  	v37 =	vmax.f32 v25, v23;
	v21 =	vmax.f32 v30, v24;
	v13 =	vshrl.u32 v31, $0xE;
	v18 =	vld.idx.msk [tilespmem:v16+s18+$0x0], $0xffff  }
0x6b: {  	v12 =	vmul.f32 $9.999999770e-03, v17;
	v23 =	vadd.f32 v29, v35;
	v16 =	vmul.f32 $1.442695020e+00, v22;
	v15 =	vld [tilespmem:s7+$0xFFFFFFE0];
	v24 =	vpop (erf)  }
0x6c: {  	v30 =	vadd.f32 v35, v1;
	v35 =	vmax.f32 v32, v26;
	v22 =	vld [tilespmem:s7+$0x10];
	[tilespmem:s15+$0xFFFFFFE0] =	vst v24;
	v19 =	vpop (erf);
	(erf) = vpow2.f32 v20  }
0x6d: {  	v32 =	vadd.f32 v33, v1;
	v26 =	vmax.f32 v17, v12;
	[tilespmem:v10+s23+$0x0] =	vst.idx.add.f32.msk $0xffff, v24;
	(erf) = vpow2.f32 v16  }
.Ltmp1:
0x6e: {  	v24 =	vmul.f32 $9.999999770e-03, v30;
	v20 =	vadd.f32 v27, v33;
	v10 =	vmovc v11;
	v12 =	vshrl.u32 v28, $0xE;
	v17 =	vld.idx.msk [tilespmem:v14+s2+$0x0], $0xffff;
	[tilespmem:s15+$0xFFFFFFF0] =	vst v19;
	(pc) =	sbr.rel @p1 .LBB2_5-.Ltmp1, $4  }
0x6f: {  	v27 =	vmul.f32 $9.999999770e-03, v23;
	v33 =	vmul.f32 $9.999999770e-03, v32;
	v16 =	vand.u32 $0x3FFF, v28;
	v28 =	vld.idx.msk [tilespmem:v5+s2+$0x0], $0xffff  }
0x70: {  	v38 =	vmax.f32 v30, v24;
	v11 =	vshrl.u32 v15, $0xE;
	v29 =	vand.u32 $0x3FFF, v15;
	v25 =	vld.idx.msk [tilespmem:v13+s2+$0x0], $0xffff;
	v31 =	vpop (erf)  }
0x71: {  	v24 =	vld.idx.msk [tilespmem:v36+s18+$0x0], $0xffff;
	v36 =	vmax.f32 v23, v27;
	v23 =	vmax.f32 v32, v33;
	v27 =	vmul.f32 $9.999999770e-03, v20;
	[tilespmem:s15+$0x20] =	vst v31  }
0x72: {  	s7 =	sadd.s32 $0x50, s7;
	v15 =	vshrl.u32 v22, $0xE;
	v33 =	vsub.f32 v37, v35;
	v30 =	vld.idx.msk [tilespmem:v34+s18+$0x0], $0xffff;
	v32 =	vsub.f32 v36, v38  }
0x73: {  	_ =	sdelay $0x3  }
0x74: {  	v21 =	vsub.f32 v26, v21;
	v57 =	vld.idx.msk [tilespmem:v29+s18+$0x0], $0xffff;
	v22 =	vand.u32 $0x3FFF, v22;
	v62 =	vadd.f32 v17, v1  }
0x75: {  	v60 =	vld.idx.msk [tilespmem:v11+s2+$0x0], $0xffff;
	v20 =	vmax.f32 v20, v27;
	v32 =	vmul.f32 $1.442695020e+00, v32;
	v33 =	vmul.f32 $1.442695020e+00, v33  }
0x76: {  	v38 =	vld.idx.msk [tilespmem:v15+s2+$0x0], $0xffff;
	v34 =	vadd.f32 v28, v1;
	v18 =	vadd.f32 v18, v28;
	v21 =	vmul.f32 $1.442695020e+00, v21  }
0x77: {  	v16 =	vld.idx.msk [tilespmem:v16+s18+$0x0], $0xffff;
	v36 =	vsub.f32 v20, v23;
	v35 =	vmul.f32 $9.999999770e-03, v62;
	(erf) = vpow2.f32 v32  }
0x78: {  	v45 =	vld.idx.msk [tilespmem:v12+s2+$0x0], $0xffff;
	v58 =	vadd.f32 v25, v1;
	v59 =	vmul.f32 $9.999999770e-03, v34;
	v63 =	vmul.f32 $9.999999770e-03, v18  }
0x79: {  	[tilespmem:v9+s23+$0x0] =	vst.idx.add.f32.msk $0xffff, v31;
	v9 =	vmul.f32 $1.442695020e+00, v36;
	(erf) = vpow2.f32 v33;
	v61 =	vadd.f32 v30, v25  }
0x7a: {  	v41 =	vmul.f32 $9.999999770e-03, v58;
	v29 =	vmax.f32 v34, v59;
	v34 =	vadd.f32 v24, v17  }
0x7b: {  	v18 =	vmax.f32 v18, v63;
	(erf) = vpow2.f32 v21;
	v39 =	vadd.f32 v57, v60  }
0x7c: {  	v40 =	vadd.f32 v60, v1;
	v24 =	vmax.f32 v62, v35;
	v47 =	vadd.f32 v38, v1  }
0x7d: {  	v22 =	vld.idx.msk [tilespmem:v22+s18+$0x0], $0xffff;
	v53 =	vadd.f32 v16, v45;
	v54 =	vadd.f32 v45, v1;
	v37 =	vmul.f32 $9.999999770e-03, v61  }
0x7e: {  	v18 =	vsub.f32 v18, v29;
	v42 =	vmul.f32 $9.999999770e-03, v40;
	v43 =	vmul.f32 $9.999999770e-03, v39  }
0x7f: {  	v46 =	vpop (erf);
	v27 =	vmax.f32 v58, v41;
	(erf) = vpow2.f32 v9;
	v44 =	vmul.f32 $9.999999770e-03, v34  }
0x80: {  	[tilespmem:v4+s23+$0x0] =	vst.idx.add.f32.msk $0xffff, v19;
	v18 =	vmul.f32 $1.442695020e+00, v18;
	v25 =	vmax.f32 v40, v42;
	v21 =	vmax.f32 v39, v43  }
0x81: {  	[tilespmem:s15+$0x10] =	vst v46;
	v49 =	vpop (erf);
	v51 =	vmul.f32 $9.999999770e-03, v47;
	v56 =	vmul.f32 $9.999999770e-03, v54;
	v48 =	vsub.f32 v21, v25  }
0x82: {  	[tilespmem:s15+$0x0] =	vst v49;
	v20 =	vmax.f32 v61, v37;
	(erf) = vpow2.f32 v18;
	v50 =	vadd.f32 v22, v38  }
0x83: {  	[tilespmem:v7+s23+$0x0] =	vst.idx.add.f32.msk $0xffff, v46;
	v17 =	vmax.f32 v34, v44;
	v20 =	vsub.f32 v20, v27;
	v19 =	vmul.f32 $1.442695020e+00, v48  }
0x84: {  	[tilespmem:v6+s23+$0x0] =	vst.idx.add.f32.msk $0xffff, v49;
	v57 =	vmul.f32 $9.999999770e-03, v53;
	v17 =	vsub.f32 v17, v24;
	v52 =	vmul.f32 $9.999999770e-03, v50;
	v55 =	vpop (erf)  }
0x85: {  	v9 =	vmax.f32 v47, v51;
	v20 =	vmul.f32 $1.442695020e+00, v20;
	[tilespmem:s16+$0xFFFFFFE0] =	vst v55;
	(erf) = vpow2.f32 v19  }
0x86: {  	v16 =	vmax.f32 v54, v56;
	v59 =	vmul.f32 $1.442695020e+00, v17;
	v58 =	vpop (erf);
	[tilespmem:v10+s23+$0x0] =	vst.idx.add.f32.msk $0xffff, v55;
	v4 =	vmax.f32 v50, v52  }
0x87: {  	v7 =	vmax.f32 v53, v57;
	[tilespmem:s16+$0xFFFFFFF0] =	vst v58;
	v60 =	vpop (erf);
	(erf) = vpow2.f32 v20;
	v4 =	vsub.f32 v4, v9  }
0x88: {  	v61 =	vsub.f32 v7, v16;
	[tilespmem:s16+$0x20] =	vst v60;
	(erf) = vpow2.f32 v59  }
0x89: {  	[tilespmem:v2+s23+$0x0] =	vst.idx.add.f32.msk $0xffff, v60;
	v2 =	vmul.f32 $1.442695020e+00, v4  }
0x8a: {  	v62 =	vmul.f32 $1.442695020e+00, v61;
	[tilespmem:v3+s23+$0x0] =	vst.idx.add.f32.msk $0xffff, v58;
	v3 =	vpop (erf)  }
0x8b: {  	[tilespmem:s16+$0x10] =	vst v3;
	v63 =	vpop (erf);
	(erf) = vpow2.f32 v2  }
0x8c: {  	[tilespmem:v8+s23+$0x0] =	vst.idx.add.f32.msk $0xffff, v3;
	(erf) = vpow2.f32 v62  }
0x8d: {  	[tilespmem:s16+$0x0] =	vst v63  }
0x8e: {  	s5 =	sadd.s32 $0x50, s19;
	[tilespmem:v5+s23+$0x0] =	vst.idx.add.f32.msk $0xffff, v63;
	v2 =	vpop (erf)  }
0x8f: {  	[tilespmem:s5+$0xFFFFFFE0] =	vst v2  }
0x90: {  	v3 =	vpop (erf);
	[tilespmem:v11+s23+$0x0] =	vst.idx.add.f32.msk $0xffff, v2  }
0x91: {  	[tilespmem:s5+$0xFFFFFFF0] =	vst v3;
	v2 =	vpop (erf)  }
0x92: {  	[tilespmem:s5+$0x20] =	vst v2  }
0x93: {  	[tilespmem:v13+s23+$0x0] =	vst.idx.add.f32.msk $0xffff, v3  }
0x94: {  	p1 =	sne.s32 s31, $0x4;
	[tilespmem:v14+s23+$0x0] =	vst.idx.add.f32.msk $0xffff, v2;
	v2 =	vpop (erf)  }
.Ltmp2:
0x95: {  	[tilespmem:s5+$0x10] =	vst v2;
	v3 =	vpop (erf);
	(pc) =	sbr.rel @p1 .LBB2_8-.Ltmp2, $4  }
0x96: {  	s19 =	sadd.s32 s1, s11;
	[tilespmem:s5+$0x0] =	vst v3  }
0x97: {  	[tilespmem:v15+s23+$0x0] =	vst.idx.add.f32.msk $0xffff, v2;
	s5 =	sshrl.u32 s19, $0x3  }
0x98: {  	[tilespmem:v12+s23+$0x0] =	vst.idx.add.f32.msk $0xffff, v3;
	s5 =	sadd.s32 s4, s5  }
0x99: {  	[hbm4b:s5+s2] =	stream.linear.scatter [tilespmem:s24], [sflag:$0x3], $0x1F40, $0x38;
	[tilespmem:$0xF500] =	vst v63  }
.Ltmp3:
0x9a: {  	(pc) =	sbr.rel .LBB2_9-.Ltmp3, $4  }
0x9b: {  	_ = 	snop  }
0x9c: {  	_ =	swait.ge [sflag:s25], $0x1F40  }
0x9d: {  	[sflag:s25] =	ssyncset.done $0x0  }
0x9e: {  	[sflag:s25] =	ssyncadd.s32 $0xFFFFE0C0  }
.LBB2_8:
0x9f: {  	s1 =	sadd.s32 s1, s12  }
0xa0: {  	s1 =	sshrl.u32 s1, $0x3  }
.Ltmp4:
0xa1: {  	s1 =	sadd.s32 s3, s1;
	(pc) =	sbr.rel @p0 .LBB2_10-.Ltmp4, $4  }
0xa2: {  	[tilespmem:s20], [sflag:$0x1] =	stream.linear.gather [hbm4b:s1+s2], $0x1F40, $0x38;
	[tilespmem:$0xF500] =	vst v63  }
0xa3: {  	_ =	swait.ge [sflag:s25], $0x1F40  }
0xa4: {  	[sflag:s25] =	ssyncset.done $0x0  }
0xa5: {  	[sflag:s25] =	ssyncadd.s32 $0xFFFFE0C0  }
.LBB2_9:
0xa6: {  	_ =	swait.ge [sflag:s26], $0x1F40  }
0xa7: {  	[sflag:s26] =	ssyncset.done $0x0  }
0xa8: {  	[sflag:s26] =	ssyncadd.s32 $0xFFFFE0C0  }
.LBB2_10:
0xa9: {  	s1 =	simm.s32 $0x96A0  }
0xaa: {  	v2 =	vld [tilespmem:s1+$0x20]  }
0xab: {  	v3 =	vld [tilespmem:s1+$0xFFFFFFF0];
	_ =	sdelay $0x2  }
0xac: {  	v5 =	vld [tilespmem:s1+$0xFFFFFFE0]  }
0xad: {  	v9 =	vshrl.u32 v2, $0xE  }
0xae: {  	v6 =	vld [tilespmem:s1+$0x10];
	v4 =	vshrl.u32 v3, $0xE  }
0xaf: {  	s16 =	simm.s32 $0x96F0;
	v8 =	vld [tilespmem:s1+$0x0];
	v2 =	vand.u32 $0x3FFF, v2  }
0xb0: {  	v13 =	vld [tilespmem:s16+$0x20];
	v3 =	vand.u32 $0x3FFF, v3  }
0xb1: {  	v14 =	vld [tilespmem:s16+$0xFFFFFFF0];
	v11 =	vand.u32 $0x3FFF, v5  }
0xb2: {  	v15 =	vshrl.u32 v5, $0xE;
	v10 =	vld.idx.msk [tilespmem:v9+s2+$0x0], $0xffff  }
0xb3: {  	v7 =	vshrl.u32 v6, $0xE;
	v12 =	vld.idx.msk [tilespmem:v4+s2+$0x0], $0xffff  }
0xb4: {  	v5 =	vand.u32 $0x3FFF, v6;
	v2 =	vld.idx.msk [tilespmem:v2+s18+$0x0], $0xffff  }
0xb5: {  	v3 =	vld.idx.msk [tilespmem:v3+s18+$0x0], $0xffff  }
0xb6: {  	v11 =	vld.idx.msk [tilespmem:v11+s18+$0x0], $0xffff  }
0xb7: {  	v17 =	vld.idx.msk [tilespmem:v15+s2+$0x0], $0xffff  }
0xb8: {  	v18 =	vand.u32 $0x3FFF, v8;
	v20 =	vld.idx.msk [tilespmem:v7+s2+$0x0], $0xffff  }
0xb9: {  	v6 =	vshrl.u32 v8, $0xE;
	v21 =	vld.idx.msk [tilespmem:v5+s18+$0x0], $0xffff;
	_ =	sdelay $0x1  }
0xba: {  	v23 =	vand.u32 $0x3FFF, v14;
	v16 =	vadd.f32 v10, v1;
	v19 =	vadd.f32 v12, v1  }
0xbb: {  	v24 =	vld [tilespmem:s16+$0x0];
	v12 =	vadd.f32 v3, v12;
	v8 =	vadd.f32 v2, v10;
	v2 =	vshrl.u32 v13, $0xE  }
0xbc: {  	v18 =	vld.idx.msk [tilespmem:v18+s18+$0x0], $0xffff;
	v13 =	vand.u32 $0x3FFF, v13;
	v11 =	vadd.f32 v11, v17;
	v25 =	vadd.f32 v20, v1  }
0xbd: {  	v20 =	vadd.f32 v21, v20;
	v21 =	vld.idx.msk [tilespmem:v6+s2+$0x0], $0xffff;
	v10 =	vmul.f32 $9.999999770e-03, v16;
	v5 =	vmul.f32 $9.999999770e-03, v12  }
0xbe: {  	v3 =	vshrl.u32 v14, $0xE;
	v17 =	vadd.f32 v17, v1;
	v22 =	vmul.f32 $9.999999770e-03, v19  }
0xbf: {  	v14 =	vld [tilespmem:s16+$0xFFFFFFE0];
	v26 =	vmul.f32 $9.999999770e-03, v11;
	v12 =	vmax.f32 v12, v5;
	v16 =	vmax.f32 v16, v10  }
0xc0: {  	v5 =	vmul.f32 $9.999999770e-03, v8;
	v19 =	vmax.f32 v19, v22;
	v10 =	vmul.f32 $9.999999770e-03, v17  }
0xc1: {  	v23 =	vld.idx.msk [tilespmem:v23+s18+$0x0], $0xffff;
	v11 =	vmax.f32 v11, v26;
	v12 =	vsub.f32 v12, v19;
	v19 =	vmul.f32 $9.999999770e-03, v20  }
0xc2: {  	v22 =	vld [tilespmem:s16+$0x10];
	v18 =	vadd.f32 v18, v21;
	v27 =	vmax.f32 v8, v5;
	v5 =	vshrl.u32 v24, $0xE  }
0xc3: {  	v26 =	vld.idx.msk [tilespmem:v3+s2+$0x0], $0xffff;
	v8 =	vmul.f32 $9.999999770e-03, v25;
	v17 =	vmax.f32 v17, v10;
	v24 =	vand.u32 $0x3FFF, v24  }
0xc4: {  	v28 =	vld.idx.msk [tilespmem:v2+s2+$0x0], $0xffff;
	v10 =	vshrl.u32 v14, $0xE;
	v14 =	vand.u32 $0x3FFF, v14;
	v11 =	vsub.f32 v11, v17  }
0xc5: {  	v13 =	vld.idx.msk [tilespmem:v13+s18+$0x0], $0xffff;
	v12 =	vmul.f32 $1.442695020e+00, v12;
	v16 =	vsub.f32 v27, v16;
	v29 =	vmul.f32 $9.999999770e-03, v18  }
0xc6: {  	v17 =	vmax.f32 v25, v8;
	v25 =	vadd.f32 v21, v1;
	v11 =	vmul.f32 $1.442695020e+00, v11  }
0xc7: {  	s19 =	simm.s32 $0x9740;
	v19 =	vmax.f32 v20, v19;
	v8 =	vshrl.u32 v22, $0xE;
	v22 =	vand.u32 $0x3FFF, v22  }
0xc8: {  	v27 =	vadd.f32 v26, v1;
	v21 =	vmul.f32 $9.999999770e-03, v25;
	(erf) = vpow2.f32 v11;
	v11 =	vld [tilespmem:s19+$0x20]  }
0xc9: {  	v16 =	vmul.f32 $1.442695020e+00, v16;
	v23 =	vadd.f32 v23, v26;
	v26 =	vadd.f32 v28, v1;
	v30 =	vld.idx.msk [tilespmem:v14+s18+$0x0], $0xffff  }
0xca: {  	v20 =	vld.idx.msk [tilespmem:v10+s2+$0x0], $0xffff;
	(erf) = vpow2.f32 v12;
	v14 =	vmax.f32 v25, v21;
	v25 =	vadd.f32 v13, v28  }
0xcb: {  	v12 =	vld [tilespmem:s19+$0xFFFFFFF0];
	v21 =	vmul.f32 $9.999999770e-03, v26;
	v13 =	vsub.f32 v19, v17;
	v17 =	vmul.f32 $9.999999770e-03, v23  }
0xcc: {  	v18 =	vmax.f32 v18, v29;
	(erf) = vpow2.f32 v16;
	v16 =	vmul.f32 $9.999999770e-03, v27;
	v19 =	vld.idx.msk [tilespmem:v8+s2+$0x0], $0xffff  }
0xcd: {  	v28 =	vld.idx.msk [tilespmem:v22+s18+$0x0], $0xffff;
	v22 =	vsub.f32 v18, v14;
	v29 =	vmul.f32 $1.442695020e+00, v13  }
0xce: {  	v31 =	vld [tilespmem:s19+$0x0];
	v34 =	vmax.f32 v23, v17;
	v21 =	vmax.f32 v26, v21;
	v35 =	vmax.f32 v27, v16  }
0xcf: {  	v23 =	vld [tilespmem:s19+$0xFFFFFFE0];
	v14 =	vshrl.u32 v11, $0xE;
	v33 =	vand.u32 $0x3FFF, v11;
	v30 =	vadd.f32 v30, v20  }
0xd0: {  	v18 =	vld.idx.msk [tilespmem:v24+s18+$0x0], $0xffff;
	v32 =	vand.u32 $0x3FFF, v12;
	v13 =	vshrl.u32 v12, $0xE;
	v12 =	vmul.f32 $1.442695020e+00, v22  }
0xd1: {  	s15 =	simm.s32 $0xD5A0;
	v11 =	vmul.f32 $9.999999770e-03, v25;
	v24 =	vadd.f32 v20, v1;
	(erf) = vpow2.f32 v29;
	v22 =	vld [tilespmem:s19+$0x10];
	v17 =	vpop (erf)  }
0xd2: {  	v27 =	vadd.f32 v19, v1;
	v20 =	vadd.f32 v28, v19;
	v28 =	vld.idx.msk [tilespmem:v5+s2+$0x0], $0xffff;
	(erf) = vpow2.f32 v12;
	[tilespmem:s15+$0xFFFFFFE0] =	vst v17  }
0xd3: {  	v16 =	vand.u32 $0x3FFF, v31;
	v26 =	vmax.f32 v25, v11;
	v36 =	vmul.f32 $9.999999770e-03, v30;
	[tilespmem:v15+s23+$0x0] =	vst.idx.add.f32.msk $0xffff, v17  }
0xd4: {  	v11 =	vshrl.u32 v23, $0xE;
	v37 =	vmul.f32 $9.999999770e-03, v27;
	v17 =	vld.idx.msk [tilespmem:v14+s2+$0x0], $0xffff;
	v15 =	vmul.f32 $9.999999770e-03, v24  }
0xd5: {  	v29 =	vand.u32 $0x3FFF, v23;
	v12 =	vshrl.u32 v31, $0xE;
	v63 =	vmax.f32 v30, v36;
	v19 =	vpop (erf);
	v25 =	vld.idx.msk [tilespmem:v13+s2+$0x0], $0xffff  }
0xd6: {  	s5 =	simm.s32 $0xA;
	[tilespmem:s15+$0xFFFFFFF0] =	vst v19;
	v31 =	vpop (erf);
	v30 =	vld.idx.msk [tilespmem:v32+s18+$0x0], $0xffff;
	v23 =	vmax.f32 v27, v37;
	v27 =	vmul.f32 $9.999999770e-03, v20;
	v38 =	vmax.f32 v24, v15  }
0xd7: {  	s7 =	simm.s32 $0x9790;
	s1 =	simm.s32 $0xD5F0;
	s16 =	simm.s32 $0xD5F0;
	[tilespmem:s15+$0x20] =	vst v31;
	v24 =	vld.idx.msk [tilespmem:v33+s18+$0x0], $0xffff;
	v15 =	vshrl.u32 v22, $0xE;
	v33 =	vsub.f32 v34, v35;
	v32 =	vsub.f32 v63, v38  }
.LBB2_11:
0xd8: {  	s5 =	sadd.s32 $0x5, s5;
	v22 =	vand.u32 $0x3FFF, v22;
	s1 =	sadd.s32 $0x50, s1;
	[tilespmem:v9+s23+$0x0] =	vst.idx.add.f32.msk $0xffff, v31;
	v9 =	vmov v2;
	v2 =	vmov v14  }
0xd9: {  	v21 =	vsub.f32 v26, v21;
	p0 =	slt.u32 s5, $0x1EF;
	v14 =	vmul.f32 $1.442695020e+00, v32;
	v31 =	vmul.f32 $1.442695020e+00, v33;
	[tilespmem:v4+s23+$0x0] =	vst.idx.add.f32.msk $0xffff, v19;
	v4 =	vmovc v3  }
0xda: {  	v18 =	vadd.f32 v18, v28;
	v26 =	vadd.f32 v28, v1;
	v3 =	vmov v13;
	v19 =	vld [tilespmem:s7+$0x20];
	v28 =	vpop (erf)  }
0xdb: {  	v29 =	vld.idx.msk [tilespmem:v29+s18+$0x0], $0xffff;
	(erf) = vpow2.f32 v14;
	[tilespmem:s15+$0x10] =	vst v28;
	v13 =	vpop (erf)  }
0xdc: {  	v32 =	vadd.f32 v25, v1;
	v14 =	vmul.f32 $9.999999770e-03, v26;
	v33 =	vld.idx.msk [tilespmem:v15+s2+$0x0], $0xffff;
	(erf) = vpow2.f32 v31;
	[tilespmem:s15+$0x0] =	vst v13;
	s15 =	smov.u32 s16;
	s16 =	smov.u32 s1  }
0xdd: {  	v34 =	vmul.f32 $9.999999770e-03, v18;
	v25 =	vadd.f32 v30, v25;
	v30 =	vadd.f32 v17, v1;
	v31 =	vld [tilespmem:s7+$0xFFFFFFF0]  }
0xde: {  	v20 =	vmax.f32 v20, v27;
	v21 =	vmul.f32 $1.442695020e+00, v21;
	v14 =	vmax.f32 v26, v14;
	v35 =	vld.idx.msk [tilespmem:v11+s2+$0x0], $0xffff  }
0xdf: {  	v20 =	vsub.f32 v20, v23;
	v17 =	vadd.f32 v24, v17;
	v24 =	vmul.f32 $9.999999770e-03, v30;
	[tilespmem:v7+s23+$0x0] =	vst.idx.add.f32.msk $0xffff, v28  }
0xe0: {  	v18 =	vmax.f32 v18, v34;
	v23 =	vmul.f32 $9.999999770e-03, v25;
	(erf) = vpow2.f32 v21;
	[tilespmem:v6+s23+$0x0] =	vst.idx.add.f32.msk $0xffff, v13;
	v6 =	vmovc v5  }
0xe1: {  	v20 =	vmul.f32 $1.442695020e+00, v20;
	v26 =	vmul.f32 $9.999999770e-03, v32;
	v7 =	vmovc v8;
	v5 =	vmovc v12;
	v27 =	vld.idx.msk [tilespmem:v22+s18+$0x0], $0xffff;
	v22 =	vsub.f32 v18, v14  }
0xe2: {  	v36 =	vand.u32 $0x3FFF, v19;
	v8 =	vmovc v15;
	v14 =	vshrl.u32 v19, $0xE;
	v34 =	vand.u32 $0x3FFF, v31;
	v28 =	vld [tilespmem:s7+$0x0]  }
0xe3: {  	v37 =	vmax.f32 v25, v23;
	v21 =	vmax.f32 v30, v24;
	v13 =	vshrl.u32 v31, $0xE;
	v18 =	vld.idx.msk [tilespmem:v16+s18+$0x0], $0xffff  }
0xe4: {  	v12 =	vmul.f32 $9.999999770e-03, v17;
	v23 =	vadd.f32 v29, v35;
	v16 =	vmul.f32 $1.442695020e+00, v22;
	v15 =	vld [tilespmem:s7+$0xFFFFFFE0];
	v24 =	vpop (erf)  }
0xe5: {  	v30 =	vadd.f32 v35, v1;
	v35 =	vmax.f32 v32, v26;
	v22 =	vld [tilespmem:s7+$0x10];
	[tilespmem:s15+$0xFFFFFFE0] =	vst v24;
	v19 =	vpop (erf);
	(erf) = vpow2.f32 v20  }
0xe6: {  	v32 =	vadd.f32 v33, v1;
	v26 =	vmax.f32 v17, v12;
	[tilespmem:v10+s23+$0x0] =	vst.idx.add.f32.msk $0xffff, v24;
	(erf) = vpow2.f32 v16  }
.Ltmp5:
0xe7: {  	v24 =	vmul.f32 $9.999999770e-03, v30;
	v20 =	vadd.f32 v27, v33;
	v10 =	vmovc v11;
	v12 =	vshrl.u32 v28, $0xE;
	v17 =	vld.idx.msk [tilespmem:v14+s2+$0x0], $0xffff;
	[tilespmem:s15+$0xFFFFFFF0] =	vst v19;
	(pc) =	sbr.rel @p0 .LBB2_11-.Ltmp5, $4  }
0xe8: {  	v27 =	vmul.f32 $9.999999770e-03, v23;
	v33 =	vmul.f32 $9.999999770e-03, v32;
	v16 =	vand.u32 $0x3FFF, v28;
	v28 =	vld.idx.msk [tilespmem:v5+s2+$0x0], $0xffff  }
0xe9: {  	v38 =	vmax.f32 v30, v24;
	v11 =	vshrl.u32 v15, $0xE;
	v29 =	vand.u32 $0x3FFF, v15;
	v25 =	vld.idx.msk [tilespmem:v13+s2+$0x0], $0xffff;
	v31 =	vpop (erf)  }
0xea: {  	v24 =	vld.idx.msk [tilespmem:v36+s18+$0x0], $0xffff;
	v36 =	vmax.f32 v23, v27;
	v23 =	vmax.f32 v32, v33;
	v27 =	vmul.f32 $9.999999770e-03, v20;
	[tilespmem:s15+$0x20] =	vst v31  }
0xeb: {  	s7 =	sadd.s32 $0x50, s7;
	v15 =	vshrl.u32 v22, $0xE;
	v33 =	vsub.f32 v37, v35;
	v30 =	vld.idx.msk [tilespmem:v34+s18+$0x0], $0xffff;
	v32 =	vsub.f32 v36, v38  }
0xec: {  	_ =	sdelay $0x3  }
0xed: {  	v21 =	vsub.f32 v26, v21;
	v57 =	vld.idx.msk [tilespmem:v29+s18+$0x0], $0xffff;
	v22 =	vand.u32 $0x3FFF, v22;
	v62 =	vadd.f32 v17, v1  }
0xee: {  	v60 =	vld.idx.msk [tilespmem:v11+s2+$0x0], $0xffff;
	v20 =	vmax.f32 v20, v27;
	v32 =	vmul.f32 $1.442695020e+00, v32;
	v33 =	vmul.f32 $1.442695020e+00, v33  }
0xef: {  	v38 =	vld.idx.msk [tilespmem:v15+s2+$0x0], $0xffff;
	v34 =	vadd.f32 v28, v1;
	v18 =	vadd.f32 v18, v28;
	v21 =	vmul.f32 $1.442695020e+00, v21  }
0xf0: {  	v16 =	vld.idx.msk [tilespmem:v16+s18+$0x0], $0xffff;
	v36 =	vsub.f32 v20, v23;
	v35 =	vmul.f32 $9.999999770e-03, v62;
	(erf) = vpow2.f32 v32  }
0xf1: {  	v45 =	vld.idx.msk [tilespmem:v12+s2+$0x0], $0xffff;
	v58 =	vadd.f32 v25, v1;
	v59 =	vmul.f32 $9.999999770e-03, v34;
	v63 =	vmul.f32 $9.999999770e-03, v18  }
0xf2: {  	[tilespmem:v9+s23+$0x0] =	vst.idx.add.f32.msk $0xffff, v31;
	v9 =	vmul.f32 $1.442695020e+00, v36;
	(erf) = vpow2.f32 v33;
	v61 =	vadd.f32 v30, v25  }
0xf3: {  	v41 =	vmul.f32 $9.999999770e-03, v58;
	v29 =	vmax.f32 v34, v59;
	v34 =	vadd.f32 v24, v17  }
0xf4: {  	v18 =	vmax.f32 v18, v63;
	(erf) = vpow2.f32 v21;
	v39 =	vadd.f32 v57, v60  }
0xf5: {  	v40 =	vadd.f32 v60, v1;
	v24 =	vmax.f32 v62, v35;
	v47 =	vadd.f32 v38, v1  }
0xf6: {  	v22 =	vld.idx.msk [tilespmem:v22+s18+$0x0], $0xffff;
	v53 =	vadd.f32 v16, v45;
	v54 =	vadd.f32 v45, v1;
	v37 =	vmul.f32 $9.999999770e-03, v61  }
0xf7: {  	v18 =	vsub.f32 v18, v29;
	v42 =	vmul.f32 $9.999999770e-03, v40;
	v43 =	vmul.f32 $9.999999770e-03, v39  }
0xf8: {  	v46 =	vpop (erf);
	v27 =	vmax.f32 v58, v41;
	(erf) = vpow2.f32 v9;
	v44 =	vmul.f32 $9.999999770e-03, v34  }
0xf9: {  	[tilespmem:v4+s23+$0x0] =	vst.idx.add.f32.msk $0xffff, v19;
	v18 =	vmul.f32 $1.442695020e+00, v18;
	v25 =	vmax.f32 v40, v42;
	v21 =	vmax.f32 v39, v43  }
0xfa: {  	[tilespmem:s15+$0x10] =	vst v46;
	v49 =	vpop (erf);
	v51 =	vmul.f32 $9.999999770e-03, v47;
	v56 =	vmul.f32 $9.999999770e-03, v54;
	v48 =	vsub.f32 v21, v25  }
0xfb: {  	[tilespmem:s15+$0x0] =	vst v49;
	v20 =	vmax.f32 v61, v37;
	(erf) = vpow2.f32 v18;
	v50 =	vadd.f32 v22, v38  }
0xfc: {  	[tilespmem:v7+s23+$0x0] =	vst.idx.add.f32.msk $0xffff, v46;
	v17 =	vmax.f32 v34, v44;
	v20 =	vsub.f32 v20, v27;
	v19 =	vmul.f32 $1.442695020e+00, v48  }
0xfd: {  	[tilespmem:v6+s23+$0x0] =	vst.idx.add.f32.msk $0xffff, v49;
	v57 =	vmul.f32 $9.999999770e-03, v53;
	v17 =	vsub.f32 v17, v24;
	v52 =	vmul.f32 $9.999999770e-03, v50;
	v55 =	vpop (erf)  }
0xfe: {  	v9 =	vmax.f32 v47, v51;
	v20 =	vmul.f32 $1.442695020e+00, v20;
	[tilespmem:s16+$0xFFFFFFE0] =	vst v55;
	(erf) = vpow2.f32 v19  }
0xff: {  	v16 =	vmax.f32 v54, v56;
	v59 =	vmul.f32 $1.442695020e+00, v17;
	v58 =	vpop (erf);
	[tilespmem:v10+s23+$0x0] =	vst.idx.add.f32.msk $0xffff, v55;
	v4 =	vmax.f32 v50, v52  }
0x100: {  	v7 =	vmax.f32 v53, v57;
	[tilespmem:s16+$0xFFFFFFF0] =	vst v58;
	v60 =	vpop (erf);
	(erf) = vpow2.f32 v20;
	v4 =	vsub.f32 v4, v9  }
0x101: {  	v61 =	vsub.f32 v7, v16;
	[tilespmem:s16+$0x20] =	vst v60;
	(erf) = vpow2.f32 v59  }
0x102: {  	[tilespmem:v2+s23+$0x0] =	vst.idx.add.f32.msk $0xffff, v60;
	v2 =	vmul.f32 $1.442695020e+00, v4  }
0x103: {  	v62 =	vmul.f32 $1.442695020e+00, v61;
	[tilespmem:v3+s23+$0x0] =	vst.idx.add.f32.msk $0xffff, v58;
	v3 =	vpop (erf)  }
0x104: {  	[tilespmem:s16+$0x10] =	vst v3;
	v63 =	vpop (erf);
	(erf) = vpow2.f32 v2  }
0x105: {  	[tilespmem:v8+s23+$0x0] =	vst.idx.add.f32.msk $0xffff, v3;
	(erf) = vpow2.f32 v62  }
0x106: {  	[tilespmem:s16+$0x0] =	vst v63  }
0x107: {  	s1 =	sadd.s32 $0x50, s1;
	[tilespmem:v5+s23+$0x0] =	vst.idx.add.f32.msk $0xffff, v63;
	v2 =	vpop (erf)  }
0x108: {  	[tilespmem:s1+$0xFFFFFFE0] =	vst v2  }
0x109: {  	v3 =	vpop (erf);
	[tilespmem:v11+s23+$0x0] =	vst.idx.add.f32.msk $0xffff, v2  }
0x10a: {  	[tilespmem:s1+$0xFFFFFFF0] =	vst v3;
	v2 =	vpop (erf)  }
0x10b: {  	[tilespmem:s1+$0x20] =	vst v2  }
0x10c: {  	s31 =	sadd.s32 $0x1, s31;
	[tilespmem:v13+s23+$0x0] =	vst.idx.add.f32.msk $0xffff, v3  }
0x10d: {  	p0 =	sne.s32 s31, $0x5;
	[tilespmem:v14+s23+$0x0] =	vst.idx.add.f32.msk $0xffff, v2;
	v2 =	vpop (erf)  }
.Ltmp6:
0x10e: {  	[tilespmem:s1+$0x10] =	vst v2;
	v3 =	vpop (erf);
	(pc) =	sbr.rel @p0 .LBB2_4-.Ltmp6, $4  }
0x10f: {  	s0 =	sadd.s32 s6, s0;
	[tilespmem:s1+$0x0] =	vst v3  }
0x110: {  	s0 =	sshrl.u32 s0, $0x3;
	[tilespmem:v15+s23+$0x0] =	vst.idx.add.f32.msk $0xffff, v2  }
0x111: {  	s0 =	sadd.s32 s4, s0;
	[tilespmem:v12+s23+$0x0] =	vst.idx.add.f32.msk $0xffff, v3  }
0x112: {  	[hbm4b:s0+s2] =	stream.linear.scatter [tilespmem:s28], [sflag:$0x4], $0x1F40, $0x38;
	[tilespmem:$0xF500] =	vst v63  }
0x113: {  	_ =	swait.ge [sflag:s29], $0x1F40  }
0x114: {  	[sflag:s29] =	ssyncset.done $0x0  }
0x115: {  	[sflag:s29] =	ssyncadd.s32 $0xFFFFE0C0  }
0x116: {  	s30 =	sadd.s32 $0x1, s30;
	_ =	swait.ge [sflag:s26], $0x1F40  }
0x117: {  	p0 =	sne.s32 s30, s14;
	[sflag:s26] =	ssyncset.done $0x0  }
.Ltmp7:
0x118: {  	[sflag:s26] =	ssyncadd.s32 $0xFFFFE0C0;
	(pc) =	sbr.rel @p0 .LBB2_1-.Ltmp7, $4  }
0x119: {  	[hbm4b:s13+s2] =	stream.linear.scatter [tilespmem:s23], [sflag:$0x5], $0x2710, $0x38;
	[tilespmem:$0xF500] =	vst v63  }
0x11a: {  	_ =	swait.ge [sflag:s17], $0x2710  }
0x11b: {  	[sflag:s17] =	ssyncset.done $0x0  }
0x11c: {  	[sflag:s17] =	ssyncadd.s32 $0xFFFFD8F0  }
0x11d: {  	_ =	sfence.sel $0x180000  }
0x11e: {  	[bflag:$0x0] =	sbarrier.arrive $0xFFFF  }
0x11f: {  	_ =	strace $0x90000047  }
0x120: {  	s0 =	stileid.u32;
	[bflag:$0x2] =	sbarrier.arrive $0xFFFF  }
0x121: {  	p0 =	sne.s32 s0, $0x0;
	s0 =	rddreg [dreg:$0x1]  }
0x122: {  	s0 =	sadd.s32 @!p0 $0x100000, s0  }
0x123: {  	[sflag:s0] =	ssyncadd.tile.s32 @!p0 $0x1;
	_ =	shalt  }
.Lfunc_end2:
_tile_overlayer_lowered:
.L_overlay_start_2:
0x124: {  	(tag) =	ssettag $0x2  }
0x125: {  	s0 =	rddreg [dreg:$0x0];
	s2 =	stileid.u32  }
0x126: {  	s1 =	rddreg [dreg:$0x1];
	p0 =	sne.s32 s2, $0x0  }
0x127: {  	s3 =	rddreg [dreg:$0x2];
	[bflag:$0x3] =	sbarrier.arrive $0xFFFF;
	s2 =	simm.s32 @!p0 $0x1C05  }
0x128: {  	[timem:s3], [sflag:s2] =	dma.local @!p0 [hbm:s0], s1  }
0x129: {  	s0 =	simm.s32 @!p0 $0x5  }
0x12a: {  	_ =	swait.ge @!p0 [sflag:s0], s1  }
0x12b: {  	s1 =	ssub.s32 @!p0 $0x0, s1;
	[sflag:s0] =	ssyncset.done @!p0 $0x0  }
0x12c: {  	[sflag:s0] =	ssyncadd.s32 @!p0 s1  }
0x12d: {  	[bflag:$0x3] =	sbarrier.arrive $0xFFFF  }
0x12e: {  	_ =	shalt  }

// kernel: kernel.17.cloned.1.call-start
scs
__scs_entry_jumppad:
0x0: {  	(pc) =	sbr.rel $0x88, $3  }
0x1: {  	(tag) =	ssettag $0x0;
	lr =	simm.s32 $0x1  }
0x2: {  	[smem:$0x3F94] =	sst lr;
	_ =	strace $0xD0000000  }
0x3: {  	_ = 	snop  }
0x4: {  	_ = 	snop  }
0x5: {  	_ = 	snop  }
0x6: {  	_ = 	snop  }
0x7: {  	_ = 	snop  }
__scs_overlays_trampoline_lowered:
0x8: {  	[smem:$0x3FA3] =	sst s0  }
0x9: {  	[smem:$0x3FA4] =	sst s1  }
0xa: {  	[smem:$0x3FA5] =	sst s2  }
0xb: {  	[smem:$0x3FA6] =	sst s3  }
0xc: {  	[smem:$0x3FA7] =	sst s4  }
0xd: {  	[smem:$0x3FA8] =	sst s5  }
0xe: {  	[smem:$0x3FA9] =	sst s6  }
0xf: {  	[smem:$0x3FAA] =	sst s7  }
0x10: {  	[smem:$0x3FAB] =	sst s8  }
0x11: {  	[smem:$0x3FAC] =	sst s9;
	s0 =	simm.s32 @!p0 $0x0  }
0x12: {  	s1 =	sld [smem:$0x3F92];
	s0 =	simm.s32 @p0 $0x1  }
0x13: {  	[smem:$0x3FAD] =	sst s0;
	s0 =	simm.s32 @!p1 $0x0  }
0x14: {  	s2 =	sld [smem:$0x3F91];
	s0 =	simm.s32 @p1 $0x1  }
0x15: {  	[smem:$0x3FAE] =	sst s0;
	s0 =	simm.s32 @!p2 $0x0  }
0x16: {  	s3 =	sld [smem:$0x3FDB];
	s0 =	simm.s32 @p2 $0x1  }
0x17: {  	s4 =	simm.s32 $0x1BF5;
	[smem:$0x3FB0] =	sst s0  }
0x18: {  	s0 =	sld [smem:$0x3F93];
	_ =	swait.ge [sflag:s4], $0x0  }
0x19: {  	s7 =	sld [smem:$0x3F94]  }
0x1a: {  	s8 =	sadd.s32 $0xFFFFE003, lr  }
0x1b: {  	s9 =	sadd.s32 $0xFFFFFEF7, lr;
	s5 =	simm.s32 $0xFFFFFFFF;
	p2 =	slt.u32 s8, $0xFFFFF086  }
0x1c: {  	p1 =	slt.u32 s9, $0xF7A;
	s5 =	simm.s32 @!p2 $0x0  }
0x1d: {  	s5 =	simm.s32 @p1 $0x1;
	p0 =	seq.s32 s7, s2  }
0x1e: {  	s7 =	smul.u32 @!p0 $0xF7A, s2;
	p2 =	seq.s32 @!p0 s5, $0x0  }
0x1f: {  	s9 =	smul.u32 $0xF7A, s1;
	s8 =	simm.s32 @!p0 $0x1BF5;
	p2 =	por !p2, p0  }
0x20: {  	[sflag:s8] =	ssyncset.s32 @!p0 $0xFFFFF086;
	s6 =	sadd.s32 @!p0 s3, s7;
	s7 =	simm.s32 @!p0 $0x108  }
0x21: {  	s3 =	sadd.s32 s3, s9;
	s6 =	sadd.s32 @!p0 $0x88, s6;
	s7 =	simm.s32 @p2 $0x1082  }
0x22: {  	[simem:s7], [sflag:s8] =	dma.local @!p0 [hbm:s6], $0xF7A  }
0x23: {  	s9 =	sor.u32 $0xD0000000, s2;
	s6 =	simm.s32 $0x108;
	_ =	swait.ge @!p0 [sflag:s8], $0x0  }
0x24: {  	s3 =	sadd.s32 $0x88, s3;
	s6 =	simm.s32 @!p1 $0x1082;
	[sflag:s4] =	ssyncset.s32 $0xFFFFF086  }
0x25: {  	[simem:s6], [sflag:s4] =	dma.local [hbm:s3], $0xF7A  }
0x26: {  	[smem:$0x3F94] =	sst s1;
	(tag) =	ssettag s2;
	_ =	strace s9  }
0x27: {  	s1 =	sld [smem:$0x3FA4]  }
0x28: {  	s2 =	sld [smem:$0x3FA5]  }
0x29: {  	s4 =	sld [smem:$0x3FA7]  }
0x2a: {  	p0 =	seq.s32 s5, $0x0;
	s5 =	sld [smem:$0x3FA8]  }
0x2b: {  	s6 =	sld [smem:$0x3FA9]  }
0x2c: {  	s7 =	sld [smem:$0x3FAA]  }
0x2d: {  	s3 =	simm.s32 $0x108;
	s8 =	sld [smem:$0x3FAB]  }
0x2e: {  	s3 =	simm.s32 @!p0 $0x1082;
	s9 =	sld [smem:$0x3FAC]  }
0x2f: {  	lr =	sadd.s32 s0, s3;
	s0 =	sld [smem:$0x3FA3]  }
0x30: {  	s3 =	sld [smem:$0x3FA6]  }
0x31: {  	[smem:$0x3FAF] =	sst s10  }
0x32: {  	s10 =	sld [smem:$0x3FAD];
	_ =	sdelay $0x3  }
0x33: {  	p0 =	seq.s32 s10, $0x1;
	s10 =	sld [smem:$0x3FAF];
	_ =	sdelay $0x3  }
0x34: {  	[smem:$0x3FAF] =	sst s10  }
0x35: {  	s10 =	sld [smem:$0x3FAE];
	_ =	sdelay $0x3  }
0x36: {  	p1 =	seq.s32 s10, $0x1;
	s10 =	sld [smem:$0x3FAF];
	_ =	sdelay $0x3  }
0x37: {  	[smem:$0x3FAF] =	sst s10  }
0x38: {  	s10 =	sld [smem:$0x3FB0]  }
0x39: {  	_ = 	snop;
	(pc) =	sbr.ind lr, $3  }
0x3a: {  	_ = 	snop  }
0x3b: {  	_ = 	snop  }
0x3c: {  	p2 =	seq.s32 s10, $0x1;
	s10 =	sld [smem:$0x3FAF]  }
0x3d: {  	_ =	shalt  }
0x3e: {  	_ =	shalt  }
0x3f: {  	_ =	shalt  }
0x40: {  	_ =	shalt  }
0x41: {  	_ =	shalt  }
0x42: {  	_ =	shalt  }
0x43: {  	_ =	shalt  }
0x44: {  	_ =	shalt  }
0x45: {  	_ =	shalt  }
0x46: {  	_ =	shalt  }
0x47: {  	_ =	shalt  }
0x48: {  	_ =	shalt  }
0x49: {  	_ =	shalt  }
0x4a: {  	_ =	shalt  }
0x4b: {  	_ =	shalt  }
0x4c: {  	_ =	shalt  }
0x4d: {  	_ =	shalt  }
0x4e: {  	_ =	shalt  }
0x4f: {  	_ =	shalt  }
0x50: {  	_ =	shalt  }
0x51: {  	_ =	shalt  }
0x52: {  	_ =	shalt  }
0x53: {  	_ =	shalt  }
0x54: {  	_ =	shalt  }
0x55: {  	_ =	shalt  }
0x56: {  	_ =	shalt  }
0x57: {  	_ =	shalt  }
0x58: {  	_ =	shalt  }
0x59: {  	_ =	shalt  }
0x5a: {  	_ =	shalt  }
0x5b: {  	_ =	shalt  }
0x5c: {  	_ =	shalt  }
0x5d: {  	_ =	shalt  }
0x5e: {  	_ =	shalt  }
0x5f: {  	_ =	shalt  }
0x60: {  	_ =	shalt  }
0x61: {  	_ =	shalt  }
0x62: {  	_ =	shalt  }
0x63: {  	_ =	shalt  }
0x64: {  	_ =	shalt  }
0x65: {  	_ =	shalt  }
0x66: {  	_ =	shalt  }
0x67: {  	_ =	shalt  }
0x68: {  	_ =	shalt  }
0x69: {  	_ =	shalt  }
0x6a: {  	_ =	shalt  }
0x6b: {  	_ =	shalt  }
0x6c: {  	_ =	shalt  }
0x6d: {  	_ =	shalt  }
0x6e: {  	_ =	shalt  }
0x6f: {  	_ =	shalt  }
0x70: {  	_ =	shalt  }
0x71: {  	_ =	shalt  }
0x72: {  	_ =	shalt  }
0x73: {  	_ =	shalt  }
0x74: {  	_ =	shalt  }
0x75: {  	_ =	shalt  }
0x76: {  	_ =	shalt  }
0x77: {  	_ =	shalt  }
0x78: {  	_ =	shalt  }
0x79: {  	_ =	shalt  }
0x7a: {  	_ =	shalt  }
0x7b: {  	_ =	shalt  }
0x7c: {  	_ =	shalt  }
0x7d: {  	_ =	shalt  }
0x7e: {  	_ =	shalt  }
0x7f: {  	_ =	shalt  }
0x80: {  	_ =	shalt  }
0x81: {  	_ =	shalt  }
0x82: {  	_ =	shalt  }
0x83: {  	_ =	shalt  }
0x84: {  	_ =	shalt  }
0x85: {  	_ =	shalt  }
0x86: {  	_ =	shalt  }
0x87: {  	_ =	shalt  }
.Lfunc_end0:
.L_simem_size_0:
called_computation.1_lowered:
.L_overlay_start_0:
0x88: {  	s2 =	sld [smem:$0x3FD9]  }
0x89: {  	s3 =	sld [smem:$0x3FFE];
	_ =	sdelay $0x1  }
0x8a: {  	s1 =	srdreg.scid  }
0x8b: {  	s0 =	sand.u32 $0x1, s1  }
0x8c: {  	s17 =	sshll.u32 s0, $0xA;
	s2 =	sadd.s32 s3, s2  }
0x8d: {  	s2 =	sadd.s32 s2, s17  }
0x8e: {  	[smem:$0x3FBB] =	sst s2  }
0x8f: {  	_ = 	snop  }
0x90: {  	s2 =	sld [smem:$0x3FD0];
	(tm) =	ssettm $0x1  }
0x91: {  	s18 =	sld [smem:$0x3FFB];
	_ =	sdelay $0x3  }
0x92: {  	_ =	strace s18  }
0x93: {  	s3 =	sld [smem:$0x3FFC];
	_ =	sdelay $0x3  }
0x94: {  	_ =	strace s3  }
0x95: {  	s3 =	sld [smem:$0x3FFD];
	_ =	sdelay $0x3  }
0x96: {  	_ =	strace s3  }
0x97: {  	_ =	strace $0x8FFFFFFF  }
0x98: {  	s19 =	sld [smem:$0x3FDB];
	_ =	sdelay $0x1  }
0x99: {  	s4 =	simm.s32 $_scs_section_size  }
0x9a: {  	s5 =	simm.s32 $_size__tile_overlayer_lowered;
	s6 =	simm.s32 $_tile_overlayer_lowered  }
0x9b: {  	s22 =	simm.s32 $0x1BFF;
	s21 =	sshll.u32 s6, $0x1;
	s3 =	sadd.s32 s4, s19  }
0x9c: {  	s7 =	simm.s32 $0x0;
	s20 =	sshll.u32 s5, $0x1;
	s5 =	sadd.s32 s21, s3  }
0x9d: {  	[timem:s7], [sflag:s22] =	dma.local [hbm:s5], s20  }
0x9e: {  	_ =	swait.ge [sflag:s22], s20  }
0x9f: {  	s4 =	ssub.s32 $0x0, s20;
	[sflag:s22] =	ssyncset.done $0x0  }
0xa0: {  	[sflag:s22] =	ssyncadd.s32 s4;
	_ =	sdelay $0x1  }
0xa1: {  	s23 =	simm.s32 $0x1B8B  }
0xa2: {  	_ =	swait.ge [sflag:s23], $0x1  }
0xa3: {  	[sflag:s23] =	ssyncset.done $0x0  }
0xa4: {  	s25 =	simm.s32 $0x1B8E;
	s24 =	sld [smem:$0x3FFE];
	[sflag:s23] =	ssyncadd.s32 $0xFFFFFFFF  }
0xa5: {  	s26 =	simm.s32 $execute0_lowered;
	[smem:$0x3FD2] =	sst s25  }
0xa6: {  	s5 =	sshll.u32 s26, $0x1;
	_ =	strace $0x80000049;
	[dreg:$0x1] =	wrdreg $0xFFFFFFFF  }
0xa7: {  	s28 =	simm.s32 $_size_execute0_lowered;
	s3 =	sadd.s32 s3, s5;
	[dreg:$0x0] =	wrdreg $0x0  }
0xa8: {  	s5 =	sshll.u32 s28, $0x1;
	[dreg:$0x2] =	wrdreg s3  }
0xa9: {  	[dreg:$0x3] =	wrdreg s5  }
0xaa: {  	[dreg:$0x4] =	wrdreg $0xC0  }
0xab: {  	_ =	task [dreg:s7], $0x5FFFF  }
0xac: {  	[dreg:$0x1] =	wrdreg $0xFFFFFFFF  }
0xad: {  	[dreg:$0x0] =	wrdreg $0x60  }
0xae: {  	[dreg:$0x2] =	wrdreg s24  }
0xaf: {  	[dreg:$0x3] =	wrdreg s2  }
0xb0: {  	[dreg:$0x4] =	wrdreg $0x9  }
0xb1: {  	_ =	task.clear_ibuf [dreg:s7], $0x5FFFF;
	_ =	strace $0x90000049  }
0xb2: {  	s29 =	simm.s32 $0x9;
	_ =	strace $0x8000004B  }
0xb3: {  	_ =	swait.ge [sflag:s29], $0x1  }
0xb4: {  	[sflag:s29] =	ssyncadd.s32 $0xFFFFFFFF  }
0xb5: {  	_ =	strace $0x9000004B  }
0xb6: {  	_ =	sfence  }
0xb7: {  	s30 =	sld [smem:$0x0];
	_ =	sdelay $0x2  }
0xb8: {  	s31 =	sshll.u32 s1, $0xD;
	s1 =	sshrl.u32 s1, $0x2  }
0xb9: {  	s3 =	sand.u32 $0x4000, s31;
	s1 =	sadd.s32 s1, s30  }
0xba: {  	s0 =	sor.u32 s3, s0;
	s1 =	sshll.u32 s1, $0x11  }
0xbb: {  	s0 =	sor.u32 s1, s0  }
0xbc: {  	s0 =	sadd.s32 $0x8F2B, s0  }
0xbd: {  	[sflag:s0] =	ssyncadd.remote.s32 $0x1  }
0xbe: {  	_ =	sfence.sel $0xFFFF  }
0xbf: {  	[dreg:$0x0] =	wrdreg $0xFFFFFFFF;
	(pc) =	sbr.abs _section_cstart, $3  }
0xc0: {  	[dreg:$0x1] =	wrdreg $0xFFFFFFFF  }
0xc1: {  	_ =	task.clear_ibuf [dreg:s7], $0x2FFFF;
	_ =	strace $0x9FFFFFFF  }
0xc2: {  	(tm) =	ssettm $0x7FFFFFFF  }
0xc3: {  	_ =	shalt  }
tec
execute0_lowered:
.L_overlay_start_1:
0x0: {  	(tag) =	ssettag $0x1  }
0x1: {  	s0 =	rddreg [dreg:$0x0]  }
0x2: {  	s2 =	rddreg [dreg:$0x1]  }
0x3: {  	s1 =	simm.s32 $0x0;
	s5 =	srdreg.scid;
	s8 =	stileid.u32  }
0x4: {  	s16 =	simm.s32 $0x80;
	s17 =	simm.s32 $0x400;
	s18 =	simm.s32 $0x3  }
0x5: {  	s19 =	simm.s32 $0x2780;
	s28 =	simm.s32 $0x4F00;
	s29 =	simm.s32 $0x7680  }
0x6: {  	s30 =	simm.s32 $0x2;
	s31 =	simm.s32 $0x0;
	[smem:$0x7FF] =	sst s1  }
0x7: {  	s3 =	sadd.s32 $0x3E00, s0;
	s4 =	sadd.s32 $0x12E00, s0;
	s6 =	sadd.s32 $0x61000, s0  }
0x8: {  	s5 =	sand.u32 $0x1, s5;
	s7 =	sshrl.u32 s8, $0x1;
	s8 =	sshll.u32 s8, $0x9  }
0x9: {  	s0 =	sadd.s32 $0x6AE00, s0;
	_ =	strace $0x8000004A;
	s9 =	smul.u32 $0x13C00, s7  }
0xa: {  	s10 =	sshll.u32 s5, $0x8;
	s8 =	sand.u32 $0x200, s8;
	s5 =	ssub.s32 $0x2, s5  }
0xb: {  	s22 =	smul.u32 $0x9C40, s7;
	s8 =	sor.u32 s10, s8;
	s21 =	sshrl.u32 s5, $0x1  }
0xc: {  	s23 =	smul.u32 $0x1388, s7;
	s8 =	sor.u32 s9, s8;
	s15 =	ssub.s32 s5, s21  }
0xd: {  	s9 =	sshrl.u32 s22, $0x3;
	s5 =	smul.u32 $0x4E200, s7;
	s21 =	simm.s32 $0xC580  }
0xe: {  	s13 =	sshrl.u32 s8, $0x3;
	s25 =	sadd.s32 s6, s9;
	s8 =	sadd.s32 s6, s23  }
0xf: {  	s15 =	smax.u32 s15, $0x1;
	s14 =	sor.u32 $0x10, s13;
	s24 =	sadd.s32 s2, s13  }
0x10: {  	s9 =	sadd.s32 $0x4E2, s25;
	s26 =	sshrl.u32 s5, $0x3;
	s10 =	sadd.s32 $0x9C4, s25  }
0x11: {  	s11 =	sadd.s32 $0xEA6, s25;
	s13 =	sadd.s32 s0, s13;
	s25 =	simm.s32 $0x14B80  }
0x12: {  	[dreg:$0x3] =	wrdreg s24;
	s7 =	sadd.s32 s2, s14;
	s12 =	sadd.s32 s4, s26  }
0x13: {  	v0 =	vimm.f32 $0.0e+00;
	s14 =	sadd.s32 s0, s14;
	s24 =	simm.s32 $0x10C80;
	s26 =	simm.s32 $0x1  }
.LBB2_1:
0x14: {  	s0 =	rddreg [dreg:$0x3]  }
0x15: {  	[tilespmem:s1], [sflag:$0x3] =	stream.strided.gather [hbm4b:s0+s16], $0x2780, s17, s16, $0x38;
	[tilespmem:$0x16B00] =	vst v63  }
0x16: {  	_ =	swait.ge [sflag:s18], $0x2780  }
0x17: {  	[sflag:s18] =	ssyncset.done $0x0  }
0x18: {  	[sflag:s18] =	ssyncadd.s32 $0xFFFFD880  }
0x19: {  	[tilespmem:s19], [sflag:$0x3] =	stream.strided.gather [hbm4b:s7+s16], $0x2780, s17, s16, $0x38;
	[tilespmem:$0x16B00] =	vst v63  }
0x1a: {  	_ =	swait.ge [sflag:s18], $0x2780  }
0x1b: {  	[sflag:s18] =	ssyncset.done $0x0  }
0x1c: {  	s23 =	simm.s32 $0x9E00;
	[sflag:s18] =	ssyncadd.s32 $0xFFFFD880  }
0x1d: {  	[tilespmem:s23], [sflag:$0x3] =	stream.linear.gather [hbm4b:s8+s1], $0x2710, $0x38;
	[tilespmem:$0x16B00] =	vst v63  }
0x1e: {  	_ =	swait.ge [sflag:s18], $0x2710  }
0x1f: {  	[sflag:s18] =	ssyncset.done $0x0  }
0x20: {  	[sflag:s18] =	ssyncadd.s32 $0xFFFFD8F0  }
0x21: {  	[tilespmem:s21], [sflag:$0x3] =	stream.linear.gather [hbm4b:s9+s1], $0x2710, $0x38;
	[tilespmem:$0x16B00] =	vst v63  }
0x22: {  	_ =	swait.ge [sflag:s18], $0x2710  }
0x23: {  	[sflag:s18] =	ssyncset.done $0x0  }
0x24: {  	s0 =	simm.s32 $0x9E20;
	[sflag:s18] =	ssyncadd.s32 $0xFFFFD8F0  }
0x25: {  	s2 =	simm.s32 $0xC5A0;
	v3 =	vld [tilespmem:s0+$0x20]  }
0x26: {  	v5 =	vld [tilespmem:s2+$0x20]  }
0x27: {  	v1 =	vld [tilespmem:s2+$0xFFFFFFE0]  }
0x28: {  	v7 =	vld [tilespmem:s0+$0xFFFFFFF0]  }
0x29: {  	v8 =	vld [tilespmem:s2+$0xFFFFFFF0]  }
0x2a: {  	v2 =	vld [tilespmem:s0+$0x0]  }
0x2b: {  	v4 =	vld [tilespmem:s2+$0x0]  }
0x2c: {  	v6 =	vadd.f32 v5, v3;
	v3 =	vld [tilespmem:s0+$0x10]  }
0x2d: {  	v5 =	vld [tilespmem:s2+$0x10]  }
0x2e: {  	s6 =	simm.s32 $0x0;
	s20 =	simm.s32 $0x9E70;
	v7 =	vadd.f32 v8, v7;
	[tilespmem:s0+$0x20] =	vst v6;
	v6 =	vld [tilespmem:s0+$0xFFFFFFE0]  }
.LBB2_2:
0x2f: {  	v8 =	vld [tilespmem:s20+$0x20];
	s2 =	sadd.s32 $0x50, s2  }
0x30: {  	s6 =	sadd.s32 $0x5, s6;
	v9 =	vld [tilespmem:s2+$0x20];
	[tilespmem:s0+$0xFFFFFFF0] =	vst v7;
	v2 =	vadd.f32 v4, v2  }
0x31: {  	p0 =	slt.u32 s6, $0x26C;
	v7 =	vld [tilespmem:s2+$0xFFFFFFE0]  }
0x32: {  	v10 =	vld [tilespmem:s20+$0xFFFFFFF0];
	[tilespmem:s0+$0x0] =	vst v2;
	v3 =	vadd.f32 v5, v3  }
0x33: {  	v11 =	vld [tilespmem:s2+$0xFFFFFFF0];
	v5 =	vadd.f32 v1, v6  }
.Ltmp0:
0x34: {  	v2 =	vld [tilespmem:s20+$0x0];
	[tilespmem:s0+$0x10] =	vst v3;
	(pc) =	sbr.rel @p0 .LBB2_2-.Ltmp0, $4  }
0x35: {  	v4 =	vld [tilespmem:s2+$0x0];
	v6 =	vadd.f32 v9, v8;
	[tilespmem:s0+$0xFFFFFFE0] =	vst v5;
	s0 =	smov.u32 s20  }
0x36: {  	v3 =	vld [tilespmem:s20+$0x10];
	v1 =	vmov v7  }
0x37: {  	v5 =	vld [tilespmem:s2+$0x10];
	[tilespmem:s20+$0x20] =	vst v6  }
0x38: {  	s20 =	sadd.s32 $0x50, s20;
	v6 =	vld [tilespmem:s0+$0xFFFFFFE0];
	v7 =	vadd.f32 v11, v10  }
0x39: {  	_ =	sdelay $0x1  }
0x3a: {  	v2 =	vadd.f32 v4, v2  }
0x3b: {  	[tilespmem:s0+$0xFFFFFFF0] =	vst v7;
	v3 =	vadd.f32 v5, v3  }
0x3c: {  	[tilespmem:s0+$0x0] =	vst v2;
	v1 =	vadd.f32 v1, v6  }
0x3d: {  	[tilespmem:s0+$0x10] =	vst v3  }
0x3e: {  	[tilespmem:s0+$0xFFFFFFE0] =	vst v1  }
0x3f: {  	[tilespmem:s21], [sflag:$0x3] =	stream.linear.gather [hbm4b:s10+s1], $0x2710, $0x38;
	[tilespmem:$0x16B00] =	vst v63  }
0x40: {  	_ =	swait.ge [sflag:s18], $0x2710  }
0x41: {  	[sflag:s18] =	ssyncset.done $0x0  }
0x42: {  	s0 =	simm.s32 $0x9E20;
	[sflag:s18] =	ssyncadd.s32 $0xFFFFD8F0  }
0x43: {  	s2 =	simm.s32 $0xC5A0;
	v3 =	vld [tilespmem:s0+$0x20]  }
0x44: {  	v5 =	vld [tilespmem:s2+$0x20]  }
0x45: {  	v1 =	vld [tilespmem:s2+$0xFFFFFFE0]  }
0x46: {  	v7 =	vld [tilespmem:s0+$0xFFFFFFF0]  }
0x47: {  	v8 =	vld [tilespmem:s2+$0xFFFFFFF0]  }
0x48: {  	v2 =	vld [tilespmem:s0+$0x0]  }
0x49: {  	v4 =	vld [tilespmem:s2+$0x0]  }
0x4a: {  	v6 =	vadd.f32 v5, v3;
	v3 =	vld [tilespmem:s0+$0x10]  }
0x4b: {  	v5 =	vld [tilespmem:s2+$0x10]  }
0x4c: {  	s6 =	simm.s32 $0x0;
	s20 =	simm.s32 $0x9E70;
	v7 =	vadd.f32 v8, v7;
	[tilespmem:s0+$0x20] =	vst v6;
	v6 =	vld [tilespmem:s0+$0xFFFFFFE0]  }
.LBB2_4:
0x4d: {  	v8 =	vld [tilespmem:s20+$0x20];
	s2 =	sadd.s32 $0x50, s2  }
0x4e: {  	s6 =	sadd.s32 $0x5, s6;
	v9 =	vld [tilespmem:s2+$0x20];
	[tilespmem:s0+$0xFFFFFFF0] =	vst v7;
	v2 =	vadd.f32 v4, v2  }
0x4f: {  	p0 =	slt.u32 s6, $0x26C;
	v7 =	vld [tilespmem:s2+$0xFFFFFFE0]  }
0x50: {  	v10 =	vld [tilespmem:s20+$0xFFFFFFF0];
	[tilespmem:s0+$0x0] =	vst v2;
	v3 =	vadd.f32 v5, v3  }
0x51: {  	v11 =	vld [tilespmem:s2+$0xFFFFFFF0];
	v5 =	vadd.f32 v1, v6  }
.Ltmp1:
0x52: {  	v2 =	vld [tilespmem:s20+$0x0];
	[tilespmem:s0+$0x10] =	vst v3;
	(pc) =	sbr.rel @p0 .LBB2_4-.Ltmp1, $4  }
0x53: {  	v4 =	vld [tilespmem:s2+$0x0];
	v6 =	vadd.f32 v9, v8;
	[tilespmem:s0+$0xFFFFFFE0] =	vst v5;
	s0 =	smov.u32 s20  }
0x54: {  	v3 =	vld [tilespmem:s20+$0x10];
	v1 =	vmov v7  }
0x55: {  	v5 =	vld [tilespmem:s2+$0x10];
	[tilespmem:s20+$0x20] =	vst v6  }
0x56: {  	s20 =	sadd.s32 $0x50, s20;
	v6 =	vld [tilespmem:s0+$0xFFFFFFE0];
	v7 =	vadd.f32 v11, v10  }
0x57: {  	_ =	sdelay $0x1  }
0x58: {  	v2 =	vadd.f32 v4, v2  }
0x59: {  	[tilespmem:s0+$0xFFFFFFF0] =	vst v7;
	v3 =	vadd.f32 v5, v3  }
0x5a: {  	[tilespmem:s0+$0x0] =	vst v2;
	v1 =	vadd.f32 v1, v6  }
0x5b: {  	[tilespmem:s0+$0x10] =	vst v3  }
0x5c: {  	[tilespmem:s0+$0xFFFFFFE0] =	vst v1  }
0x5d: {  	[tilespmem:s21], [sflag:$0x3] =	stream.linear.gather [hbm4b:s11+s1], $0x2710, $0x38;
	[tilespmem:$0x16B00] =	vst v63  }
0x5e: {  	_ =	swait.ge [sflag:s18], $0x2710  }
0x5f: {  	[sflag:s18] =	ssyncset.done $0x0  }
0x60: {  	s0 =	simm.s32 $0x9E20;
	[sflag:s18] =	ssyncadd.s32 $0xFFFFD8F0  }
0x61: {  	s2 =	simm.s32 $0xC5A0;
	v3 =	vld [tilespmem:s0+$0x20]  }
0x62: {  	v5 =	vld [tilespmem:s2+$0x20]  }
0x63: {  	v1 =	vld [tilespmem:s2+$0xFFFFFFE0]  }
0x64: {  	v7 =	vld [tilespmem:s0+$0xFFFFFFF0]  }
0x65: {  	v8 =	vld [tilespmem:s2+$0xFFFFFFF0]  }
0x66: {  	v2 =	vld [tilespmem:s0+$0x0]  }
0x67: {  	v4 =	vld [tilespmem:s2+$0x0]  }
0x68: {  	v6 =	vadd.f32 v5, v3;
	v3 =	vld [tilespmem:s0+$0x10]  }
0x69: {  	v5 =	vld [tilespmem:s2+$0x10]  }
0x6a: {  	s6 =	simm.s32 $0x0;
	s20 =	simm.s32 $0x9E70;
	v7 =	vadd.f32 v8, v7;
	[tilespmem:s0+$0x20] =	vst v6;
	v6 =	vld [tilespmem:s0+$0xFFFFFFE0]  }
.LBB2_6:
0x6b: {  	v8 =	vld [tilespmem:s20+$0x20];
	s2 =	sadd.s32 $0x50, s2  }
0x6c: {  	s6 =	sadd.s32 $0x5, s6;
	v9 =	vld [tilespmem:s2+$0x20];
	[tilespmem:s0+$0xFFFFFFF0] =	vst v7;
	v2 =	vadd.f32 v4, v2  }
0x6d: {  	p0 =	slt.u32 s6, $0x26C;
	v7 =	vld [tilespmem:s2+$0xFFFFFFE0]  }
0x6e: {  	v10 =	vld [tilespmem:s20+$0xFFFFFFF0];
	[tilespmem:s0+$0x0] =	vst v2;
	v3 =	vadd.f32 v5, v3  }
0x6f: {  	v11 =	vld [tilespmem:s2+$0xFFFFFFF0];
	v5 =	vadd.f32 v1, v6  }
.Ltmp2:
0x70: {  	v2 =	vld [tilespmem:s20+$0x0];
	[tilespmem:s0+$0x10] =	vst v3;
	(pc) =	sbr.rel @p0 .LBB2_6-.Ltmp2, $4  }
0x71: {  	v4 =	vld [tilespmem:s2+$0x0];
	v6 =	vadd.f32 v9, v8;
	[tilespmem:s0+$0xFFFFFFE0] =	vst v5;
	s0 =	smov.u32 s20  }
0x72: {  	v3 =	vld [tilespmem:s20+$0x10];
	v1 =	vmov v7  }
0x73: {  	v5 =	vld [tilespmem:s2+$0x10];
	[tilespmem:s20+$0x20] =	vst v6  }
0x74: {  	s20 =	sadd.s32 $0x50, s20;
	v6 =	vld [tilespmem:s0+$0xFFFFFFE0];
	v7 =	vadd.f32 v11, v10  }
0x75: {  	_ =	sdelay $0x1  }
0x76: {  	v2 =	vadd.f32 v4, v2  }
0x77: {  	[tilespmem:s0+$0xFFFFFFF0] =	vst v7;
	v3 =	vadd.f32 v5, v3  }
0x78: {  	[tilespmem:s0+$0x0] =	vst v2;
	v1 =	vadd.f32 v1, v6  }
0x79: {  	[tilespmem:s0+$0x10] =	vst v3  }
0x7a: {  	s2 =	simm.s32 $0x0;
	[tilespmem:s0+$0xFFFFFFE0] =	vst v1;
	s0 =	simm.s32 $0x40  }
.LBB2_8:
0x7b: {  	p0 =	sne.s32 s0, $0x9C00;
	[tilespmem:s2+$0x4F00] =	vst v0;
	s6 =	smov.u32 s0;
	s0 =	sadd.s32 $0x40, s0  }
.Ltmp3:
0x7c: {  	[tilespmem:s2+$0x7680] =	vst v0;
	(pc) =	sbr.rel @p0 .LBB2_8-.Ltmp3, $2  }
0x7d: {  	_ =	sdelay $0x2  }
0x7e: {  	s2 =	sshra.s32 s6, $0x2  }
0x7f: {  	[tilespmem:s2+$0x4F00] =	vst v0  }
0x80: {  	[tilespmem:s2+$0x7680] =	vst v0;
	s0 =	simm.s32 $0x0;
	s22 =	simm.s32 $0xED00  }
0x81: {  	[tilespmem:s22], [sflag:$0x1] =	stream.linear.gather [hbm4b:s3+s0], $0x1F40, $0x38;
	[tilespmem:$0x16B00] =	vst v63  }
0x82: {  	s23 =	simm.s32 $0x12C00  }
0x83: {  	[tilespmem:s23], [sflag:$0x1] =	stream.linear.gather [hbm4b:s12+s0], $0x1F40, $0x38;
	[tilespmem:$0x16B00] =	vst v63  }
.LBB2_10:
0x84: {  	s2 =	smul.u32 $0x3E80, s0;
	_ =	sdelay $0x1  }
0x85: {  	s6 =	sadd.s32 $0x1F40, s2  }
0x86: {  	s20 =	sshrl.u32 s6, $0x3;
	s6 =	sadd.s32 s5, s6  }
0x87: {  	s20 =	sadd.s32 s3, s20;
	s6 =	sshrl.u32 s6, $0x3  }
0x88: {  	[tilespmem:s24], [sflag:$0x2] =	stream.linear.gather [hbm4b:s20+s1], $0x1F40, $0x38;
	[tilespmem:$0x16B00] =	vst v63  }
0x89: {  	s6 =	sadd.s32 s4, s6  }
0x8a: {  	[tilespmem:s25], [sflag:$0x2] =	stream.linear.gather [hbm4b:s6+s1], $0x1F40, $0x38;
	[tilespmem:$0x16B00] =	vst v63  }
0x8b: {  	_ =	swait.ge [sflag:s26], $0x1F40  }
0x8c: {  	[sflag:s26] =	ssyncset.done $0x0  }
0x8d: {  	[sflag:s26] =	ssyncadd.s32 $0xFFFFE0C0  }
0x8e: {  	_ =	swait.ge [sflag:s26], $0x1F40  }
0x8f: {  	[sflag:s26] =	ssyncset.done $0x0  }
0x90: {  	s20 =	simm.s32 $0xED20;
	[sflag:s26] =	ssyncadd.s32 $0xFFFFE0C0  }
0x91: {  	v1 =	vld [tilespmem:s20+$0x20];
	_ =	sdelay $0x1  }
0x92: {  	v4 =	vld [tilespmem:s20+$0xFFFFFFE0]  }
0x93: {  	v2 =	vld [tilespmem:s20+$0xFFFFFFF0];
	_ =	sdelay $0x1  }
0x94: {  	v3 =	vld [tilespmem:s20+$0x0];
	v5 =	vand.u32 $0x3FFF, v1  }
0x95: {  	s22 =	simm.s32 $0x12C20;
	v6 =	vld [tilespmem:s20+$0x10]  }
0x96: {  	v11 =	vld [tilespmem:s22+$0x20];
	v9 =	vand.u32 $0x3FFF, v4  }
0x97: {  	v16 =	vld [tilespmem:s22+$0xFFFFFFE0];
	v7 =	vand.u32 $0x3FFF, v2  }
0x98: {  	v17 =	vld [tilespmem:s22+$0xFFFFFFF0]  }
0x99: {  	s23 =	simm.s32 $0xED70;
	v8 =	vand.u32 $0x3FFF, v3;
	v10 =	vld.idx.msk [tilespmem:v5+s1+$0x0], $0xffff  }
0x9a: {  	v58 =	vld [tilespmem:s23+$0x10];
	v12 =	vand.u32 $0x3FFF, v6  }
0x9b: {  	v15 =	vshrl.u32 v1, $0xE;
	v1 =	vld.idx.msk [tilespmem:v9+s1+$0x0], $0xffff  }
0x9c: {  	s20 =	simm.s32 $0x12C70;
	v13 =	vld.idx.msk [tilespmem:v7+s1+$0x0], $0xffff  }
0x9d: {  	v22 =	vld [tilespmem:s20+$0x20];
	v4 =	vshrl.u32 v4, $0xE  }
0x9e: {  	v19 =	vshrl.u32 v2, $0xE;
	v14 =	vld.idx.msk [tilespmem:v8+s1+$0x0], $0xffff;
	v10 =	vmul.f32 v10, v11  }
0x9f: {  	v18 =	vld.idx.msk [tilespmem:v12+s1+$0x0], $0xffff  }
0xa0: {  	v1 =	vmul.f32 v1, v16;
	[tilespmem:v15+s28+$0x0] =	vst.idx.add.f32.msk $0xffff, v10  }
0xa1: {  	v13 =	vmul.f32 v13, v17;
	v10 =	vld [tilespmem:s22+$0x10]  }
0xa2: {  	[tilespmem:v4+s28+$0x0] =	vst.idx.add.f32.msk $0xffff, v1  }
0xa3: {  	[tilespmem:v19+s28+$0x0] =	vst.idx.add.f32.msk $0xffff, v13  }
0xa4: {  	v2 =	vld.idx.msk [tilespmem:v5+s19+$0x0], $0xffff  }
0xa5: {  	v5 =	vld [tilespmem:s22+$0x0]  }
0xa6: {  	v13 =	vld [tilespmem:s23+$0xFFFFFFF0]  }
0xa7: {  	v20 =	vshrl.u32 v3, $0xE;
	v3 =	vld.idx.msk [tilespmem:v9+s19+$0x0], $0xffff  }
0xa8: {  	v1 =	vshrl.u32 v6, $0xE;
	v6 =	vld.idx.msk [tilespmem:v7+s19+$0x0], $0xffff  }
0xa9: {  	v9 =	vld [tilespmem:s23+$0x20]  }
0xaa: {  	v2 =	vmul.f32 v2, v11;
	v7 =	vmul.f32 v14, v5;
	v14 =	vld [tilespmem:s23+$0x0]  }
0xab: {  	v11 =	vld [tilespmem:s20+$0xFFFFFFE0]  }
0xac: {  	[tilespmem:v15+s29+$0x0] =	vst.idx.add.f32.msk $0xffff, v2  }
0xad: {  	v3 =	vmul.f32 v3, v16;
	[tilespmem:v20+s28+$0x0] =	vst.idx.add.f32.msk $0xffff, v7  }
0xae: {  	v59 =	vand.u32 $0x3FFF, v13;
	v7 =	vld [tilespmem:s23+$0xFFFFFFE0]  }
0xaf: {  	v2 =	vmul.f32 v18, v10;
	[tilespmem:v4+s29+$0x0] =	vst.idx.add.f32.msk $0xffff, v3  }
0xb0: {  	v15 =	vand.u32 $0x3FFF, v9;
	v3 =	vmul.f32 v6, v17;
	v8 =	vld.idx.msk [tilespmem:v8+s19+$0x0], $0xffff  }
0xb1: {  	[tilespmem:v1+s28+$0x0] =	vst.idx.add.f32.msk $0xffff, v2  }
0xb2: {  	[tilespmem:v19+s29+$0x0] =	vst.idx.add.f32.msk $0xffff, v3  }
0xb3: {  	v61 =	vld.idx.msk [tilespmem:v59+s1+$0x0], $0xffff;
	v2 =	vand.u32 $0x3FFF, v14  }
0xb4: {  	v21 =	vld.idx.msk [tilespmem:v12+s19+$0x0], $0xffff;
	v60 =	vand.u32 $0x3FFF, v7  }
0xb5: {  	v4 =	vand.u32 $0x3FFF, v58;
	v6 =	vld.idx.msk [tilespmem:v15+s1+$0x0], $0xffff  }
0xb6: {  	v12 =	vld [tilespmem:s20+$0xFFFFFFF0]  }
0xb7: {  	v23 =	vshrl.u32 v9, $0xE;
	v5 =	vmul.f32 v8, v5;
	v8 =	vld [tilespmem:s20+$0x0]  }
0xb8: {  	v24 =	vld.idx.msk [tilespmem:v2+s1+$0x0], $0xffff  }
0xb9: {  	v9 =	vld.idx.msk [tilespmem:v60+s1+$0x0], $0xffff  }
0xba: {  	v25 =	vld.idx.msk [tilespmem:v4+s1+$0x0], $0xffff;
	v3 =	vmul.f32 v6, v22;
	v6 =	vshrl.u32 v14, $0xE  }
0xbb: {  	v7 =	vshrl.u32 v7, $0xE;
	[tilespmem:v20+s29+$0x0] =	vst.idx.add.f32.msk $0xffff, v5  }
0xbc: {  	[tilespmem:v23+s28+$0x0] =	vst.idx.add.f32.msk $0xffff, v3;
	v3 =	vshrl.u32 v13, $0xE  }
0xbd: {  	v15 =	vld.idx.msk [tilespmem:v15+s19+$0x0], $0xffff;
	v62 =	vmul.f32 v24, v8  }
0xbe: {  	v13 =	vmul.f32 v9, v11;
	v9 =	vld [tilespmem:s20+$0x10]  }
0xbf: {  	v19 =	vmul.f32 v61, v12;
	[tilespmem:v6+s28+$0x0] =	vst.idx.add.f32.msk $0xffff, v62  }
0xc0: {  	v5 =	vshrl.u32 v58, $0xE;
	[tilespmem:v7+s28+$0x0] =	vst.idx.add.f32.msk $0xffff, v13  }
0xc1: {  	[tilespmem:v3+s28+$0x0] =	vst.idx.add.f32.msk $0xffff, v19  }
0xc2: {  	v13 =	vld.idx.msk [tilespmem:v60+s19+$0x0], $0xffff;
	v15 =	vmul.f32 v15, v22  }
0xc3: {  	v14 =	vld.idx.msk [tilespmem:v59+s19+$0x0], $0xffff;
	v63 =	vmul.f32 v25, v9  }
0xc4: {  	[tilespmem:v23+s29+$0x0] =	vst.idx.add.f32.msk $0xffff, v15  }
0xc5: {  	s22 =	simm.s32 $0x5;
	s23 =	simm.s32 $0xEDC0;
	v10 =	vmul.f32 v21, v10;
	[tilespmem:v5+s28+$0x0] =	vst.idx.add.f32.msk $0xffff, v63  }
.LBB2_11:
0xc6: {  	v15 =	vld [tilespmem:s23+$0x20];
	s22 =	sadd.s32 $0x5, s22  }
0xc7: {  	v11 =	vmul.f32 v13, v11;
	v16 =	vld [tilespmem:s23+$0xFFFFFFF0];
	p0 =	slt.u32 s22, $0x1EF  }
0xc8: {  	v12 =	vmul.f32 v14, v12;
	v13 =	vld [tilespmem:s23+$0x0]  }
0xc9: {  	v14 =	vld [tilespmem:s23+$0x10]  }
0xca: {  	v17 =	vld [tilespmem:s23+$0xFFFFFFE0]  }
0xcb: {  	v18 =	vand.u32 $0x3FFF, v15;
	v19 =	vld.idx.msk [tilespmem:v2+s19+$0x0], $0xffff  }
0xcc: {  	v20 =	vshrl.u32 v16, $0xE;
	v16 =	vand.u32 $0x3FFF, v16;
	v21 =	vld.idx.msk [tilespmem:v4+s19+$0x0], $0xffff  }
0xcd: {  	v22 =	vshrl.u32 v13, $0xE;
	v2 =	vand.u32 $0x3FFF, v13;
	[tilespmem:v7+s29+$0x0] =	vst.idx.add.f32.msk $0xffff, v11  }
0xce: {  	v11 =	vshrl.u32 v14, $0xE;
	v4 =	vand.u32 $0x3FFF, v14;
	[tilespmem:v3+s29+$0x0] =	vst.idx.add.f32.msk $0xffff, v12;
	v3 =	vmov v20  }
0xcf: {  	v7 =	vshrl.u32 v17, $0xE;
	v13 =	vand.u32 $0x3FFF, v17;
	[tilespmem:v1+s29+$0x0] =	vst.idx.add.f32.msk $0xffff, v10;
	v1 =	vmovc v5;
	v5 =	vmov v11  }
0xd0: {  	s20 =	sadd.s32 $0x50, s20;
	v12 =	vld.idx.msk [tilespmem:v18+s1+$0x0], $0xffff  }
0xd1: {  	v17 =	vmul.f32 v19, v8;
	v14 =	vld [tilespmem:s20+$0x20]  }
0xd2: {  	v10 =	vmul.f32 v21, v9;
	v19 =	vld.idx.msk [tilespmem:v16+s1+$0x0], $0xffff  }
0xd3: {  	v15 =	vshrl.u32 v15, $0xE;
	v20 =	vld.idx.msk [tilespmem:v2+s1+$0x0], $0xffff  }
0xd4: {  	v9 =	vld.idx.msk [tilespmem:v13+s1+$0x0], $0xffff  }
0xd5: {  	v21 =	vld.idx.msk [tilespmem:v4+s1+$0x0], $0xffff  }
0xd6: {  	v11 =	vld [tilespmem:s20+$0xFFFFFFE0];
	v8 =	vmul.f32 v12, v14  }
0xd7: {  	v12 =	vld [tilespmem:s20+$0xFFFFFFF0]  }
0xd8: {  	[tilespmem:v15+s28+$0x0] =	vst.idx.add.f32.msk $0xffff, v8  }
0xd9: {  	v18 =	vld.idx.msk [tilespmem:v18+s19+$0x0], $0xffff  }
0xda: {  	v8 =	vld [tilespmem:s20+$0x0]  }
0xdb: {  	v23 =	vmul.f32 v9, v11;
	v9 =	vld [tilespmem:s20+$0x10]  }
0xdc: {  	v19 =	vmul.f32 v19, v12;
	[tilespmem:v6+s29+$0x0] =	vst.idx.add.f32.msk $0xffff, v17;
	v6 =	vmov v22  }
0xdd: {  	[tilespmem:v7+s28+$0x0] =	vst.idx.add.f32.msk $0xffff, v23  }
0xde: {  	[tilespmem:v3+s28+$0x0] =	vst.idx.add.f32.msk $0xffff, v19  }
.Ltmp4:
0xdf: {  	v18 =	vmul.f32 v18, v14;
	v13 =	vld.idx.msk [tilespmem:v13+s19+$0x0], $0xffff;
	v17 =	vmul.f32 v20, v8;
	(pc) =	sbr.rel @p0 .LBB2_11-.Ltmp4, $4  }
0xe0: {  	v14 =	vld.idx.msk [tilespmem:v16+s19+$0x0], $0xffff;
	v16 =	vmul.f32 v21, v9  }
0xe1: {  	[tilespmem:v15+s29+$0x0] =	vst.idx.add.f32.msk $0xffff, v18  }
0xe2: {  	[tilespmem:v22+s28+$0x0] =	vst.idx.add.f32.msk $0xffff, v17  }
0xe3: {  	s23 =	sadd.s32 $0x50, s23;
	[tilespmem:v5+s28+$0x0] =	vst.idx.add.f32.msk $0xffff, v16  }
0xe4: {  	_ =	sdelay $0x3  }
0xe5: {  	v2 =	vld.idx.msk [tilespmem:v2+s19+$0x0], $0xffff  }
0xe6: {  	v4 =	vld.idx.msk [tilespmem:v4+s19+$0x0], $0xffff;
	_ =	sdelay $0x1  }
0xe7: {  	v11 =	vmul.f32 v13, v11  }
0xe8: {  	[tilespmem:v1+s29+$0x0] =	vst.idx.add.f32.msk $0xffff, v10;
	v12 =	vmul.f32 v14, v12  }
0xe9: {  	p0 =	seq.s32 s0, $0x13;
	[tilespmem:v7+s29+$0x0] =	vst.idx.add.f32.msk $0xffff, v11;
	v2 =	vmul.f32 v2, v8  }
0xea: {  	s2 =	sadd.s32 @!p0 $0x3E80, s2;
	[tilespmem:v3+s29+$0x0] =	vst.idx.add.f32.msk $0xffff, v12;
	v1 =	vmul.f32 v4, v9  }
0xeb: {  	s20 =	simm.s32 @!p0 $0x0;
	s6 =	sshrl.u32 @!p0 s2, $0x3;
	s2 =	sadd.s32 @!p0 s5, s2;
	[tilespmem:v6+s29+$0x0] =	vst.idx.add.f32.msk $0xffff, v2  }
0xec: {  	s22 =	simm.s32 @!p0 $0xED00;
	s6 =	sadd.s32 @!p0 s3, s6;
	s2 =	sshrl.u32 @!p0 s2, $0x3;
	[tilespmem:v5+s29+$0x0] =	vst.idx.add.f32.msk $0xffff, v1  }
0xed: {  	[tilespmem:s22], [sflag:$0x1] =	stream.linear.gather @!p0 [hbm4b:s6+s20], $0x1F40, $0x38;
	[tilespmem:$0x16B00] =	vst v63  }
0xee: {  	s2 =	sadd.s32 @!p0 s4, s2;
	s6 =	simm.s32 @!p0 $0x12C00  }
0xef: {  	[tilespmem:s6], [sflag:$0x1] =	stream.linear.gather @!p0 [hbm4b:s2+s20], $0x1F40, $0x38;
	[tilespmem:$0x16B00] =	vst v63  }
0xf0: {  	_ =	swait.ge [sflag:s30], $0x1F40  }
0xf1: {  	[sflag:s30] =	ssyncset.done $0x0  }
0xf2: {  	[sflag:s30] =	ssyncadd.s32 $0xFFFFE0C0  }
0xf3: {  	_ =	swait.ge [sflag:s30], $0x1F40  }
0xf4: {  	[sflag:s30] =	ssyncset.done $0x0  }
0xf5: {  	s20 =	simm.s32 $0x10CA0;
	[sflag:s30] =	ssyncadd.s32 $0xFFFFE0C0  }
0xf6: {  	v1 =	vld [tilespmem:s20+$0x20];
	_ =	sdelay $0x1  }
0xf7: {  	v4 =	vld [tilespmem:s20+$0xFFFFFFE0]  }
0xf8: {  	v2 =	vld [tilespmem:s20+$0xFFFFFFF0];
	_ =	sdelay $0x1  }
0xf9: {  	v3 =	vld [tilespmem:s20+$0x0];
	v5 =	vand.u32 $0x3FFF, v1  }
0xfa: {  	s22 =	simm.s32 $0x14BA0;
	v6 =	vld [tilespmem:s20+$0x10]  }
0xfb: {  	v11 =	vld [tilespmem:s22+$0x20];
	v9 =	vand.u32 $0x3FFF, v4  }
0xfc: {  	v16 =	vld [tilespmem:s22+$0xFFFFFFE0];
	v7 =	vand.u32 $0x3FFF, v2  }
0xfd: {  	v17 =	vld [tilespmem:s22+$0xFFFFFFF0]  }
0xfe: {  	s23 =	simm.s32 $0x10CF0;
	v8 =	vand.u32 $0x3FFF, v3;
	v10 =	vld.idx.msk [tilespmem:v5+s1+$0x0], $0xffff  }
0xff: {  	v58 =	vld [tilespmem:s23+$0x10];
	v12 =	vand.u32 $0x3FFF, v6  }
0x100: {  	v15 =	vshrl.u32 v1, $0xE;
	v1 =	vld.idx.msk [tilespmem:v9+s1+$0x0], $0xffff  }
0x101: {  	s2 =	simm.s32 $0x14BF0;
	v13 =	vld.idx.msk [tilespmem:v7+s1+$0x0], $0xffff  }
0x102: {  	v22 =	vld [tilespmem:s2+$0x20];
	v4 =	vshrl.u32 v4, $0xE  }
0x103: {  	v19 =	vshrl.u32 v2, $0xE;
	v14 =	vld.idx.msk [tilespmem:v8+s1+$0x0], $0xffff;
	v10 =	vmul.f32 v10, v11  }
0x104: {  	v18 =	vld.idx.msk [tilespmem:v12+s1+$0x0], $0xffff  }
0x105: {  	v1 =	vmul.f32 v1, v16;
	[tilespmem:v15+s28+$0x0] =	vst.idx.add.f32.msk $0xffff, v10  }
0x106: {  	v13 =	vmul.f32 v13, v17;
	v10 =	vld [tilespmem:s22+$0x10]  }
0x107: {  	[tilespmem:v4+s28+$0x0] =	vst.idx.add.f32.msk $0xffff, v1  }
0x108: {  	[tilespmem:v19+s28+$0x0] =	vst.idx.add.f32.msk $0xffff, v13  }
0x109: {  	v2 =	vld.idx.msk [tilespmem:v5+s19+$0x0], $0xffff  }
0x10a: {  	v5 =	vld [tilespmem:s22+$0x0]  }
0x10b: {  	v13 =	vld [tilespmem:s23+$0xFFFFFFF0]  }
0x10c: {  	v20 =	vshrl.u32 v3, $0xE;
	v3 =	vld.idx.msk [tilespmem:v9+s19+$0x0], $0xffff  }
0x10d: {  	v1 =	vshrl.u32 v6, $0xE;
	v6 =	vld.idx.msk [tilespmem:v7+s19+$0x0], $0xffff  }
0x10e: {  	v9 =	vld [tilespmem:s23+$0x20]  }
0x10f: {  	v2 =	vmul.f32 v2, v11;
	v7 =	vmul.f32 v14, v5;
	v14 =	vld [tilespmem:s23+$0x0]  }
0x110: {  	v11 =	vld [tilespmem:s2+$0xFFFFFFE0]  }
0x111: {  	[tilespmem:v15+s29+$0x0] =	vst.idx.add.f32.msk $0xffff, v2  }
0x112: {  	v3 =	vmul.f32 v3, v16;
	[tilespmem:v20+s28+$0x0] =	vst.idx.add.f32.msk $0xffff, v7  }
0x113: {  	v59 =	vand.u32 $0x3FFF, v13;
	v7 =	vld [tilespmem:s23+$0xFFFFFFE0]  }
0x114: {  	v2 =	vmul.f32 v18, v10;
	[tilespmem:v4+s29+$0x0] =	vst.idx.add.f32.msk $0xffff, v3  }
0x115: {  	v15 =	vand.u32 $0x3FFF, v9;
	v3 =	vmul.f32 v6, v17;
	v8 =	vld.idx.msk [tilespmem:v8+s19+$0x0], $0xffff  }
0x116: {  	[tilespmem:v1+s28+$0x0] =	vst.idx.add.f32.msk $0xffff, v2  }
0x117: {  	[tilespmem:v19+s29+$0x0] =	vst.idx.add.f32.msk $0xffff, v3  }
0x118: {  	v61 =	vld.idx.msk [tilespmem:v59+s1+$0x0], $0xffff;
	v2 =	vand.u32 $0x3FFF, v14  }
0x119: {  	v21 =	vld.idx.msk [tilespmem:v12+s19+$0x0], $0xffff;
	v60 =	vand.u32 $0x3FFF, v7  }
0x11a: {  	v4 =	vand.u32 $0x3FFF, v58;
	v6 =	vld.idx.msk [tilespmem:v15+s1+$0x0], $0xffff  }
0x11b: {  	v12 =	vld [tilespmem:s2+$0xFFFFFFF0]  }
0x11c: {  	v23 =	vshrl.u32 v9, $0xE;
	v5 =	vmul.f32 v8, v5;
	v8 =	vld [tilespmem:s2+$0x0]  }
0x11d: {  	v24 =	vld.idx.msk [tilespmem:v2+s1+$0x0], $0xffff  }
0x11e: {  	v9 =	vld.idx.msk [tilespmem:v60+s1+$0x0], $0xffff  }
0x11f: {  	v25 =	vld.idx.msk [tilespmem:v4+s1+$0x0], $0xffff;
	v3 =	vmul.f32 v6, v22;
	v6 =	vshrl.u32 v14, $0xE  }
0x120: {  	v7 =	vshrl.u32 v7, $0xE;
	[tilespmem:v20+s29+$0x0] =	vst.idx.add.f32.msk $0xffff, v5  }
0x121: {  	[tilespmem:v23+s28+$0x0] =	vst.idx.add.f32.msk $0xffff, v3;
	v3 =	vshrl.u32 v13, $0xE  }
0x122: {  	v15 =	vld.idx.msk [tilespmem:v15+s19+$0x0], $0xffff;
	v62 =	vmul.f32 v24, v8  }
0x123: {  	v13 =	vmul.f32 v9, v11;
	v9 =	vld [tilespmem:s2+$0x10]  }
0x124: {  	v19 =	vmul.f32 v61, v12;
	[tilespmem:v6+s28+$0x0] =	vst.idx.add.f32.msk $0xffff, v62  }
0x125: {  	v5 =	vshrl.u32 v58, $0xE;
	[tilespmem:v7+s28+$0x0] =	vst.idx.add.f32.msk $0xffff, v13  }
0x126: {  	[tilespmem:v3+s28+$0x0] =	vst.idx.add.f32.msk $0xffff, v19  }
0x127: {  	v13 =	vld.idx.msk [tilespmem:v60+s19+$0x0], $0xffff;
	v15 =	vmul.f32 v15, v22  }
0x128: {  	v14 =	vld.idx.msk [tilespmem:v59+s19+$0x0], $0xffff;
	v63 =	vmul.f32 v25, v9  }
0x129: {  	[tilespmem:v23+s29+$0x0] =	vst.idx.add.f32.msk $0xffff, v15  }
0x12a: {  	s20 =	simm.s32 $0x5;
	s22 =	simm.s32 $0x10D40;
	v10 =	vmul.f32 v21, v10;
	[tilespmem:v5+s28+$0x0] =	vst.idx.add.f32.msk $0xffff, v63  }
.LBB2_13:
0x12b: {  	v15 =	vld [tilespmem:s22+$0x20];
	s20 =	sadd.s32 $0x5, s20  }
0x12c: {  	v11 =	vmul.f32 v13, v11;
	v16 =	vld [tilespmem:s22+$0xFFFFFFF0];
	p0 =	slt.u32 s20, $0x1EF  }
0x12d: {  	v12 =	vmul.f32 v14, v12;
	v13 =	vld [tilespmem:s22+$0x0]  }
0x12e: {  	v14 =	vld [tilespmem:s22+$0x10]  }
0x12f: {  	v17 =	vld [tilespmem:s22+$0xFFFFFFE0]  }
0x130: {  	v18 =	vand.u32 $0x3FFF, v15;
	v19 =	vld.idx.msk [tilespmem:v2+s19+$0x0], $0xffff  }
0x131: {  	v20 =	vshrl.u32 v16, $0xE;
	v16 =	vand.u32 $0x3FFF, v16;
	v21 =	vld.idx.msk [tilespmem:v4+s19+$0x0], $0xffff  }
0x132: {  	v22 =	vshrl.u32 v13, $0xE;
	v2 =	vand.u32 $0x3FFF, v13;
	[tilespmem:v7+s29+$0x0] =	vst.idx.add.f32.msk $0xffff, v11  }
0x133: {  	v11 =	vshrl.u32 v14, $0xE;
	v4 =	vand.u32 $0x3FFF, v14;
	[tilespmem:v3+s29+$0x0] =	vst.idx.add.f32.msk $0xffff, v12;
	v3 =	vmov v20  }
0x134: {  	v7 =	vshrl.u32 v17, $0xE;
	v13 =	vand.u32 $0x3FFF, v17;
	[tilespmem:v1+s29+$0x0] =	vst.idx.add.f32.msk $0xffff, v10;
	v1 =	vmovc v5;
	v5 =	vmov v11  }
0x135: {  	s2 =	sadd.s32 $0x50, s2;
	v12 =	vld.idx.msk [tilespmem:v18+s1+$0x0], $0xffff  }
0x136: {  	v17 =	vmul.f32 v19, v8;
	v14 =	vld [tilespmem:s2+$0x20]  }
0x137: {  	v10 =	vmul.f32 v21, v9;
	v19 =	vld.idx.msk [tilespmem:v16+s1+$0x0], $0xffff  }
0x138: {  	v15 =	vshrl.u32 v15, $0xE;
	v20 =	vld.idx.msk [tilespmem:v2+s1+$0x0], $0xffff  }
0x139: {  	v9 =	vld.idx.msk [tilespmem:v13+s1+$0x0], $0xffff  }
0x13a: {  	v21 =	vld.idx.msk [tilespmem:v4+s1+$0x0], $0xffff  }
0x13b: {  	v11 =	vld [tilespmem:s2+$0xFFFFFFE0];
	v8 =	vmul.f32 v12, v14  }
0x13c: {  	v12 =	vld [tilespmem:s2+$0xFFFFFFF0]  }
0x13d: {  	[tilespmem:v15+s28+$0x0] =	vst.idx.add.f32.msk $0xffff, v8  }
0x13e: {  	v18 =	vld.idx.msk [tilespmem:v18+s19+$0x0], $0xffff  }
0x13f: {  	v8 =	vld [tilespmem:s2+$0x0]  }
0x140: {  	v23 =	vmul.f32 v9, v11;
	v9 =	vld [tilespmem:s2+$0x10]  }
0x141: {  	v19 =	vmul.f32 v19, v12;
	[tilespmem:v6+s29+$0x0] =	vst.idx.add.f32.msk $0xffff, v17;
	v6 =	vmov v22  }
0x142: {  	[tilespmem:v7+s28+$0x0] =	vst.idx.add.f32.msk $0xffff, v23  }
0x143: {  	[tilespmem:v3+s28+$0x0] =	vst.idx.add.f32.msk $0xffff, v19  }
.Ltmp5:
0x144: {  	v18 =	vmul.f32 v18, v14;
	v13 =	vld.idx.msk [tilespmem:v13+s19+$0x0], $0xffff;
	v17 =	vmul.f32 v20, v8;
	(pc) =	sbr.rel @p0 .LBB2_13-.Ltmp5, $4  }
0x145: {  	v14 =	vld.idx.msk [tilespmem:v16+s19+$0x0], $0xffff;
	v16 =	vmul.f32 v21, v9  }
0x146: {  	[tilespmem:v15+s29+$0x0] =	vst.idx.add.f32.msk $0xffff, v18  }
0x147: {  	[tilespmem:v22+s28+$0x0] =	vst.idx.add.f32.msk $0xffff, v17  }
0x148: {  	s22 =	sadd.s32 $0x50, s22;
	[tilespmem:v5+s28+$0x0] =	vst.idx.add.f32.msk $0xffff, v16  }
0x149: {  	_ =	sdelay $0x3  }
0x14a: {  	v2 =	vld.idx.msk [tilespmem:v2+s19+$0x0], $0xffff  }
0x14b: {  	v4 =	vld.idx.msk [tilespmem:v4+s19+$0x0], $0xffff  }
0x14c: {  	s0 =	sadd.s32 $0x1, s0  }
0x14d: {  	v11 =	vmul.f32 v13, v11;
	p0 =	sne.s32 s0, $0x14  }
.Ltmp6:
0x14e: {  	[tilespmem:v1+s29+$0x0] =	vst.idx.add.f32.msk $0xffff, v10;
	v12 =	vmul.f32 v14, v12;
	(pc) =	sbr.rel @p0 .LBB2_10-.Ltmp6, $4  }
0x14f: {  	[tilespmem:v7+s29+$0x0] =	vst.idx.add.f32.msk $0xffff, v11;
	v2 =	vmul.f32 v2, v8  }
0x150: {  	[tilespmem:v3+s29+$0x0] =	vst.idx.add.f32.msk $0xffff, v12;
	v1 =	vmul.f32 v4, v9  }
0x151: {  	[tilespmem:v6+s29+$0x0] =	vst.idx.add.f32.msk $0xffff, v2  }
0x152: {  	[tilespmem:v5+s29+$0x0] =	vst.idx.add.f32.msk $0xffff, v1  }
0x153: {  	s0 =	simm.s32 $0x9E20  }
0x154: {  	v1 =	vld [tilespmem:s0+$0x20]  }
0x155: {  	v2 =	vld [tilespmem:s0+$0xFFFFFFF0]  }
0x156: {  	v3 =	vld [tilespmem:s0+$0x0]  }
0x157: {  	v4 =	vld [tilespmem:s0+$0x10]  }
0x158: {  	v5 =	vld [tilespmem:s0+$0xFFFFFFE0]  }
0x159: {  	vm0 =	vgt.f32 v1, $0.0e+00  }
0x15a: {  	vm1 =	vgt.f32 v2, $0.0e+00;
	v1 =	vnsel vm0, $0x3F800000, v1  }
0x15b: {  	vm15 =	vgt.f32 v3, $0.0e+00;
	v2 =	vnsel vm1, $0x3F800000, v2;
	(erf) = vrcp.f32 v1  }
0x15c: {  	vm4 =	vgt.f32 v4, $0.0e+00;
	v1 =	vnsel vm15, $0x3F800000, v3;
	(erf) = vrcp.f32 v2  }
0x15d: {  	s23 =	simm.s32 $0x9E70;
	vm5 =	vgt.f32 v5, $0.0e+00;
	v2 =	vnsel vm4, $0x3F800000, v4;
	(erf) = vrcp.f32 v1  }
0x15e: {  	v6 =	vld [tilespmem:s23+$0xFFFFFFF0];
	v1 =	vnsel vm5, $0x3F800000, v5;
	(erf) = vrcp.f32 v2  }
0x15f: {  	v8 =	vld [tilespmem:s23+$0x0];
	(erf) = vrcp.f32 v1  }
0x160: {  	v5 =	vld [tilespmem:s23+$0x20]  }
0x161: {  	s6 =	simm.s32 $0x4F20;
	v10 =	vld [tilespmem:s23+$0x10]  }
0x162: {  	v1 =	vld [tilespmem:s6+$0x20]  }
0x163: {  	v4 =	vld [tilespmem:s6+$0xFFFFFFF0]  }
0x164: {  	v3 =	vld [tilespmem:s6+$0xFFFFFFE0];
	v7 =	vpop (erf)  }
0x165: {  	v12 =	vld [tilespmem:s23+$0xFFFFFFE0];
	vm6 =	vgt.f32 v5, $0.0e+00;
	v9 =	vpop (erf)  }
0x166: {  	vm7 =	vgt.f32 v6, $0.0e+00;
	v5 =	vnsel vm6, $0x3F800000, v5;
	v2 =	vpop (erf)  }
0x167: {  	vm8 =	vgt.f32 v8, $0.0e+00;
	(erf) = vrcp.f32 v5;
	v11 =	vmul.f32 v7, v1;
	v1 =	vpop (erf)  }
0x168: {  	s22 =	simm.s32 $0x4F70;
	vm9 =	vgt.f32 v10, $0.0e+00;
	v6 =	vnsel vm7, $0x3F800000, v6;
	v4 =	vmul.f32 v9, v4;
	v13 =	vpop (erf)  }
0x169: {  	v57 =	vld [tilespmem:s22+$0xFFFFFFE0];
	v8 =	vnsel vm8, $0x3F800000, v8;
	(erf) = vrcp.f32 v6;
	v3 =	vmul.f32 v13, v3  }
0x16a: {  	s2 =	simm.s32 $0x9EC0;
	v14 =	vld [tilespmem:s22+$0xFFFFFFF0];
	vm10 =	vgt.f32 v12, $0.0e+00;
	(erf) = vrcp.f32 v8;
	[tilespmem:s6+$0xFFFFFFF0] =	vst v4;
	v4 =	vnsel vm9, $0x3F800000, v10  }
0x16b: {  	v15 =	vld [tilespmem:s2+$0x20];
	(erf) = vrcp.f32 v4;
	[tilespmem:s6+$0xFFFFFFE0] =	vst v3;
	v3 =	vnsel vm10, $0x3F800000, v12  }
0x16c: {  	(erf) = vrcp.f32 v3;
	v3 =	vld [tilespmem:s22+$0x20]  }
0x16d: {  	v5 =	vld [tilespmem:s6+$0x0]  }
0x16e: {  	s0 =	simm.s32 $0x76A0;
	v16 =	vld [tilespmem:s2+$0xFFFFFFF0];
	[tilespmem:s6+$0x20] =	vst v11  }
0x16f: {  	v11 =	vld [tilespmem:s0+$0x20]  }
0x170: {  	v6 =	vld [tilespmem:s6+$0x10];
	v17 =	vpop (erf)  }
0x171: {  	v8 =	vld [tilespmem:s0+$0xFFFFFFF0];
	v4 =	vmul.f32 v17, v3  }
0x172: {  	v18 =	vld [tilespmem:s2+$0x0];
	v5 =	vmul.f32 v2, v5  }
0x173: {  	v20 =	vld [tilespmem:s2+$0xFFFFFFE0];
	v19 =	vpop (erf)  }
0x174: {  	[tilespmem:s6+$0x0] =	vst v5;
	v7 =	vmul.f32 v7, v11;
	v11 =	vld [tilespmem:s2+$0x10];
	v3 =	vpop (erf)  }
0x175: {  	vm11 =	vgt.f32 v15, $0.0e+00;
	v6 =	vmul.f32 v1, v6;
	v10 =	vld [tilespmem:s0+$0xFFFFFFE0];
	[tilespmem:s22+$0x20] =	vst v4;
	v4 =	vpop (erf)  }
0x176: {  	vm12 =	vgt.f32 v16, $0.0e+00;
	v8 =	vmul.f32 v9, v8;
	v9 =	vld [tilespmem:s22+$0x0];
	[tilespmem:s0+$0x20] =	vst v7;
	v7 =	vmul.f32 v19, v14;
	v21 =	vpop (erf)  }
0x177: {  	v60 =	vld [tilespmem:s22+$0x10];
	vm13 =	vgt.f32 v18, $0.0e+00;
	v59 =	vnsel vm11, $0x3F800000, v15;
	[tilespmem:s6+$0x10] =	vst v6;
	s2 =	simm.s32 $0x76F0;
	v5 =	vmul.f32 v21, v57  }
0x178: {  	vm15 =	vgt.f32 v20, $0.0e+00;
	(erf) = vrcp.f32 v59;
	[tilespmem:s22+$0xFFFFFFF0] =	vst v7;
	v7 =	vnsel vm12, $0x3F800000, v16;
	v58 =	vld [tilespmem:s2+$0x20]  }
0x179: {  	v6 =	vnsel vm13, $0x3F800000, v18;
	v61 =	vld [tilespmem:s2+$0xFFFFFFF0];
	(erf) = vrcp.f32 v7;
	vm14 =	vgt.f32 v11, $0.0e+00;
	[tilespmem:s22+$0xFFFFFFE0] =	vst v5  }
0x17a: {  	[tilespmem:s0+$0xFFFFFFF0] =	vst v8;
	v8 =	vnsel vm14, $0x3F800000, v11;
	(erf) = vrcp.f32 v6;
	v5 =	vmul.f32 v13, v10;
	v10 =	vld [tilespmem:s2+$0xFFFFFFE0]  }
0x17b: {  	v7 =	vld [tilespmem:s0+$0x0];
	v9 =	vmul.f32 v3, v9;
	v6 =	vnsel vm15, $0x3F800000, v20;
	(erf) = vrcp.f32 v8  }
0x17c: {  	s20 =	simm.s32 $0x4FC0;
	v63 =	vmul.f32 v4, v60;
	(erf) = vrcp.f32 v6;
	[tilespmem:s0+$0xFFFFFFE0] =	vst v5;
	v5 =	vld [tilespmem:s0+$0x10]  }
0x17d: {  	v8 =	vld [tilespmem:s20+$0x20];
	[tilespmem:s22+$0x0] =	vst v9;
	v62 =	vmul.f32 v17, v58  }
0x17e: {  	v9 =	vld [tilespmem:s20+$0xFFFFFFF0];
	v11 =	vmul.f32 v19, v61;
	[tilespmem:s22+$0x10] =	vst v63  }
0x17f: {  	s23 =	simm.s32 $0xA;
	s6 =	simm.s32 $0x9F10;
	v6 =	vld [tilespmem:s20+$0xFFFFFFE0];
	s22 =	simm.s32 $0x4FC0;
	[tilespmem:s2+$0x20] =	vst v62;
	v10 =	vmul.f32 v21, v10  }
.LBB2_16:
0x180: {  	v12 =	vld [tilespmem:s6+$0x20];
	s23 =	sadd.s32 $0x5, s23;
	[tilespmem:s2+$0xFFFFFFF0] =	vst v11;
	v7 =	vmul.f32 v2, v7;
	v2 =	vmov v3  }
0x181: {  	v11 =	vld [tilespmem:s6+$0xFFFFFFF0];
	p0 =	slt.u32 s23, $0x26C;
	v13 =	vpop (erf);
	[tilespmem:s2+$0xFFFFFFE0] =	vst v10;
	v5 =	vmul.f32 v1, v5;
	v1 =	vmov v4  }
0x182: {  	v10 =	vld [tilespmem:s6+$0x0];
	v16 =	vmul.f32 v13, v8;
	v14 =	vpop (erf);
	[tilespmem:s0+$0x0] =	vst v7  }
0x183: {  	v7 =	vld [tilespmem:s6+$0x10];
	v3 =	vpop (erf);
	[tilespmem:s0+$0x10] =	vst v5;
	s0 =	smov.u32 s2  }
0x184: {  	s2 =	sadd.s32 $0x50, s2;
	v5 =	vld [tilespmem:s6+$0xFFFFFFE0];
	v8 =	vmul.f32 v14, v9;
	[tilespmem:s20+$0x20] =	vst v16;
	v4 =	vpop (erf)  }
0x185: {  	vm0 =	vgt.f32 v12, $0.0e+00;
	v9 =	vld [tilespmem:s2+$0x20];
	v15 =	vpop (erf)  }
0x186: {  	vm1 =	vgt.f32 v11, $0.0e+00;
	v12 =	vnsel vm0, $0x3F800000, v12;
	v6 =	vmul.f32 v15, v6;
	[tilespmem:s20+$0xFFFFFFF0] =	vst v8;
	v8 =	vld [tilespmem:s20+$0x0]  }
0x187: {  	v11 =	vnsel vm1, $0x3F800000, v11;
	vm0 =	vgt.f32 v10, $0.0e+00;
	(erf) = vrcp.f32 v12;
	v12 =	vld [tilespmem:s20+$0x10]  }
0x188: {  	v10 =	vnsel vm0, $0x3F800000, v10;
	vm0 =	vgt.f32 v7, $0.0e+00;
	(erf) = vrcp.f32 v11;
	[tilespmem:s20+$0xFFFFFFE0] =	vst v6;
	v11 =	vld [tilespmem:s2+$0xFFFFFFF0]  }
0x189: {  	vm1 =	vgt.f32 v5, $0.0e+00;
	v6 =	vnsel vm0, $0x3F800000, v7;
	(erf) = vrcp.f32 v10;
	v10 =	vld [tilespmem:s2+$0xFFFFFFE0]  }
.Ltmp7:
0x18a: {  	v5 =	vnsel vm1, $0x3F800000, v5;
	(erf) = vrcp.f32 v6;
	v6 =	vmul.f32 v13, v9;
	v7 =	vld [tilespmem:s0+$0x0];
	(pc) =	sbr.rel @p0 .LBB2_16-.Ltmp7, $4  }
0x18b: {  	s20 =	sadd.s32 $0x50, s20;
	(erf) = vrcp.f32 v5;
	v9 =	vmul.f32 v3, v8;
	v5 =	vld [tilespmem:s0+$0x10]  }
0x18c: {  	v8 =	vld [tilespmem:s20+$0x20];
	v12 =	vmul.f32 v4, v12;
	[tilespmem:s2+$0x20] =	vst v6  }
0x18d: {  	v6 =	vld [tilespmem:s20+$0xFFFFFFE0];
	v11 =	vmul.f32 v14, v11;
	[tilespmem:s22+$0x0] =	vst v9  }
0x18e: {  	s6 =	sadd.s32 $0x50, s6;
	v9 =	vld [tilespmem:s20+$0xFFFFFFF0];
	v10 =	vmul.f32 v15, v10;
	[tilespmem:s22+$0x10] =	vst v12;
	s22 =	smov.u32 s20  }
0x18f: {  	_ = 	snop  }
0x190: {  	v12 =	vpop (erf)  }
0x191: {  	v13 =	vpop (erf)  }
0x192: {  	v14 =	vpop (erf)  }
0x193: {  	v17 =	vld [tilespmem:s20+$0x0];
	v8 =	vmul.f32 v12, v8;
	v15 =	vpop (erf)  }
0x194: {  	v55 =	vld [tilespmem:s20+$0x10];
	[tilespmem:s2+$0xFFFFFFF0] =	vst v11;
	v9 =	vmul.f32 v13, v9;
	v16 =	vpop (erf)  }
0x195: {  	s6 =	sadd.s32 $0x50, s2;
	[tilespmem:s20+$0x20] =	vst v8;
	v6 =	vmul.f32 v16, v6  }
0x196: {  	v56 =	vld [tilespmem:s6+$0x20];
	[tilespmem:s20+$0xFFFFFFF0] =	vst v9  }
0x197: {  	v2 =	vmul.f32 v2, v7;
	v57 =	vld [tilespmem:s6+$0xFFFFFFF0];
	[tilespmem:s20+$0xFFFFFFE0] =	vst v6  }
0x198: {  	[tilespmem:s2+$0xFFFFFFE0] =	vst v10;
	v59 =	vmul.f32 v14, v17;
	v58 =	vld [tilespmem:s6+$0xFFFFFFE0]  }
0x199: {  	[tilespmem:s0+$0x0] =	vst v2;
	v2 =	vld [tilespmem:s2+$0x0];
	v8 =	vmul.f32 v15, v55  }
0x19a: {  	v60 =	vld [tilespmem:s2+$0x10];
	v1 =	vmul.f32 v1, v5;
	[tilespmem:s22+$0x0] =	vst v59  }
0x19b: {  	[tilespmem:s22+$0x10] =	vst v8;
	v61 =	vld [tilespmem:s6+$0x0];
	v6 =	vmul.f32 v12, v56  }
0x19c: {  	[tilespmem:s0+$0x10] =	vst v1;
	v62 =	vld [tilespmem:s6+$0x10];
	v1 =	vmul.f32 v13, v57  }
0x19d: {  	[tilespmem:s6+$0x20] =	vst v6;
	v63 =	vmul.f32 v16, v58  }
0x19e: {  	[tilespmem:s6+$0xFFFFFFF0] =	vst v1;
	v1 =	vmul.f32 v3, v2  }
0x19f: {  	v2 =	vmul.f32 v4, v60;
	[tilespmem:s6+$0xFFFFFFE0] =	vst v63  }
0x1a0: {  	[tilespmem:s2+$0x0] =	vst v1;
	v1 =	vmul.f32 v14, v61  }
0x1a1: {  	[tilespmem:s2+$0x10] =	vst v2;
	v2 =	vmul.f32 v15, v62  }
0x1a2: {  	[tilespmem:s6+$0x0] =	vst v1  }
0x1a3: {  	[tilespmem:s6+$0x10] =	vst v2  }
0x1a4: {  	[hbm4b:s13+s16] =	stream.strided.scatter [tilespmem:s28], [sflag:$0x3], $0x2780, s17, s16, $0x38;
	[tilespmem:$0x16B00] =	vst v63  }
0x1a5: {  	s31 =	sadd.s32 $0x1, s31;
	_ =	swait.ge [sflag:s18], $0x2780  }
0x1a6: {  	p0 =	sne.s32 s31, s15;
	[sflag:s18] =	ssyncset.done $0x0  }
.Ltmp8:
0x1a7: {  	[sflag:s18] =	ssyncadd.s32 $0xFFFFD880;
	(pc) =	sbr.rel @p0 .LBB2_1-.Ltmp8, $4  }
0x1a8: {  	[hbm4b:s14+s16] =	stream.strided.scatter [tilespmem:s29], [sflag:$0x3], $0x2780, s17, s16, $0x38;
	[tilespmem:$0x16B00] =	vst v63  }
0x1a9: {  	_ =	swait.ge [sflag:s18], $0x2780  }
0x1aa: {  	[sflag:s18] =	ssyncset.done $0x0  }
0x1ab: {  	[sflag:s18] =	ssyncadd.s32 $0xFFFFD880  }
0x1ac: {  	_ =	sfence.sel $0x180000  }
0x1ad: {  	[bflag:$0x0] =	sbarrier.arrive $0xFFFF  }
0x1ae: {  	_ =	strace $0x9000004A  }
0x1af: {  	s0 =	stileid.u32;
	[bflag:$0x2] =	sbarrier.arrive $0xFFFF  }
0x1b0: {  	p0 =	sne.s32 s0, $0x0;
	s0 =	rddreg [dreg:$0x2]  }
0x1b1: {  	s0 =	sadd.s32 @!p0 $0x100000, s0  }
0x1b2: {  	[sflag:s0] =	ssyncadd.tile.s32 @!p0 $0x1;
	_ =	shalt  }
.Lfunc_end2:
_tile_overlayer_lowered:
.L_overlay_start_2:
0x1b3: {  	(tag) =	ssettag $0x2  }
0x1b4: {  	s0 =	rddreg [dreg:$0x0];
	s2 =	stileid.u32  }
0x1b5: {  	s1 =	rddreg [dreg:$0x1];
	p0 =	sne.s32 s2, $0x0  }
0x1b6: {  	s3 =	rddreg [dreg:$0x2];
	[bflag:$0x3] =	sbarrier.arrive $0xFFFF;
	s2 =	simm.s32 @!p0 $0x1C03  }
0x1b7: {  	[timem:s3], [sflag:s2] =	dma.local @!p0 [hbm:s0], s1  }
0x1b8: {  	s0 =	simm.s32 @!p0 $0x3  }
0x1b9: {  	_ =	swait.ge @!p0 [sflag:s0], s1  }
0x1ba: {  	s1 =	ssub.s32 @!p0 $0x0, s1;
	[sflag:s0] =	ssyncset.done @!p0 $0x0  }
0x1bb: {  	[sflag:s0] =	ssyncadd.s32 @!p0 s1  }
0x1bc: {  	[bflag:$0x3] =	sbarrier.arrive $0xFFFF  }
0x1bd: {  	_ =	shalt  }

// kernel: kernel.20.cloned.1.call-start
scs
__scs_entry_jumppad:
0x0: {  	(pc) =	sbr.rel $0x88, $3  }
0x1: {  	(tag) =	ssettag $0x0;
	lr =	simm.s32 $0x1  }
0x2: {  	[smem:$0x3F94] =	sst lr;
	_ =	strace $0xD0000000  }
0x3: {  	_ = 	snop  }
0x4: {  	_ = 	snop  }
0x5: {  	_ = 	snop  }
0x6: {  	_ = 	snop  }
0x7: {  	_ = 	snop  }
__scs_overlays_trampoline_lowered:
0x8: {  	[smem:$0x3FA3] =	sst s0  }
0x9: {  	[smem:$0x3FA4] =	sst s1  }
0xa: {  	[smem:$0x3FA5] =	sst s2  }
0xb: {  	[smem:$0x3FA6] =	sst s3  }
0xc: {  	[smem:$0x3FA7] =	sst s4  }
0xd: {  	[smem:$0x3FA8] =	sst s5  }
0xe: {  	[smem:$0x3FA9] =	sst s6  }
0xf: {  	[smem:$0x3FAA] =	sst s7  }
0x10: {  	[smem:$0x3FAB] =	sst s8  }
0x11: {  	[smem:$0x3FAC] =	sst s9;
	s0 =	simm.s32 @!p0 $0x0  }
0x12: {  	s1 =	sld [smem:$0x3F92];
	s0 =	simm.s32 @p0 $0x1  }
0x13: {  	[smem:$0x3FAD] =	sst s0;
	s0 =	simm.s32 @!p1 $0x0  }
0x14: {  	s2 =	sld [smem:$0x3F91];
	s0 =	simm.s32 @p1 $0x1  }
0x15: {  	[smem:$0x3FAE] =	sst s0;
	s0 =	simm.s32 @!p2 $0x0  }
0x16: {  	s3 =	sld [smem:$0x3FDB];
	s0 =	simm.s32 @p2 $0x1  }
0x17: {  	s4 =	simm.s32 $0x1BF5;
	[smem:$0x3FB0] =	sst s0  }
0x18: {  	s0 =	sld [smem:$0x3F93];
	_ =	swait.ge [sflag:s4], $0x0  }
0x19: {  	s7 =	sld [smem:$0x3F94]  }
0x1a: {  	s8 =	sadd.s32 $0xFFFFE003, lr  }
0x1b: {  	s9 =	sadd.s32 $0xFFFFFEF7, lr;
	s5 =	simm.s32 $0xFFFFFFFF;
	p2 =	slt.u32 s8, $0xFFFFF086  }
0x1c: {  	p1 =	slt.u32 s9, $0xF7A;
	s5 =	simm.s32 @!p2 $0x0  }
0x1d: {  	s5 =	simm.s32 @p1 $0x1;
	p0 =	seq.s32 s7, s2  }
0x1e: {  	s7 =	smul.u32 @!p0 $0xF7A, s2;
	p2 =	seq.s32 @!p0 s5, $0x0  }
0x1f: {  	s9 =	smul.u32 $0xF7A, s1;
	s8 =	simm.s32 @!p0 $0x1BF5;
	p2 =	por !p2, p0  }
0x20: {  	[sflag:s8] =	ssyncset.s32 @!p0 $0xFFFFF086;
	s6 =	sadd.s32 @!p0 s3, s7;
	s7 =	simm.s32 @!p0 $0x108  }
0x21: {  	s3 =	sadd.s32 s3, s9;
	s6 =	sadd.s32 @!p0 $0x88, s6;
	s7 =	simm.s32 @p2 $0x1082  }
0x22: {  	[simem:s7], [sflag:s8] =	dma.local @!p0 [hbm:s6], $0xF7A  }
0x23: {  	s9 =	sor.u32 $0xD0000000, s2;
	s6 =	simm.s32 $0x108;
	_ =	swait.ge @!p0 [sflag:s8], $0x0  }
0x24: {  	s3 =	sadd.s32 $0x88, s3;
	s6 =	simm.s32 @!p1 $0x1082;
	[sflag:s4] =	ssyncset.s32 $0xFFFFF086  }
0x25: {  	[simem:s6], [sflag:s4] =	dma.local [hbm:s3], $0xF7A  }
0x26: {  	[smem:$0x3F94] =	sst s1;
	(tag) =	ssettag s2;
	_ =	strace s9  }
0x27: {  	s1 =	sld [smem:$0x3FA4]  }
0x28: {  	s2 =	sld [smem:$0x3FA5]  }
0x29: {  	s4 =	sld [smem:$0x3FA7]  }
0x2a: {  	p0 =	seq.s32 s5, $0x0;
	s5 =	sld [smem:$0x3FA8]  }
0x2b: {  	s6 =	sld [smem:$0x3FA9]  }
0x2c: {  	s7 =	sld [smem:$0x3FAA]  }
0x2d: {  	s3 =	simm.s32 $0x108;
	s8 =	sld [smem:$0x3FAB]  }
0x2e: {  	s3 =	simm.s32 @!p0 $0x1082;
	s9 =	sld [smem:$0x3FAC]  }
0x2f: {  	lr =	sadd.s32 s0, s3;
	s0 =	sld [smem:$0x3FA3]  }
0x30: {  	s3 =	sld [smem:$0x3FA6]  }
0x31: {  	[smem:$0x3FAF] =	sst s10  }
0x32: {  	s10 =	sld [smem:$0x3FAD];
	_ =	sdelay $0x3  }
0x33: {  	p0 =	seq.s32 s10, $0x1;
	s10 =	sld [smem:$0x3FAF];
	_ =	sdelay $0x3  }
0x34: {  	[smem:$0x3FAF] =	sst s10  }
0x35: {  	s10 =	sld [smem:$0x3FAE];
	_ =	sdelay $0x3  }
0x36: {  	p1 =	seq.s32 s10, $0x1;
	s10 =	sld [smem:$0x3FAF];
	_ =	sdelay $0x3  }
0x37: {  	[smem:$0x3FAF] =	sst s10  }
0x38: {  	s10 =	sld [smem:$0x3FB0]  }
0x39: {  	_ = 	snop;
	(pc) =	sbr.ind lr, $3  }
0x3a: {  	_ = 	snop  }
0x3b: {  	_ = 	snop  }
0x3c: {  	p2 =	seq.s32 s10, $0x1;
	s10 =	sld [smem:$0x3FAF]  }
0x3d: {  	_ =	shalt  }
0x3e: {  	_ =	shalt  }
0x3f: {  	_ =	shalt  }
0x40: {  	_ =	shalt  }
0x41: {  	_ =	shalt  }
0x42: {  	_ =	shalt  }
0x43: {  	_ =	shalt  }
0x44: {  	_ =	shalt  }
0x45: {  	_ =	shalt  }
0x46: {  	_ =	shalt  }
0x47: {  	_ =	shalt  }
0x48: {  	_ =	shalt  }
0x49: {  	_ =	shalt  }
0x4a: {  	_ =	shalt  }
0x4b: {  	_ =	shalt  }
0x4c: {  	_ =	shalt  }
0x4d: {  	_ =	shalt  }
0x4e: {  	_ =	shalt  }
0x4f: {  	_ =	shalt  }
0x50: {  	_ =	shalt  }
0x51: {  	_ =	shalt  }
0x52: {  	_ =	shalt  }
0x53: {  	_ =	shalt  }
0x54: {  	_ =	shalt  }
0x55: {  	_ =	shalt  }
0x56: {  	_ =	shalt  }
0x57: {  	_ =	shalt  }
0x58: {  	_ =	shalt  }
0x59: {  	_ =	shalt  }
0x5a: {  	_ =	shalt  }
0x5b: {  	_ =	shalt  }
0x5c: {  	_ =	shalt  }
0x5d: {  	_ =	shalt  }
0x5e: {  	_ =	shalt  }
0x5f: {  	_ =	shalt  }
0x60: {  	_ =	shalt  }
0x61: {  	_ =	shalt  }
0x62: {  	_ =	shalt  }
0x63: {  	_ =	shalt  }
0x64: {  	_ =	shalt  }
0x65: {  	_ =	shalt  }
0x66: {  	_ =	shalt  }
0x67: {  	_ =	shalt  }
0x68: {  	_ =	shalt  }
0x69: {  	_ =	shalt  }
0x6a: {  	_ =	shalt  }
0x6b: {  	_ =	shalt  }
0x6c: {  	_ =	shalt  }
0x6d: {  	_ =	shalt  }
0x6e: {  	_ =	shalt  }
0x6f: {  	_ =	shalt  }
0x70: {  	_ =	shalt  }
0x71: {  	_ =	shalt  }
0x72: {  	_ =	shalt  }
0x73: {  	_ =	shalt  }
0x74: {  	_ =	shalt  }
0x75: {  	_ =	shalt  }
0x76: {  	_ =	shalt  }
0x77: {  	_ =	shalt  }
0x78: {  	_ =	shalt  }
0x79: {  	_ =	shalt  }
0x7a: {  	_ =	shalt  }
0x7b: {  	_ =	shalt  }
0x7c: {  	_ =	shalt  }
0x7d: {  	_ =	shalt  }
0x7e: {  	_ =	shalt  }
0x7f: {  	_ =	shalt  }
0x80: {  	_ =	shalt  }
0x81: {  	_ =	shalt  }
0x82: {  	_ =	shalt  }
0x83: {  	_ =	shalt  }
0x84: {  	_ =	shalt  }
0x85: {  	_ =	shalt  }
0x86: {  	_ =	shalt  }
0x87: {  	_ =	shalt  }
.Lfunc_end0:
.L_simem_size_0:
called_computation.2_lowered:
.L_overlay_start_0:
0x88: {  	s2 =	sld [smem:$0x3FD9]  }
0x89: {  	s3 =	sld [smem:$0x3FFE];
	_ =	sdelay $0x1  }
0x8a: {  	s1 =	srdreg.scid  }
0x8b: {  	s0 =	sand.u32 $0x1, s1  }
0x8c: {  	s16 =	sshll.u32 s0, $0xA;
	s2 =	sadd.s32 s3, s2  }
0x8d: {  	s2 =	sadd.s32 s2, s16  }
0x8e: {  	[smem:$0x3FBB] =	sst s2  }
0x8f: {  	_ = 	snop  }
0x90: {  	(tm) =	ssettm $0x1  }
0x91: {  	s17 =	sld [smem:$0x3FFB];
	_ =	sdelay $0x3  }
0x92: {  	_ =	strace s17  }
0x93: {  	s2 =	sld [smem:$0x3FFC];
	_ =	sdelay $0x3  }
0x94: {  	_ =	strace s2  }
0x95: {  	s2 =	sld [smem:$0x3FFD];
	_ =	sdelay $0x3  }
0x96: {  	_ =	strace s2  }
0x97: {  	_ =	strace $0x8FFFFFFF  }
0x98: {  	s18 =	sld [smem:$0x3FDB];
	_ =	sdelay $0x1  }
0x99: {  	s19 =	simm.s32 $_scs_section_size  }
0x9a: {  	s4 =	simm.s32 $_size__tile_overlayer_lowered;
	s5 =	simm.s32 $_tile_overlayer_lowered  }
0x9b: {  	s22 =	simm.s32 $0x1BFF;
	s21 =	sshll.u32 s5, $0x1;
	s2 =	sadd.s32 s19, s18  }
0x9c: {  	s6 =	simm.s32 $0x0;
	s20 =	sshll.u32 s4, $0x1;
	s4 =	sadd.s32 s21, s2  }
0x9d: {  	[timem:s6], [sflag:s22] =	dma.local [hbm:s4], s20  }
0x9e: {  	_ =	swait.ge [sflag:s22], s20  }
0x9f: {  	s3 =	ssub.s32 $0x0, s20;
	[sflag:s22] =	ssyncset.done $0x0  }
0xa0: {  	[sflag:s22] =	ssyncadd.s32 s3;
	_ =	sdelay $0x1  }
0xa1: {  	s23 =	simm.s32 $0x1B8B  }
0xa2: {  	_ =	swait.ge [sflag:s23], $0x1  }
0xa3: {  	[sflag:s23] =	ssyncset.done $0x0  }
0xa4: {  	s25 =	simm.s32 $0x1B8E;
	s24 =	sld [smem:$0x3FFE];
	[sflag:s23] =	ssyncadd.s32 $0xFFFFFFFF  }
0xa5: {  	s26 =	simm.s32 $execute0_lowered;
	[smem:$0x3FD2] =	sst s25  }
0xa6: {  	s4 =	sshll.u32 s26, $0x1;
	_ =	strace $0x8000004C;
	[dreg:$0x1] =	wrdreg $0xFFFFFFFF  }
0xa7: {  	s28 =	simm.s32 $_size_execute0_lowered;
	s2 =	sadd.s32 s2, s4;
	[dreg:$0x0] =	wrdreg $0x0  }
0xa8: {  	s4 =	sshll.u32 s28, $0x1;
	[dreg:$0x2] =	wrdreg s2  }
0xa9: {  	[dreg:$0x3] =	wrdreg s4  }
0xaa: {  	[dreg:$0x4] =	wrdreg $0xC0  }
0xab: {  	_ =	task [dreg:s6], $0x5FFFF  }
0xac: {  	[dreg:$0x1] =	wrdreg $0xFFFFFFFF  }
0xad: {  	[dreg:$0x0] =	wrdreg $0x60  }
0xae: {  	[dreg:$0x2] =	wrdreg s24  }
0xaf: {  	[dreg:$0x3] =	wrdreg $0x9  }
0xb0: {  	_ =	task.clear_ibuf [dreg:s6], $0x4FFFF;
	_ =	strace $0x9000004C  }
0xb1: {  	s29 =	simm.s32 $0x9;
	_ =	strace $0x8000004E  }
0xb2: {  	_ =	swait.ge [sflag:s29], $0x1  }
0xb3: {  	[sflag:s29] =	ssyncadd.s32 $0xFFFFFFFF  }
0xb4: {  	_ =	strace $0x9000004E  }
0xb5: {  	_ =	sfence  }
0xb6: {  	s30 =	sld [smem:$0x0];
	_ =	sdelay $0x2  }
0xb7: {  	s31 =	sshll.u32 s1, $0xD;
	s1 =	sshrl.u32 s1, $0x2  }
0xb8: {  	s3 =	sand.u32 $0x4000, s31;
	s1 =	sadd.s32 s1, s30  }
0xb9: {  	s0 =	sor.u32 s3, s0;
	s1 =	sshll.u32 s1, $0x11  }
0xba: {  	s0 =	sor.u32 s1, s0  }
0xbb: {  	s0 =	sadd.s32 $0x8F2B, s0  }
0xbc: {  	[sflag:s0] =	ssyncadd.remote.s32 $0x1  }
0xbd: {  	_ =	sfence.sel $0xFFFF  }
0xbe: {  	[dreg:$0x0] =	wrdreg $0xFFFFFFFF;
	(pc) =	sbr.abs _section_cstart, $3  }
0xbf: {  	[dreg:$0x1] =	wrdreg $0xFFFFFFFF  }
0xc0: {  	_ =	task.clear_ibuf [dreg:s6], $0x2FFFF;
	_ =	strace $0x9FFFFFFF  }
0xc1: {  	(tm) =	ssettm $0x7FFFFFFF  }
tec
execute0_lowered:
.L_overlay_start_1:
0x0: {  	(tag) =	ssettag $0x1  }
0x1: {  	s0 =	rddreg [dreg:$0x0]  }
0x2: {  	s2 =	simm.s32 $0x0;
	s3 =	stileid.u32;
	s1 =	srdreg.scid  }
0x3: {  	s17 =	simm.s32 $0x5;
	s18 =	simm.s32 $0x2780;
	s20 =	simm.s32 $0x7700  }
0x4: {  	s21 =	simm.s32 $0x9680;
	s22 =	simm.s32 $0x1;
	s23 =	simm.s32 $0x4F80  }
0x5: {  	s28 =	simm.s32 $0xD580;
	s29 =	simm.s32 $0x3;
	s30 =	simm.s32 $0x0  }
0x6: {  	[smem:$0x7FF] =	sst s2;
	s5 =	sshrl.u32 s3, $0x1;
	s1 =	sand.u32 $0x1, s1  }
0x7: {  	s3 =	sshll.u32 s3, $0x1;
	_ =	strace $0x8000004D;
	s4 =	sshll.u32 s5, $0x4  }
0x8: {  	s6 =	sor.u32 s1, s3;
	s3 =	sadd.s32 $0x3E00, s0;
	s1 =	ssub.s32 $0x2, s1  }
0x9: {  	s7 =	sadd.s32 s4, s0;
	s8 =	smul.u32 $0x4E2, s6;
	s6 =	sand.u32 $0x3, s6  }
0xa: {  	s4 =	sadd.s32 $0x12E00, s0;
	s24 =	sshrl.u32 s1, $0x1;
	s12 =	smul.u32 $0x13880, s6  }
0xb: {  	s1 =	ssub.s32 s1, s24;
	s25 =	sadd.s32 $0xDC00, s7;
	s6 =	smul.u32 $0x4E200, s5  }
0xc: {  	s26 =	sadd.s32 $0x10400, s7;
	s24 =	simm.s32 $0xB600;
	[dreg:$0x2] =	wrdreg s25  }
0xd: {  	s0 =	sadd.s32 s8, s0;
	[dreg:$0x3] =	wrdreg s26;
	s8 =	sadd.s32 $0x12C00, s7  }
0xe: {  	s14 =	smax.u32 s1, $0x1;
	s25 =	simm.s32 $0x2;
	s26 =	simm.s32 $0x4  }
0xf: {  	s31 =	sshrl.u32 s12, $0x3;
	s10 =	sadd.s32 $0x1F40, s12;
	s11 =	sadd.s32 s6, s12  }
0x10: {  	v0 =	vimm.f32 $0.0e+00;
	s12 =	sadd.s32 $0x3E80, s12;
	s13 =	sadd.s32 $0x61000, s0;
	s9 =	sadd.s32 s3, s31  }
.LBB2_1:
0x11: {  	s0 =	rddreg [dreg:$0x2];
	s1 =	simm.s32 $0x80;
	s5 =	simm.s32 $0x400  }
0x12: {  	[tilespmem:s2], [sflag:$0x5] =	stream.strided.gather [hbm4b:s0+s1], $0x2780, s5, s1, $0x38;
	[tilespmem:$0xF500] =	vst v63  }
0x13: {  	_ =	swait.ge [sflag:s17], $0x2780  }
0x14: {  	[sflag:s17] =	ssyncset.done $0x0  }
0x15: {  	s19 =	rddreg [dreg:$0x3];
	[sflag:s17] =	ssyncadd.s32 $0xFFFFD880  }
0x16: {  	[tilespmem:s18], [sflag:$0x5] =	stream.strided.gather [hbm4b:s19+s1], $0x2780, s5, s1, $0x38;
	[tilespmem:$0xF500] =	vst v63  }
0x17: {  	_ =	swait.ge [sflag:s17], $0x2780  }
0x18: {  	[sflag:s17] =	ssyncset.done $0x0  }
0x19: {  	s31 =	simm.s32 $0x4F00;
	[sflag:s17] =	ssyncadd.s32 $0xFFFFD880  }
0x1a: {  	[tilespmem:s31], [sflag:$0x5] =	stream.linear.gather [hbm4b:s8+s2], $0x80, $0x38;
	[tilespmem:$0xF500] =	vst v63  }
0x1b: {  	_ =	swait.ge [sflag:s17], $0x80  }
0x1c: {  	[sflag:s17] =	ssyncset.done $0x0  }
0x1d: {  	s0 =	simm.s32 $0x40;
	s1 =	simm.s32 $0x0;
	[sflag:s17] =	ssyncadd.s32 $0xFFFFFF80  }
.LBB2_2:
0x1e: {  	p0 =	sne.s32 s0, $0x9C00;
	[tilespmem:s1+$0x4F80] =	vst v0;
	s1 =	smov.u32 s0;
	s0 =	sadd.s32 $0x40, s0  }
.Ltmp0:
0x1f: {  	(pc) =	sbr.rel @p0 .LBB2_2-.Ltmp0, $2  }
0x20: {  	_ =	sdelay $0x2  }
0x21: {  	s1 =	sshra.s32 s1, $0x2  }
0x22: {  	[tilespmem:s1+$0x4F80] =	vst v0  }
0x23: {  	v1 =	vld [tilespmem:$0x4F00]  }
0x24: {  	s31 =	simm.s32 $0x0  }
0x25: {  	[tilespmem:s20], [sflag:$0x1] =	stream.linear.gather [hbm4b:s9+s31], $0x1F40, $0x38;
	[tilespmem:$0xF500] =	vst v63  }
.LBB2_4:
0x26: {  	s1 =	smul.u32 $0x3E80, s31;
	_ =	sdelay $0x1  }
0x27: {  	s0 =	sadd.s32 s1, s10  }
0x28: {  	s5 =	sshrl.u32 s0, $0x3  }
0x29: {  	s5 =	sadd.s32 s3, s5  }
0x2a: {  	[tilespmem:s21], [sflag:$0x2] =	stream.linear.gather [hbm4b:s5+s2], $0x1F40, $0x38;
	[tilespmem:$0xF500] =	vst v63  }
0x2b: {  	_ =	swait.ge [sflag:s22], $0x1F40  }
0x2c: {  	p0 =	seq.s32 s31, $0x0;
	[sflag:s22] =	ssyncset.done $0x0  }
0x2d: {  	s5 =	simm.s32 @!p0 $0x3;
	[sflag:s22] =	ssyncadd.s32 $0xFFFFE0C0  }
0x2e: {  	_ =	swait.ge @!p0 [sflag:s5], $0x1F40  }
0x2f: {  	[sflag:s5] =	ssyncset.done @!p0 $0x0  }
0x30: {  	s15 =	simm.s32 $0x7720;
	[sflag:s5] =	ssyncadd.s32 @!p0 $0xFFFFE0C0  }
0x31: {  	v2 =	vld [tilespmem:s15+$0x20]  }
0x32: {  	v3 =	vld [tilespmem:s15+$0xFFFFFFF0];
	_ =	sdelay $0x2  }
0x33: {  	v5 =	vld [tilespmem:s15+$0xFFFFFFE0]  }
0x34: {  	v9 =	vshrl.u32 v2, $0xE  }
0x35: {  	v6 =	vld [tilespmem:s15+$0x10];
	v4 =	vshrl.u32 v3, $0xE  }
0x36: {  	s16 =	simm.s32 $0x7770;
	v8 =	vld [tilespmem:s15+$0x0];
	v2 =	vand.u32 $0x3FFF, v2  }
0x37: {  	v13 =	vld [tilespmem:s16+$0x20];
	v3 =	vand.u32 $0x3FFF, v3  }
0x38: {  	v14 =	vld [tilespmem:s16+$0xFFFFFFF0];
	v11 =	vand.u32 $0x3FFF, v5  }
0x39: {  	v15 =	vshrl.u32 v5, $0xE;
	v10 =	vld.idx.msk [tilespmem:v9+s2+$0x0], $0xffff  }
0x3a: {  	v7 =	vshrl.u32 v6, $0xE;
	v12 =	vld.idx.msk [tilespmem:v4+s2+$0x0], $0xffff  }
0x3b: {  	v5 =	vand.u32 $0x3FFF, v6;
	v2 =	vld.idx.msk [tilespmem:v2+s18+$0x0], $0xffff  }
0x3c: {  	v3 =	vld.idx.msk [tilespmem:v3+s18+$0x0], $0xffff  }
0x3d: {  	v11 =	vld.idx.msk [tilespmem:v11+s18+$0x0], $0xffff  }
0x3e: {  	v17 =	vld.idx.msk [tilespmem:v15+s2+$0x0], $0xffff  }
0x3f: {  	v18 =	vand.u32 $0x3FFF, v8;
	v20 =	vld.idx.msk [tilespmem:v7+s2+$0x0], $0xffff  }
0x40: {  	v6 =	vshrl.u32 v8, $0xE;
	v21 =	vld.idx.msk [tilespmem:v5+s18+$0x0], $0xffff;
	_ =	sdelay $0x1  }
0x41: {  	v23 =	vand.u32 $0x3FFF, v14;
	v16 =	vadd.f32 v10, v1;
	v19 =	vadd.f32 v12, v1  }
0x42: {  	v24 =	vld [tilespmem:s16+$0x0];
	v12 =	vadd.f32 v3, v12;
	v8 =	vadd.f32 v2, v10;
	v2 =	vshrl.u32 v13, $0xE  }
0x43: {  	v18 =	vld.idx.msk [tilespmem:v18+s18+$0x0], $0xffff;
	v13 =	vand.u32 $0x3FFF, v13;
	v11 =	vadd.f32 v11, v17;
	v25 =	vadd.f32 v20, v1  }
0x44: {  	v20 =	vadd.f32 v21, v20;
	v21 =	vld.idx.msk [tilespmem:v6+s2+$0x0], $0xffff;
	v10 =	vmul.f32 $9.999999770e-03, v16;
	v5 =	vmul.f32 $9.999999770e-03, v12  }
0x45: {  	v3 =	vshrl.u32 v14, $0xE;
	v17 =	vadd.f32 v17, v1;
	v22 =	vmul.f32 $9.999999770e-03, v19  }
0x46: {  	v14 =	vld [tilespmem:s16+$0xFFFFFFE0];
	v26 =	vmul.f32 $9.999999770e-03, v11;
	v12 =	vmax.f32 v12, v5;
	v16 =	vmax.f32 v16, v10  }
0x47: {  	v5 =	vmul.f32 $9.999999770e-03, v8;
	v19 =	vmax.f32 v19, v22;
	v10 =	vmul.f32 $9.999999770e-03, v17  }
0x48: {  	v23 =	vld.idx.msk [tilespmem:v23+s18+$0x0], $0xffff;
	v11 =	vmax.f32 v11, v26;
	v12 =	vsub.f32 v12, v19;
	v19 =	vmul.f32 $9.999999770e-03, v20  }
0x49: {  	v22 =	vld [tilespmem:s16+$0x10];
	v18 =	vadd.f32 v18, v21;
	v27 =	vmax.f32 v8, v5;
	v5 =	vshrl.u32 v24, $0xE  }
0x4a: {  	v26 =	vld.idx.msk [tilespmem:v3+s2+$0x0], $0xffff;
	v8 =	vmul.f32 $9.999999770e-03, v25;
	v17 =	vmax.f32 v17, v10;
	v24 =	vand.u32 $0x3FFF, v24  }
0x4b: {  	v28 =	vld.idx.msk [tilespmem:v2+s2+$0x0], $0xffff;
	v10 =	vshrl.u32 v14, $0xE;
	v14 =	vand.u32 $0x3FFF, v14;
	v11 =	vsub.f32 v11, v17  }
0x4c: {  	v13 =	vld.idx.msk [tilespmem:v13+s18+$0x0], $0xffff;
	v12 =	vmul.f32 $1.442695020e+00, v12;
	v16 =	vsub.f32 v27, v16;
	v29 =	vmul.f32 $9.999999770e-03, v18  }
0x4d: {  	v17 =	vmax.f32 v25, v8;
	v25 =	vadd.f32 v21, v1;
	v11 =	vmul.f32 $1.442695020e+00, v11  }
0x4e: {  	s19 =	simm.s32 $0x77C0;
	v19 =	vmax.f32 v20, v19;
	v8 =	vshrl.u32 v22, $0xE;
	v22 =	vand.u32 $0x3FFF, v22  }
0x4f: {  	v27 =	vadd.f32 v26, v1;
	v21 =	vmul.f32 $9.999999770e-03, v25;
	(erf) = vpow2.f32 v11;
	v11 =	vld [tilespmem:s19+$0x20]  }
0x50: {  	v16 =	vmul.f32 $1.442695020e+00, v16;
	v23 =	vadd.f32 v23, v26;
	v26 =	vadd.f32 v28, v1;
	v30 =	vld.idx.msk [tilespmem:v14+s18+$0x0], $0xffff  }
0x51: {  	v20 =	vld.idx.msk [tilespmem:v10+s2+$0x0], $0xffff;
	(erf) = vpow2.f32 v12;
	v14 =	vmax.f32 v25, v21;
	v25 =	vadd.f32 v13, v28  }
0x52: {  	v12 =	vld [tilespmem:s19+$0xFFFFFFF0];
	v21 =	vmul.f32 $9.999999770e-03, v26;
	v13 =	vsub.f32 v19, v17;
	v17 =	vmul.f32 $9.999999770e-03, v23  }
0x53: {  	v18 =	vmax.f32 v18, v29;
	(erf) = vpow2.f32 v16;
	v16 =	vmul.f32 $9.999999770e-03, v27;
	v19 =	vld.idx.msk [tilespmem:v8+s2+$0x0], $0xffff  }
0x54: {  	v28 =	vld.idx.msk [tilespmem:v22+s18+$0x0], $0xffff;
	v22 =	vsub.f32 v18, v14;
	v29 =	vmul.f32 $1.442695020e+00, v13  }
0x55: {  	v31 =	vld [tilespmem:s19+$0x0];
	v34 =	vmax.f32 v23, v17;
	v21 =	vmax.f32 v26, v21;
	v35 =	vmax.f32 v27, v16  }
0x56: {  	v23 =	vld [tilespmem:s19+$0xFFFFFFE0];
	v14 =	vshrl.u32 v11, $0xE;
	v33 =	vand.u32 $0x3FFF, v11;
	v30 =	vadd.f32 v30, v20  }
0x57: {  	v18 =	vld.idx.msk [tilespmem:v24+s18+$0x0], $0xffff;
	v32 =	vand.u32 $0x3FFF, v12;
	v13 =	vshrl.u32 v12, $0xE;
	v12 =	vmul.f32 $1.442695020e+00, v22  }
0x58: {  	s15 =	simm.s32 $0xB620;
	v11 =	vmul.f32 $9.999999770e-03, v25;
	v24 =	vadd.f32 v20, v1;
	(erf) = vpow2.f32 v29;
	v22 =	vld [tilespmem:s19+$0x10];
	v17 =	vpop (erf)  }
0x59: {  	v27 =	vadd.f32 v19, v1;
	v20 =	vadd.f32 v28, v19;
	v28 =	vld.idx.msk [tilespmem:v5+s2+$0x0], $0xffff;
	(erf) = vpow2.f32 v12;
	[tilespmem:s15+$0xFFFFFFE0] =	vst v17  }
0x5a: {  	v16 =	vand.u32 $0x3FFF, v31;
	v26 =	vmax.f32 v25, v11;
	v36 =	vmul.f32 $9.999999770e-03, v30;
	[tilespmem:v15+s23+$0x0] =	vst.idx.add.f32.msk $0xffff, v17  }
0x5b: {  	v11 =	vshrl.u32 v23, $0xE;
	v37 =	vmul.f32 $9.999999770e-03, v27;
	v17 =	vld.idx.msk [tilespmem:v14+s2+$0x0], $0xffff;
	v15 =	vmul.f32 $9.999999770e-03, v24  }
0x5c: {  	v29 =	vand.u32 $0x3FFF, v23;
	v12 =	vshrl.u32 v31, $0xE;
	v63 =	vmax.f32 v30, v36;
	v19 =	vpop (erf);
	v25 =	vld.idx.msk [tilespmem:v13+s2+$0x0], $0xffff  }
0x5d: {  	s7 =	simm.s32 $0x7810;
	[tilespmem:s15+$0xFFFFFFF0] =	vst v19;
	v31 =	vpop (erf);
	v30 =	vld.idx.msk [tilespmem:v32+s18+$0x0], $0xffff;
	v23 =	vmax.f32 v27, v37;
	v27 =	vmul.f32 $9.999999770e-03, v20;
	v38 =	vmax.f32 v24, v15  }
0x5e: {  	s5 =	simm.s32 $0xA;
	s16 =	simm.s32 $0xB670;
	s19 =	simm.s32 $0xB670;
	[tilespmem:s15+$0x20] =	vst v31;
	v24 =	vld.idx.msk [tilespmem:v33+s18+$0x0], $0xffff;
	v15 =	vshrl.u32 v22, $0xE;
	v33 =	vsub.f32 v34, v35;
	v32 =	vsub.f32 v63, v38  }
.LBB2_5:
0x5f: {  	s5 =	sadd.s32 $0x5, s5;
	v22 =	vand.u32 $0x3FFF, v22;
	s19 =	sadd.s32 $0x50, s19;
	[tilespmem:v9+s23+$0x0] =	vst.idx.add.f32.msk $0xffff, v31;
	v9 =	vmov v2;
	v2 =	vmov v14  }
0x60: {  	v21 =	vsub.f32 v26, v21;
	p1 =	slt.u32 s5, $0x1EF;
	v14 =	vmul.f32 $1.442695020e+00, v32;
	v31 =	vmul.f32 $1.442695020e+00, v33;
	[tilespmem:v4+s23+$0x0] =	vst.idx.add.f32.msk $0xffff, v19;
	v4 =	vmovc v3  }
0x61: {  	v18 =	vadd.f32 v18, v28;
	v26 =	vadd.f32 v28, v1;
	v3 =	vmov v13;
	v19 =	vld [tilespmem:s7+$0x20];
	v28 =	vpop (erf)  }
0x62: {  	v29 =	vld.idx.msk [tilespmem:v29+s18+$0x0], $0xffff;
	(erf) = vpow2.f32 v14;
	[tilespmem:s15+$0x10] =	vst v28;
	v13 =	vpop (erf)  }
0x63: {  	v32 =	vadd.f32 v25, v1;
	v14 =	vmul.f32 $9.999999770e-03, v26;
	v33 =	vld.idx.msk [tilespmem:v15+s2+$0x0], $0xffff;
	(erf) = vpow2.f32 v31;
	[tilespmem:s15+$0x0] =	vst v13;
	s15 =	smov.u32 s16;
	s16 =	smov.u32 s19  }
0x64: {  	v34 =	vmul.f32 $9.999999770e-03, v18;
	v25 =	vadd.f32 v30, v25;
	v30 =	vadd.f32 v17, v1;
	v31 =	vld [tilespmem:s7+$0xFFFFFFF0]  }
0x65: {  	v20 =	vmax.f32 v20, v27;
	v21 =	vmul.f32 $1.442695020e+00, v21;
	v14 =	vmax.f32 v26, v14;
	v35 =	vld.idx.msk [tilespmem:v11+s2+$0x0], $0xffff  }
0x66: {  	v20 =	vsub.f32 v20, v23;
	v17 =	vadd.f32 v24, v17;
	v24 =	vmul.f32 $9.999999770e-03, v30;
	[tilespmem:v7+s23+$0x0] =	vst.idx.add.f32.msk $0xffff, v28  }
0x67: {  	v18 =	vmax.f32 v18, v34;
	v23 =	vmul.f32 $9.999999770e-03, v25;
	(erf) = vpow2.f32 v21;
	[tilespmem:v6+s23+$0x0] =	vst.idx.add.f32.msk $0xffff, v13;
	v6 =	vmovc v5  }
0x68: {  	v20 =	vmul.f32 $1.442695020e+00, v20;
	v26 =	vmul.f32 $9.999999770e-03, v32;
	v7 =	vmovc v8;
	v5 =	vmovc v12;
	v27 =	vld.idx.msk [tilespmem:v22+s18+$0x0], $0xffff;
	v22 =	vsub.f32 v18, v14  }
0x69: {  	v36 =	vand.u32 $0x3FFF, v19;
	v8 =	vmovc v15;
	v14 =	vshrl.u32 v19, $0xE;
	v34 =	vand.u32 $0x3FFF, v31;
	v28 =	vld [tilespmem:s7+$0x0]  }
0x6a: {  	v37 =	vmax.f32 v25, v23;
	v21 =	vmax.f32 v30, v24;
	v13 =	vshrl.u32 v31, $0xE;
	v18 =	vld.idx.msk [tilespmem:v16+s18+$0x0], $0xffff  }
0x6b: {  	v12 =	vmul.f32 $9.999999770e-03, v17;
	v23 =	vadd.f32 v29, v35;
	v16 =	vmul.f32 $1.442695020e+00, v22;
	v15 =	vld [tilespmem:s7+$0xFFFFFFE0];
	v24 =	vpop (erf)  }
0x6c: {  	v30 =	vadd.f32 v35, v1;
	v35 =	vmax.f32 v32, v26;
	v22 =	vld [tilespmem:s7+$0x10];
	[tilespmem:s15+$0xFFFFFFE0] =	vst v24;
	v19 =	vpop (erf);
	(erf) = vpow2.f32 v20  }
0x6d: {  	v32 =	vadd.f32 v33, v1;
	v26 =	vmax.f32 v17, v12;
	[tilespmem:v10+s23+$0x0] =	vst.idx.add.f32.msk $0xffff, v24;
	(erf) = vpow2.f32 v16  }
.Ltmp1:
0x6e: {  	v24 =	vmul.f32 $9.999999770e-03, v30;
	v20 =	vadd.f32 v27, v33;
	v10 =	vmovc v11;
	v12 =	vshrl.u32 v28, $0xE;
	v17 =	vld.idx.msk [tilespmem:v14+s2+$0x0], $0xffff;
	[tilespmem:s15+$0xFFFFFFF0] =	vst v19;
	(pc) =	sbr.rel @p1 .LBB2_5-.Ltmp1, $4  }
0x6f: {  	v27 =	vmul.f32 $9.999999770e-03, v23;
	v33 =	vmul.f32 $9.999999770e-03, v32;
	v16 =	vand.u32 $0x3FFF, v28;
	v28 =	vld.idx.msk [tilespmem:v5+s2+$0x0], $0xffff  }
0x70: {  	v38 =	vmax.f32 v30, v24;
	v11 =	vshrl.u32 v15, $0xE;
	v29 =	vand.u32 $0x3FFF, v15;
	v25 =	vld.idx.msk [tilespmem:v13+s2+$0x0], $0xffff;
	v31 =	vpop (erf)  }
0x71: {  	v24 =	vld.idx.msk [tilespmem:v36+s18+$0x0], $0xffff;
	v36 =	vmax.f32 v23, v27;
	v23 =	vmax.f32 v32, v33;
	v27 =	vmul.f32 $9.999999770e-03, v20;
	[tilespmem:s15+$0x20] =	vst v31  }
0x72: {  	s7 =	sadd.s32 $0x50, s7;
	v15 =	vshrl.u32 v22, $0xE;
	v33 =	vsub.f32 v37, v35;
	v30 =	vld.idx.msk [tilespmem:v34+s18+$0x0], $0xffff;
	v32 =	vsub.f32 v36, v38  }
0x73: {  	_ =	sdelay $0x3  }
0x74: {  	v21 =	vsub.f32 v26, v21;
	v57 =	vld.idx.msk [tilespmem:v29+s18+$0x0], $0xffff;
	v22 =	vand.u32 $0x3FFF, v22;
	v62 =	vadd.f32 v17, v1  }
0x75: {  	v60 =	vld.idx.msk [tilespmem:v11+s2+$0x0], $0xffff;
	v20 =	vmax.f32 v20, v27;
	v32 =	vmul.f32 $1.442695020e+00, v32;
	v33 =	vmul.f32 $1.442695020e+00, v33  }
0x76: {  	v38 =	vld.idx.msk [tilespmem:v15+s2+$0x0], $0xffff;
	v34 =	vadd.f32 v28, v1;
	v18 =	vadd.f32 v18, v28;
	v21 =	vmul.f32 $1.442695020e+00, v21  }
0x77: {  	v16 =	vld.idx.msk [tilespmem:v16+s18+$0x0], $0xffff;
	v36 =	vsub.f32 v20, v23;
	v35 =	vmul.f32 $9.999999770e-03, v62;
	(erf) = vpow2.f32 v32  }
0x78: {  	v45 =	vld.idx.msk [tilespmem:v12+s2+$0x0], $0xffff;
	v58 =	vadd.f32 v25, v1;
	v59 =	vmul.f32 $9.999999770e-03, v34;
	v63 =	vmul.f32 $9.999999770e-03, v18  }
0x79: {  	[tilespmem:v9+s23+$0x0] =	vst.idx.add.f32.msk $0xffff, v31;
	v9 =	vmul.f32 $1.442695020e+00, v36;
	(erf) = vpow2.f32 v33;
	v61 =	vadd.f32 v30, v25  }
0x7a: {  	v41 =	vmul.f32 $9.999999770e-03, v58;
	v29 =	vmax.f32 v34, v59;
	v34 =	vadd.f32 v24, v17  }
0x7b: {  	v18 =	vmax.f32 v18, v63;
	(erf) = vpow2.f32 v21;
	v39 =	vadd.f32 v57, v60  }
0x7c: {  	v40 =	vadd.f32 v60, v1;
	v24 =	vmax.f32 v62, v35;
	v47 =	vadd.f32 v38, v1  }
0x7d: {  	v22 =	vld.idx.msk [tilespmem:v22+s18+$0x0], $0xffff;
	v53 =	vadd.f32 v16, v45;
	v54 =	vadd.f32 v45, v1;
	v37 =	vmul.f32 $9.999999770e-03, v61  }
0x7e: {  	v18 =	vsub.f32 v18, v29;
	v42 =	vmul.f32 $9.999999770e-03, v40;
	v43 =	vmul.f32 $9.999999770e-03, v39  }
0x7f: {  	v46 =	vpop (erf);
	v27 =	vmax.f32 v58, v41;
	(erf) = vpow2.f32 v9;
	v44 =	vmul.f32 $9.999999770e-03, v34  }
0x80: {  	[tilespmem:v4+s23+$0x0] =	vst.idx.add.f32.msk $0xffff, v19;
	v18 =	vmul.f32 $1.442695020e+00, v18;
	v25 =	vmax.f32 v40, v42;
	v21 =	vmax.f32 v39, v43  }
0x81: {  	[tilespmem:s15+$0x10] =	vst v46;
	v49 =	vpop (erf);
	v51 =	vmul.f32 $9.999999770e-03, v47;
	v56 =	vmul.f32 $9.999999770e-03, v54;
	v48 =	vsub.f32 v21, v25  }
0x82: {  	[tilespmem:s15+$0x0] =	vst v49;
	v20 =	vmax.f32 v61, v37;
	(erf) = vpow2.f32 v18;
	v50 =	vadd.f32 v22, v38  }
0x83: {  	[tilespmem:v7+s23+$0x0] =	vst.idx.add.f32.msk $0xffff, v46;
	v17 =	vmax.f32 v34, v44;
	v20 =	vsub.f32 v20, v27;
	v19 =	vmul.f32 $1.442695020e+00, v48  }
0x84: {  	[tilespmem:v6+s23+$0x0] =	vst.idx.add.f32.msk $0xffff, v49;
	v57 =	vmul.f32 $9.999999770e-03, v53;
	v17 =	vsub.f32 v17, v24;
	v52 =	vmul.f32 $9.999999770e-03, v50;
	v55 =	vpop (erf)  }
0x85: {  	v9 =	vmax.f32 v47, v51;
	v20 =	vmul.f32 $1.442695020e+00, v20;
	[tilespmem:s16+$0xFFFFFFE0] =	vst v55;
	(erf) = vpow2.f32 v19  }
0x86: {  	v16 =	vmax.f32 v54, v56;
	v59 =	vmul.f32 $1.442695020e+00, v17;
	v58 =	vpop (erf);
	[tilespmem:v10+s23+$0x0] =	vst.idx.add.f32.msk $0xffff, v55;
	v4 =	vmax.f32 v50, v52  }
0x87: {  	v7 =	vmax.f32 v53, v57;
	[tilespmem:s16+$0xFFFFFFF0] =	vst v58;
	v60 =	vpop (erf);
	(erf) = vpow2.f32 v20;
	v4 =	vsub.f32 v4, v9  }
0x88: {  	v61 =	vsub.f32 v7, v16;
	[tilespmem:s16+$0x20] =	vst v60;
	(erf) = vpow2.f32 v59  }
0x89: {  	[tilespmem:v2+s23+$0x0] =	vst.idx.add.f32.msk $0xffff, v60;
	v2 =	vmul.f32 $1.442695020e+00, v4  }
0x8a: {  	v62 =	vmul.f32 $1.442695020e+00, v61;
	[tilespmem:v3+s23+$0x0] =	vst.idx.add.f32.msk $0xffff, v58;
	v3 =	vpop (erf)  }
0x8b: {  	[tilespmem:s16+$0x10] =	vst v3;
	v63 =	vpop (erf);
	(erf) = vpow2.f32 v2  }
0x8c: {  	[tilespmem:v8+s23+$0x0] =	vst.idx.add.f32.msk $0xffff, v3;
	(erf) = vpow2.f32 v62  }
0x8d: {  	[tilespmem:s16+$0x0] =	vst v63  }
0x8e: {  	s5 =	sadd.s32 $0x50, s19;
	[tilespmem:v5+s23+$0x0] =	vst.idx.add.f32.msk $0xffff, v63;
	v2 =	vpop (erf)  }
0x8f: {  	[tilespmem:s5+$0xFFFFFFE0] =	vst v2  }
0x90: {  	v3 =	vpop (erf);
	[tilespmem:v11+s23+$0x0] =	vst.idx.add.f32.msk $0xffff, v2  }
0x91: {  	[tilespmem:s5+$0xFFFFFFF0] =	vst v3;
	v2 =	vpop (erf)  }
0x92: {  	[tilespmem:s5+$0x20] =	vst v2  }
0x93: {  	[tilespmem:v13+s23+$0x0] =	vst.idx.add.f32.msk $0xffff, v3  }
0x94: {  	p1 =	sne.s32 s31, $0x4;
	[tilespmem:v14+s23+$0x0] =	vst.idx.add.f32.msk $0xffff, v2;
	v2 =	vpop (erf)  }
.Ltmp2:
0x95: {  	[tilespmem:s5+$0x10] =	vst v2;
	v3 =	vpop (erf);
	(pc) =	sbr.rel @p1 .LBB2_8-.Ltmp2, $4  }
0x96: {  	s19 =	sadd.s32 s1, s11;
	[tilespmem:s5+$0x0] =	vst v3  }
0x97: {  	[tilespmem:v15+s23+$0x0] =	vst.idx.add.f32.msk $0xffff, v2;
	s5 =	sshrl.u32 s19, $0x3  }
0x98: {  	[tilespmem:v12+s23+$0x0] =	vst.idx.add.f32.msk $0xffff, v3;
	s5 =	sadd.s32 s4, s5  }
0x99: {  	[hbm4b:s5+s2] =	stream.linear.scatter [tilespmem:s24], [sflag:$0x3], $0x1F40, $0x38;
	[tilespmem:$0xF500] =	vst v63  }
.Ltmp3:
0x9a: {  	(pc) =	sbr.rel .LBB2_9-.Ltmp3, $4  }
0x9b: {  	_ = 	snop  }
0x9c: {  	_ =	swait.ge [sflag:s25], $0x1F40  }
0x9d: {  	[sflag:s25] =	ssyncset.done $0x0  }
0x9e: {  	[sflag:s25] =	ssyncadd.s32 $0xFFFFE0C0  }
.LBB2_8:
0x9f: {  	s1 =	sadd.s32 s1, s12  }
0xa0: {  	s1 =	sshrl.u32 s1, $0x3  }
.Ltmp4:
0xa1: {  	s1 =	sadd.s32 s3, s1;
	(pc) =	sbr.rel @p0 .LBB2_10-.Ltmp4, $4  }
0xa2: {  	[tilespmem:s20], [sflag:$0x1] =	stream.linear.gather [hbm4b:s1+s2], $0x1F40, $0x38;
	[tilespmem:$0xF500] =	vst v63  }
0xa3: {  	_ =	swait.ge [sflag:s25], $0x1F40  }
0xa4: {  	[sflag:s25] =	ssyncset.done $0x0  }
0xa5: {  	[sflag:s25] =	ssyncadd.s32 $0xFFFFE0C0  }
.LBB2_9:
0xa6: {  	_ =	swait.ge [sflag:s26], $0x1F40  }
0xa7: {  	[sflag:s26] =	ssyncset.done $0x0  }
0xa8: {  	[sflag:s26] =	ssyncadd.s32 $0xFFFFE0C0  }
.LBB2_10:
0xa9: {  	s1 =	simm.s32 $0x96A0  }
0xaa: {  	v2 =	vld [tilespmem:s1+$0x20]  }
0xab: {  	v3 =	vld [tilespmem:s1+$0xFFFFFFF0];
	_ =	sdelay $0x2  }
0xac: {  	v5 =	vld [tilespmem:s1+$0xFFFFFFE0]  }
0xad: {  	v9 =	vshrl.u32 v2, $0xE  }
0xae: {  	v6 =	vld [tilespmem:s1+$0x10];
	v4 =	vshrl.u32 v3, $0xE  }
0xaf: {  	s16 =	simm.s32 $0x96F0;
	v8 =	vld [tilespmem:s1+$0x0];
	v2 =	vand.u32 $0x3FFF, v2  }
0xb0: {  	v13 =	vld [tilespmem:s16+$0x20];
	v3 =	vand.u32 $0x3FFF, v3  }
0xb1: {  	v14 =	vld [tilespmem:s16+$0xFFFFFFF0];
	v11 =	vand.u32 $0x3FFF, v5  }
0xb2: {  	v15 =	vshrl.u32 v5, $0xE;
	v10 =	vld.idx.msk [tilespmem:v9+s2+$0x0], $0xffff  }
0xb3: {  	v7 =	vshrl.u32 v6, $0xE;
	v12 =	vld.idx.msk [tilespmem:v4+s2+$0x0], $0xffff  }
0xb4: {  	v5 =	vand.u32 $0x3FFF, v6;
	v2 =	vld.idx.msk [tilespmem:v2+s18+$0x0], $0xffff  }
0xb5: {  	v3 =	vld.idx.msk [tilespmem:v3+s18+$0x0], $0xffff  }
0xb6: {  	v11 =	vld.idx.msk [tilespmem:v11+s18+$0x0], $0xffff  }
0xb7: {  	v17 =	vld.idx.msk [tilespmem:v15+s2+$0x0], $0xffff  }
0xb8: {  	v18 =	vand.u32 $0x3FFF, v8;
	v20 =	vld.idx.msk [tilespmem:v7+s2+$0x0], $0xffff  }
0xb9: {  	v6 =	vshrl.u32 v8, $0xE;
	v21 =	vld.idx.msk [tilespmem:v5+s18+$0x0], $0xffff;
	_ =	sdelay $0x1  }
0xba: {  	v23 =	vand.u32 $0x3FFF, v14;
	v16 =	vadd.f32 v10, v1;
	v19 =	vadd.f32 v12, v1  }
0xbb: {  	v24 =	vld [tilespmem:s16+$0x0];
	v12 =	vadd.f32 v3, v12;
	v8 =	vadd.f32 v2, v10;
	v2 =	vshrl.u32 v13, $0xE  }
0xbc: {  	v18 =	vld.idx.msk [tilespmem:v18+s18+$0x0], $0xffff;
	v13 =	vand.u32 $0x3FFF, v13;
	v11 =	vadd.f32 v11, v17;
	v25 =	vadd.f32 v20, v1  }
0xbd: {  	v20 =	vadd.f32 v21, v20;
	v21 =	vld.idx.msk [tilespmem:v6+s2+$0x0], $0xffff;
	v10 =	vmul.f32 $9.999999770e-03, v16;
	v5 =	vmul.f32 $9.999999770e-03, v12  }
0xbe: {  	v3 =	vshrl.u32 v14, $0xE;
	v17 =	vadd.f32 v17, v1;
	v22 =	vmul.f32 $9.999999770e-03, v19  }
0xbf: {  	v14 =	vld [tilespmem:s16+$0xFFFFFFE0];
	v26 =	vmul.f32 $9.999999770e-03, v11;
	v12 =	vmax.f32 v12, v5;
	v16 =	vmax.f32 v16, v10  }
0xc0: {  	v5 =	vmul.f32 $9.999999770e-03, v8;
	v19 =	vmax.f32 v19, v22;
	v10 =	vmul.f32 $9.999999770e-03, v17  }
0xc1: {  	v23 =	vld.idx.msk [tilespmem:v23+s18+$0x0], $0xffff;
	v11 =	vmax.f32 v11, v26;
	v12 =	vsub.f32 v12, v19;
	v19 =	vmul.f32 $9.999999770e-03, v20  }
0xc2: {  	v22 =	vld [tilespmem:s16+$0x10];
	v18 =	vadd.f32 v18, v21;
	v27 =	vmax.f32 v8, v5;
	v5 =	vshrl.u32 v24, $0xE  }
0xc3: {  	v26 =	vld.idx.msk [tilespmem:v3+s2+$0x0], $0xffff;
	v8 =	vmul.f32 $9.999999770e-03, v25;
	v17 =	vmax.f32 v17, v10;
	v24 =	vand.u32 $0x3FFF, v24  }
0xc4: {  	v28 =	vld.idx.msk [tilespmem:v2+s2+$0x0], $0xffff;
	v10 =	vshrl.u32 v14, $0xE;
	v14 =	vand.u32 $0x3FFF, v14;
	v11 =	vsub.f32 v11, v17  }
0xc5: {  	v13 =	vld.idx.msk [tilespmem:v13+s18+$0x0], $0xffff;
	v12 =	vmul.f32 $1.442695020e+00, v12;
	v16 =	vsub.f32 v27, v16;
	v29 =	vmul.f32 $9.999999770e-03, v18  }
0xc6: {  	v17 =	vmax.f32 v25, v8;
	v25 =	vadd.f32 v21, v1;
	v11 =	vmul.f32 $1.442695020e+00, v11  }
0xc7: {  	s19 =	simm.s32 $0x9740;
	v19 =	vmax.f32 v20, v19;
	v8 =	vshrl.u32 v22, $0xE;
	v22 =	vand.u32 $0x3FFF, v22  }
0xc8: {  	v27 =	vadd.f32 v26, v1;
	v21 =	vmul.f32 $9.999999770e-03, v25;
	(erf) = vpow2.f32 v11;
	v11 =	vld [tilespmem:s19+$0x20]  }
0xc9: {  	v16 =	vmul.f32 $1.442695020e+00, v16;
	v23 =	vadd.f32 v23, v26;
	v26 =	vadd.f32 v28, v1;
	v30 =	vld.idx.msk [tilespmem:v14+s18+$0x0], $0xffff  }
0xca: {  	v20 =	vld.idx.msk [tilespmem:v10+s2+$0x0], $0xffff;
	(erf) = vpow2.f32 v12;
	v14 =	vmax.f32 v25, v21;
	v25 =	vadd.f32 v13, v28  }
0xcb: {  	v12 =	vld [tilespmem:s19+$0xFFFFFFF0];
	v21 =	vmul.f32 $9.999999770e-03, v26;
	v13 =	vsub.f32 v19, v17;
	v17 =	vmul.f32 $9.999999770e-03, v23  }
0xcc: {  	v18 =	vmax.f32 v18, v29;
	(erf) = vpow2.f32 v16;
	v16 =	vmul.f32 $9.999999770e-03, v27;
	v19 =	vld.idx.msk [tilespmem:v8+s2+$0x0], $0xffff  }
0xcd: {  	v28 =	vld.idx.msk [tilespmem:v22+s18+$0x0], $0xffff;
	v22 =	vsub.f32 v18, v14;
	v29 =	vmul.f32 $1.442695020e+00, v13  }
0xce: {  	v31 =	vld [tilespmem:s19+$0x0];
	v34 =	vmax.f32 v23, v17;
	v21 =	vmax.f32 v26, v21;
	v35 =	vmax.f32 v27, v16  }
0xcf: {  	v23 =	vld [tilespmem:s19+$0xFFFFFFE0];
	v14 =	vshrl.u32 v11, $0xE;
	v33 =	vand.u32 $0x3FFF, v11;
	v30 =	vadd.f32 v30, v20  }
0xd0: {  	v18 =	vld.idx.msk [tilespmem:v24+s18+$0x0], $0xffff;
	v32 =	vand.u32 $0x3FFF, v12;
	v13 =	vshrl.u32 v12, $0xE;
	v12 =	vmul.f32 $1.442695020e+00, v22  }
0xd1: {  	s15 =	simm.s32 $0xD5A0;
	v11 =	vmul.f32 $9.999999770e-03, v25;
	v24 =	vadd.f32 v20, v1;
	(erf) = vpow2.f32 v29;
	v22 =	vld [tilespmem:s19+$0x10];
	v17 =	vpop (erf)  }
0xd2: {  	v27 =	vadd.f32 v19, v1;
	v20 =	vadd.f32 v28, v19;
	v28 =	vld.idx.msk [tilespmem:v5+s2+$0x0], $0xffff;
	(erf) = vpow2.f32 v12;
	[tilespmem:s15+$0xFFFFFFE0] =	vst v17  }
0xd3: {  	v16 =	vand.u32 $0x3FFF, v31;
	v26 =	vmax.f32 v25, v11;
	v36 =	vmul.f32 $9.999999770e-03, v30;
	[tilespmem:v15+s23+$0x0] =	vst.idx.add.f32.msk $0xffff, v17  }
0xd4: {  	v11 =	vshrl.u32 v23, $0xE;
	v37 =	vmul.f32 $9.999999770e-03, v27;
	v17 =	vld.idx.msk [tilespmem:v14+s2+$0x0], $0xffff;
	v15 =	vmul.f32 $9.999999770e-03, v24  }
0xd5: {  	v29 =	vand.u32 $0x3FFF, v23;
	v12 =	vshrl.u32 v31, $0xE;
	v63 =	vmax.f32 v30, v36;
	v19 =	vpop (erf);
	v25 =	vld.idx.msk [tilespmem:v13+s2+$0x0], $0xffff  }
0xd6: {  	s5 =	simm.s32 $0xA;
	[tilespmem:s15+$0xFFFFFFF0] =	vst v19;
	v31 =	vpop (erf);
	v30 =	vld.idx.msk [tilespmem:v32+s18+$0x0], $0xffff;
	v23 =	vmax.f32 v27, v37;
	v27 =	vmul.f32 $9.999999770e-03, v20;
	v38 =	vmax.f32 v24, v15  }
0xd7: {  	s7 =	simm.s32 $0x9790;
	s1 =	simm.s32 $0xD5F0;
	s16 =	simm.s32 $0xD5F0;
	[tilespmem:s15+$0x20] =	vst v31;
	v24 =	vld.idx.msk [tilespmem:v33+s18+$0x0], $0xffff;
	v15 =	vshrl.u32 v22, $0xE;
	v33 =	vsub.f32 v34, v35;
	v32 =	vsub.f32 v63, v38  }
.LBB2_11:
0xd8: {  	s5 =	sadd.s32 $0x5, s5;
	v22 =	vand.u32 $0x3FFF, v22;
	s1 =	sadd.s32 $0x50, s1;
	[tilespmem:v9+s23+$0x0] =	vst.idx.add.f32.msk $0xffff, v31;
	v9 =	vmov v2;
	v2 =	vmov v14  }
0xd9: {  	v21 =	vsub.f32 v26, v21;
	p0 =	slt.u32 s5, $0x1EF;
	v14 =	vmul.f32 $1.442695020e+00, v32;
	v31 =	vmul.f32 $1.442695020e+00, v33;
	[tilespmem:v4+s23+$0x0] =	vst.idx.add.f32.msk $0xffff, v19;
	v4 =	vmovc v3  }
0xda: {  	v18 =	vadd.f32 v18, v28;
	v26 =	vadd.f32 v28, v1;
	v3 =	vmov v13;
	v19 =	vld [tilespmem:s7+$0x20];
	v28 =	vpop (erf)  }
0xdb: {  	v29 =	vld.idx.msk [tilespmem:v29+s18+$0x0], $0xffff;
	(erf) = vpow2.f32 v14;
	[tilespmem:s15+$0x10] =	vst v28;
	v13 =	vpop (erf)  }
0xdc: {  	v32 =	vadd.f32 v25, v1;
	v14 =	vmul.f32 $9.999999770e-03, v26;
	v33 =	vld.idx.msk [tilespmem:v15+s2+$0x0], $0xffff;
	(erf) = vpow2.f32 v31;
	[tilespmem:s15+$0x0] =	vst v13;
	s15 =	smov.u32 s16;
	s16 =	smov.u32 s1  }
0xdd: {  	v34 =	vmul.f32 $9.999999770e-03, v18;
	v25 =	vadd.f32 v30, v25;
	v30 =	vadd.f32 v17, v1;
	v31 =	vld [tilespmem:s7+$0xFFFFFFF0]  }
0xde: {  	v20 =	vmax.f32 v20, v27;
	v21 =	vmul.f32 $1.442695020e+00, v21;
	v14 =	vmax.f32 v26, v14;
	v35 =	vld.idx.msk [tilespmem:v11+s2+$0x0], $0xffff  }
0xdf: {  	v20 =	vsub.f32 v20, v23;
	v17 =	vadd.f32 v24, v17;
	v24 =	vmul.f32 $9.999999770e-03, v30;
	[tilespmem:v7+s23+$0x0] =	vst.idx.add.f32.msk $0xffff, v28  }
0xe0: {  	v18 =	vmax.f32 v18, v34;
	v23 =	vmul.f32 $9.999999770e-03, v25;
	(erf) = vpow2.f32 v21;
	[tilespmem:v6+s23+$0x0] =	vst.idx.add.f32.msk $0xffff, v13;
	v6 =	vmovc v5  }
0xe1: {  	v20 =	vmul.f32 $1.442695020e+00, v20;
	v26 =	vmul.f32 $9.999999770e-03, v32;
	v7 =	vmovc v8;
	v5 =	vmovc v12;
	v27 =	vld.idx.msk [tilespmem:v22+s18+$0x0], $0xffff;
	v22 =	vsub.f32 v18, v14  }
0xe2: {  	v36 =	vand.u32 $0x3FFF, v19;
	v8 =	vmovc v15;
	v14 =	vshrl.u32 v19, $0xE;
	v34 =	vand.u32 $0x3FFF, v31;
	v28 =	vld [tilespmem:s7+$0x0]  }
0xe3: {  	v37 =	vmax.f32 v25, v23;
	v21 =	vmax.f32 v30, v24;
	v13 =	vshrl.u32 v31, $0xE;
	v18 =	vld.idx.msk [tilespmem:v16+s18+$0x0], $0xffff  }
0xe4: {  	v12 =	vmul.f32 $9.999999770e-03, v17;
	v23 =	vadd.f32 v29, v35;
	v16 =	vmul.f32 $1.442695020e+00, v22;
	v15 =	vld [tilespmem:s7+$0xFFFFFFE0];
	v24 =	vpop (erf)  }
0xe5: {  	v30 =	vadd.f32 v35, v1;
	v35 =	vmax.f32 v32, v26;
	v22 =	vld [tilespmem:s7+$0x10];
	[tilespmem:s15+$0xFFFFFFE0] =	vst v24;
	v19 =	vpop (erf);
	(erf) = vpow2.f32 v20  }
0xe6: {  	v32 =	vadd.f32 v33, v1;
	v26 =	vmax.f32 v17, v12;
	[tilespmem:v10+s23+$0x0] =	vst.idx.add.f32.msk $0xffff, v24;
	(erf) = vpow2.f32 v16  }
.Ltmp5:
0xe7: {  	v24 =	vmul.f32 $9.999999770e-03, v30;
	v20 =	vadd.f32 v27, v33;
	v10 =	vmovc v11;
	v12 =	vshrl.u32 v28, $0xE;
	v17 =	vld.idx.msk [tilespmem:v14+s2+$0x0], $0xffff;
	[tilespmem:s15+$0xFFFFFFF0] =	vst v19;
	(pc) =	sbr.rel @p0 .LBB2_11-.Ltmp5, $4  }
0xe8: {  	v27 =	vmul.f32 $9.999999770e-03, v23;
	v33 =	vmul.f32 $9.999999770e-03, v32;
	v16 =	vand.u32 $0x3FFF, v28;
	v28 =	vld.idx.msk [tilespmem:v5+s2+$0x0], $0xffff  }
0xe9: {  	v38 =	vmax.f32 v30, v24;
	v11 =	vshrl.u32 v15, $0xE;
	v29 =	vand.u32 $0x3FFF, v15;
	v25 =	vld.idx.msk [tilespmem:v13+s2+$0x0], $0xffff;
	v31 =	vpop (erf)  }
0xea: {  	v24 =	vld.idx.msk [tilespmem:v36+s18+$0x0], $0xffff;
	v36 =	vmax.f32 v23, v27;
	v23 =	vmax.f32 v32, v33;
	v27 =	vmul.f32 $9.999999770e-03, v20;
	[tilespmem:s15+$0x20] =	vst v31  }
0xeb: {  	s7 =	sadd.s32 $0x50, s7;
	v15 =	vshrl.u32 v22, $0xE;
	v33 =	vsub.f32 v37, v35;
	v30 =	vld.idx.msk [tilespmem:v34+s18+$0x0], $0xffff;
	v32 =	vsub.f32 v36, v38  }
0xec: {  	_ =	sdelay $0x3  }
0xed: {  	v21 =	vsub.f32 v26, v21;
	v57 =	vld.idx.msk [tilespmem:v29+s18+$0x0], $0xffff;
	v22 =	vand.u32 $0x3FFF, v22;
	v62 =	vadd.f32 v17, v1  }
0xee: {  	v60 =	vld.idx.msk [tilespmem:v11+s2+$0x0], $0xffff;
	v20 =	vmax.f32 v20, v27;
	v32 =	vmul.f32 $1.442695020e+00, v32;
	v33 =	vmul.f32 $1.442695020e+00, v33  }
0xef: {  	v38 =	vld.idx.msk [tilespmem:v15+s2+$0x0], $0xffff;
	v34 =	vadd.f32 v28, v1;
	v18 =	vadd.f32 v18, v28;
	v21 =	vmul.f32 $1.442695020e+00, v21  }
0xf0: {  	v16 =	vld.idx.msk [tilespmem:v16+s18+$0x0], $0xffff;
	v36 =	vsub.f32 v20, v23;
	v35 =	vmul.f32 $9.999999770e-03, v62;
	(erf) = vpow2.f32 v32  }
0xf1: {  	v45 =	vld.idx.msk [tilespmem:v12+s2+$0x0], $0xffff;
	v58 =	vadd.f32 v25, v1;
	v59 =	vmul.f32 $9.999999770e-03, v34;
	v63 =	vmul.f32 $9.999999770e-03, v18  }
0xf2: {  	[tilespmem:v9+s23+$0x0] =	vst.idx.add.f32.msk $0xffff, v31;
	v9 =	vmul.f32 $1.442695020e+00, v36;
	(erf) = vpow2.f32 v33;
	v61 =	vadd.f32 v30, v25  }
0xf3: {  	v41 =	vmul.f32 $9.999999770e-03, v58;
	v29 =	vmax.f32 v34, v59;
	v34 =	vadd.f32 v24, v17  }
0xf4: {  	v18 =	vmax.f32 v18, v63;
	(erf) = vpow2.f32 v21;
	v39 =	vadd.f32 v57, v60  }
0xf5: {  	v40 =	vadd.f32 v60, v1;
	v24 =	vmax.f32 v62, v35;
	v47 =	vadd.f32 v38, v1  }
0xf6: {  	v22 =	vld.idx.msk [tilespmem:v22+s18+$0x0], $0xffff;
	v53 =	vadd.f32 v16, v45;
	v54 =	vadd.f32 v45, v1;
	v37 =	vmul.f32 $9.999999770e-03, v61  }
0xf7: {  	v18 =	vsub.f32 v18, v29;
	v42 =	vmul.f32 $9.999999770e-03, v40;
	v43 =	vmul.f32 $9.999999770e-03, v39  }
0xf8: {  	v46 =	vpop (erf);
	v27 =	vmax.f32 v58, v41;
	(erf) = vpow2.f32 v9;
	v44 =	vmul.f32 $9.999999770e-03, v34  }
0xf9: {  	[tilespmem:v4+s23+$0x0] =	vst.idx.add.f32.msk $0xffff, v19;
	v18 =	vmul.f32 $1.442695020e+00, v18;
	v25 =	vmax.f32 v40, v42;
	v21 =	vmax.f32 v39, v43  }
0xfa: {  	[tilespmem:s15+$0x10] =	vst v46;
	v49 =	vpop (erf);
	v51 =	vmul.f32 $9.999999770e-03, v47;
	v56 =	vmul.f32 $9.999999770e-03, v54;
	v48 =	vsub.f32 v21, v25  }
0xfb: {  	[tilespmem:s15+$0x0] =	vst v49;
	v20 =	vmax.f32 v61, v37;
	(erf) = vpow2.f32 v18;
	v50 =	vadd.f32 v22, v38  }
0xfc: {  	[tilespmem:v7+s23+$0x0] =	vst.idx.add.f32.msk $0xffff, v46;
	v17 =	vmax.f32 v34, v44;
	v20 =	vsub.f32 v20, v27;
	v19 =	vmul.f32 $1.442695020e+00, v48  }
0xfd: {  	[tilespmem:v6+s23+$0x0] =	vst.idx.add.f32.msk $0xffff, v49;
	v57 =	vmul.f32 $9.999999770e-03, v53;
	v17 =	vsub.f32 v17, v24;
	v52 =	vmul.f32 $9.999999770e-03, v50;
	v55 =	vpop (erf)  }
0xfe: {  	v9 =	vmax.f32 v47, v51;
	v20 =	vmul.f32 $1.442695020e+00, v20;
	[tilespmem:s16+$0xFFFFFFE0] =	vst v55;
	(erf) = vpow2.f32 v19  }
0xff: {  	v16 =	vmax.f32 v54, v56;
	v59 =	vmul.f32 $1.442695020e+00, v17;
	v58 =	vpop (erf);
	[tilespmem:v10+s23+$0x0] =	vst.idx.add.f32.msk $0xffff, v55;
	v4 =	vmax.f32 v50, v52  }
0x100: {  	v7 =	vmax.f32 v53, v57;
	[tilespmem:s16+$0xFFFFFFF0] =	vst v58;
	v60 =	vpop (erf);
	(erf) = vpow2.f32 v20;
	v4 =	vsub.f32 v4, v9  }
0x101: {  	v61 =	vsub.f32 v7, v16;
	[tilespmem:s16+$0x20] =	vst v60;
	(erf) = vpow2.f32 v59  }
0x102: {  	[tilespmem:v2+s23+$0x0] =	vst.idx.add.f32.msk $0xffff, v60;
	v2 =	vmul.f32 $1.442695020e+00, v4  }
0x103: {  	v62 =	vmul.f32 $1.442695020e+00, v61;
	[tilespmem:v3+s23+$0x0] =	vst.idx.add.f32.msk $0xffff, v58;
	v3 =	vpop (erf)  }
0x104: {  	[tilespmem:s16+$0x10] =	vst v3;
	v63 =	vpop (erf);
	(erf) = vpow2.f32 v2  }
0x105: {  	[tilespmem:v8+s23+$0x0] =	vst.idx.add.f32.msk $0xffff, v3;
	(erf) = vpow2.f32 v62  }
0x106: {  	[tilespmem:s16+$0x0] =	vst v63  }
0x107: {  	s1 =	sadd.s32 $0x50, s1;
	[tilespmem:v5+s23+$0x0] =	vst.idx.add.f32.msk $0xffff, v63;
	v2 =	vpop (erf)  }
0x108: {  	[tilespmem:s1+$0xFFFFFFE0] =	vst v2  }
0x109: {  	v3 =	vpop (erf);
	[tilespmem:v11+s23+$0x0] =	vst.idx.add.f32.msk $0xffff, v2  }
0x10a: {  	[tilespmem:s1+$0xFFFFFFF0] =	vst v3;
	v2 =	vpop (erf)  }
0x10b: {  	[tilespmem:s1+$0x20] =	vst v2  }
0x10c: {  	s31 =	sadd.s32 $0x1, s31;
	[tilespmem:v13+s23+$0x0] =	vst.idx.add.f32.msk $0xffff, v3  }
0x10d: {  	p0 =	sne.s32 s31, $0x5;
	[tilespmem:v14+s23+$0x0] =	vst.idx.add.f32.msk $0xffff, v2;
	v2 =	vpop (erf)  }
.Ltmp6:
0x10e: {  	[tilespmem:s1+$0x10] =	vst v2;
	v3 =	vpop (erf);
	(pc) =	sbr.rel @p0 .LBB2_4-.Ltmp6, $4  }
0x10f: {  	s0 =	sadd.s32 s6, s0;
	[tilespmem:s1+$0x0] =	vst v3  }
0x110: {  	s0 =	sshrl.u32 s0, $0x3;
	[tilespmem:v15+s23+$0x0] =	vst.idx.add.f32.msk $0xffff, v2  }
0x111: {  	s0 =	sadd.s32 s4, s0;
	[tilespmem:v12+s23+$0x0] =	vst.idx.add.f32.msk $0xffff, v3  }
0x112: {  	[hbm4b:s0+s2] =	stream.linear.scatter [tilespmem:s28], [sflag:$0x4], $0x1F40, $0x38;
	[tilespmem:$0xF500] =	vst v63  }
0x113: {  	_ =	swait.ge [sflag:s29], $0x1F40  }
0x114: {  	[sflag:s29] =	ssyncset.done $0x0  }
0x115: {  	[sflag:s29] =	ssyncadd.s32 $0xFFFFE0C0  }
0x116: {  	s30 =	sadd.s32 $0x1, s30;
	_ =	swait.ge [sflag:s26], $0x1F40  }
0x117: {  	p0 =	sne.s32 s30, s14;
	[sflag:s26] =	ssyncset.done $0x0  }
.Ltmp7:
0x118: {  	[sflag:s26] =	ssyncadd.s32 $0xFFFFE0C0;
	(pc) =	sbr.rel @p0 .LBB2_1-.Ltmp7, $4  }
0x119: {  	[hbm4b:s13+s2] =	stream.linear.scatter [tilespmem:s23], [sflag:$0x5], $0x2710, $0x38;
	[tilespmem:$0xF500] =	vst v63  }
0x11a: {  	_ =	swait.ge [sflag:s17], $0x2710  }
0x11b: {  	[sflag:s17] =	ssyncset.done $0x0  }
0x11c: {  	[sflag:s17] =	ssyncadd.s32 $0xFFFFD8F0  }
0x11d: {  	_ =	sfence.sel $0x180000  }
0x11e: {  	[bflag:$0x0] =	sbarrier.arrive $0xFFFF  }
0x11f: {  	_ =	strace $0x9000004D  }
0x120: {  	s0 =	stileid.u32;
	[bflag:$0x2] =	sbarrier.arrive $0xFFFF  }
0x121: {  	p0 =	sne.s32 s0, $0x0;
	s0 =	rddreg [dreg:$0x1]  }
0x122: {  	s0 =	sadd.s32 @!p0 $0x100000, s0  }
0x123: {  	[sflag:s0] =	ssyncadd.tile.s32 @!p0 $0x1;
	_ =	shalt  }
.Lfunc_end2:
_tile_overlayer_lowered:
.L_overlay_start_2:
0x124: {  	(tag) =	ssettag $0x2  }
0x125: {  	s0 =	rddreg [dreg:$0x0];
	s2 =	stileid.u32  }
0x126: {  	s1 =	rddreg [dreg:$0x1];
	p0 =	sne.s32 s2, $0x0  }
0x127: {  	s3 =	rddreg [dreg:$0x2];
	[bflag:$0x3] =	sbarrier.arrive $0xFFFF;
	s2 =	simm.s32 @!p0 $0x1C05  }
0x128: {  	[timem:s3], [sflag:s2] =	dma.local @!p0 [hbm:s0], s1  }
0x129: {  	s0 =	simm.s32 @!p0 $0x5  }
0x12a: {  	_ =	swait.ge @!p0 [sflag:s0], s1  }
0x12b: {  	s1 =	ssub.s32 @!p0 $0x0, s1;
	[sflag:s0] =	ssyncset.done @!p0 $0x0  }
0x12c: {  	[sflag:s0] =	ssyncadd.s32 @!p0 s1  }
0x12d: {  	[bflag:$0x3] =	sbarrier.arrive $0xFFFF  }
0x12e: {  	_ =	shalt  }

// kernel: kernel.23.cloned.1.call-start
scs
__scs_entry_jumppad:
0x0: {  	(pc) =	sbr.rel $0x88, $3  }
0x1: {  	(tag) =	ssettag $0x0;
	lr =	simm.s32 $0x1  }
0x2: {  	[smem:$0x3F94] =	sst lr;
	_ =	strace $0xD0000000  }
0x3: {  	_ = 	snop  }
0x4: {  	_ = 	snop  }
0x5: {  	_ = 	snop  }
0x6: {  	_ = 	snop  }
0x7: {  	_ = 	snop  }
__scs_overlays_trampoline_lowered:
0x8: {  	[smem:$0x3FA3] =	sst s0  }
0x9: {  	[smem:$0x3FA4] =	sst s1  }
0xa: {  	[smem:$0x3FA5] =	sst s2  }
0xb: {  	[smem:$0x3FA6] =	sst s3  }
0xc: {  	[smem:$0x3FA7] =	sst s4  }
0xd: {  	[smem:$0x3FA8] =	sst s5  }
0xe: {  	[smem:$0x3FA9] =	sst s6  }
0xf: {  	[smem:$0x3FAA] =	sst s7  }
0x10: {  	[smem:$0x3FAB] =	sst s8  }
0x11: {  	[smem:$0x3FAC] =	sst s9;
	s0 =	simm.s32 @!p0 $0x0  }
0x12: {  	s1 =	sld [smem:$0x3F92];
	s0 =	simm.s32 @p0 $0x1  }
0x13: {  	[smem:$0x3FAD] =	sst s0;
	s0 =	simm.s32 @!p1 $0x0  }
0x14: {  	s2 =	sld [smem:$0x3F91];
	s0 =	simm.s32 @p1 $0x1  }
0x15: {  	[smem:$0x3FAE] =	sst s0;
	s0 =	simm.s32 @!p2 $0x0  }
0x16: {  	s3 =	sld [smem:$0x3FDB];
	s0 =	simm.s32 @p2 $0x1  }
0x17: {  	s4 =	simm.s32 $0x1BF5;
	[smem:$0x3FB0] =	sst s0  }
0x18: {  	s0 =	sld [smem:$0x3F93];
	_ =	swait.ge [sflag:s4], $0x0  }
0x19: {  	s7 =	sld [smem:$0x3F94]  }
0x1a: {  	s8 =	sadd.s32 $0xFFFFE003, lr  }
0x1b: {  	s9 =	sadd.s32 $0xFFFFFEF7, lr;
	s5 =	simm.s32 $0xFFFFFFFF;
	p2 =	slt.u32 s8, $0xFFFFF086  }
0x1c: {  	p1 =	slt.u32 s9, $0xF7A;
	s5 =	simm.s32 @!p2 $0x0  }
0x1d: {  	s5 =	simm.s32 @p1 $0x1;
	p0 =	seq.s32 s7, s2  }
0x1e: {  	s7 =	smul.u32 @!p0 $0xF7A, s2;
	p2 =	seq.s32 @!p0 s5, $0x0  }
0x1f: {  	s9 =	smul.u32 $0xF7A, s1;
	s8 =	simm.s32 @!p0 $0x1BF5;
	p2 =	por !p2, p0  }
0x20: {  	[sflag:s8] =	ssyncset.s32 @!p0 $0xFFFFF086;
	s6 =	sadd.s32 @!p0 s3, s7;
	s7 =	simm.s32 @!p0 $0x108  }
0x21: {  	s3 =	sadd.s32 s3, s9;
	s6 =	sadd.s32 @!p0 $0x88, s6;
	s7 =	simm.s32 @p2 $0x1082  }
0x22: {  	[simem:s7], [sflag:s8] =	dma.local @!p0 [hbm:s6], $0xF7A  }
0x23: {  	s9 =	sor.u32 $0xD0000000, s2;
	s6 =	simm.s32 $0x108;
	_ =	swait.ge @!p0 [sflag:s8], $0x0  }
0x24: {  	s3 =	sadd.s32 $0x88, s3;
	s6 =	simm.s32 @!p1 $0x1082;
	[sflag:s4] =	ssyncset.s32 $0xFFFFF086  }
0x25: {  	[simem:s6], [sflag:s4] =	dma.local [hbm:s3], $0xF7A  }
0x26: {  	[smem:$0x3F94] =	sst s1;
	(tag) =	ssettag s2;
	_ =	strace s9  }
0x27: {  	s1 =	sld [smem:$0x3FA4]  }
0x28: {  	s2 =	sld [smem:$0x3FA5]  }
0x29: {  	s4 =	sld [smem:$0x3FA7]  }
0x2a: {  	p0 =	seq.s32 s5, $0x0;
	s5 =	sld [smem:$0x3FA8]  }
0x2b: {  	s6 =	sld [smem:$0x3FA9]  }
0x2c: {  	s7 =	sld [smem:$0x3FAA]  }
0x2d: {  	s3 =	simm.s32 $0x108;
	s8 =	sld [smem:$0x3FAB]  }
0x2e: {  	s3 =	simm.s32 @!p0 $0x1082;
	s9 =	sld [smem:$0x3FAC]  }
0x2f: {  	lr =	sadd.s32 s0, s3;
	s0 =	sld [smem:$0x3FA3]  }
0x30: {  	s3 =	sld [smem:$0x3FA6]  }
0x31: {  	[smem:$0x3FAF] =	sst s10  }
0x32: {  	s10 =	sld [smem:$0x3FAD];
	_ =	sdelay $0x3  }
0x33: {  	p0 =	seq.s32 s10, $0x1;
	s10 =	sld [smem:$0x3FAF];
	_ =	sdelay $0x3  }
0x34: {  	[smem:$0x3FAF] =	sst s10  }
0x35: {  	s10 =	sld [smem:$0x3FAE];
	_ =	sdelay $0x3  }
0x36: {  	p1 =	seq.s32 s10, $0x1;
	s10 =	sld [smem:$0x3FAF];
	_ =	sdelay $0x3  }
0x37: {  	[smem:$0x3FAF] =	sst s10  }
0x38: {  	s10 =	sld [smem:$0x3FB0]  }
0x39: {  	_ = 	snop;
	(pc) =	sbr.ind lr, $3  }
0x3a: {  	_ = 	snop  }
0x3b: {  	_ = 	snop  }
0x3c: {  	p2 =	seq.s32 s10, $0x1;
	s10 =	sld [smem:$0x3FAF]  }
0x3d: {  	_ =	shalt  }
0x3e: {  	_ =	shalt  }
0x3f: {  	_ =	shalt  }
0x40: {  	_ =	shalt  }
0x41: {  	_ =	shalt  }
0x42: {  	_ =	shalt  }
0x43: {  	_ =	shalt  }
0x44: {  	_ =	shalt  }
0x45: {  	_ =	shalt  }
0x46: {  	_ =	shalt  }
0x47: {  	_ =	shalt  }
0x48: {  	_ =	shalt  }
0x49: {  	_ =	shalt  }
0x4a: {  	_ =	shalt  }
0x4b: {  	_ =	shalt  }
0x4c: {  	_ =	shalt  }
0x4d: {  	_ =	shalt  }
0x4e: {  	_ =	shalt  }
0x4f: {  	_ =	shalt  }
0x50: {  	_ =	shalt  }
0x51: {  	_ =	shalt  }
0x52: {  	_ =	shalt  }
0x53: {  	_ =	shalt  }
0x54: {  	_ =	shalt  }
0x55: {  	_ =	shalt  }
0x56: {  	_ =	shalt  }
0x57: {  	_ =	shalt  }
0x58: {  	_ =	shalt  }
0x59: {  	_ =	shalt  }
0x5a: {  	_ =	shalt  }
0x5b: {  	_ =	shalt  }
0x5c: {  	_ =	shalt  }
0x5d: {  	_ =	shalt  }
0x5e: {  	_ =	shalt  }
0x5f: {  	_ =	shalt  }
0x60: {  	_ =	shalt  }
0x61: {  	_ =	shalt  }
0x62: {  	_ =	shalt  }
0x63: {  	_ =	shalt  }
0x64: {  	_ =	shalt  }
0x65: {  	_ =	shalt  }
0x66: {  	_ =	shalt  }
0x67: {  	_ =	shalt  }
0x68: {  	_ =	shalt  }
0x69: {  	_ =	shalt  }
0x6a: {  	_ =	shalt  }
0x6b: {  	_ =	shalt  }
0x6c: {  	_ =	shalt  }
0x6d: {  	_ =	shalt  }
0x6e: {  	_ =	shalt  }
0x6f: {  	_ =	shalt  }
0x70: {  	_ =	shalt  }
0x71: {  	_ =	shalt  }
0x72: {  	_ =	shalt  }
0x73: {  	_ =	shalt  }
0x74: {  	_ =	shalt  }
0x75: {  	_ =	shalt  }
0x76: {  	_ =	shalt  }
0x77: {  	_ =	shalt  }
0x78: {  	_ =	shalt  }
0x79: {  	_ =	shalt  }
0x7a: {  	_ =	shalt  }
0x7b: {  	_ =	shalt  }
0x7c: {  	_ =	shalt  }
0x7d: {  	_ =	shalt  }
0x7e: {  	_ =	shalt  }
0x7f: {  	_ =	shalt  }
0x80: {  	_ =	shalt  }
0x81: {  	_ =	shalt  }
0x82: {  	_ =	shalt  }
0x83: {  	_ =	shalt  }
0x84: {  	_ =	shalt  }
0x85: {  	_ =	shalt  }
0x86: {  	_ =	shalt  }
0x87: {  	_ =	shalt  }
.Lfunc_end0:
.L_simem_size_0:
called_computation.3_lowered:
.L_overlay_start_0:
0x88: {  	s2 =	sld [smem:$0x3FD9]  }
0x89: {  	s3 =	sld [smem:$0x3FFE];
	_ =	sdelay $0x1  }
0x8a: {  	s1 =	srdreg.scid  }
0x8b: {  	s0 =	sand.u32 $0x1, s1  }
0x8c: {  	s17 =	sshll.u32 s0, $0xA;
	s2 =	sadd.s32 s3, s2  }
0x8d: {  	s2 =	sadd.s32 s2, s17  }
0x8e: {  	[smem:$0x3FBB] =	sst s2  }
0x8f: {  	_ = 	snop  }
0x90: {  	s2 =	sld [smem:$0x3FD0];
	(tm) =	ssettm $0x1  }
0x91: {  	s18 =	sld [smem:$0x3FFB];
	_ =	sdelay $0x3  }
0x92: {  	_ =	strace s18  }
0x93: {  	s3 =	sld [smem:$0x3FFC];
	_ =	sdelay $0x3  }
0x94: {  	_ =	strace s3  }
0x95: {  	s3 =	sld [smem:$0x3FFD];
	_ =	sdelay $0x3  }
0x96: {  	_ =	strace s3  }
0x97: {  	_ =	strace $0x8FFFFFFF  }
0x98: {  	s19 =	sld [smem:$0x3FDB];
	_ =	sdelay $0x1  }
0x99: {  	s4 =	simm.s32 $_scs_section_size  }
0x9a: {  	s5 =	simm.s32 $_size__tile_overlayer_lowered;
	s6 =	simm.s32 $_tile_overlayer_lowered  }
0x9b: {  	s22 =	simm.s32 $0x1BFF;
	s21 =	sshll.u32 s6, $0x1;
	s3 =	sadd.s32 s4, s19  }
0x9c: {  	s7 =	simm.s32 $0x0;
	s20 =	sshll.u32 s5, $0x1;
	s5 =	sadd.s32 s21, s3  }
0x9d: {  	[timem:s7], [sflag:s22] =	dma.local [hbm:s5], s20  }
0x9e: {  	_ =	swait.ge [sflag:s22], s20  }
0x9f: {  	s4 =	ssub.s32 $0x0, s20;
	[sflag:s22] =	ssyncset.done $0x0  }
0xa0: {  	[sflag:s22] =	ssyncadd.s32 s4;
	_ =	sdelay $0x1  }
0xa1: {  	s23 =	simm.s32 $0x1B8B  }
0xa2: {  	_ =	swait.ge [sflag:s23], $0x1  }
0xa3: {  	[sflag:s23] =	ssyncset.done $0x0  }
0xa4: {  	s25 =	simm.s32 $0x1B8E;
	s24 =	sld [smem:$0x3FFE];
	[sflag:s23] =	ssyncadd.s32 $0xFFFFFFFF  }
0xa5: {  	s26 =	simm.s32 $execute0_lowered;
	[smem:$0x3FD2] =	sst s25  }
0xa6: {  	s5 =	sshll.u32 s26, $0x1;
	_ =	strace $0x8000004F;
	[dreg:$0x1] =	wrdreg $0xFFFFFFFF  }
0xa7: {  	s28 =	simm.s32 $_size_execute0_lowered;
	s3 =	sadd.s32 s3, s5;
	[dreg:$0x0] =	wrdreg $0x0  }
0xa8: {  	s5 =	sshll.u32 s28, $0x1;
	[dreg:$0x2] =	wrdreg s3  }
0xa9: {  	[dreg:$0x3] =	wrdreg s5  }
0xaa: {  	[dreg:$0x4] =	wrdreg $0xC0  }
0xab: {  	_ =	task [dreg:s7], $0x5FFFF  }
0xac: {  	[dreg:$0x1] =	wrdreg $0xFFFFFFFF  }
0xad: {  	[dreg:$0x0] =	wrdreg $0x60  }
0xae: {  	[dreg:$0x2] =	wrdreg s24  }
0xaf: {  	[dreg:$0x3] =	wrdreg s2  }
0xb0: {  	[dreg:$0x4] =	wrdreg $0x9  }
0xb1: {  	_ =	task.clear_ibuf [dreg:s7], $0x5FFFF;
	_ =	strace $0x9000004F  }
0xb2: {  	s29 =	simm.s32 $0x9;
	_ =	strace $0x80000051  }
0xb3: {  	_ =	swait.ge [sflag:s29], $0x1  }
0xb4: {  	[sflag:s29] =	ssyncadd.s32 $0xFFFFFFFF  }
0xb5: {  	_ =	strace $0x90000051  }
0xb6: {  	_ =	sfence  }
0xb7: {  	s30 =	sld [smem:$0x0];
	_ =	sdelay $0x2  }
0xb8: {  	s31 =	sshll.u32 s1, $0xD;
	s1 =	sshrl.u32 s1, $0x2  }
0xb9: {  	s3 =	sand.u32 $0x4000, s31;
	s1 =	sadd.s32 s1, s30  }
0xba: {  	s0 =	sor.u32 s3, s0;
	s1 =	sshll.u32 s1, $0x11  }
0xbb: {  	s0 =	sor.u32 s1, s0  }
0xbc: {  	s0 =	sadd.s32 $0x8F2B, s0  }
0xbd: {  	[sflag:s0] =	ssyncadd.remote.s32 $0x1  }
0xbe: {  	_ =	sfence.sel $0xFFFF  }
0xbf: {  	[dreg:$0x0] =	wrdreg $0xFFFFFFFF;
	(pc) =	sbr.abs _section_cstart, $3  }
0xc0: {  	[dreg:$0x1] =	wrdreg $0xFFFFFFFF  }
0xc1: {  	_ =	task.clear_ibuf [dreg:s7], $0x2FFFF;
	_ =	strace $0x9FFFFFFF  }
0xc2: {  	(tm) =	ssettm $0x7FFFFFFF  }
0xc3: {  	_ =	shalt  }
tec
execute0_lowered:
.L_overlay_start_1:
0x0: {  	(tag) =	ssettag $0x1  }
0x1: {  	s0 =	rddreg [dreg:$0x0]  }
0x2: {  	s2 =	rddreg [dreg:$0x1]  }
0x3: {  	s1 =	simm.s32 $0x0;
	s5 =	srdreg.scid;
	s8 =	stileid.u32  }
0x4: {  	s16 =	simm.s32 $0x80;
	s17 =	simm.s32 $0x400;
	s18 =	simm.s32 $0x3  }
0x5: {  	s19 =	simm.s32 $0x2780;
	s28 =	simm.s32 $0x4F00;
	s29 =	simm.s32 $0x7680  }
0x6: {  	s30 =	simm.s32 $0x2;
	s31 =	simm.s32 $0x0;
	[smem:$0x7FF] =	sst s1  }
0x7: {  	s3 =	sadd.s32 $0x3E00, s0;
	s4 =	sadd.s32 $0x12E00, s0;
	s6 =	sadd.s32 $0x61000, s0  }
0x8: {  	s5 =	sand.u32 $0x1, s5;
	s7 =	sshrl.u32 s8, $0x1;
	s8 =	sshll.u32 s8, $0x9  }
0x9: {  	s0 =	sadd.s32 $0x6AE00, s0;
	_ =	strace $0x80000050;
	s9 =	smul.u32 $0x13C00, s7  }
0xa: {  	s10 =	sshll.u32 s5, $0x8;
	s8 =	sand.u32 $0x200, s8;
	s5 =	ssub.s32 $0x2, s5  }
0xb: {  	s22 =	smul.u32 $0x9C40, s7;
	s8 =	sor.u32 s10, s8;
	s21 =	sshrl.u32 s5, $0x1  }
0xc: {  	s23 =	smul.u32 $0x1388, s7;
	s8 =	sor.u32 s9, s8;
	s15 =	ssub.s32 s5, s21  }
0xd: {  	s9 =	sshrl.u32 s22, $0x3;
	s5 =	smul.u32 $0x4E200, s7;
	s21 =	simm.s32 $0xC580  }
0xe: {  	s13 =	sshrl.u32 s8, $0x3;
	s25 =	sadd.s32 s6, s9;
	s8 =	sadd.s32 s6, s23  }
0xf: {  	s15 =	smax.u32 s15, $0x1;
	s14 =	sor.u32 $0x10, s13;
	s24 =	sadd.s32 s2, s13  }
0x10: {  	s9 =	sadd.s32 $0x4E2, s25;
	s26 =	sshrl.u32 s5, $0x3;
	s10 =	sadd.s32 $0x9C4, s25  }
0x11: {  	s11 =	sadd.s32 $0xEA6, s25;
	s13 =	sadd.s32 s0, s13;
	s25 =	simm.s32 $0x14B80  }
0x12: {  	[dreg:$0x3] =	wrdreg s24;
	s7 =	sadd.s32 s2, s14;
	s12 =	sadd.s32 s4, s26  }
0x13: {  	v0 =	vimm.f32 $0.0e+00;
	s14 =	sadd.s32 s0, s14;
	s24 =	simm.s32 $0x10C80;
	s26 =	simm.s32 $0x1  }
.LBB2_1:
0x14: {  	s0 =	rddreg [dreg:$0x3]  }
0x15: {  	[tilespmem:s1], [sflag:$0x3] =	stream.strided.gather [hbm4b:s0+s16], $0x2780, s17, s16, $0x38;
	[tilespmem:$0x16B00] =	vst v63  }
0x16: {  	_ =	swait.ge [sflag:s18], $0x2780  }
0x17: {  	[sflag:s18] =	ssyncset.done $0x0  }
0x18: {  	[sflag:s18] =	ssyncadd.s32 $0xFFFFD880  }
0x19: {  	[tilespmem:s19], [sflag:$0x3] =	stream.strided.gather [hbm4b:s7+s16], $0x2780, s17, s16, $0x38;
	[tilespmem:$0x16B00] =	vst v63  }
0x1a: {  	_ =	swait.ge [sflag:s18], $0x2780  }
0x1b: {  	[sflag:s18] =	ssyncset.done $0x0  }
0x1c: {  	s23 =	simm.s32 $0x9E00;
	[sflag:s18] =	ssyncadd.s32 $0xFFFFD880  }
0x1d: {  	[tilespmem:s23], [sflag:$0x3] =	stream.linear.gather [hbm4b:s8+s1], $0x2710, $0x38;
	[tilespmem:$0x16B00] =	vst v63  }
0x1e: {  	_ =	swait.ge [sflag:s18], $0x2710  }
0x1f: {  	[sflag:s18] =	ssyncset.done $0x0  }
0x20: {  	[sflag:s18] =	ssyncadd.s32 $0xFFFFD8F0  }
0x21: {  	[tilespmem:s21], [sflag:$0x3] =	stream.linear.gather [hbm4b:s9+s1], $0x2710, $0x38;
	[tilespmem:$0x16B00] =	vst v63  }
0x22: {  	_ =	swait.ge [sflag:s18], $0x2710  }
0x23: {  	[sflag:s18] =	ssyncset.done $0x0  }
0x24: {  	s0 =	simm.s32 $0x9E20;
	[sflag:s18] =	ssyncadd.s32 $0xFFFFD8F0  }
0x25: {  	s2 =	simm.s32 $0xC5A0;
	v3 =	vld [tilespmem:s0+$0x20]  }
0x26: {  	v5 =	vld [tilespmem:s2+$0x20]  }
0x27: {  	v1 =	vld [tilespmem:s2+$0xFFFFFFE0]  }
0x28: {  	v7 =	vld [tilespmem:s0+$0xFFFFFFF0]  }
0x29: {  	v8 =	vld [tilespmem:s2+$0xFFFFFFF0]  }
0x2a: {  	v2 =	vld [tilespmem:s0+$0x0]  }
0x2b: {  	v4 =	vld [tilespmem:s2+$0x0]  }
0x2c: {  	v6 =	vadd.f32 v5, v3;
	v3 =	vld [tilespmem:s0+$0x10]  }
0x2d: {  	v5 =	vld [tilespmem:s2+$0x10]  }
0x2e: {  	s6 =	simm.s32 $0x0;
	s20 =	simm.s32 $0x9E70;
	v7 =	vadd.f32 v8, v7;
	[tilespmem:s0+$0x20] =	vst v6;
	v6 =	vld [tilespmem:s0+$0xFFFFFFE0]  }
.LBB2_2:
0x2f: {  	v8 =	vld [tilespmem:s20+$0x20];
	s2 =	sadd.s32 $0x50, s2  }
0x30: {  	s6 =	sadd.s32 $0x5, s6;
	v9 =	vld [tilespmem:s2+$0x20];
	[tilespmem:s0+$0xFFFFFFF0] =	vst v7;
	v2 =	vadd.f32 v4, v2  }
0x31: {  	p0 =	slt.u32 s6, $0x26C;
	v7 =	vld [tilespmem:s2+$0xFFFFFFE0]  }
0x32: {  	v10 =	vld [tilespmem:s20+$0xFFFFFFF0];
	[tilespmem:s0+$0x0] =	vst v2;
	v3 =	vadd.f32 v5, v3  }
0x33: {  	v11 =	vld [tilespmem:s2+$0xFFFFFFF0];
	v5 =	vadd.f32 v1, v6  }
.Ltmp0:
0x34: {  	v2 =	vld [tilespmem:s20+$0x0];
	[tilespmem:s0+$0x10] =	vst v3;
	(pc) =	sbr.rel @p0 .LBB2_2-.Ltmp0, $4  }
0x35: {  	v4 =	vld [tilespmem:s2+$0x0];
	v6 =	vadd.f32 v9, v8;
	[tilespmem:s0+$0xFFFFFFE0] =	vst v5;
	s0 =	smov.u32 s20  }
0x36: {  	v3 =	vld [tilespmem:s20+$0x10];
	v1 =	vmov v7  }
0x37: {  	v5 =	vld [tilespmem:s2+$0x10];
	[tilespmem:s20+$0x20] =	vst v6  }
0x38: {  	s20 =	sadd.s32 $0x50, s20;
	v6 =	vld [tilespmem:s0+$0xFFFFFFE0];
	v7 =	vadd.f32 v11, v10  }
0x39: {  	_ =	sdelay $0x1  }
0x3a: {  	v2 =	vadd.f32 v4, v2  }
0x3b: {  	[tilespmem:s0+$0xFFFFFFF0] =	vst v7;
	v3 =	vadd.f32 v5, v3  }
0x3c: {  	[tilespmem:s0+$0x0] =	vst v2;
	v1 =	vadd.f32 v1, v6  }
0x3d: {  	[tilespmem:s0+$0x10] =	vst v3  }
0x3e: {  	[tilespmem:s0+$0xFFFFFFE0] =	vst v1  }
0x3f: {  	[tilespmem:s21], [sflag:$0x3] =	stream.linear.gather [hbm4b:s10+s1], $0x2710, $0x38;
	[tilespmem:$0x16B00] =	vst v63  }
0x40: {  	_ =	swait.ge [sflag:s18], $0x2710  }
0x41: {  	[sflag:s18] =	ssyncset.done $0x0  }
0x42: {  	s0 =	simm.s32 $0x9E20;
	[sflag:s18] =	ssyncadd.s32 $0xFFFFD8F0  }
0x43: {  	s2 =	simm.s32 $0xC5A0;
	v3 =	vld [tilespmem:s0+$0x20]  }
0x44: {  	v5 =	vld [tilespmem:s2+$0x20]  }
0x45: {  	v1 =	vld [tilespmem:s2+$0xFFFFFFE0]  }
0x46: {  	v7 =	vld [tilespmem:s0+$0xFFFFFFF0]  }
0x47: {  	v8 =	vld [tilespmem:s2+$0xFFFFFFF0]  }
0x48: {  	v2 =	vld [tilespmem:s0+$0x0]  }
0x49: {  	v4 =	vld [tilespmem:s2+$0x0]  }
0x4a: {  	v6 =	vadd.f32 v5, v3;
	v3 =	vld [tilespmem:s0+$0x10]  }
0x4b: {  	v5 =	vld [tilespmem:s2+$0x10]  }
0x4c: {  	s6 =	simm.s32 $0x0;
	s20 =	simm.s32 $0x9E70;
	v7 =	vadd.f32 v8, v7;
	[tilespmem:s0+$0x20] =	vst v6;
	v6 =	vld [tilespmem:s0+$0xFFFFFFE0]  }
.LBB2_4:
0x4d: {  	v8 =	vld [tilespmem:s20+$0x20];
	s2 =	sadd.s32 $0x50, s2  }
0x4e: {  	s6 =	sadd.s32 $0x5, s6;
	v9 =	vld [tilespmem:s2+$0x20];
	[tilespmem:s0+$0xFFFFFFF0] =	vst v7;
	v2 =	vadd.f32 v4, v2  }
0x4f: {  	p0 =	slt.u32 s6, $0x26C;
	v7 =	vld [tilespmem:s2+$0xFFFFFFE0]  }
0x50: {  	v10 =	vld [tilespmem:s20+$0xFFFFFFF0];
	[tilespmem:s0+$0x0] =	vst v2;
	v3 =	vadd.f32 v5, v3  }
0x51: {  	v11 =	vld [tilespmem:s2+$0xFFFFFFF0];
	v5 =	vadd.f32 v1, v6  }
.Ltmp1:
0x52: {  	v2 =	vld [tilespmem:s20+$0x0];
	[tilespmem:s0+$0x10] =	vst v3;
	(pc) =	sbr.rel @p0 .LBB2_4-.Ltmp1, $4  }
0x53: {  	v4 =	vld [tilespmem:s2+$0x0];
	v6 =	vadd.f32 v9, v8;
	[tilespmem:s0+$0xFFFFFFE0] =	vst v5;
	s0 =	smov.u32 s20  }
0x54: {  	v3 =	vld [tilespmem:s20+$0x10];
	v1 =	vmov v7  }
0x55: {  	v5 =	vld [tilespmem:s2+$0x10];
	[tilespmem:s20+$0x20] =	vst v6  }
0x56: {  	s20 =	sadd.s32 $0x50, s20;
	v6 =	vld [tilespmem:s0+$0xFFFFFFE0];
	v7 =	vadd.f32 v11, v10  }
0x57: {  	_ =	sdelay $0x1  }
0x58: {  	v2 =	vadd.f32 v4, v2  }
0x59: {  	[tilespmem:s0+$0xFFFFFFF0] =	vst v7;
	v3 =	vadd.f32 v5, v3  }
0x5a: {  	[tilespmem:s0+$0x0] =	vst v2;
	v1 =	vadd.f32 v1, v6  }
0x5b: {  	[tilespmem:s0+$0x10] =	vst v3  }
0x5c: {  	[tilespmem:s0+$0xFFFFFFE0] =	vst v1  }
0x5d: {  	[tilespmem:s21], [sflag:$0x3] =	stream.linear.gather [hbm4b:s11+s1], $0x2710, $0x38;
	[tilespmem:$0x16B00] =	vst v63  }
0x5e: {  	_ =	swait.ge [sflag:s18], $0x2710  }
0x5f: {  	[sflag:s18] =	ssyncset.done $0x0  }
0x60: {  	s0 =	simm.s32 $0x9E20;
	[sflag:s18] =	ssyncadd.s32 $0xFFFFD8F0  }
0x61: {  	s2 =	simm.s32 $0xC5A0;
	v3 =	vld [tilespmem:s0+$0x20]  }
0x62: {  	v5 =	vld [tilespmem:s2+$0x20]  }
0x63: {  	v1 =	vld [tilespmem:s2+$0xFFFFFFE0]  }
0x64: {  	v7 =	vld [tilespmem:s0+$0xFFFFFFF0]  }
0x65: {  	v8 =	vld [tilespmem:s2+$0xFFFFFFF0]  }
0x66: {  	v2 =	vld [tilespmem:s0+$0x0]  }
0x67: {  	v4 =	vld [tilespmem:s2+$0x0]  }
0x68: {  	v6 =	vadd.f32 v5, v3;
	v3 =	vld [tilespmem:s0+$0x10]  }
0x69: {  	v5 =	vld [tilespmem:s2+$0x10]  }
0x6a: {  	s6 =	simm.s32 $0x0;
	s20 =	simm.s32 $0x9E70;
	v7 =	vadd.f32 v8, v7;
	[tilespmem:s0+$0x20] =	vst v6;
	v6 =	vld [tilespmem:s0+$0xFFFFFFE0]  }
.LBB2_6:
0x6b: {  	v8 =	vld [tilespmem:s20+$0x20];
	s2 =	sadd.s32 $0x50, s2  }
0x6c: {  	s6 =	sadd.s32 $0x5, s6;
	v9 =	vld [tilespmem:s2+$0x20];
	[tilespmem:s0+$0xFFFFFFF0] =	vst v7;
	v2 =	vadd.f32 v4, v2  }
0x6d: {  	p0 =	slt.u32 s6, $0x26C;
	v7 =	vld [tilespmem:s2+$0xFFFFFFE0]  }
0x6e: {  	v10 =	vld [tilespmem:s20+$0xFFFFFFF0];
	[tilespmem:s0+$0x0] =	vst v2;
	v3 =	vadd.f32 v5, v3  }
0x6f: {  	v11 =	vld [tilespmem:s2+$0xFFFFFFF0];
	v5 =	vadd.f32 v1, v6  }
.Ltmp2:
0x70: {  	v2 =	vld [tilespmem:s20+$0x0];
	[tilespmem:s0+$0x10] =	vst v3;
	(pc) =	sbr.rel @p0 .LBB2_6-.Ltmp2, $4  }
0x71: {  	v4 =	vld [tilespmem:s2+$0x0];
	v6 =	vadd.f32 v9, v8;
	[tilespmem:s0+$0xFFFFFFE0] =	vst v5;
	s0 =	smov.u32 s20  }
0x72: {  	v3 =	vld [tilespmem:s20+$0x10];
	v1 =	vmov v7  }
0x73: {  	v5 =	vld [tilespmem:s2+$0x10];
	[tilespmem:s20+$0x20] =	vst v6  }
0x74: {  	s20 =	sadd.s32 $0x50, s20;
	v6 =	vld [tilespmem:s0+$0xFFFFFFE0];
	v7 =	vadd.f32 v11, v10  }
0x75: {  	_ =	sdelay $0x1  }
0x76: {  	v2 =	vadd.f32 v4, v2  }
0x77: {  	[tilespmem:s0+$0xFFFFFFF0] =	vst v7;
	v3 =	vadd.f32 v5, v3  }
0x78: {  	[tilespmem:s0+$0x0] =	vst v2;
	v1 =	vadd.f32 v1, v6  }
0x79: {  	[tilespmem:s0+$0x10] =	vst v3  }
0x7a: {  	s2 =	simm.s32 $0x0;
	[tilespmem:s0+$0xFFFFFFE0] =	vst v1;
	s0 =	simm.s32 $0x40  }
.LBB2_8:
0x7b: {  	p0 =	sne.s32 s0, $0x9C00;
	[tilespmem:s2+$0x4F00] =	vst v0;
	s6 =	smov.u32 s0;
	s0 =	sadd.s32 $0x40, s0  }
.Ltmp3:
0x7c: {  	[tilespmem:s2+$0x7680] =	vst v0;
	(pc) =	sbr.rel @p0 .LBB2_8-.Ltmp3, $2  }
0x7d: {  	_ =	sdelay $0x2  }
0x7e: {  	s2 =	sshra.s32 s6, $0x2  }
0x7f: {  	[tilespmem:s2+$0x4F00] =	vst v0  }
0x80: {  	[tilespmem:s2+$0x7680] =	vst v0;
	s0 =	simm.s32 $0x0;
	s22 =	simm.s32 $0xED00  }
0x81: {  	[tilespmem:s22], [sflag:$0x1] =	stream.linear.gather [hbm4b:s3+s0], $0x1F40, $0x38;
	[tilespmem:$0x16B00] =	vst v63  }
0x82: {  	s23 =	simm.s32 $0x12C00  }
0x83: {  	[tilespmem:s23], [sflag:$0x1] =	stream.linear.gather [hbm4b:s12+s0], $0x1F40, $0x38;
	[tilespmem:$0x16B00] =	vst v63  }
.LBB2_10:
0x84: {  	s2 =	smul.u32 $0x3E80, s0;
	_ =	sdelay $0x1  }
0x85: {  	s6 =	sadd.s32 $0x1F40, s2  }
0x86: {  	s20 =	sshrl.u32 s6, $0x3;
	s6 =	sadd.s32 s5, s6  }
0x87: {  	s20 =	sadd.s32 s3, s20;
	s6 =	sshrl.u32 s6, $0x3  }
0x88: {  	[tilespmem:s24], [sflag:$0x2] =	stream.linear.gather [hbm4b:s20+s1], $0x1F40, $0x38;
	[tilespmem:$0x16B00] =	vst v63  }
0x89: {  	s6 =	sadd.s32 s4, s6  }
0x8a: {  	[tilespmem:s25], [sflag:$0x2] =	stream.linear.gather [hbm4b:s6+s1], $0x1F40, $0x38;
	[tilespmem:$0x16B00] =	vst v63  }
0x8b: {  	_ =	swait.ge [sflag:s26], $0x1F40  }
0x8c: {  	[sflag:s26] =	ssyncset.done $0x0  }
0x8d: {  	[sflag:s26] =	ssyncadd.s32 $0xFFFFE0C0  }
0x8e: {  	_ =	swait.ge [sflag:s26], $0x1F40  }
0x8f: {  	[sflag:s26] =	ssyncset.done $0x0  }
0x90: {  	s20 =	simm.s32 $0xED20;
	[sflag:s26] =	ssyncadd.s32 $0xFFFFE0C0  }
0x91: {  	v1 =	vld [tilespmem:s20+$0x20];
	_ =	sdelay $0x1  }
0x92: {  	v4 =	vld [tilespmem:s20+$0xFFFFFFE0]  }
0x93: {  	v2 =	vld [tilespmem:s20+$0xFFFFFFF0];
	_ =	sdelay $0x1  }
0x94: {  	v3 =	vld [tilespmem:s20+$0x0];
	v5 =	vand.u32 $0x3FFF, v1  }
0x95: {  	s22 =	simm.s32 $0x12C20;
	v6 =	vld [tilespmem:s20+$0x10]  }
0x96: {  	v11 =	vld [tilespmem:s22+$0x20];
	v9 =	vand.u32 $0x3FFF, v4  }
0x97: {  	v16 =	vld [tilespmem:s22+$0xFFFFFFE0];
	v7 =	vand.u32 $0x3FFF, v2  }
0x98: {  	v17 =	vld [tilespmem:s22+$0xFFFFFFF0]  }
0x99: {  	s23 =	simm.s32 $0xED70;
	v8 =	vand.u32 $0x3FFF, v3;
	v10 =	vld.idx.msk [tilespmem:v5+s1+$0x0], $0xffff  }
0x9a: {  	v58 =	vld [tilespmem:s23+$0x10];
	v12 =	vand.u32 $0x3FFF, v6  }
0x9b: {  	v15 =	vshrl.u32 v1, $0xE;
	v1 =	vld.idx.msk [tilespmem:v9+s1+$0x0], $0xffff  }
0x9c: {  	s20 =	simm.s32 $0x12C70;
	v13 =	vld.idx.msk [tilespmem:v7+s1+$0x0], $0xffff  }
0x9d: {  	v22 =	vld [tilespmem:s20+$0x20];
	v4 =	vshrl.u32 v4, $0xE  }
0x9e: {  	v19 =	vshrl.u32 v2, $0xE;
	v14 =	vld.idx.msk [tilespmem:v8+s1+$0x0], $0xffff;
	v10 =	vmul.f32 v10, v11  }
0x9f: {  	v18 =	vld.idx.msk [tilespmem:v12+s1+$0x0], $0xffff  }
0xa0: {  	v1 =	vmul.f32 v1, v16;
	[tilespmem:v15+s28+$0x0] =	vst.idx.add.f32.msk $0xffff, v10  }
0xa1: {  	v13 =	vmul.f32 v13, v17;
	v10 =	vld [tilespmem:s22+$0x10]  }
0xa2: {  	[tilespmem:v4+s28+$0x0] =	vst.idx.add.f32.msk $0xffff, v1  }
0xa3: {  	[tilespmem:v19+s28+$0x0] =	vst.idx.add.f32.msk $0xffff, v13  }
0xa4: {  	v2 =	vld.idx.msk [tilespmem:v5+s19+$0x0], $0xffff  }
0xa5: {  	v5 =	vld [tilespmem:s22+$0x0]  }
0xa6: {  	v13 =	vld [tilespmem:s23+$0xFFFFFFF0]  }
0xa7: {  	v20 =	vshrl.u32 v3, $0xE;
	v3 =	vld.idx.msk [tilespmem:v9+s19+$0x0], $0xffff  }
0xa8: {  	v1 =	vshrl.u32 v6, $0xE;
	v6 =	vld.idx.msk [tilespmem:v7+s19+$0x0], $0xffff  }
0xa9: {  	v9 =	vld [tilespmem:s23+$0x20]  }
0xaa: {  	v2 =	vmul.f32 v2, v11;
	v7 =	vmul.f32 v14, v5;
	v14 =	vld [tilespmem:s23+$0x0]  }
0xab: {  	v11 =	vld [tilespmem:s20+$0xFFFFFFE0]  }
0xac: {  	[tilespmem:v15+s29+$0x0] =	vst.idx.add.f32.msk $0xffff, v2  }
0xad: {  	v3 =	vmul.f32 v3, v16;
	[tilespmem:v20+s28+$0x0] =	vst.idx.add.f32.msk $0xffff, v7  }
0xae: {  	v59 =	vand.u32 $0x3FFF, v13;
	v7 =	vld [tilespmem:s23+$0xFFFFFFE0]  }
0xaf: {  	v2 =	vmul.f32 v18, v10;
	[tilespmem:v4+s29+$0x0] =	vst.idx.add.f32.msk $0xffff, v3  }
0xb0: {  	v15 =	vand.u32 $0x3FFF, v9;
	v3 =	vmul.f32 v6, v17;
	v8 =	vld.idx.msk [tilespmem:v8+s19+$0x0], $0xffff  }
0xb1: {  	[tilespmem:v1+s28+$0x0] =	vst.idx.add.f32.msk $0xffff, v2  }
0xb2: {  	[tilespmem:v19+s29+$0x0] =	vst.idx.add.f32.msk $0xffff, v3  }
0xb3: {  	v61 =	vld.idx.msk [tilespmem:v59+s1+$0x0], $0xffff;
	v2 =	vand.u32 $0x3FFF, v14  }
0xb4: {  	v21 =	vld.idx.msk [tilespmem:v12+s19+$0x0], $0xffff;
	v60 =	vand.u32 $0x3FFF, v7  }
0xb5: {  	v4 =	vand.u32 $0x3FFF, v58;
	v6 =	vld.idx.msk [tilespmem:v15+s1+$0x0], $0xffff  }
0xb6: {  	v12 =	vld [tilespmem:s20+$0xFFFFFFF0]  }
0xb7: {  	v23 =	vshrl.u32 v9, $0xE;
	v5 =	vmul.f32 v8, v5;
	v8 =	vld [tilespmem:s20+$0x0]  }
0xb8: {  	v24 =	vld.idx.msk [tilespmem:v2+s1+$0x0], $0xffff  }
0xb9: {  	v9 =	vld.idx.msk [tilespmem:v60+s1+$0x0], $0xffff  }
0xba: {  	v25 =	vld.idx.msk [tilespmem:v4+s1+$0x0], $0xffff;
	v3 =	vmul.f32 v6, v22;
	v6 =	vshrl.u32 v14, $0xE  }
0xbb: {  	v7 =	vshrl.u32 v7, $0xE;
	[tilespmem:v20+s29+$0x0] =	vst.idx.add.f32.msk $0xffff, v5  }
0xbc: {  	[tilespmem:v23+s28+$0x0] =	vst.idx.add.f32.msk $0xffff, v3;
	v3 =	vshrl.u32 v13, $0xE  }
0xbd: {  	v15 =	vld.idx.msk [tilespmem:v15+s19+$0x0], $0xffff;
	v62 =	vmul.f32 v24, v8  }
0xbe: {  	v13 =	vmul.f32 v9, v11;
	v9 =	vld [tilespmem:s20+$0x10]  }
0xbf: {  	v19 =	vmul.f32 v61, v12;
	[tilespmem:v6+s28+$0x0] =	vst.idx.add.f32.msk $0xffff, v62  }
0xc0: {  	v5 =	vshrl.u32 v58, $0xE;
	[tilespmem:v7+s28+$0x0] =	vst.idx.add.f32.msk $0xffff, v13  }
0xc1: {  	[tilespmem:v3+s28+$0x0] =	vst.idx.add.f32.msk $0xffff, v19  }
0xc2: {  	v13 =	vld.idx.msk [tilespmem:v60+s19+$0x0], $0xffff;
	v15 =	vmul.f32 v15, v22  }
0xc3: {  	v14 =	vld.idx.msk [tilespmem:v59+s19+$0x0], $0xffff;
	v63 =	vmul.f32 v25, v9  }
0xc4: {  	[tilespmem:v23+s29+$0x0] =	vst.idx.add.f32.msk $0xffff, v15  }
0xc5: {  	s22 =	simm.s32 $0x5;
	s23 =	simm.s32 $0xEDC0;
	v10 =	vmul.f32 v21, v10;
	[tilespmem:v5+s28+$0x0] =	vst.idx.add.f32.msk $0xffff, v63  }
.LBB2_11:
0xc6: {  	v15 =	vld [tilespmem:s23+$0x20];
	s22 =	sadd.s32 $0x5, s22  }
0xc7: {  	v11 =	vmul.f32 v13, v11;
	v16 =	vld [tilespmem:s23+$0xFFFFFFF0];
	p0 =	slt.u32 s22, $0x1EF  }
0xc8: {  	v12 =	vmul.f32 v14, v12;
	v13 =	vld [tilespmem:s23+$0x0]  }
0xc9: {  	v14 =	vld [tilespmem:s23+$0x10]  }
0xca: {  	v17 =	vld [tilespmem:s23+$0xFFFFFFE0]  }
0xcb: {  	v18 =	vand.u32 $0x3FFF, v15;
	v19 =	vld.idx.msk [tilespmem:v2+s19+$0x0], $0xffff  }
0xcc: {  	v20 =	vshrl.u32 v16, $0xE;
	v16 =	vand.u32 $0x3FFF, v16;
	v21 =	vld.idx.msk [tilespmem:v4+s19+$0x0], $0xffff  }
0xcd: {  	v22 =	vshrl.u32 v13, $0xE;
	v2 =	vand.u32 $0x3FFF, v13;
	[tilespmem:v7+s29+$0x0] =	vst.idx.add.f32.msk $0xffff, v11  }
0xce: {  	v11 =	vshrl.u32 v14, $0xE;
	v4 =	vand.u32 $0x3FFF, v14;
	[tilespmem:v3+s29+$0x0] =	vst.idx.add.f32.msk $0xffff, v12;
	v3 =	vmov v20  }
0xcf: {  	v7 =	vshrl.u32 v17, $0xE;
	v13 =	vand.u32 $0x3FFF, v17;
	[tilespmem:v1+s29+$0x0] =	vst.idx.add.f32.msk $0xffff, v10;
	v1 =	vmovc v5;
	v5 =	vmov v11  }
0xd0: {  	s20 =	sadd.s32 $0x50, s20;
	v12 =	vld.idx.msk [tilespmem:v18+s1+$0x0], $0xffff  }
0xd1: {  	v17 =	vmul.f32 v19, v8;
	v14 =	vld [tilespmem:s20+$0x20]  }
0xd2: {  	v10 =	vmul.f32 v21, v9;
	v19 =	vld.idx.msk [tilespmem:v16+s1+$0x0], $0xffff  }
0xd3: {  	v15 =	vshrl.u32 v15, $0xE;
	v20 =	vld.idx.msk [tilespmem:v2+s1+$0x0], $0xffff  }
0xd4: {  	v9 =	vld.idx.msk [tilespmem:v13+s1+$0x0], $0xffff  }
0xd5: {  	v21 =	vld.idx.msk [tilespmem:v4+s1+$0x0], $0xffff  }
0xd6: {  	v11 =	vld [tilespmem:s20+$0xFFFFFFE0];
	v8 =	vmul.f32 v12, v14  }
0xd7: {  	v12 =	vld [tilespmem:s20+$0xFFFFFFF0]  }
0xd8: {  	[tilespmem:v15+s28+$0x0] =	vst.idx.add.f32.msk $0xffff, v8  }
0xd9: {  	v18 =	vld.idx.msk [tilespmem:v18+s19+$0x0], $0xffff  }
0xda: {  	v8 =	vld [tilespmem:s20+$0x0]  }
0xdb: {  	v23 =	vmul.f32 v9, v11;
	v9 =	vld [tilespmem:s20+$0x10]  }
0xdc: {  	v19 =	vmul.f32 v19, v12;
	[tilespmem:v6+s29+$0x0] =	vst.idx.add.f32.msk $0xffff, v17;
	v6 =	vmov v22  }
0xdd: {  	[tilespmem:v7+s28+$0x0] =	vst.idx.add.f32.msk $0xffff, v23  }
0xde: {  	[tilespmem:v3+s28+$0x0] =	vst.idx.add.f32.msk $0xffff, v19  }
.Ltmp4:
0xdf: {  	v18 =	vmul.f32 v18, v14;
	v13 =	vld.idx.msk [tilespmem:v13+s19+$0x0], $0xffff;
	v17 =	vmul.f32 v20, v8;
	(pc) =	sbr.rel @p0 .LBB2_11-.Ltmp4, $4  }
0xe0: {  	v14 =	vld.idx.msk [tilespmem:v16+s19+$0x0], $0xffff;
	v16 =	vmul.f32 v21, v9  }
0xe1: {  	[tilespmem:v15+s29+$0x0] =	vst.idx.add.f32.msk $0xffff, v18  }
0xe2: {  	[tilespmem:v22+s28+$0x0] =	vst.idx.add.f32.msk $0xffff, v17  }
0xe3: {  	s23 =	sadd.s32 $0x50, s23;
	[tilespmem:v5+s28+$0x0] =	vst.idx.add.f32.msk $0xffff, v16  }
0xe4: {  	_ =	sdelay $0x3  }
0xe5: {  	v2 =	vld.idx.msk [tilespmem:v2+s19+$0x0], $0xffff  }
0xe6: {  	v4 =	vld.idx.msk [tilespmem:v4+s19+$0x0], $0xffff;
	_ =	sdelay $0x1  }
0xe7: {  	v11 =	vmul.f32 v13, v11  }
0xe8: {  	[tilespmem:v1+s29+$0x0] =	vst.idx.add.f32.msk $0xffff, v10;
	v12 =	vmul.f32 v14, v12  }
0xe9: {  	p0 =	seq.s32 s0, $0x13;
	[tilespmem:v7+s29+$0x0] =	vst.idx.add.f32.msk $0xffff, v11;
	v2 =	vmul.f32 v2, v8  }
0xea: {  	s2 =	sadd.s32 @!p0 $0x3E80, s2;
	[tilespmem:v3+s29+$0x0] =	vst.idx.add.f32.msk $0xffff, v12;
	v1 =	vmul.f32 v4, v9  }
0xeb: {  	s20 =	simm.s32 @!p0 $0x0;
	s6 =	sshrl.u32 @!p0 s2, $0x3;
	s2 =	sadd.s32 @!p0 s5, s2;
	[tilespmem:v6+s29+$0x0] =	vst.idx.add.f32.msk $0xffff, v2  }
0xec: {  	s22 =	simm.s32 @!p0 $0xED00;
	s6 =	sadd.s32 @!p0 s3, s6;
	s2 =	sshrl.u32 @!p0 s2, $0x3;
	[tilespmem:v5+s29+$0x0] =	vst.idx.add.f32.msk $0xffff, v1  }
0xed: {  	[tilespmem:s22], [sflag:$0x1] =	stream.linear.gather @!p0 [hbm4b:s6+s20], $0x1F40, $0x38;
	[tilespmem:$0x16B00] =	vst v63  }
0xee: {  	s2 =	sadd.s32 @!p0 s4, s2;
	s6 =	simm.s32 @!p0 $0x12C00  }
0xef: {  	[tilespmem:s6], [sflag:$0x1] =	stream.linear.gather @!p0 [hbm4b:s2+s20], $0x1F40, $0x38;
	[tilespmem:$0x16B00] =	vst v63  }
0xf0: {  	_ =	swait.ge [sflag:s30], $0x1F40  }
0xf1: {  	[sflag:s30] =	ssyncset.done $0x0  }
0xf2: {  	[sflag:s30] =	ssyncadd.s32 $0xFFFFE0C0  }
0xf3: {  	_ =	swait.ge [sflag:s30], $0x1F40  }
0xf4: {  	[sflag:s30] =	ssyncset.done $0x0  }
0xf5: {  	s20 =	simm.s32 $0x10CA0;
	[sflag:s30] =	ssyncadd.s32 $0xFFFFE0C0  }
0xf6: {  	v1 =	vld [tilespmem:s20+$0x20];
	_ =	sdelay $0x1  }
0xf7: {  	v4 =	vld [tilespmem:s20+$0xFFFFFFE0]  }
0xf8: {  	v2 =	vld [tilespmem:s20+$0xFFFFFFF0];
	_ =	sdelay $0x1  }
0xf9: {  	v3 =	vld [tilespmem:s20+$0x0];
	v5 =	vand.u32 $0x3FFF, v1  }
0xfa: {  	s22 =	simm.s32 $0x14BA0;
	v6 =	vld [tilespmem:s20+$0x10]  }
0xfb: {  	v11 =	vld [tilespmem:s22+$0x20];
	v9 =	vand.u32 $0x3FFF, v4  }
0xfc: {  	v16 =	vld [tilespmem:s22+$0xFFFFFFE0];
	v7 =	vand.u32 $0x3FFF, v2  }
0xfd: {  	v17 =	vld [tilespmem:s22+$0xFFFFFFF0]  }
0xfe: {  	s23 =	simm.s32 $0x10CF0;
	v8 =	vand.u32 $0x3FFF, v3;
	v10 =	vld.idx.msk [tilespmem:v5+s1+$0x0], $0xffff  }
0xff: {  	v58 =	vld [tilespmem:s23+$0x10];
	v12 =	vand.u32 $0x3FFF, v6  }
0x100: {  	v15 =	vshrl.u32 v1, $0xE;
	v1 =	vld.idx.msk [tilespmem:v9+s1+$0x0], $0xffff  }
0x101: {  	s2 =	simm.s32 $0x14BF0;
	v13 =	vld.idx.msk [tilespmem:v7+s1+$0x0], $0xffff  }
0x102: {  	v22 =	vld [tilespmem:s2+$0x20];
	v4 =	vshrl.u32 v4, $0xE  }
0x103: {  	v19 =	vshrl.u32 v2, $0xE;
	v14 =	vld.idx.msk [tilespmem:v8+s1+$0x0], $0xffff;
	v10 =	vmul.f32 v10, v11  }
0x104: {  	v18 =	vld.idx.msk [tilespmem:v12+s1+$0x0], $0xffff  }
0x105: {  	v1 =	vmul.f32 v1, v16;
	[tilespmem:v15+s28+$0x0] =	vst.idx.add.f32.msk $0xffff, v10  }
0x106: {  	v13 =	vmul.f32 v13, v17;
	v10 =	vld [tilespmem:s22+$0x10]  }
0x107: {  	[tilespmem:v4+s28+$0x0] =	vst.idx.add.f32.msk $0xffff, v1  }
0x108: {  	[tilespmem:v19+s28+$0x0] =	vst.idx.add.f32.msk $0xffff, v13  }
0x109: {  	v2 =	vld.idx.msk [tilespmem:v5+s19+$0x0], $0xffff  }
0x10a: {  	v5 =	vld [tilespmem:s22+$0x0]  }
0x10b: {  	v13 =	vld [tilespmem:s23+$0xFFFFFFF0]  }
0x10c: {  	v20 =	vshrl.u32 v3, $0xE;
	v3 =	vld.idx.msk [tilespmem:v9+s19+$0x0], $0xffff  }
0x10d: {  	v1 =	vshrl.u32 v6, $0xE;
	v6 =	vld.idx.msk [tilespmem:v7+s19+$0x0], $0xffff  }
0x10e: {  	v9 =	vld [tilespmem:s23+$0x20]  }
0x10f: {  	v2 =	vmul.f32 v2, v11;
	v7 =	vmul.f32 v14, v5;
	v14 =	vld [tilespmem:s23+$0x0]  }
0x110: {  	v11 =	vld [tilespmem:s2+$0xFFFFFFE0]  }
0x111: {  	[tilespmem:v15+s29+$0x0] =	vst.idx.add.f32.msk $0xffff, v2  }
0x112: {  	v3 =	vmul.f32 v3, v16;
	[tilespmem:v20+s28+$0x0] =	vst.idx.add.f32.msk $0xffff, v7  }
0x113: {  	v59 =	vand.u32 $0x3FFF, v13;
	v7 =	vld [tilespmem:s23+$0xFFFFFFE0]  }
0x114: {  	v2 =	vmul.f32 v18, v10;
	[tilespmem:v4+s29+$0x0] =	vst.idx.add.f32.msk $0xffff, v3  }
0x115: {  	v15 =	vand.u32 $0x3FFF, v9;
	v3 =	vmul.f32 v6, v17;
	v8 =	vld.idx.msk [tilespmem:v8+s19+$0x0], $0xffff  }
0x116: {  	[tilespmem:v1+s28+$0x0] =	vst.idx.add.f32.msk $0xffff, v2  }
0x117: {  	[tilespmem:v19+s29+$0x0] =	vst.idx.add.f32.msk $0xffff, v3  }
0x118: {  	v61 =	vld.idx.msk [tilespmem:v59+s1+$0x0], $0xffff;
	v2 =	vand.u32 $0x3FFF, v14  }
0x119: {  	v21 =	vld.idx.msk [tilespmem:v12+s19+$0x0], $0xffff;
	v60 =	vand.u32 $0x3FFF, v7  }
0x11a: {  	v4 =	vand.u32 $0x3FFF, v58;
	v6 =	vld.idx.msk [tilespmem:v15+s1+$0x0], $0xffff  }
0x11b: {  	v12 =	vld [tilespmem:s2+$0xFFFFFFF0]  }
0x11c: {  	v23 =	vshrl.u32 v9, $0xE;
	v5 =	vmul.f32 v8, v5;
	v8 =	vld [tilespmem:s2+$0x0]  }
0x11d: {  	v24 =	vld.idx.msk [tilespmem:v2+s1+$0x0], $0xffff  }
0x11e: {  	v9 =	vld.idx.msk [tilespmem:v60+s1+$0x0], $0xffff  }
0x11f: {  	v25 =	vld.idx.msk [tilespmem:v4+s1+$0x0], $0xffff;
	v3 =	vmul.f32 v6, v22;
	v6 =	vshrl.u32 v14, $0xE  }
0x120: {  	v7 =	vshrl.u32 v7, $0xE;
	[tilespmem:v20+s29+$0x0] =	vst.idx.add.f32.msk $0xffff, v5  }
0x121: {  	[tilespmem:v23+s28+$0x0] =	vst.idx.add.f32.msk $0xffff, v3;
	v3 =	vshrl.u32 v13, $0xE  }
0x122: {  	v15 =	vld.idx.msk [tilespmem:v15+s19+$0x0], $0xffff;
	v62 =	vmul.f32 v24, v8  }
0x123: {  	v13 =	vmul.f32 v9, v11;
	v9 =	vld [tilespmem:s2+$0x10]  }
0x124: {  	v19 =	vmul.f32 v61, v12;
	[tilespmem:v6+s28+$0x0] =	vst.idx.add.f32.msk $0xffff, v62  }
0x125: {  	v5 =	vshrl.u32 v58, $0xE;
	[tilespmem:v7+s28+$0x0] =	vst.idx.add.f32.msk $0xffff, v13  }
0x126: {  	[tilespmem:v3+s28+$0x0] =	vst.idx.add.f32.msk $0xffff, v19  }
0x127: {  	v13 =	vld.idx.msk [tilespmem:v60+s19+$0x0], $0xffff;
	v15 =	vmul.f32 v15, v22  }
0x128: {  	v14 =	vld.idx.msk [tilespmem:v59+s19+$0x0], $0xffff;
	v63 =	vmul.f32 v25, v9  }
0x129: {  	[tilespmem:v23+s29+$0x0] =	vst.idx.add.f32.msk $0xffff, v15  }
0x12a: {  	s20 =	simm.s32 $0x5;
	s22 =	simm.s32 $0x10D40;
	v10 =	vmul.f32 v21, v10;
	[tilespmem:v5+s28+$0x0] =	vst.idx.add.f32.msk $0xffff, v63  }
.LBB2_13:
0x12b: {  	v15 =	vld [tilespmem:s22+$0x20];
	s20 =	sadd.s32 $0x5, s20  }
0x12c: {  	v11 =	vmul.f32 v13, v11;
	v16 =	vld [tilespmem:s22+$0xFFFFFFF0];
	p0 =	slt.u32 s20, $0x1EF  }
0x12d: {  	v12 =	vmul.f32 v14, v12;
	v13 =	vld [tilespmem:s22+$0x0]  }
0x12e: {  	v14 =	vld [tilespmem:s22+$0x10]  }
0x12f: {  	v17 =	vld [tilespmem:s22+$0xFFFFFFE0]  }
0x130: {  	v18 =	vand.u32 $0x3FFF, v15;
	v19 =	vld.idx.msk [tilespmem:v2+s19+$0x0], $0xffff  }
0x131: {  	v20 =	vshrl.u32 v16, $0xE;
	v16 =	vand.u32 $0x3FFF, v16;
	v21 =	vld.idx.msk [tilespmem:v4+s19+$0x0], $0xffff  }
0x132: {  	v22 =	vshrl.u32 v13, $0xE;
	v2 =	vand.u32 $0x3FFF, v13;
	[tilespmem:v7+s29+$0x0] =	vst.idx.add.f32.msk $0xffff, v11  }
0x133: {  	v11 =	vshrl.u32 v14, $0xE;
	v4 =	vand.u32 $0x3FFF, v14;
	[tilespmem:v3+s29+$0x0] =	vst.idx.add.f32.msk $0xffff, v12;
	v3 =	vmov v20  }
0x134: {  	v7 =	vshrl.u32 v17, $0xE;
	v13 =	vand.u32 $0x3FFF, v17;
	[tilespmem:v1+s29+$0x0] =	vst.idx.add.f32.msk $0xffff, v10;
	v1 =	vmovc v5;
	v5 =	vmov v11  }
0x135: {  	s2 =	sadd.s32 $0x50, s2;
	v12 =	vld.idx.msk [tilespmem:v18+s1+$0x0], $0xffff  }
0x136: {  	v17 =	vmul.f32 v19, v8;
	v14 =	vld [tilespmem:s2+$0x20]  }
0x137: {  	v10 =	vmul.f32 v21, v9;
	v19 =	vld.idx.msk [tilespmem:v16+s1+$0x0], $0xffff  }
0x138: {  	v15 =	vshrl.u32 v15, $0xE;
	v20 =	vld.idx.msk [tilespmem:v2+s1+$0x0], $0xffff  }
0x139: {  	v9 =	vld.idx.msk [tilespmem:v13+s1+$0x0], $0xffff  }
0x13a: {  	v21 =	vld.idx.msk [tilespmem:v4+s1+$0x0], $0xffff  }
0x13b: {  	v11 =	vld [tilespmem:s2+$0xFFFFFFE0];
	v8 =	vmul.f32 v12, v14  }
0x13c: {  	v12 =	vld [tilespmem:s2+$0xFFFFFFF0]  }
0x13d: {  	[tilespmem:v15+s28+$0x0] =	vst.idx.add.f32.msk $0xffff, v8  }
0x13e: {  	v18 =	vld.idx.msk [tilespmem:v18+s19+$0x0], $0xffff  }
0x13f: {  	v8 =	vld [tilespmem:s2+$0x0]  }
0x140: {  	v23 =	vmul.f32 v9, v11;
	v9 =	vld [tilespmem:s2+$0x10]  }
0x141: {  	v19 =	vmul.f32 v19, v12;
	[tilespmem:v6+s29+$0x0] =	vst.idx.add.f32.msk $0xffff, v17;
	v6 =	vmov v22  }
0x142: {  	[tilespmem:v7+s28+$0x0] =	vst.idx.add.f32.msk $0xffff, v23  }
0x143: {  	[tilespmem:v3+s28+$0x0] =	vst.idx.add.f32.msk $0xffff, v19  }
.Ltmp5:
0x144: {  	v18 =	vmul.f32 v18, v14;
	v13 =	vld.idx.msk [tilespmem:v13+s19+$0x0], $0xffff;
	v17 =	vmul.f32 v20, v8;
	(pc) =	sbr.rel @p0 .LBB2_13-.Ltmp5, $4  }
0x145: {  	v14 =	vld.idx.msk [tilespmem:v16+s19+$0x0], $0xffff;
	v16 =	vmul.f32 v21, v9  }
0x146: {  	[tilespmem:v15+s29+$0x0] =	vst.idx.add.f32.msk $0xffff, v18  }
0x147: {  	[tilespmem:v22+s28+$0x0] =	vst.idx.add.f32.msk $0xffff, v17  }
0x148: {  	s22 =	sadd.s32 $0x50, s22;
	[tilespmem:v5+s28+$0x0] =	vst.idx.add.f32.msk $0xffff, v16  }
0x149: {  	_ =	sdelay $0x3  }
0x14a: {  	v2 =	vld.idx.msk [tilespmem:v2+s19+$0x0], $0xffff  }
0x14b: {  	v4 =	vld.idx.msk [tilespmem:v4+s19+$0x0], $0xffff  }
0x14c: {  	s0 =	sadd.s32 $0x1, s0  }
0x14d: {  	v11 =	vmul.f32 v13, v11;
	p0 =	sne.s32 s0, $0x14  }
.Ltmp6:
0x14e: {  	[tilespmem:v1+s29+$0x0] =	vst.idx.add.f32.msk $0xffff, v10;
	v12 =	vmul.f32 v14, v12;
	(pc) =	sbr.rel @p0 .LBB2_10-.Ltmp6, $4  }
0x14f: {  	[tilespmem:v7+s29+$0x0] =	vst.idx.add.f32.msk $0xffff, v11;
	v2 =	vmul.f32 v2, v8  }
0x150: {  	[tilespmem:v3+s29+$0x0] =	vst.idx.add.f32.msk $0xffff, v12;
	v1 =	vmul.f32 v4, v9  }
0x151: {  	[tilespmem:v6+s29+$0x0] =	vst.idx.add.f32.msk $0xffff, v2  }
0x152: {  	[tilespmem:v5+s29+$0x0] =	vst.idx.add.f32.msk $0xffff, v1  }
0x153: {  	s0 =	simm.s32 $0x9E20  }
0x154: {  	v1 =	vld [tilespmem:s0+$0x20]  }
0x155: {  	v2 =	vld [tilespmem:s0+$0xFFFFFFF0]  }
0x156: {  	v3 =	vld [tilespmem:s0+$0x0]  }
0x157: {  	v4 =	vld [tilespmem:s0+$0x10]  }
0x158: {  	v5 =	vld [tilespmem:s0+$0xFFFFFFE0]  }
0x159: {  	vm0 =	vgt.f32 v1, $0.0e+00  }
0x15a: {  	vm1 =	vgt.f32 v2, $0.0e+00;
	v1 =	vnsel vm0, $0x3F800000, v1  }
0x15b: {  	vm15 =	vgt.f32 v3, $0.0e+00;
	v2 =	vnsel vm1, $0x3F800000, v2;
	(erf) = vrcp.f32 v1  }
0x15c: {  	vm4 =	vgt.f32 v4, $0.0e+00;
	v1 =	vnsel vm15, $0x3F800000, v3;
	(erf) = vrcp.f32 v2  }
0x15d: {  	s23 =	simm.s32 $0x9E70;
	vm5 =	vgt.f32 v5, $0.0e+00;
	v2 =	vnsel vm4, $0x3F800000, v4;
	(erf) = vrcp.f32 v1  }
0x15e: {  	v6 =	vld [tilespmem:s23+$0xFFFFFFF0];
	v1 =	vnsel vm5, $0x3F800000, v5;
	(erf) = vrcp.f32 v2  }
0x15f: {  	v8 =	vld [tilespmem:s23+$0x0];
	(erf) = vrcp.f32 v1  }
0x160: {  	v5 =	vld [tilespmem:s23+$0x20]  }
0x161: {  	s6 =	simm.s32 $0x4F20;
	v10 =	vld [tilespmem:s23+$0x10]  }
0x162: {  	v1 =	vld [tilespmem:s6+$0x20]  }
0x163: {  	v4 =	vld [tilespmem:s6+$0xFFFFFFF0]  }
0x164: {  	v3 =	vld [tilespmem:s6+$0xFFFFFFE0];
	v7 =	vpop (erf)  }
0x165: {  	v12 =	vld [tilespmem:s23+$0xFFFFFFE0];
	vm6 =	vgt.f32 v5, $0.0e+00;
	v9 =	vpop (erf)  }
0x166: {  	vm7 =	vgt.f32 v6, $0.0e+00;
	v5 =	vnsel vm6, $0x3F800000, v5;
	v2 =	vpop (erf)  }
0x167: {  	vm8 =	vgt.f32 v8, $0.0e+00;
	(erf) = vrcp.f32 v5;
	v11 =	vmul.f32 v7, v1;
	v1 =	vpop (erf)  }
0x168: {  	s22 =	simm.s32 $0x4F70;
	vm9 =	vgt.f32 v10, $0.0e+00;
	v6 =	vnsel vm7, $0x3F800000, v6;
	v4 =	vmul.f32 v9, v4;
	v13 =	vpop (erf)  }
0x169: {  	v57 =	vld [tilespmem:s22+$0xFFFFFFE0];
	v8 =	vnsel vm8, $0x3F800000, v8;
	(erf) = vrcp.f32 v6;
	v3 =	vmul.f32 v13, v3  }
0x16a: {  	s2 =	simm.s32 $0x9EC0;
	v14 =	vld [tilespmem:s22+$0xFFFFFFF0];
	vm10 =	vgt.f32 v12, $0.0e+00;
	(erf) = vrcp.f32 v8;
	[tilespmem:s6+$0xFFFFFFF0] =	vst v4;
	v4 =	vnsel vm9, $0x3F800000, v10  }
0x16b: {  	v15 =	vld [tilespmem:s2+$0x20];
	(erf) = vrcp.f32 v4;
	[tilespmem:s6+$0xFFFFFFE0] =	vst v3;
	v3 =	vnsel vm10, $0x3F800000, v12  }
0x16c: {  	(erf) = vrcp.f32 v3;
	v3 =	vld [tilespmem:s22+$0x20]  }
0x16d: {  	v5 =	vld [tilespmem:s6+$0x0]  }
0x16e: {  	s0 =	simm.s32 $0x76A0;
	v16 =	vld [tilespmem:s2+$0xFFFFFFF0];
	[tilespmem:s6+$0x20] =	vst v11  }
0x16f: {  	v11 =	vld [tilespmem:s0+$0x20]  }
0x170: {  	v6 =	vld [tilespmem:s6+$0x10];
	v17 =	vpop (erf)  }
0x171: {  	v8 =	vld [tilespmem:s0+$0xFFFFFFF0];
	v4 =	vmul.f32 v17, v3  }
0x172: {  	v18 =	vld [tilespmem:s2+$0x0];
	v5 =	vmul.f32 v2, v5  }
0x173: {  	v20 =	vld [tilespmem:s2+$0xFFFFFFE0];
	v19 =	vpop (erf)  }
0x174: {  	[tilespmem:s6+$0x0] =	vst v5;
	v7 =	vmul.f32 v7, v11;
	v11 =	vld [tilespmem:s2+$0x10];
	v3 =	vpop (erf)  }
0x175: {  	vm11 =	vgt.f32 v15, $0.0e+00;
	v6 =	vmul.f32 v1, v6;
	v10 =	vld [tilespmem:s0+$0xFFFFFFE0];
	[tilespmem:s22+$0x20] =	vst v4;
	v4 =	vpop (erf)  }
0x176: {  	vm12 =	vgt.f32 v16, $0.0e+00;
	v8 =	vmul.f32 v9, v8;
	v9 =	vld [tilespmem:s22+$0x0];
	[tilespmem:s0+$0x20] =	vst v7;
	v7 =	vmul.f32 v19, v14;
	v21 =	vpop (erf)  }
0x177: {  	v60 =	vld [tilespmem:s22+$0x10];
	vm13 =	vgt.f32 v18, $0.0e+00;
	v59 =	vnsel vm11, $0x3F800000, v15;
	[tilespmem:s6+$0x10] =	vst v6;
	s2 =	simm.s32 $0x76F0;
	v5 =	vmul.f32 v21, v57  }
0x178: {  	vm15 =	vgt.f32 v20, $0.0e+00;
	(erf) = vrcp.f32 v59;
	[tilespmem:s22+$0xFFFFFFF0] =	vst v7;
	v7 =	vnsel vm12, $0x3F800000, v16;
	v58 =	vld [tilespmem:s2+$0x20]  }
0x179: {  	v6 =	vnsel vm13, $0x3F800000, v18;
	v61 =	vld [tilespmem:s2+$0xFFFFFFF0];
	(erf) = vrcp.f32 v7;
	vm14 =	vgt.f32 v11, $0.0e+00;
	[tilespmem:s22+$0xFFFFFFE0] =	vst v5  }
0x17a: {  	[tilespmem:s0+$0xFFFFFFF0] =	vst v8;
	v8 =	vnsel vm14, $0x3F800000, v11;
	(erf) = vrcp.f32 v6;
	v5 =	vmul.f32 v13, v10;
	v10 =	vld [tilespmem:s2+$0xFFFFFFE0]  }
0x17b: {  	v7 =	vld [tilespmem:s0+$0x0];
	v9 =	vmul.f32 v3, v9;
	v6 =	vnsel vm15, $0x3F800000, v20;
	(erf) = vrcp.f32 v8  }
0x17c: {  	s20 =	simm.s32 $0x4FC0;
	v63 =	vmul.f32 v4, v60;
	(erf) = vrcp.f32 v6;
	[tilespmem:s0+$0xFFFFFFE0] =	vst v5;
	v5 =	vld [tilespmem:s0+$0x10]  }
0x17d: {  	v8 =	vld [tilespmem:s20+$0x20];
	[tilespmem:s22+$0x0] =	vst v9;
	v62 =	vmul.f32 v17, v58  }
0x17e: {  	v9 =	vld [tilespmem:s20+$0xFFFFFFF0];
	v11 =	vmul.f32 v19, v61;
	[tilespmem:s22+$0x10] =	vst v63  }
0x17f: {  	s23 =	simm.s32 $0xA;
	s6 =	simm.s32 $0x9F10;
	v6 =	vld [tilespmem:s20+$0xFFFFFFE0];
	s22 =	simm.s32 $0x4FC0;
	[tilespmem:s2+$0x20] =	vst v62;
	v10 =	vmul.f32 v21, v10  }
.LBB2_16:
0x180: {  	v12 =	vld [tilespmem:s6+$0x20];
	s23 =	sadd.s32 $0x5, s23;
	[tilespmem:s2+$0xFFFFFFF0] =	vst v11;
	v7 =	vmul.f32 v2, v7;
	v2 =	vmov v3  }
0x181: {  	v11 =	vld [tilespmem:s6+$0xFFFFFFF0];
	p0 =	slt.u32 s23, $0x26C;
	v13 =	vpop (erf);
	[tilespmem:s2+$0xFFFFFFE0] =	vst v10;
	v5 =	vmul.f32 v1, v5;
	v1 =	vmov v4  }
0x182: {  	v10 =	vld [tilespmem:s6+$0x0];
	v16 =	vmul.f32 v13, v8;
	v14 =	vpop (erf);
	[tilespmem:s0+$0x0] =	vst v7  }
0x183: {  	v7 =	vld [tilespmem:s6+$0x10];
	v3 =	vpop (erf);
	[tilespmem:s0+$0x10] =	vst v5;
	s0 =	smov.u32 s2  }
0x184: {  	s2 =	sadd.s32 $0x50, s2;
	v5 =	vld [tilespmem:s6+$0xFFFFFFE0];
	v8 =	vmul.f32 v14, v9;
	[tilespmem:s20+$0x20] =	vst v16;
	v4 =	vpop (erf)  }
0x185: {  	vm0 =	vgt.f32 v12, $0.0e+00;
	v9 =	vld [tilespmem:s2+$0x20];
	v15 =	vpop (erf)  }
0x186: {  	vm1 =	vgt.f32 v11, $0.0e+00;
	v12 =	vnsel vm0, $0x3F800000, v12;
	v6 =	vmul.f32 v15, v6;
	[tilespmem:s20+$0xFFFFFFF0] =	vst v8;
	v8 =	vld [tilespmem:s20+$0x0]  }
0x187: {  	v11 =	vnsel vm1, $0x3F800000, v11;
	vm0 =	vgt.f32 v10, $0.0e+00;
	(erf) = vrcp.f32 v12;
	v12 =	vld [tilespmem:s20+$0x10]  }
0x188: {  	v10 =	vnsel vm0, $0x3F800000, v10;
	vm0 =	vgt.f32 v7, $0.0e+00;
	(erf) = vrcp.f32 v11;
	[tilespmem:s20+$0xFFFFFFE0] =	vst v6;
	v11 =	vld [tilespmem:s2+$0xFFFFFFF0]  }
0x189: {  	vm1 =	vgt.f32 v5, $0.0e+00;
	v6 =	vnsel vm0, $0x3F800000, v7;
	(erf) = vrcp.f32 v10;
	v10 =	vld [tilespmem:s2+$0xFFFFFFE0]  }
.Ltmp7:
0x18a: {  	v5 =	vnsel vm1, $0x3F800000, v5;
	(erf) = vrcp.f32 v6;
	v6 =	vmul.f32 v13, v9;
	v7 =	vld [tilespmem:s0+$0x0];
	(pc) =	sbr.rel @p0 .LBB2_16-.Ltmp7, $4  }
0x18b: {  	s20 =	sadd.s32 $0x50, s20;
	(erf) = vrcp.f32 v5;
	v9 =	vmul.f32 v3, v8;
	v5 =	vld [tilespmem:s0+$0x10]  }
0x18c: {  	v8 =	vld [tilespmem:s20+$0x20];
	v12 =	vmul.f32 v4, v12;
	[tilespmem:s2+$0x20] =	vst v6  }
0x18d: {  	v6 =	vld [tilespmem:s20+$0xFFFFFFE0];
	v11 =	vmul.f32 v14, v11;
	[tilespmem:s22+$0x0] =	vst v9  }
0x18e: {  	s6 =	sadd.s32 $0x50, s6;
	v9 =	vld [tilespmem:s20+$0xFFFFFFF0];
	v10 =	vmul.f32 v15, v10;
	[tilespmem:s22+$0x10] =	vst v12;
	s22 =	smov.u32 s20  }
0x18f: {  	_ = 	snop  }
0x190: {  	v12 =	vpop (erf)  }
0x191: {  	v13 =	vpop (erf)  }
0x192: {  	v14 =	vpop (erf)  }
0x193: {  	v17 =	vld [tilespmem:s20+$0x0];
	v8 =	vmul.f32 v12, v8;
	v15 =	vpop (erf)  }
0x194: {  	v55 =	vld [tilespmem:s20+$0x10];
	[tilespmem:s2+$0xFFFFFFF0] =	vst v11;
	v9 =	vmul.f32 v13, v9;
	v16 =	vpop (erf)  }
0x195: {  	s6 =	sadd.s32 $0x50, s2;
	[tilespmem:s20+$0x20] =	vst v8;
	v6 =	vmul.f32 v16, v6  }
0x196: {  	v56 =	vld [tilespmem:s6+$0x20];
	[tilespmem:s20+$0xFFFFFFF0] =	vst v9  }
0x197: {  	v2 =	vmul.f32 v2, v7;
	v57 =	vld [tilespmem:s6+$0xFFFFFFF0];
	[tilespmem:s20+$0xFFFFFFE0] =	vst v6  }
0x198: {  	[tilespmem:s2+$0xFFFFFFE0] =	vst v10;
	v59 =	vmul.f32 v14, v17;
	v58 =	vld [tilespmem:s6+$0xFFFFFFE0]  }
0x199: {  	[tilespmem:s0+$0x0] =	vst v2;
	v2 =	vld [tilespmem:s2+$0x0];
	v8 =	vmul.f32 v15, v55  }
0x19a: {  	v60 =	vld [tilespmem:s2+$0x10];
	v1 =	vmul.f32 v1, v5;
	[tilespmem:s22+$0x0] =	vst v59  }
0x19b: {  	[tilespmem:s22+$0x10] =	vst v8;
	v61 =	vld [tilespmem:s6+$0x0];
	v6 =	vmul.f32 v12, v56  }
0x19c: {  	[tilespmem:s0+$0x10] =	vst v1;
	v62 =	vld [tilespmem:s6+$0x10];
	v1 =	vmul.f32 v13, v57  }
0x19d: {  	[tilespmem:s6+$0x20] =	vst v6;
	v63 =	vmul.f32 v16, v58  }
0x19e: {  	[tilespmem:s6+$0xFFFFFFF0] =	vst v1;
	v1 =	vmul.f32 v3, v2  }
0x19f: {  	v2 =	vmul.f32 v4, v60;
	[tilespmem:s6+$0xFFFFFFE0] =	vst v63  }
0x1a0: {  	[tilespmem:s2+$0x0] =	vst v1;
	v1 =	vmul.f32 v14, v61  }
0x1a1: {  	[tilespmem:s2+$0x10] =	vst v2;
	v2 =	vmul.f32 v15, v62  }
0x1a2: {  	[tilespmem:s6+$0x0] =	vst v1  }
0x1a3: {  	[tilespmem:s6+$0x10] =	vst v2  }
0x1a4: {  	[hbm4b:s13+s16] =	stream.strided.scatter [tilespmem:s28], [sflag:$0x3], $0x2780, s17, s16, $0x38;
	[tilespmem:$0x16B00] =	vst v63  }
0x1a5: {  	s31 =	sadd.s32 $0x1, s31;
	_ =	swait.ge [sflag:s18], $0x2780  }
0x1a6: {  	p0 =	sne.s32 s31, s15;
	[sflag:s18] =	ssyncset.done $0x0  }
.Ltmp8:
0x1a7: {  	[sflag:s18] =	ssyncadd.s32 $0xFFFFD880;
	(pc) =	sbr.rel @p0 .LBB2_1-.Ltmp8, $4  }
0x1a8: {  	[hbm4b:s14+s16] =	stream.strided.scatter [tilespmem:s29], [sflag:$0x3], $0x2780, s17, s16, $0x38;
	[tilespmem:$0x16B00] =	vst v63  }
0x1a9: {  	_ =	swait.ge [sflag:s18], $0x2780  }
0x1aa: {  	[sflag:s18] =	ssyncset.done $0x0  }
0x1ab: {  	[sflag:s18] =	ssyncadd.s32 $0xFFFFD880  }
0x1ac: {  	_ =	sfence.sel $0x180000  }
0x1ad: {  	[bflag:$0x0] =	sbarrier.arrive $0xFFFF  }
0x1ae: {  	_ =	strace $0x90000050  }
0x1af: {  	s0 =	stileid.u32;
	[bflag:$0x2] =	sbarrier.arrive $0xFFFF  }
0x1b0: {  	p0 =	sne.s32 s0, $0x0;
	s0 =	rddreg [dreg:$0x2]  }
0x1b1: {  	s0 =	sadd.s32 @!p0 $0x100000, s0  }
0x1b2: {  	[sflag:s0] =	ssyncadd.tile.s32 @!p0 $0x1;
	_ =	shalt  }
.Lfunc_end2:
_tile_overlayer_lowered:
.L_overlay_start_2:
0x1b3: {  	(tag) =	ssettag $0x2  }
0x1b4: {  	s0 =	rddreg [dreg:$0x0];
	s2 =	stileid.u32  }
0x1b5: {  	s1 =	rddreg [dreg:$0x1];
	p0 =	sne.s32 s2, $0x0  }
0x1b6: {  	s3 =	rddreg [dreg:$0x2];
	[bflag:$0x3] =	sbarrier.arrive $0xFFFF;
	s2 =	simm.s32 @!p0 $0x1C03  }
0x1b7: {  	[timem:s3], [sflag:s2] =	dma.local @!p0 [hbm:s0], s1  }
0x1b8: {  	s0 =	simm.s32 @!p0 $0x3  }
0x1b9: {  	_ =	swait.ge @!p0 [sflag:s0], s1  }
0x1ba: {  	s1 =	ssub.s32 @!p0 $0x0, s1;
	[sflag:s0] =	ssyncset.done @!p0 $0x0  }
0x1bb: {  	[sflag:s0] =	ssyncadd.s32 @!p0 s1  }
0x1bc: {  	[bflag:$0x3] =	sbarrier.arrive $0xFFFF  }
0x1bd: {  	_ =	shalt  }

// kernel: kernel.26.cloned.1.call-start
scs
__scs_entry_jumppad:
0x0: {  	(pc) =	sbr.rel $0x88, $3  }
0x1: {  	(tag) =	ssettag $0x0;
	lr =	simm.s32 $0x1  }
0x2: {  	[smem:$0x3F94] =	sst lr;
	_ =	strace $0xD0000000  }
0x3: {  	_ = 	snop  }
0x4: {  	_ = 	snop  }
0x5: {  	_ = 	snop  }
0x6: {  	_ = 	snop  }
0x7: {  	_ = 	snop  }
__scs_overlays_trampoline_lowered:
0x8: {  	[smem:$0x3FA3] =	sst s0  }
0x9: {  	[smem:$0x3FA4] =	sst s1  }
0xa: {  	[smem:$0x3FA5] =	sst s2  }
0xb: {  	[smem:$0x3FA6] =	sst s3  }
0xc: {  	[smem:$0x3FA7] =	sst s4  }
0xd: {  	[smem:$0x3FA8] =	sst s5  }
0xe: {  	[smem:$0x3FA9] =	sst s6  }
0xf: {  	[smem:$0x3FAA] =	sst s7  }
0x10: {  	[smem:$0x3FAB] =	sst s8  }
0x11: {  	[smem:$0x3FAC] =	sst s9;
	s0 =	simm.s32 @!p0 $0x0  }
0x12: {  	s1 =	sld [smem:$0x3F92];
	s0 =	simm.s32 @p0 $0x1  }
0x13: {  	[smem:$0x3FAD] =	sst s0;
	s0 =	simm.s32 @!p1 $0x0  }
0x14: {  	s2 =	sld [smem:$0x3F91];
	s0 =	simm.s32 @p1 $0x1  }
0x15: {  	[smem:$0x3FAE] =	sst s0;
	s0 =	simm.s32 @!p2 $0x0  }
0x16: {  	s3 =	sld [smem:$0x3FDB];
	s0 =	simm.s32 @p2 $0x1  }
0x17: {  	s4 =	simm.s32 $0x1BF5;
	[smem:$0x3FB0] =	sst s0  }
0x18: {  	s0 =	sld [smem:$0x3F93];
	_ =	swait.ge [sflag:s4], $0x0  }
0x19: {  	s7 =	sld [smem:$0x3F94]  }
0x1a: {  	s8 =	sadd.s32 $0xFFFFE003, lr  }
0x1b: {  	s9 =	sadd.s32 $0xFFFFFEF7, lr;
	s5 =	simm.s32 $0xFFFFFFFF;
	p2 =	slt.u32 s8, $0xFFFFF086  }
0x1c: {  	p1 =	slt.u32 s9, $0xF7A;
	s5 =	simm.s32 @!p2 $0x0  }
0x1d: {  	s5 =	simm.s32 @p1 $0x1;
	p0 =	seq.s32 s7, s2  }
0x1e: {  	s7 =	smul.u32 @!p0 $0xF7A, s2;
	p2 =	seq.s32 @!p0 s5, $0x0  }
0x1f: {  	s9 =	smul.u32 $0xF7A, s1;
	s8 =	simm.s32 @!p0 $0x1BF5;
	p2 =	por !p2, p0  }
0x20: {  	[sflag:s8] =	ssyncset.s32 @!p0 $0xFFFFF086;
	s6 =	sadd.s32 @!p0 s3, s7;
	s7 =	simm.s32 @!p0 $0x108  }
0x21: {  	s3 =	sadd.s32 s3, s9;
	s6 =	sadd.s32 @!p0 $0x88, s6;
	s7 =	simm.s32 @p2 $0x1082  }
0x22: {  	[simem:s7], [sflag:s8] =	dma.local @!p0 [hbm:s6], $0xF7A  }
0x23: {  	s9 =	sor.u32 $0xD0000000, s2;
	s6 =	simm.s32 $0x108;
	_ =	swait.ge @!p0 [sflag:s8], $0x0  }
0x24: {  	s3 =	sadd.s32 $0x88, s3;
	s6 =	simm.s32 @!p1 $0x1082;
	[sflag:s4] =	ssyncset.s32 $0xFFFFF086  }
0x25: {  	[simem:s6], [sflag:s4] =	dma.local [hbm:s3], $0xF7A  }
0x26: {  	[smem:$0x3F94] =	sst s1;
	(tag) =	ssettag s2;
	_ =	strace s9  }
0x27: {  	s1 =	sld [smem:$0x3FA4]  }
0x28: {  	s2 =	sld [smem:$0x3FA5]  }
0x29: {  	s4 =	sld [smem:$0x3FA7]  }
0x2a: {  	p0 =	seq.s32 s5, $0x0;
	s5 =	sld [smem:$0x3FA8]  }
0x2b: {  	s6 =	sld [smem:$0x3FA9]  }
0x2c: {  	s7 =	sld [smem:$0x3FAA]  }
0x2d: {  	s3 =	simm.s32 $0x108;
	s8 =	sld [smem:$0x3FAB]  }
0x2e: {  	s3 =	simm.s32 @!p0 $0x1082;
	s9 =	sld [smem:$0x3FAC]  }
0x2f: {  	lr =	sadd.s32 s0, s3;
	s0 =	sld [smem:$0x3FA3]  }
0x30: {  	s3 =	sld [smem:$0x3FA6]  }
0x31: {  	[smem:$0x3FAF] =	sst s10  }
0x32: {  	s10 =	sld [smem:$0x3FAD];
	_ =	sdelay $0x3  }
0x33: {  	p0 =	seq.s32 s10, $0x1;
	s10 =	sld [smem:$0x3FAF];
	_ =	sdelay $0x3  }
0x34: {  	[smem:$0x3FAF] =	sst s10  }
0x35: {  	s10 =	sld [smem:$0x3FAE];
	_ =	sdelay $0x3  }
0x36: {  	p1 =	seq.s32 s10, $0x1;
	s10 =	sld [smem:$0x3FAF];
	_ =	sdelay $0x3  }
0x37: {  	[smem:$0x3FAF] =	sst s10  }
0x38: {  	s10 =	sld [smem:$0x3FB0]  }
0x39: {  	_ = 	snop;
	(pc) =	sbr.ind lr, $3  }
0x3a: {  	_ = 	snop  }
0x3b: {  	_ = 	snop  }
0x3c: {  	p2 =	seq.s32 s10, $0x1;
	s10 =	sld [smem:$0x3FAF]  }
0x3d: {  	_ =	shalt  }
0x3e: {  	_ =	shalt  }
0x3f: {  	_ =	shalt  }
0x40: {  	_ =	shalt  }
0x41: {  	_ =	shalt  }
0x42: {  	_ =	shalt  }
0x43: {  	_ =	shalt  }
0x44: {  	_ =	shalt  }
0x45: {  	_ =	shalt  }
0x46: {  	_ =	shalt  }
0x47: {  	_ =	shalt  }
0x48: {  	_ =	shalt  }
0x49: {  	_ =	shalt  }
0x4a: {  	_ =	shalt  }
0x4b: {  	_ =	shalt  }
0x4c: {  	_ =	shalt  }
0x4d: {  	_ =	shalt  }
0x4e: {  	_ =	shalt  }
0x4f: {  	_ =	shalt  }
0x50: {  	_ =	shalt  }
0x51: {  	_ =	shalt  }
0x52: {  	_ =	shalt  }
0x53: {  	_ =	shalt  }
0x54: {  	_ =	shalt  }
0x55: {  	_ =	shalt  }
0x56: {  	_ =	shalt  }
0x57: {  	_ =	shalt  }
0x58: {  	_ =	shalt  }
0x59: {  	_ =	shalt  }
0x5a: {  	_ =	shalt  }
0x5b: {  	_ =	shalt  }
0x5c: {  	_ =	shalt  }
0x5d: {  	_ =	shalt  }
0x5e: {  	_ =	shalt  }
0x5f: {  	_ =	shalt  }
0x60: {  	_ =	shalt  }
0x61: {  	_ =	shalt  }
0x62: {  	_ =	shalt  }
0x63: {  	_ =	shalt  }
0x64: {  	_ =	shalt  }
0x65: {  	_ =	shalt  }
0x66: {  	_ =	shalt  }
0x67: {  	_ =	shalt  }
0x68: {  	_ =	shalt  }
0x69: {  	_ =	shalt  }
0x6a: {  	_ =	shalt  }
0x6b: {  	_ =	shalt  }
0x6c: {  	_ =	shalt  }
0x6d: {  	_ =	shalt  }
0x6e: {  	_ =	shalt  }
0x6f: {  	_ =	shalt  }
0x70: {  	_ =	shalt  }
0x71: {  	_ =	shalt  }
0x72: {  	_ =	shalt  }
0x73: {  	_ =	shalt  }
0x74: {  	_ =	shalt  }
0x75: {  	_ =	shalt  }
0x76: {  	_ =	shalt  }
0x77: {  	_ =	shalt  }
0x78: {  	_ =	shalt  }
0x79: {  	_ =	shalt  }
0x7a: {  	_ =	shalt  }
0x7b: {  	_ =	shalt  }
0x7c: {  	_ =	shalt  }
0x7d: {  	_ =	shalt  }
0x7e: {  	_ =	shalt  }
0x7f: {  	_ =	shalt  }
0x80: {  	_ =	shalt  }
0x81: {  	_ =	shalt  }
0x82: {  	_ =	shalt  }
0x83: {  	_ =	shalt  }
0x84: {  	_ =	shalt  }
0x85: {  	_ =	shalt  }
0x86: {  	_ =	shalt  }
0x87: {  	_ =	shalt  }
.Lfunc_end0:
.L_simem_size_0:
called_computation.4_lowered:
.L_overlay_start_0:
0x88: {  	s2 =	sld [smem:$0x3FD9]  }
0x89: {  	s3 =	sld [smem:$0x3FFE];
	_ =	sdelay $0x1  }
0x8a: {  	s1 =	srdreg.scid  }
0x8b: {  	s0 =	sand.u32 $0x1, s1  }
0x8c: {  	s16 =	sshll.u32 s0, $0xA;
	s2 =	sadd.s32 s3, s2  }
0x8d: {  	s2 =	sadd.s32 s2, s16  }
0x8e: {  	[smem:$0x3FBB] =	sst s2  }
0x8f: {  	_ = 	snop  }
0x90: {  	(tm) =	ssettm $0x1  }
0x91: {  	s17 =	sld [smem:$0x3FFB];
	_ =	sdelay $0x3  }
0x92: {  	_ =	strace s17  }
0x93: {  	s2 =	sld [smem:$0x3FFC];
	_ =	sdelay $0x3  }
0x94: {  	_ =	strace s2  }
0x95: {  	s2 =	sld [smem:$0x3FFD];
	_ =	sdelay $0x3  }
0x96: {  	_ =	strace s2  }
0x97: {  	_ =	strace $0x8FFFFFFF  }
0x98: {  	s18 =	sld [smem:$0x3FDB];
	_ =	sdelay $0x1  }
0x99: {  	s19 =	simm.s32 $_scs_section_size  }
0x9a: {  	s4 =	simm.s32 $_size__tile_overlayer_lowered;
	s5 =	simm.s32 $_tile_overlayer_lowered  }
0x9b: {  	s22 =	simm.s32 $0x1BFF;
	s21 =	sshll.u32 s5, $0x1;
	s2 =	sadd.s32 s19, s18  }
0x9c: {  	s6 =	simm.s32 $0x0;
	s20 =	sshll.u32 s4, $0x1;
	s4 =	sadd.s32 s21, s2  }
0x9d: {  	[timem:s6], [sflag:s22] =	dma.local [hbm:s4], s20  }
0x9e: {  	_ =	swait.ge [sflag:s22], s20  }
0x9f: {  	s3 =	ssub.s32 $0x0, s20;
	[sflag:s22] =	ssyncset.done $0x0  }
0xa0: {  	[sflag:s22] =	ssyncadd.s32 s3;
	_ =	sdelay $0x1  }
0xa1: {  	s23 =	simm.s32 $0x1B8B  }
0xa2: {  	_ =	swait.ge [sflag:s23], $0x1  }
0xa3: {  	[sflag:s23] =	ssyncset.done $0x0  }
0xa4: {  	s25 =	simm.s32 $0x1B8E;
	s24 =	sld [smem:$0x3FFE];
	[sflag:s23] =	ssyncadd.s32 $0xFFFFFFFF  }
0xa5: {  	s26 =	simm.s32 $execute0_lowered;
	[smem:$0x3FD2] =	sst s25  }
0xa6: {  	s4 =	sshll.u32 s26, $0x1;
	_ =	strace $0x80000052;
	[dreg:$0x1] =	wrdreg $0xFFFFFFFF  }
0xa7: {  	s28 =	simm.s32 $_size_execute0_lowered;
	s2 =	sadd.s32 s2, s4;
	[dreg:$0x0] =	wrdreg $0x0  }
0xa8: {  	s4 =	sshll.u32 s28, $0x1;
	[dreg:$0x2] =	wrdreg s2  }
0xa9: {  	[dreg:$0x3] =	wrdreg s4  }
0xaa: {  	[dreg:$0x4] =	wrdreg $0xC0  }
0xab: {  	_ =	task [dreg:s6], $0x5FFFF  }
0xac: {  	[dreg:$0x1] =	wrdreg $0xFFFFFFFF  }
0xad: {  	[dreg:$0x0] =	wrdreg $0x60  }
0xae: {  	[dreg:$0x2] =	wrdreg s24  }
0xaf: {  	[dreg:$0x3] =	wrdreg $0x9  }
0xb0: {  	_ =	task.clear_ibuf [dreg:s6], $0x4FFFF;
	_ =	strace $0x90000052  }
0xb1: {  	s29 =	simm.s32 $0x9;
	_ =	strace $0x80000054  }
0xb2: {  	_ =	swait.ge [sflag:s29], $0x1  }
0xb3: {  	[sflag:s29] =	ssyncadd.s32 $0xFFFFFFFF  }
0xb4: {  	_ =	strace $0x90000054  }
0xb5: {  	_ =	sfence  }
0xb6: {  	s30 =	sld [smem:$0x0];
	_ =	sdelay $0x2  }
0xb7: {  	s31 =	sshll.u32 s1, $0xD;
	s1 =	sshrl.u32 s1, $0x2  }
0xb8: {  	s3 =	sand.u32 $0x4000, s31;
	s1 =	sadd.s32 s1, s30  }
0xb9: {  	s0 =	sor.u32 s3, s0;
	s1 =	sshll.u32 s1, $0x11  }
0xba: {  	s0 =	sor.u32 s1, s0  }
0xbb: {  	s0 =	sadd.s32 $0x8F2B, s0  }
0xbc: {  	[sflag:s0] =	ssyncadd.remote.s32 $0x1  }
0xbd: {  	_ =	sfence.sel $0xFFFF  }
0xbe: {  	[dreg:$0x0] =	wrdreg $0xFFFFFFFF;
	(pc) =	sbr.abs _section_cstart, $3  }
0xbf: {  	[dreg:$0x1] =	wrdreg $0xFFFFFFFF  }
0xc0: {  	_ =	task.clear_ibuf [dreg:s6], $0x2FFFF;
	_ =	strace $0x9FFFFFFF  }
0xc1: {  	(tm) =	ssettm $0x7FFFFFFF  }
tec
execute0_lowered:
.L_overlay_start_1:
0x0: {  	(tag) =	ssettag $0x1  }
0x1: {  	s1 =	srdreg.scid  }
0x2: {  	s0 =	stileid.u32;
	s5 =	rddreg [dreg:$0x0];
	s2 =	simm.s32 $0x0  }
0x3: {  	s10 =	simm.s32 $0x3;
	s11 =	simm.s32 $0x2780;
	s12 =	simm.s32 $0x4F00  }
0x4: {  	s13 =	simm.s32 $0x7700;
	s14 =	simm.s32 $0x1;
	s15 =	simm.s32 $0x4F80  }
0x5: {  	s16 =	simm.s32 $0x9E80;
	s17 =	simm.s32 $0x2;
	s18 =	simm.s32 $0x0  }
0x6: {  	s4 =	sand.u32 $0x1, s1;
	s3 =	sshll.u32 s0, $0x1;
	s1 =	rddreg [dreg:$0x1]  }
0x7: {  	[smem:$0x7FF] =	sst s2;
	s3 =	sor.u32 s4, s3;
	s7 =	ssub.s32 $0x2, s4  }
0x8: {  	_ =	strace $0x80000053;
	s6 =	smul.u32 $0x4E2, s3;
	s31 =	sshrl.u32 s7, $0x1  }
0x9: {  	s4 =	sadd.s32 $0xE400, s5;
	s3 =	sadd.s32 $0xDE00, s5;
	s9 =	ssub.s32 s7, s31  }
0xa: {  	s8 =	sadd.s32 s6, s5;
	s5 =	sadd.s32 $0xEA00, s5;
	s9 =	smax.u32 s9, $0x1  }
0xb: {  	v0 =	vimm.f32 $0.0e+00;
	s6 =	sadd.s32 $0x3E00, s8;
	s7 =	sadd.s32 $0x18A00, s8;
	s8 =	sadd.s32 $0xEC00, s8  }
.LBB2_1:
0xc: {  	[tilespmem:s2], [sflag:$0x3] =	stream.linear.gather [hbm4b:s3+s2], $0x2780, $0x38;
	[tilespmem:$0xC600] =	vst v63  }
0xd: {  	_ =	swait.ge [sflag:s10], $0x2780  }
0xe: {  	[sflag:s10] =	ssyncset.done $0x0  }
0xf: {  	[sflag:s10] =	ssyncadd.s32 $0xFFFFD880  }
0x10: {  	[tilespmem:s11], [sflag:$0x3] =	stream.linear.gather [hbm4b:s4+s2], $0x2780, $0x38;
	[tilespmem:$0xC600] =	vst v63  }
0x11: {  	_ =	swait.ge [sflag:s10], $0x2780  }
0x12: {  	[sflag:s10] =	ssyncset.done $0x0  }
0x13: {  	[sflag:s10] =	ssyncadd.s32 $0xFFFFD880  }
0x14: {  	[tilespmem:s12], [sflag:$0x3] =	stream.linear.gather [hbm4b:s5+s2], $0x80, $0x38;
	[tilespmem:$0xC600] =	vst v63  }
0x15: {  	_ =	swait.ge [sflag:s10], $0x80  }
0x16: {  	[sflag:s10] =	ssyncset.done $0x0  }
0x17: {  	s19 =	simm.s32 $0x40;
	s20 =	simm.s32 $0x0;
	[sflag:s10] =	ssyncadd.s32 $0xFFFFFF80  }
.LBB2_2:
0x18: {  	p0 =	sne.s32 s19, $0x9C00;
	[tilespmem:s20+$0x4F80] =	vst v0;
	s20 =	smov.u32 s19;
	s19 =	sadd.s32 $0x40, s19  }
.Ltmp0:
0x19: {  	(pc) =	sbr.rel @p0 .LBB2_2-.Ltmp0, $2  }
0x1a: {  	_ =	sdelay $0x2  }
0x1b: {  	s20 =	sshra.s32 s20, $0x2  }
0x1c: {  	[tilespmem:s20+$0x4F80] =	vst v0  }
0x1d: {  	v1 =	vld [tilespmem:$0x4F00];
	[tilespmem:s13], [sflag:$0x1] =	stream.linear.gather [hbm4b:s6+s2], $0x2710, $0x38  }
0x1e: {  	_ =	swait.ge [sflag:s14], $0x2710  }
0x1f: {  	[sflag:s14] =	ssyncset.done $0x0  }
0x20: {  	s19 =	simm.s32 $0x7720;
	[sflag:s14] =	ssyncadd.s32 $0xFFFFD8F0  }
0x21: {  	v2 =	vld [tilespmem:s19+$0x20]  }
0x22: {  	v3 =	vld [tilespmem:s19+$0xFFFFFFF0];
	_ =	sdelay $0x2  }
0x23: {  	v5 =	vld [tilespmem:s19+$0xFFFFFFE0]  }
0x24: {  	v9 =	vshrl.u32 v2, $0xE  }
0x25: {  	v6 =	vld [tilespmem:s19+$0x10];
	v4 =	vshrl.u32 v3, $0xE  }
0x26: {  	s30 =	simm.s32 $0x7770;
	v8 =	vld [tilespmem:s19+$0x0];
	v2 =	vand.u32 $0x3FFF, v2  }
0x27: {  	v13 =	vld [tilespmem:s30+$0x20];
	v3 =	vand.u32 $0x3FFF, v3  }
0x28: {  	v14 =	vld [tilespmem:s30+$0xFFFFFFF0];
	v11 =	vand.u32 $0x3FFF, v5  }
0x29: {  	v15 =	vshrl.u32 v5, $0xE;
	v10 =	vld.idx.msk [tilespmem:v9+s2+$0x0], $0xffff  }
0x2a: {  	v7 =	vshrl.u32 v6, $0xE;
	v12 =	vld.idx.msk [tilespmem:v4+s2+$0x0], $0xffff  }
0x2b: {  	v5 =	vand.u32 $0x3FFF, v6;
	v2 =	vld.idx.msk [tilespmem:v2+s11+$0x0], $0xffff  }
0x2c: {  	v3 =	vld.idx.msk [tilespmem:v3+s11+$0x0], $0xffff  }
0x2d: {  	v11 =	vld.idx.msk [tilespmem:v11+s11+$0x0], $0xffff  }
0x2e: {  	v17 =	vld.idx.msk [tilespmem:v15+s2+$0x0], $0xffff  }
0x2f: {  	v18 =	vand.u32 $0x3FFF, v8;
	v20 =	vld.idx.msk [tilespmem:v7+s2+$0x0], $0xffff  }
0x30: {  	v6 =	vshrl.u32 v8, $0xE;
	v21 =	vld.idx.msk [tilespmem:v5+s11+$0x0], $0xffff;
	_ =	sdelay $0x1  }
0x31: {  	v23 =	vand.u32 $0x3FFF, v14;
	v16 =	vadd.f32 v10, v1;
	v19 =	vadd.f32 v12, v1  }
0x32: {  	v24 =	vld [tilespmem:s30+$0x0];
	v12 =	vadd.f32 v3, v12;
	v8 =	vadd.f32 v2, v10;
	v2 =	vshrl.u32 v13, $0xE  }
0x33: {  	v18 =	vld.idx.msk [tilespmem:v18+s11+$0x0], $0xffff;
	v13 =	vand.u32 $0x3FFF, v13;
	v11 =	vadd.f32 v11, v17;
	v25 =	vadd.f32 v20, v1  }
0x34: {  	v20 =	vadd.f32 v21, v20;
	v21 =	vld.idx.msk [tilespmem:v6+s2+$0x0], $0xffff;
	v10 =	vmul.f32 $9.999999770e-03, v16;
	v5 =	vmul.f32 $9.999999770e-03, v12  }
0x35: {  	v3 =	vshrl.u32 v14, $0xE;
	v17 =	vadd.f32 v17, v1;
	v22 =	vmul.f32 $9.999999770e-03, v19  }
0x36: {  	v14 =	vld [tilespmem:s30+$0xFFFFFFE0];
	v26 =	vmul.f32 $9.999999770e-03, v11;
	v12 =	vmax.f32 v12, v5;
	v16 =	vmax.f32 v16, v10  }
0x37: {  	v5 =	vmul.f32 $9.999999770e-03, v8;
	v19 =	vmax.f32 v19, v22;
	v10 =	vmul.f32 $9.999999770e-03, v17  }
0x38: {  	v23 =	vld.idx.msk [tilespmem:v23+s11+$0x0], $0xffff;
	v11 =	vmax.f32 v11, v26;
	v12 =	vsub.f32 v12, v19;
	v19 =	vmul.f32 $9.999999770e-03, v20  }
0x39: {  	v22 =	vld [tilespmem:s30+$0x10];
	v18 =	vadd.f32 v18, v21;
	v27 =	vmax.f32 v8, v5;
	v5 =	vshrl.u32 v24, $0xE  }
0x3a: {  	v26 =	vld.idx.msk [tilespmem:v3+s2+$0x0], $0xffff;
	v8 =	vmul.f32 $9.999999770e-03, v25;
	v17 =	vmax.f32 v17, v10;
	v24 =	vand.u32 $0x3FFF, v24  }
0x3b: {  	v28 =	vld.idx.msk [tilespmem:v2+s2+$0x0], $0xffff;
	v10 =	vshrl.u32 v14, $0xE;
	v14 =	vand.u32 $0x3FFF, v14;
	v11 =	vsub.f32 v11, v17  }
0x3c: {  	v13 =	vld.idx.msk [tilespmem:v13+s11+$0x0], $0xffff;
	v12 =	vmul.f32 $1.442695020e+00, v12;
	v16 =	vsub.f32 v27, v16;
	v29 =	vmul.f32 $9.999999770e-03, v18  }
0x3d: {  	v17 =	vmax.f32 v25, v8;
	v25 =	vadd.f32 v21, v1;
	v11 =	vmul.f32 $1.442695020e+00, v11  }
0x3e: {  	s31 =	simm.s32 $0x77C0;
	v19 =	vmax.f32 v20, v19;
	v8 =	vshrl.u32 v22, $0xE;
	v22 =	vand.u32 $0x3FFF, v22  }
0x3f: {  	v27 =	vadd.f32 v26, v1;
	v21 =	vmul.f32 $9.999999770e-03, v25;
	(erf) = vpow2.f32 v11;
	v11 =	vld [tilespmem:s31+$0x20]  }
0x40: {  	v16 =	vmul.f32 $1.442695020e+00, v16;
	v23 =	vadd.f32 v23, v26;
	v26 =	vadd.f32 v28, v1;
	v30 =	vld.idx.msk [tilespmem:v14+s11+$0x0], $0xffff  }
0x41: {  	v20 =	vld.idx.msk [tilespmem:v10+s2+$0x0], $0xffff;
	(erf) = vpow2.f32 v12;
	v14 =	vmax.f32 v25, v21;
	v25 =	vadd.f32 v13, v28  }
0x42: {  	v12 =	vld [tilespmem:s31+$0xFFFFFFF0];
	v21 =	vmul.f32 $9.999999770e-03, v26;
	v13 =	vsub.f32 v19, v17;
	v17 =	vmul.f32 $9.999999770e-03, v23  }
0x43: {  	v18 =	vmax.f32 v18, v29;
	(erf) = vpow2.f32 v16;
	v16 =	vmul.f32 $9.999999770e-03, v27;
	v19 =	vld.idx.msk [tilespmem:v8+s2+$0x0], $0xffff  }
0x44: {  	v28 =	vld.idx.msk [tilespmem:v22+s11+$0x0], $0xffff;
	v22 =	vsub.f32 v18, v14;
	v29 =	vmul.f32 $1.442695020e+00, v13  }
0x45: {  	v31 =	vld [tilespmem:s31+$0x0];
	v34 =	vmax.f32 v23, v17;
	v21 =	vmax.f32 v26, v21;
	v35 =	vmax.f32 v27, v16  }
0x46: {  	v23 =	vld [tilespmem:s31+$0xFFFFFFE0];
	v14 =	vshrl.u32 v11, $0xE;
	v33 =	vand.u32 $0x3FFF, v11;
	v30 =	vadd.f32 v30, v20  }
0x47: {  	v18 =	vld.idx.msk [tilespmem:v24+s11+$0x0], $0xffff;
	v32 =	vand.u32 $0x3FFF, v12;
	v13 =	vshrl.u32 v12, $0xE;
	v12 =	vmul.f32 $1.442695020e+00, v22  }
0x48: {  	s20 =	simm.s32 $0x9EA0;
	v11 =	vmul.f32 $9.999999770e-03, v25;
	v24 =	vadd.f32 v20, v1;
	(erf) = vpow2.f32 v29;
	v22 =	vld [tilespmem:s31+$0x10];
	v17 =	vpop (erf)  }
0x49: {  	v27 =	vadd.f32 v19, v1;
	v20 =	vadd.f32 v28, v19;
	v28 =	vld.idx.msk [tilespmem:v5+s2+$0x0], $0xffff;
	(erf) = vpow2.f32 v12;
	[tilespmem:s20+$0xFFFFFFE0] =	vst v17  }
0x4a: {  	v16 =	vand.u32 $0x3FFF, v31;
	v26 =	vmax.f32 v25, v11;
	v36 =	vmul.f32 $9.999999770e-03, v30;
	[tilespmem:v15+s15+$0x0] =	vst.idx.add.f32.msk $0xffff, v17  }
0x4b: {  	v11 =	vshrl.u32 v23, $0xE;
	v37 =	vmul.f32 $9.999999770e-03, v27;
	v17 =	vld.idx.msk [tilespmem:v14+s2+$0x0], $0xffff;
	v15 =	vmul.f32 $9.999999770e-03, v24  }
0x4c: {  	v29 =	vand.u32 $0x3FFF, v23;
	v12 =	vshrl.u32 v31, $0xE;
	v63 =	vmax.f32 v30, v36;
	v19 =	vpop (erf);
	v25 =	vld.idx.msk [tilespmem:v13+s2+$0x0], $0xffff  }
0x4d: {  	s22 =	simm.s32 $0xA;
	[tilespmem:s20+$0xFFFFFFF0] =	vst v19;
	v31 =	vpop (erf);
	v30 =	vld.idx.msk [tilespmem:v32+s11+$0x0], $0xffff;
	v23 =	vmax.f32 v27, v37;
	v27 =	vmul.f32 $9.999999770e-03, v20;
	v38 =	vmax.f32 v24, v15  }
0x4e: {  	s23 =	simm.s32 $0x7810;
	s21 =	simm.s32 $0x9EF0;
	s19 =	simm.s32 $0x9EF0;
	[tilespmem:s20+$0x20] =	vst v31;
	v24 =	vld.idx.msk [tilespmem:v33+s11+$0x0], $0xffff;
	v15 =	vshrl.u32 v22, $0xE;
	v33 =	vsub.f32 v34, v35;
	v32 =	vsub.f32 v63, v38  }
.LBB2_4:
0x4f: {  	s22 =	sadd.s32 $0x5, s22;
	v22 =	vand.u32 $0x3FFF, v22;
	s19 =	sadd.s32 $0x50, s19;
	[tilespmem:v9+s15+$0x0] =	vst.idx.add.f32.msk $0xffff, v31;
	v9 =	vmov v2;
	v2 =	vmov v14  }
0x50: {  	v21 =	vsub.f32 v26, v21;
	p0 =	slt.u32 s22, $0x26C;
	v14 =	vmul.f32 $1.442695020e+00, v32;
	v31 =	vmul.f32 $1.442695020e+00, v33;
	[tilespmem:v4+s15+$0x0] =	vst.idx.add.f32.msk $0xffff, v19;
	v4 =	vmovc v3  }
0x51: {  	v18 =	vadd.f32 v18, v28;
	v26 =	vadd.f32 v28, v1;
	v3 =	vmov v13;
	v19 =	vld [tilespmem:s23+$0x20];
	v28 =	vpop (erf)  }
0x52: {  	v29 =	vld.idx.msk [tilespmem:v29+s11+$0x0], $0xffff;
	(erf) = vpow2.f32 v14;
	[tilespmem:s20+$0x10] =	vst v28;
	v13 =	vpop (erf)  }
0x53: {  	v32 =	vadd.f32 v25, v1;
	v14 =	vmul.f32 $9.999999770e-03, v26;
	v33 =	vld.idx.msk [tilespmem:v15+s2+$0x0], $0xffff;
	(erf) = vpow2.f32 v31;
	[tilespmem:s20+$0x0] =	vst v13;
	s20 =	smov.u32 s21;
	s21 =	smov.u32 s19  }
0x54: {  	v34 =	vmul.f32 $9.999999770e-03, v18;
	v25 =	vadd.f32 v30, v25;
	v30 =	vadd.f32 v17, v1;
	v31 =	vld [tilespmem:s23+$0xFFFFFFF0]  }
0x55: {  	v20 =	vmax.f32 v20, v27;
	v21 =	vmul.f32 $1.442695020e+00, v21;
	v14 =	vmax.f32 v26, v14;
	v35 =	vld.idx.msk [tilespmem:v11+s2+$0x0], $0xffff  }
0x56: {  	v20 =	vsub.f32 v20, v23;
	v17 =	vadd.f32 v24, v17;
	v24 =	vmul.f32 $9.999999770e-03, v30;
	[tilespmem:v7+s15+$0x0] =	vst.idx.add.f32.msk $0xffff, v28  }
0x57: {  	v18 =	vmax.f32 v18, v34;
	v23 =	vmul.f32 $9.999999770e-03, v25;
	(erf) = vpow2.f32 v21;
	[tilespmem:v6+s15+$0x0] =	vst.idx.add.f32.msk $0xffff, v13;
	v6 =	vmovc v5  }
0x58: {  	v20 =	vmul.f32 $1.442695020e+00, v20;
	v26 =	vmul.f32 $9.999999770e-03, v32;
	v7 =	vmovc v8;
	v5 =	vmovc v12;
	v27 =	vld.idx.msk [tilespmem:v22+s11+$0x0], $0xffff;
	v22 =	vsub.f32 v18, v14  }
0x59: {  	v36 =	vand.u32 $0x3FFF, v19;
	v8 =	vmovc v15;
	v14 =	vshrl.u32 v19, $0xE;
	v34 =	vand.u32 $0x3FFF, v31;
	v28 =	vld [tilespmem:s23+$0x0]  }
0x5a: {  	v37 =	vmax.f32 v25, v23;
	v21 =	vmax.f32 v30, v24;
	v13 =	vshrl.u32 v31, $0xE;
	v18 =	vld.idx.msk [tilespmem:v16+s11+$0x0], $0xffff  }
0x5b: {  	v12 =	vmul.f32 $9.999999770e-03, v17;
	v23 =	vadd.f32 v29, v35;
	v16 =	vmul.f32 $1.442695020e+00, v22;
	v15 =	vld [tilespmem:s23+$0xFFFFFFE0];
	v24 =	vpop (erf)  }
0x5c: {  	v30 =	vadd.f32 v35, v1;
	v35 =	vmax.f32 v32, v26;
	v22 =	vld [tilespmem:s23+$0x10];
	[tilespmem:s20+$0xFFFFFFE0] =	vst v24;
	v19 =	vpop (erf);
	(erf) = vpow2.f32 v20  }
0x5d: {  	v32 =	vadd.f32 v33, v1;
	v26 =	vmax.f32 v17, v12;
	[tilespmem:v10+s15+$0x0] =	vst.idx.add.f32.msk $0xffff, v24;
	(erf) = vpow2.f32 v16  }
.Ltmp1:
0x5e: {  	v24 =	vmul.f32 $9.999999770e-03, v30;
	v20 =	vadd.f32 v27, v33;
	v10 =	vmovc v11;
	v12 =	vshrl.u32 v28, $0xE;
	v17 =	vld.idx.msk [tilespmem:v14+s2+$0x0], $0xffff;
	[tilespmem:s20+$0xFFFFFFF0] =	vst v19;
	(pc) =	sbr.rel @p0 .LBB2_4-.Ltmp1, $4  }
0x5f: {  	v27 =	vmul.f32 $9.999999770e-03, v23;
	v33 =	vmul.f32 $9.999999770e-03, v32;
	v16 =	vand.u32 $0x3FFF, v28;
	v28 =	vld.idx.msk [tilespmem:v5+s2+$0x0], $0xffff  }
0x60: {  	v38 =	vmax.f32 v30, v24;
	v11 =	vshrl.u32 v15, $0xE;
	v29 =	vand.u32 $0x3FFF, v15;
	v25 =	vld.idx.msk [tilespmem:v13+s2+$0x0], $0xffff;
	v31 =	vpop (erf)  }
0x61: {  	v24 =	vld.idx.msk [tilespmem:v36+s11+$0x0], $0xffff;
	v36 =	vmax.f32 v23, v27;
	v23 =	vmax.f32 v32, v33;
	v27 =	vmul.f32 $9.999999770e-03, v20;
	[tilespmem:s20+$0x20] =	vst v31  }
0x62: {  	s23 =	sadd.s32 $0x50, s23;
	v15 =	vshrl.u32 v22, $0xE;
	v33 =	vsub.f32 v37, v35;
	v30 =	vld.idx.msk [tilespmem:v34+s11+$0x0], $0xffff;
	v32 =	vsub.f32 v36, v38  }
0x63: {  	_ =	sdelay $0x3  }
0x64: {  	v21 =	vsub.f32 v26, v21;
	v57 =	vld.idx.msk [tilespmem:v29+s11+$0x0], $0xffff;
	v22 =	vand.u32 $0x3FFF, v22;
	v62 =	vadd.f32 v17, v1  }
0x65: {  	v60 =	vld.idx.msk [tilespmem:v11+s2+$0x0], $0xffff;
	v20 =	vmax.f32 v20, v27;
	v32 =	vmul.f32 $1.442695020e+00, v32;
	v33 =	vmul.f32 $1.442695020e+00, v33  }
0x66: {  	v40 =	vld.idx.msk [tilespmem:v15+s2+$0x0], $0xffff;
	v34 =	vadd.f32 v28, v1;
	v18 =	vadd.f32 v18, v28;
	v21 =	vmul.f32 $1.442695020e+00, v21  }
0x67: {  	v16 =	vld.idx.msk [tilespmem:v16+s11+$0x0], $0xffff;
	v38 =	vsub.f32 v20, v23;
	v37 =	vmul.f32 $9.999999770e-03, v62;
	(erf) = vpow2.f32 v32  }
0x68: {  	v47 =	vld.idx.msk [tilespmem:v12+s2+$0x0], $0xffff;
	v58 =	vadd.f32 v25, v1;
	v59 =	vmul.f32 $9.999999770e-03, v34;
	v63 =	vmul.f32 $9.999999770e-03, v18  }
0x69: {  	[tilespmem:v9+s15+$0x0] =	vst.idx.add.f32.msk $0xffff, v31;
	v36 =	vadd.f32 v24, v17;
	v9 =	vmul.f32 $1.442695020e+00, v38;
	(erf) = vpow2.f32 v33  }
0x6a: {  	v61 =	vadd.f32 v30, v25;
	v43 =	vmul.f32 $9.999999770e-03, v58;
	v24 =	vmax.f32 v62, v37  }
0x6b: {  	v29 =	vmax.f32 v34, v59;
	v18 =	vmax.f32 v18, v63;
	v41 =	vadd.f32 v57, v60  }
0x6c: {  	(erf) = vpow2.f32 v21;
	v42 =	vadd.f32 v60, v1;
	v49 =	vadd.f32 v40, v1  }
0x6d: {  	v22 =	vld.idx.msk [tilespmem:v22+s11+$0x0], $0xffff;
	v46 =	vmul.f32 $9.999999770e-03, v36;
	v55 =	vadd.f32 v16, v47;
	v1 =	vadd.f32 v47, v1  }
0x6e: {  	v18 =	vsub.f32 v18, v29;
	v44 =	vmul.f32 $9.999999770e-03, v42;
	v45 =	vmul.f32 $9.999999770e-03, v41  }
0x6f: {  	v48 =	vpop (erf);
	v39 =	vmul.f32 $9.999999770e-03, v61;
	v27 =	vmax.f32 v58, v43;
	(erf) = vpow2.f32 v9  }
0x70: {  	[tilespmem:v4+s15+$0x0] =	vst.idx.add.f32.msk $0xffff, v19;
	v18 =	vmul.f32 $1.442695020e+00, v18;
	v25 =	vmax.f32 v42, v44;
	v21 =	vmax.f32 v41, v45  }
0x71: {  	[tilespmem:s20+$0x10] =	vst v48;
	v51 =	vpop (erf);
	v17 =	vmax.f32 v36, v46;
	v53 =	vmul.f32 $9.999999770e-03, v49;
	v50 =	vsub.f32 v21, v25  }
0x72: {  	[tilespmem:s20+$0x0] =	vst v51;
	v20 =	vmax.f32 v61, v39;
	(erf) = vpow2.f32 v18;
	v52 =	vadd.f32 v22, v40  }
0x73: {  	[tilespmem:v7+s15+$0x0] =	vst.idx.add.f32.msk $0xffff, v48;
	v58 =	vmul.f32 $9.999999770e-03, v1;
	v20 =	vsub.f32 v20, v27;
	v19 =	vmul.f32 $1.442695020e+00, v50  }
0x74: {  	[tilespmem:v6+s15+$0x0] =	vst.idx.add.f32.msk $0xffff, v51;
	v59 =	vmul.f32 $9.999999770e-03, v55;
	v17 =	vsub.f32 v17, v24;
	v54 =	vmul.f32 $9.999999770e-03, v52;
	v56 =	vpop (erf)  }
0x75: {  	v9 =	vmax.f32 v49, v53;
	v57 =	vmul.f32 $1.442695020e+00, v20;
	[tilespmem:s21+$0xFFFFFFE0] =	vst v56;
	(erf) = vpow2.f32 v19  }
0x76: {  	v1 =	vmax.f32 v1, v58;
	v61 =	vmul.f32 $1.442695020e+00, v17;
	v60 =	vpop (erf);
	[tilespmem:v10+s15+$0x0] =	vst.idx.add.f32.msk $0xffff, v56;
	v4 =	vmax.f32 v52, v54  }
0x77: {  	v7 =	vmax.f32 v55, v59;
	[tilespmem:s21+$0xFFFFFFF0] =	vst v60;
	v62 =	vpop (erf);
	(erf) = vpow2.f32 v57;
	v4 =	vsub.f32 v4, v9  }
0x78: {  	v1 =	vsub.f32 v7, v1;
	[tilespmem:s21+$0x20] =	vst v62;
	(erf) = vpow2.f32 v61  }
0x79: {  	[tilespmem:v2+s15+$0x0] =	vst.idx.add.f32.msk $0xffff, v62;
	v2 =	vmul.f32 $1.442695020e+00, v4  }
0x7a: {  	v1 =	vmul.f32 $1.442695020e+00, v1;
	[tilespmem:v3+s15+$0x0] =	vst.idx.add.f32.msk $0xffff, v60;
	v3 =	vpop (erf)  }
0x7b: {  	[tilespmem:s21+$0x10] =	vst v3;
	v63 =	vpop (erf);
	(erf) = vpow2.f32 v2  }
0x7c: {  	[tilespmem:v8+s15+$0x0] =	vst.idx.add.f32.msk $0xffff, v3;
	(erf) = vpow2.f32 v1  }
0x7d: {  	[tilespmem:s21+$0x0] =	vst v63  }
0x7e: {  	s19 =	sadd.s32 $0x50, s19;
	[tilespmem:v5+s15+$0x0] =	vst.idx.add.f32.msk $0xffff, v63;
	v1 =	vpop (erf)  }
0x7f: {  	[tilespmem:s19+$0xFFFFFFE0] =	vst v1  }
0x80: {  	v2 =	vpop (erf);
	[tilespmem:v11+s15+$0x0] =	vst.idx.add.f32.msk $0xffff, v1  }
0x81: {  	[tilespmem:s19+$0xFFFFFFF0] =	vst v2;
	v1 =	vpop (erf)  }
0x82: {  	[tilespmem:s19+$0x20] =	vst v1  }
0x83: {  	[tilespmem:v13+s15+$0x0] =	vst.idx.add.f32.msk $0xffff, v2  }
0x84: {  	[tilespmem:v14+s15+$0x0] =	vst.idx.add.f32.msk $0xffff, v1;
	v1 =	vpop (erf)  }
0x85: {  	[tilespmem:s19+$0x10] =	vst v1;
	v2 =	vpop (erf)  }
0x86: {  	[tilespmem:s19+$0x0] =	vst v2  }
0x87: {  	[tilespmem:v15+s15+$0x0] =	vst.idx.add.f32.msk $0xffff, v1  }
0x88: {  	[tilespmem:v12+s15+$0x0] =	vst.idx.add.f32.msk $0xffff, v2  }
0x89: {  	[hbm4b:s7+s2] =	stream.linear.scatter [tilespmem:s16], [sflag:$0x2], $0x2710, $0x38;
	[tilespmem:$0xC600] =	vst v63  }
0x8a: {  	s18 =	sadd.s32 $0x1, s18;
	_ =	swait.ge [sflag:s17], $0x2710  }
0x8b: {  	p0 =	sne.s32 s18, s9;
	[sflag:s17] =	ssyncset.done $0x0  }
.Ltmp2:
0x8c: {  	[sflag:s17] =	ssyncadd.s32 $0xFFFFD8F0;
	(pc) =	sbr.rel @p0 .LBB2_1-.Ltmp2, $4  }
0x8d: {  	[hbm4b:s8+s2] =	stream.linear.scatter [tilespmem:s15], [sflag:$0x3], $0x2710, $0x38;
	[tilespmem:$0xC600] =	vst v63  }
0x8e: {  	_ =	swait.ge [sflag:s10], $0x2710  }
0x8f: {  	[sflag:s10] =	ssyncset.done $0x0  }
0x90: {  	[sflag:s10] =	ssyncadd.s32 $0xFFFFD8F0  }
0x91: {  	_ =	sfence.sel $0x180000  }
0x92: {  	[bflag:$0x0] =	sbarrier.arrive $0xFFFF  }
0x93: {  	p0 =	sne.s32 s0, $0x0;
	_ =	strace $0x90000053  }
0x94: {  	s0 =	sadd.s32 @!p0 $0x100000, s1;
	[bflag:$0x2] =	sbarrier.arrive $0xFFFF  }
0x95: {  	[sflag:s0] =	ssyncadd.tile.s32 @!p0 $0x1;
	_ =	shalt  }
.Lfunc_end2:
_tile_overlayer_lowered:
.L_overlay_start_2:
0x96: {  	(tag) =	ssettag $0x2  }
0x97: {  	s0 =	rddreg [dreg:$0x0];
	s2 =	stileid.u32  }
0x98: {  	s1 =	rddreg [dreg:$0x1];
	p0 =	sne.s32 s2, $0x0  }
0x99: {  	s3 =	rddreg [dreg:$0x2];
	[bflag:$0x3] =	sbarrier.arrive $0xFFFF;
	s2 =	simm.s32 @!p0 $0x1C03  }
0x9a: {  	[timem:s3], [sflag:s2] =	dma.local @!p0 [hbm:s0], s1  }
0x9b: {  	s0 =	simm.s32 @!p0 $0x3  }
0x9c: {  	_ =	swait.ge @!p0 [sflag:s0], s1  }
0x9d: {  	s1 =	ssub.s32 @!p0 $0x0, s1;
	[sflag:s0] =	ssyncset.done @!p0 $0x0  }
0x9e: {  	[sflag:s0] =	ssyncadd.s32 @!p0 s1  }
0x9f: {  	[bflag:$0x3] =	sbarrier.arrive $0xFFFF  }
0xa0: {  	_ =	shalt  }

// kernel: kernel.29.cloned.1.call-start
scs
__scs_entry_jumppad:
0x0: {  	(pc) =	sbr.rel $0x88, $3  }
0x1: {  	(tag) =	ssettag $0x0;
	lr =	simm.s32 $0x1  }
0x2: {  	[smem:$0x3F94] =	sst lr;
	_ =	strace $0xD0000000  }
0x3: {  	_ = 	snop  }
0x4: {  	_ = 	snop  }
0x5: {  	_ = 	snop  }
0x6: {  	_ = 	snop  }
0x7: {  	_ = 	snop  }
__scs_overlays_trampoline_lowered:
0x8: {  	[smem:$0x3FA3] =	sst s0  }
0x9: {  	[smem:$0x3FA4] =	sst s1  }
0xa: {  	[smem:$0x3FA5] =	sst s2  }
0xb: {  	[smem:$0x3FA6] =	sst s3  }
0xc: {  	[smem:$0x3FA7] =	sst s4  }
0xd: {  	[smem:$0x3FA8] =	sst s5  }
0xe: {  	[smem:$0x3FA9] =	sst s6  }
0xf: {  	[smem:$0x3FAA] =	sst s7  }
0x10: {  	[smem:$0x3FAB] =	sst s8  }
0x11: {  	[smem:$0x3FAC] =	sst s9;
	s0 =	simm.s32 @!p0 $0x0  }
0x12: {  	s1 =	sld [smem:$0x3F92];
	s0 =	simm.s32 @p0 $0x1  }
0x13: {  	[smem:$0x3FAD] =	sst s0;
	s0 =	simm.s32 @!p1 $0x0  }
0x14: {  	s2 =	sld [smem:$0x3F91];
	s0 =	simm.s32 @p1 $0x1  }
0x15: {  	[smem:$0x3FAE] =	sst s0;
	s0 =	simm.s32 @!p2 $0x0  }
0x16: {  	s3 =	sld [smem:$0x3FDB];
	s0 =	simm.s32 @p2 $0x1  }
0x17: {  	s4 =	simm.s32 $0x1BF5;
	[smem:$0x3FB0] =	sst s0  }
0x18: {  	s0 =	sld [smem:$0x3F93];
	_ =	swait.ge [sflag:s4], $0x0  }
0x19: {  	s7 =	sld [smem:$0x3F94]  }
0x1a: {  	s8 =	sadd.s32 $0xFFFFE003, lr  }
0x1b: {  	s9 =	sadd.s32 $0xFFFFFEF7, lr;
	s5 =	simm.s32 $0xFFFFFFFF;
	p2 =	slt.u32 s8, $0xFFFFF086  }
0x1c: {  	p1 =	slt.u32 s9, $0xF7A;
	s5 =	simm.s32 @!p2 $0x0  }
0x1d: {  	s5 =	simm.s32 @p1 $0x1;
	p0 =	seq.s32 s7, s2  }
0x1e: {  	s7 =	smul.u32 @!p0 $0xF7A, s2;
	p2 =	seq.s32 @!p0 s5, $0x0  }
0x1f: {  	s9 =	smul.u32 $0xF7A, s1;
	s8 =	simm.s32 @!p0 $0x1BF5;
	p2 =	por !p2, p0  }
0x20: {  	[sflag:s8] =	ssyncset.s32 @!p0 $0xFFFFF086;
	s6 =	sadd.s32 @!p0 s3, s7;
	s7 =	simm.s32 @!p0 $0x108  }
0x21: {  	s3 =	sadd.s32 s3, s9;
	s6 =	sadd.s32 @!p0 $0x88, s6;
	s7 =	simm.s32 @p2 $0x1082  }
0x22: {  	[simem:s7], [sflag:s8] =	dma.local @!p0 [hbm:s6], $0xF7A  }
0x23: {  	s9 =	sor.u32 $0xD0000000, s2;
	s6 =	simm.s32 $0x108;
	_ =	swait.ge @!p0 [sflag:s8], $0x0  }
0x24: {  	s3 =	sadd.s32 $0x88, s3;
	s6 =	simm.s32 @!p1 $0x1082;
	[sflag:s4] =	ssyncset.s32 $0xFFFFF086  }
0x25: {  	[simem:s6], [sflag:s4] =	dma.local [hbm:s3], $0xF7A  }
0x26: {  	[smem:$0x3F94] =	sst s1;
	(tag) =	ssettag s2;
	_ =	strace s9  }
0x27: {  	s1 =	sld [smem:$0x3FA4]  }
0x28: {  	s2 =	sld [smem:$0x3FA5]  }
0x29: {  	s4 =	sld [smem:$0x3FA7]  }
0x2a: {  	p0 =	seq.s32 s5, $0x0;
	s5 =	sld [smem:$0x3FA8]  }
0x2b: {  	s6 =	sld [smem:$0x3FA9]  }
0x2c: {  	s7 =	sld [smem:$0x3FAA]  }
0x2d: {  	s3 =	simm.s32 $0x108;
	s8 =	sld [smem:$0x3FAB]  }
0x2e: {  	s3 =	simm.s32 @!p0 $0x1082;
	s9 =	sld [smem:$0x3FAC]  }
0x2f: {  	lr =	sadd.s32 s0, s3;
	s0 =	sld [smem:$0x3FA3]  }
0x30: {  	s3 =	sld [smem:$0x3FA6]  }
0x31: {  	[smem:$0x3FAF] =	sst s10  }
0x32: {  	s10 =	sld [smem:$0x3FAD];
	_ =	sdelay $0x3  }
0x33: {  	p0 =	seq.s32 s10, $0x1;
	s10 =	sld [smem:$0x3FAF];
	_ =	sdelay $0x3  }
0x34: {  	[smem:$0x3FAF] =	sst s10  }
0x35: {  	s10 =	sld [smem:$0x3FAE];
	_ =	sdelay $0x3  }
0x36: {  	p1 =	seq.s32 s10, $0x1;
	s10 =	sld [smem:$0x3FAF];
	_ =	sdelay $0x3  }
0x37: {  	[smem:$0x3FAF] =	sst s10  }
0x38: {  	s10 =	sld [smem:$0x3FB0]  }
0x39: {  	_ = 	snop;
	(pc) =	sbr.ind lr, $3  }
0x3a: {  	_ = 	snop  }
0x3b: {  	_ = 	snop  }
0x3c: {  	p2 =	seq.s32 s10, $0x1;
	s10 =	sld [smem:$0x3FAF]  }
0x3d: {  	_ =	shalt  }
0x3e: {  	_ =	shalt  }
0x3f: {  	_ =	shalt  }
0x40: {  	_ =	shalt  }
0x41: {  	_ =	shalt  }
0x42: {  	_ =	shalt  }
0x43: {  	_ =	shalt  }
0x44: {  	_ =	shalt  }
0x45: {  	_ =	shalt  }
0x46: {  	_ =	shalt  }
0x47: {  	_ =	shalt  }
0x48: {  	_ =	shalt  }
0x49: {  	_ =	shalt  }
0x4a: {  	_ =	shalt  }
0x4b: {  	_ =	shalt  }
0x4c: {  	_ =	shalt  }
0x4d: {  	_ =	shalt  }
0x4e: {  	_ =	shalt  }
0x4f: {  	_ =	shalt  }
0x50: {  	_ =	shalt  }
0x51: {  	_ =	shalt  }
0x52: {  	_ =	shalt  }
0x53: {  	_ =	shalt  }
0x54: {  	_ =	shalt  }
0x55: {  	_ =	shalt  }
0x56: {  	_ =	shalt  }
0x57: {  	_ =	shalt  }
0x58: {  	_ =	shalt  }
0x59: {  	_ =	shalt  }
0x5a: {  	_ =	shalt  }
0x5b: {  	_ =	shalt  }
0x5c: {  	_ =	shalt  }
0x5d: {  	_ =	shalt  }
0x5e: {  	_ =	shalt  }
0x5f: {  	_ =	shalt  }
0x60: {  	_ =	shalt  }
0x61: {  	_ =	shalt  }
0x62: {  	_ =	shalt  }
0x63: {  	_ =	shalt  }
0x64: {  	_ =	shalt  }
0x65: {  	_ =	shalt  }
0x66: {  	_ =	shalt  }
0x67: {  	_ =	shalt  }
0x68: {  	_ =	shalt  }
0x69: {  	_ =	shalt  }
0x6a: {  	_ =	shalt  }
0x6b: {  	_ =	shalt  }
0x6c: {  	_ =	shalt  }
0x6d: {  	_ =	shalt  }
0x6e: {  	_ =	shalt  }
0x6f: {  	_ =	shalt  }
0x70: {  	_ =	shalt  }
0x71: {  	_ =	shalt  }
0x72: {  	_ =	shalt  }
0x73: {  	_ =	shalt  }
0x74: {  	_ =	shalt  }
0x75: {  	_ =	shalt  }
0x76: {  	_ =	shalt  }
0x77: {  	_ =	shalt  }
0x78: {  	_ =	shalt  }
0x79: {  	_ =	shalt  }
0x7a: {  	_ =	shalt  }
0x7b: {  	_ =	shalt  }
0x7c: {  	_ =	shalt  }
0x7d: {  	_ =	shalt  }
0x7e: {  	_ =	shalt  }
0x7f: {  	_ =	shalt  }
0x80: {  	_ =	shalt  }
0x81: {  	_ =	shalt  }
0x82: {  	_ =	shalt  }
0x83: {  	_ =	shalt  }
0x84: {  	_ =	shalt  }
0x85: {  	_ =	shalt  }
0x86: {  	_ =	shalt  }
0x87: {  	_ =	shalt  }
.Lfunc_end0:
.L_simem_size_0:
called_computation.5_lowered:
.L_overlay_start_0:
0x88: {  	s2 =	sld [smem:$0x3FD9]  }
0x89: {  	s3 =	sld [smem:$0x3FFE];
	_ =	sdelay $0x1  }
0x8a: {  	s1 =	srdreg.scid  }
0x8b: {  	s0 =	sand.u32 $0x1, s1  }
0x8c: {  	s17 =	sshll.u32 s0, $0xA;
	s2 =	sadd.s32 s3, s2  }
0x8d: {  	s2 =	sadd.s32 s2, s17  }
0x8e: {  	[smem:$0x3FBB] =	sst s2  }
0x8f: {  	_ = 	snop  }
0x90: {  	s2 =	sld [smem:$0x3FD0];
	(tm) =	ssettm $0x1  }
0x91: {  	s18 =	sld [smem:$0x3FFB];
	_ =	sdelay $0x3  }
0x92: {  	_ =	strace s18  }
0x93: {  	s3 =	sld [smem:$0x3FFC];
	_ =	sdelay $0x3  }
0x94: {  	_ =	strace s3  }
0x95: {  	s3 =	sld [smem:$0x3FFD];
	_ =	sdelay $0x3  }
0x96: {  	_ =	strace s3  }
0x97: {  	_ =	strace $0x8FFFFFFF  }
0x98: {  	s19 =	sld [smem:$0x3FDB];
	_ =	sdelay $0x1  }
0x99: {  	s4 =	simm.s32 $_scs_section_size  }
0x9a: {  	s5 =	simm.s32 $_size__tile_overlayer_lowered;
	s6 =	simm.s32 $_tile_overlayer_lowered  }
0x9b: {  	s22 =	simm.s32 $0x1BFF;
	s21 =	sshll.u32 s6, $0x1;
	s3 =	sadd.s32 s4, s19  }
0x9c: {  	s7 =	simm.s32 $0x0;
	s20 =	sshll.u32 s5, $0x1;
	s5 =	sadd.s32 s21, s3  }
0x9d: {  	[timem:s7], [sflag:s22] =	dma.local [hbm:s5], s20  }
0x9e: {  	_ =	swait.ge [sflag:s22], s20  }
0x9f: {  	s4 =	ssub.s32 $0x0, s20;
	[sflag:s22] =	ssyncset.done $0x0  }
0xa0: {  	[sflag:s22] =	ssyncadd.s32 s4;
	_ =	sdelay $0x1  }
0xa1: {  	s23 =	simm.s32 $0x1B8B  }
0xa2: {  	_ =	swait.ge [sflag:s23], $0x1  }
0xa3: {  	[sflag:s23] =	ssyncset.done $0x0  }
0xa4: {  	s25 =	simm.s32 $0x1B8E;
	s24 =	sld [smem:$0x3FFE];
	[sflag:s23] =	ssyncadd.s32 $0xFFFFFFFF  }
0xa5: {  	s26 =	simm.s32 $execute0_lowered;
	[smem:$0x3FD2] =	sst s25  }
0xa6: {  	s5 =	sshll.u32 s26, $0x1;
	_ =	strace $0x80000055;
	[dreg:$0x1] =	wrdreg $0xFFFFFFFF  }
0xa7: {  	s28 =	simm.s32 $_size_execute0_lowered;
	s3 =	sadd.s32 s3, s5;
	[dreg:$0x0] =	wrdreg $0x0  }
0xa8: {  	s5 =	sshll.u32 s28, $0x1;
	[dreg:$0x2] =	wrdreg s3  }
0xa9: {  	[dreg:$0x3] =	wrdreg s5  }
0xaa: {  	[dreg:$0x4] =	wrdreg $0xC0  }
0xab: {  	_ =	task [dreg:s7], $0x5FFFF  }
0xac: {  	[dreg:$0x1] =	wrdreg $0xFFFFFFFF  }
0xad: {  	[dreg:$0x0] =	wrdreg $0x60  }
0xae: {  	[dreg:$0x2] =	wrdreg s24  }
0xaf: {  	[dreg:$0x3] =	wrdreg s2  }
0xb0: {  	[dreg:$0x4] =	wrdreg $0x9  }
0xb1: {  	_ =	task.clear_ibuf [dreg:s7], $0x5FFFF;
	_ =	strace $0x90000055  }
0xb2: {  	s29 =	simm.s32 $0x9;
	_ =	strace $0x80000057  }
0xb3: {  	_ =	swait.ge [sflag:s29], $0x1  }
0xb4: {  	[sflag:s29] =	ssyncadd.s32 $0xFFFFFFFF  }
0xb5: {  	_ =	strace $0x90000057  }
0xb6: {  	_ =	sfence  }
0xb7: {  	s30 =	sld [smem:$0x0];
	_ =	sdelay $0x2  }
0xb8: {  	s31 =	sshll.u32 s1, $0xD;
	s1 =	sshrl.u32 s1, $0x2  }
0xb9: {  	s3 =	sand.u32 $0x4000, s31;
	s1 =	sadd.s32 s1, s30  }
0xba: {  	s0 =	sor.u32 s3, s0;
	s1 =	sshll.u32 s1, $0x11  }
0xbb: {  	s0 =	sor.u32 s1, s0  }
0xbc: {  	s0 =	sadd.s32 $0x8F2B, s0  }
0xbd: {  	[sflag:s0] =	ssyncadd.remote.s32 $0x1  }
0xbe: {  	_ =	sfence.sel $0xFFFF  }
0xbf: {  	[dreg:$0x0] =	wrdreg $0xFFFFFFFF;
	(pc) =	sbr.abs _section_cstart, $3  }
0xc0: {  	[dreg:$0x1] =	wrdreg $0xFFFFFFFF  }
0xc1: {  	_ =	task.clear_ibuf [dreg:s7], $0x2FFFF;
	_ =	strace $0x9FFFFFFF  }
0xc2: {  	(tm) =	ssettm $0x7FFFFFFF  }
0xc3: {  	_ =	shalt  }
tec
execute0_lowered:
.L_overlay_start_1:
0x0: {  	(tag) =	ssettag $0x1  }
0x1: {  	s6 =	rddreg [dreg:$0x0]  }
0x2: {  	s7 =	rddreg [dreg:$0x1]  }
0x3: {  	s0 =	rddreg [dreg:$0x2];
	s2 =	simm.s32 $0x0;
	s3 =	srdreg.scid  }
0x4: {  	s1 =	stileid.u32;
	s13 =	simm.s32 $0x3;
	s14 =	simm.s32 $0x2780  }
0x5: {  	s15 =	simm.s32 $0x9E00;
	s16 =	simm.s32 $0xC580;
	s17 =	simm.s32 $0x10480  }
0x6: {  	s18 =	simm.s32 $0xE500;
	s19 =	simm.s32 $0x12400;
	s20 =	simm.s32 $0x1  }
0x7: {  	s21 =	simm.s32 $0x4F00;
	s22 =	simm.s32 $0x7680;
	s23 =	simm.s32 $0x2  }
0x8: {  	s24 =	simm.s32 $0x0;
	[smem:$0x7FF] =	sst s2;
	s8 =	sand.u32 $0x1, s3  }
0x9: {  	s29 =	sshrl.u32 s1, $0x1;
	s4 =	sshll.u32 s1, $0x9;
	s3 =	sadd.s32 $0x3E00, s6  }
0xa: {  	s30 =	sadd.s32 $0x22800, s6;
	_ =	strace $0x80000056;
	s9 =	smul.u32 $0x13C00, s29  }
0xb: {  	s5 =	sshll.u32 s8, $0x8;
	s10 =	sand.u32 $0x200, s4;
	s8 =	ssub.s32 $0x2, s8  }
0xc: {  	s4 =	sadd.s32 $0x18A00, s6;
	s10 =	sor.u32 s5, s10;
	s31 =	sshrl.u32 s8, $0x1  }
0xd: {  	s5 =	sadd.s32 $0xDC00, s6;
	s9 =	sor.u32 s9, s10;
	s11 =	ssub.s32 s8, s31  }
0xe: {  	s9 =	sshrl.u32 s9, $0x3;
	s10 =	smax.u32 s11, $0x1;
	s11 =	simm.s32 $0x80  }
0xf: {  	s6 =	sadd.s32 s7, s9;
	s12 =	sor.u32 $0x10, s9;
	s8 =	sadd.s32 s30, s9  }
0x10: {  	v0 =	vimm.f32 $0.0e+00;
	s7 =	sadd.s32 s7, s12;
	s9 =	sadd.s32 s30, s12;
	s12 =	simm.s32 $0x400  }
.LBB2_1:
0x11: {  	[tilespmem:s2], [sflag:$0x3] =	stream.strided.gather [hbm4b:s6+s11], $0x2780, s12, s11, $0x38;
	[tilespmem:$0x14380] =	vst v63  }
0x12: {  	_ =	swait.ge [sflag:s13], $0x2780  }
0x13: {  	[sflag:s13] =	ssyncset.done $0x0  }
0x14: {  	[sflag:s13] =	ssyncadd.s32 $0xFFFFD880  }
0x15: {  	[tilespmem:s14], [sflag:$0x3] =	stream.strided.gather [hbm4b:s7+s11], $0x2780, s12, s11, $0x38;
	[tilespmem:$0x14380] =	vst v63  }
0x16: {  	_ =	swait.ge [sflag:s13], $0x2780  }
0x17: {  	[sflag:s13] =	ssyncset.done $0x0  }
0x18: {  	[sflag:s13] =	ssyncadd.s32 $0xFFFFD880  }
0x19: {  	[tilespmem:s15], [sflag:$0x3] =	stream.linear.gather [hbm4b:s5+s2], $0x2780, $0x38;
	[tilespmem:$0x14380] =	vst v63  }
0x1a: {  	_ =	swait.ge [sflag:s13], $0x2780  }
0x1b: {  	[sflag:s13] =	ssyncset.done $0x0  }
0x1c: {  	s25 =	simm.s32 $0x40;
	s26 =	simm.s32 $0x0;
	[sflag:s13] =	ssyncadd.s32 $0xFFFFD880  }
.LBB2_2:
0x1d: {  	p0 =	sne.s32 s25, $0x9C00;
	[tilespmem:s26+$0x4F00] =	vst v0;
	s28 =	smov.u32 s25;
	s25 =	sadd.s32 $0x40, s25  }
.Ltmp0:
0x1e: {  	[tilespmem:s26+$0x7680] =	vst v0;
	(pc) =	sbr.rel @p0 .LBB2_2-.Ltmp0, $2  }
0x1f: {  	_ =	sdelay $0x2  }
0x20: {  	s26 =	sshra.s32 s28, $0x2  }
0x21: {  	[tilespmem:s26+$0x4F00] =	vst v0  }
0x22: {  	[tilespmem:s26+$0x7680] =	vst v0;
	s25 =	simm.s32 $0x0  }
0x23: {  	[tilespmem:s16], [sflag:$0x1] =	stream.linear.gather [hbm4b:s3+s25], $0x1F40, $0x38;
	[tilespmem:$0x14380] =	vst v63  }
0x24: {  	_ = 	snop  }
0x25: {  	[tilespmem:s17], [sflag:$0x1] =	stream.linear.gather [hbm4b:s4+s25], $0x1F40, $0x38;
	[tilespmem:$0x14380] =	vst v63  }
.LBB2_4:
0x26: {  	s26 =	smul.u32 $0x3E80, s25;
	_ =	sdelay $0x1  }
0x27: {  	s28 =	sshrl.u32 s26, $0x3  }
0x28: {  	s28 =	sadd.s32 $0x3E8, s28  }
0x29: {  	s29 =	sadd.s32 s3, s28  }
0x2a: {  	[tilespmem:s18], [sflag:$0x2] =	stream.linear.gather [hbm4b:s29+s2], $0x1F40, $0x38;
	[tilespmem:$0x14380] =	vst v63  }
0x2b: {  	s28 =	sadd.s32 s4, s28  }
0x2c: {  	[tilespmem:s19], [sflag:$0x2] =	stream.linear.gather [hbm4b:s28+s2], $0x1F40, $0x38;
	[tilespmem:$0x14380] =	vst v63  }
0x2d: {  	_ =	swait.ge [sflag:s20], $0x1F40  }
0x2e: {  	[sflag:s20] =	ssyncset.done $0x0  }
0x2f: {  	[sflag:s20] =	ssyncadd.s32 $0xFFFFE0C0  }
0x30: {  	_ =	swait.ge [sflag:s20], $0x1F40  }
0x31: {  	[sflag:s20] =	ssyncset.done $0x0  }
0x32: {  	s28 =	simm.s32 $0xC5A0;
	[sflag:s20] =	ssyncadd.s32 $0xFFFFE0C0  }
0x33: {  	v1 =	vld [tilespmem:s28+$0x20];
	_ =	sdelay $0x1  }
0x34: {  	v4 =	vld [tilespmem:s28+$0xFFFFFFE0]  }
0x35: {  	v2 =	vld [tilespmem:s28+$0xFFFFFFF0];
	_ =	sdelay $0x1  }
0x36: {  	v3 =	vld [tilespmem:s28+$0x0];
	v5 =	vand.u32 $0x3FFF, v1  }
0x37: {  	v6 =	vld [tilespmem:s28+$0x10]  }
0x38: {  	s28 =	simm.s32 $0x104A0;
	v9 =	vand.u32 $0x3FFF, v4  }
0x39: {  	v11 =	vld [tilespmem:s28+$0x20];
	v7 =	vand.u32 $0x3FFF, v2  }
0x3a: {  	v16 =	vld [tilespmem:s28+$0xFFFFFFE0]  }
0x3b: {  	v8 =	vand.u32 $0x3FFF, v3;
	v10 =	vld.idx.msk [tilespmem:v5+s2+$0x0], $0xffff  }
0x3c: {  	v17 =	vld [tilespmem:s28+$0xFFFFFFF0];
	v12 =	vand.u32 $0x3FFF, v6  }
0x3d: {  	v15 =	vshrl.u32 v1, $0xE;
	v1 =	vld.idx.msk [tilespmem:v9+s2+$0x0], $0xffff  }
0x3e: {  	v13 =	vld.idx.msk [tilespmem:v7+s2+$0x0], $0xffff  }
0x3f: {  	v4 =	vshrl.u32 v4, $0xE  }
0x40: {  	v19 =	vshrl.u32 v2, $0xE;
	v14 =	vld.idx.msk [tilespmem:v8+s2+$0x0], $0xffff;
	v10 =	vmul.f32 v10, v11  }
0x41: {  	v18 =	vld.idx.msk [tilespmem:v12+s2+$0x0], $0xffff  }
0x42: {  	v1 =	vmul.f32 v1, v16;
	[tilespmem:v15+s21+$0x0] =	vst.idx.add.f32.msk $0xffff, v10  }
0x43: {  	v13 =	vmul.f32 v13, v17;
	v10 =	vld [tilespmem:s28+$0x10]  }
0x44: {  	[tilespmem:v4+s21+$0x0] =	vst.idx.add.f32.msk $0xffff, v1  }
0x45: {  	[tilespmem:v19+s21+$0x0] =	vst.idx.add.f32.msk $0xffff, v13  }
0x46: {  	v2 =	vld.idx.msk [tilespmem:v5+s14+$0x0], $0xffff  }
0x47: {  	v5 =	vld [tilespmem:s28+$0x0]  }
0x48: {  	v20 =	vshrl.u32 v3, $0xE;
	v3 =	vld.idx.msk [tilespmem:v9+s14+$0x0], $0xffff  }
0x49: {  	v1 =	vshrl.u32 v6, $0xE;
	v6 =	vld.idx.msk [tilespmem:v7+s14+$0x0], $0xffff;
	s28 =	simm.s32 $0xC5F0  }
0x4a: {  	v9 =	vld [tilespmem:s28+$0x20]  }
0x4b: {  	v13 =	vld [tilespmem:s28+$0xFFFFFFF0]  }
0x4c: {  	v58 =	vld [tilespmem:s28+$0x10];
	v2 =	vmul.f32 v2, v11  }
0x4d: {  	v7 =	vmul.f32 v14, v5;
	v14 =	vld [tilespmem:s28+$0x0]  }
0x4e: {  	[tilespmem:v15+s22+$0x0] =	vst.idx.add.f32.msk $0xffff, v2  }
0x4f: {  	v3 =	vmul.f32 v3, v16;
	[tilespmem:v20+s21+$0x0] =	vst.idx.add.f32.msk $0xffff, v7  }
0x50: {  	v7 =	vld [tilespmem:s28+$0xFFFFFFE0]  }
0x51: {  	[tilespmem:v4+s22+$0x0] =	vst.idx.add.f32.msk $0xffff, v3  }
0x52: {  	s28 =	simm.s32 $0x104F0;
	v8 =	vld.idx.msk [tilespmem:v8+s14+$0x0], $0xffff  }
0x53: {  	v2 =	vmul.f32 v18, v10;
	v22 =	vld [tilespmem:s28+$0x20]  }
0x54: {  	v15 =	vand.u32 $0x3FFF, v9;
	v3 =	vmul.f32 v6, v17;
	v11 =	vld [tilespmem:s28+$0xFFFFFFE0]  }
0x55: {  	v59 =	vand.u32 $0x3FFF, v13;
	[tilespmem:v1+s21+$0x0] =	vst.idx.add.f32.msk $0xffff, v2  }
0x56: {  	[tilespmem:v19+s22+$0x0] =	vst.idx.add.f32.msk $0xffff, v3  }
0x57: {  	v21 =	vld.idx.msk [tilespmem:v12+s14+$0x0], $0xffff;
	v2 =	vand.u32 $0x3FFF, v14  }
0x58: {  	v12 =	vld [tilespmem:s28+$0xFFFFFFF0];
	v60 =	vand.u32 $0x3FFF, v7  }
0x59: {  	v4 =	vand.u32 $0x3FFF, v58;
	v6 =	vld.idx.msk [tilespmem:v15+s2+$0x0], $0xffff  }
0x5a: {  	v61 =	vld.idx.msk [tilespmem:v59+s2+$0x0], $0xffff  }
0x5b: {  	v23 =	vshrl.u32 v9, $0xE;
	v5 =	vmul.f32 v8, v5;
	v8 =	vld [tilespmem:s28+$0x0]  }
0x5c: {  	v24 =	vld.idx.msk [tilespmem:v2+s2+$0x0], $0xffff  }
0x5d: {  	v9 =	vld.idx.msk [tilespmem:v60+s2+$0x0], $0xffff  }
0x5e: {  	v25 =	vld.idx.msk [tilespmem:v4+s2+$0x0], $0xffff;
	v3 =	vmul.f32 v6, v22;
	v6 =	vshrl.u32 v14, $0xE  }
0x5f: {  	v7 =	vshrl.u32 v7, $0xE;
	[tilespmem:v20+s22+$0x0] =	vst.idx.add.f32.msk $0xffff, v5  }
0x60: {  	[tilespmem:v23+s21+$0x0] =	vst.idx.add.f32.msk $0xffff, v3;
	v3 =	vshrl.u32 v13, $0xE  }
0x61: {  	v15 =	vld.idx.msk [tilespmem:v15+s14+$0x0], $0xffff;
	v62 =	vmul.f32 v24, v8  }
0x62: {  	v13 =	vmul.f32 v9, v11;
	v9 =	vld [tilespmem:s28+$0x10]  }
0x63: {  	v19 =	vmul.f32 v61, v12;
	[tilespmem:v6+s21+$0x0] =	vst.idx.add.f32.msk $0xffff, v62  }
0x64: {  	v5 =	vshrl.u32 v58, $0xE;
	[tilespmem:v7+s21+$0x0] =	vst.idx.add.f32.msk $0xffff, v13  }
0x65: {  	[tilespmem:v3+s21+$0x0] =	vst.idx.add.f32.msk $0xffff, v19  }
0x66: {  	v13 =	vld.idx.msk [tilespmem:v60+s14+$0x0], $0xffff;
	v15 =	vmul.f32 v15, v22  }
0x67: {  	v14 =	vld.idx.msk [tilespmem:v59+s14+$0x0], $0xffff;
	v63 =	vmul.f32 v25, v9  }
0x68: {  	[tilespmem:v23+s22+$0x0] =	vst.idx.add.f32.msk $0xffff, v15  }
0x69: {  	s30 =	simm.s32 $0xC640;
	s29 =	simm.s32 $0x5;
	v10 =	vmul.f32 v21, v10;
	[tilespmem:v5+s21+$0x0] =	vst.idx.add.f32.msk $0xffff, v63  }
.LBB2_5:
0x6a: {  	v15 =	vld [tilespmem:s30+$0x20];
	s29 =	sadd.s32 $0x5, s29  }
0x6b: {  	v11 =	vmul.f32 v13, v11;
	v16 =	vld [tilespmem:s30+$0xFFFFFFF0];
	p0 =	slt.u32 s29, $0x1EF  }
0x6c: {  	v12 =	vmul.f32 v14, v12;
	v13 =	vld [tilespmem:s30+$0x0]  }
0x6d: {  	v14 =	vld [tilespmem:s30+$0x10]  }
0x6e: {  	v17 =	vld [tilespmem:s30+$0xFFFFFFE0]  }
0x6f: {  	v18 =	vand.u32 $0x3FFF, v15;
	v19 =	vld.idx.msk [tilespmem:v2+s14+$0x0], $0xffff  }
0x70: {  	v20 =	vshrl.u32 v16, $0xE;
	v16 =	vand.u32 $0x3FFF, v16;
	v21 =	vld.idx.msk [tilespmem:v4+s14+$0x0], $0xffff  }
0x71: {  	v22 =	vshrl.u32 v13, $0xE;
	v2 =	vand.u32 $0x3FFF, v13;
	[tilespmem:v7+s22+$0x0] =	vst.idx.add.f32.msk $0xffff, v11  }
0x72: {  	v11 =	vshrl.u32 v14, $0xE;
	v4 =	vand.u32 $0x3FFF, v14;
	[tilespmem:v3+s22+$0x0] =	vst.idx.add.f32.msk $0xffff, v12;
	v3 =	vmov v20  }
0x73: {  	v7 =	vshrl.u32 v17, $0xE;
	v13 =	vand.u32 $0x3FFF, v17;
	[tilespmem:v1+s22+$0x0] =	vst.idx.add.f32.msk $0xffff, v10;
	v1 =	vmovc v5;
	v5 =	vmov v11  }
0x74: {  	s28 =	sadd.s32 $0x50, s28;
	v12 =	vld.idx.msk [tilespmem:v18+s2+$0x0], $0xffff  }
0x75: {  	v17 =	vmul.f32 v19, v8;
	v14 =	vld [tilespmem:s28+$0x20]  }
0x76: {  	v10 =	vmul.f32 v21, v9;
	v19 =	vld.idx.msk [tilespmem:v16+s2+$0x0], $0xffff  }
0x77: {  	v15 =	vshrl.u32 v15, $0xE;
	v20 =	vld.idx.msk [tilespmem:v2+s2+$0x0], $0xffff  }
0x78: {  	v9 =	vld.idx.msk [tilespmem:v13+s2+$0x0], $0xffff  }
0x79: {  	v21 =	vld.idx.msk [tilespmem:v4+s2+$0x0], $0xffff  }
0x7a: {  	v11 =	vld [tilespmem:s28+$0xFFFFFFE0];
	v8 =	vmul.f32 v12, v14  }
0x7b: {  	v12 =	vld [tilespmem:s28+$0xFFFFFFF0]  }
0x7c: {  	[tilespmem:v15+s21+$0x0] =	vst.idx.add.f32.msk $0xffff, v8  }
0x7d: {  	v18 =	vld.idx.msk [tilespmem:v18+s14+$0x0], $0xffff  }
0x7e: {  	v8 =	vld [tilespmem:s28+$0x0]  }
0x7f: {  	v23 =	vmul.f32 v9, v11;
	v9 =	vld [tilespmem:s28+$0x10]  }
0x80: {  	v19 =	vmul.f32 v19, v12;
	[tilespmem:v6+s22+$0x0] =	vst.idx.add.f32.msk $0xffff, v17;
	v6 =	vmov v22  }
0x81: {  	[tilespmem:v7+s21+$0x0] =	vst.idx.add.f32.msk $0xffff, v23  }
0x82: {  	[tilespmem:v3+s21+$0x0] =	vst.idx.add.f32.msk $0xffff, v19  }
.Ltmp1:
0x83: {  	v18 =	vmul.f32 v18, v14;
	v13 =	vld.idx.msk [tilespmem:v13+s14+$0x0], $0xffff;
	v17 =	vmul.f32 v20, v8;
	(pc) =	sbr.rel @p0 .LBB2_5-.Ltmp1, $4  }
0x84: {  	v14 =	vld.idx.msk [tilespmem:v16+s14+$0x0], $0xffff;
	v16 =	vmul.f32 v21, v9  }
0x85: {  	[tilespmem:v15+s22+$0x0] =	vst.idx.add.f32.msk $0xffff, v18  }
0x86: {  	[tilespmem:v22+s21+$0x0] =	vst.idx.add.f32.msk $0xffff, v17  }
0x87: {  	s30 =	sadd.s32 $0x50, s30;
	[tilespmem:v5+s21+$0x0] =	vst.idx.add.f32.msk $0xffff, v16  }
0x88: {  	_ =	sdelay $0x3  }
0x89: {  	v2 =	vld.idx.msk [tilespmem:v2+s14+$0x0], $0xffff  }
0x8a: {  	v4 =	vld.idx.msk [tilespmem:v4+s14+$0x0], $0xffff;
	_ =	sdelay $0x1  }
0x8b: {  	v11 =	vmul.f32 v13, v11  }
0x8c: {  	[tilespmem:v1+s22+$0x0] =	vst.idx.add.f32.msk $0xffff, v10;
	v12 =	vmul.f32 v14, v12  }
0x8d: {  	p0 =	seq.s32 s25, $0x13;
	[tilespmem:v7+s22+$0x0] =	vst.idx.add.f32.msk $0xffff, v11;
	v2 =	vmul.f32 v2, v8  }
0x8e: {  	s26 =	sshrl.u32 @!p0 s26, $0x3;
	[tilespmem:v3+s22+$0x0] =	vst.idx.add.f32.msk $0xffff, v12;
	v1 =	vmul.f32 v4, v9  }
0x8f: {  	s26 =	sadd.s32 @!p0 $0x7D0, s26;
	[tilespmem:v6+s22+$0x0] =	vst.idx.add.f32.msk $0xffff, v2  }
0x90: {  	s29 =	simm.s32 @!p0 $0x0;
	s30 =	simm.s32 @!p0 $0xC580;
	s28 =	sadd.s32 @!p0 s3, s26;
	[tilespmem:v5+s22+$0x0] =	vst.idx.add.f32.msk $0xffff, v1  }
0x91: {  	[tilespmem:s30], [sflag:$0x1] =	stream.linear.gather @!p0 [hbm4b:s28+s29], $0x1F40, $0x38;
	[tilespmem:$0x14380] =	vst v63  }
0x92: {  	s26 =	sadd.s32 @!p0 s4, s26;
	s28 =	simm.s32 @!p0 $0x10480  }
0x93: {  	[tilespmem:s28], [sflag:$0x1] =	stream.linear.gather @!p0 [hbm4b:s26+s29], $0x1F40, $0x38;
	[tilespmem:$0x14380] =	vst v63  }
0x94: {  	_ =	swait.ge [sflag:s23], $0x1F40  }
0x95: {  	[sflag:s23] =	ssyncset.done $0x0  }
0x96: {  	[sflag:s23] =	ssyncadd.s32 $0xFFFFE0C0  }
0x97: {  	_ =	swait.ge [sflag:s23], $0x1F40  }
0x98: {  	[sflag:s23] =	ssyncset.done $0x0  }
0x99: {  	s31 =	simm.s32 $0xE520;
	[sflag:s23] =	ssyncadd.s32 $0xFFFFE0C0  }
0x9a: {  	v1 =	vld [tilespmem:s31+$0x20];
	_ =	sdelay $0x1  }
0x9b: {  	v4 =	vld [tilespmem:s31+$0xFFFFFFE0]  }
0x9c: {  	v2 =	vld [tilespmem:s31+$0xFFFFFFF0];
	_ =	sdelay $0x1  }
0x9d: {  	v3 =	vld [tilespmem:s31+$0x0];
	v5 =	vand.u32 $0x3FFF, v1  }
0x9e: {  	s30 =	simm.s32 $0x12420;
	v6 =	vld [tilespmem:s31+$0x10]  }
0x9f: {  	v11 =	vld [tilespmem:s30+$0x20];
	v9 =	vand.u32 $0x3FFF, v4  }
0xa0: {  	v16 =	vld [tilespmem:s30+$0xFFFFFFE0];
	v7 =	vand.u32 $0x3FFF, v2  }
0xa1: {  	v17 =	vld [tilespmem:s30+$0xFFFFFFF0]  }
0xa2: {  	s26 =	simm.s32 $0x12470;
	v8 =	vand.u32 $0x3FFF, v3;
	v10 =	vld.idx.msk [tilespmem:v5+s2+$0x0], $0xffff  }
0xa3: {  	v22 =	vld [tilespmem:s26+$0x20];
	v12 =	vand.u32 $0x3FFF, v6  }
0xa4: {  	v15 =	vshrl.u32 v1, $0xE;
	v1 =	vld.idx.msk [tilespmem:v9+s2+$0x0], $0xffff  }
0xa5: {  	s31 =	simm.s32 $0xE570;
	v13 =	vld.idx.msk [tilespmem:v7+s2+$0x0], $0xffff  }
0xa6: {  	v58 =	vld [tilespmem:s31+$0x10];
	v4 =	vshrl.u32 v4, $0xE  }
0xa7: {  	v19 =	vshrl.u32 v2, $0xE;
	v14 =	vld.idx.msk [tilespmem:v8+s2+$0x0], $0xffff;
	v10 =	vmul.f32 v10, v11  }
0xa8: {  	v18 =	vld.idx.msk [tilespmem:v12+s2+$0x0], $0xffff  }
0xa9: {  	v1 =	vmul.f32 v1, v16;
	[tilespmem:v15+s21+$0x0] =	vst.idx.add.f32.msk $0xffff, v10  }
0xaa: {  	v13 =	vmul.f32 v13, v17;
	v10 =	vld [tilespmem:s30+$0x10]  }
0xab: {  	[tilespmem:v4+s21+$0x0] =	vst.idx.add.f32.msk $0xffff, v1  }
0xac: {  	[tilespmem:v19+s21+$0x0] =	vst.idx.add.f32.msk $0xffff, v13  }
0xad: {  	v2 =	vld.idx.msk [tilespmem:v5+s14+$0x0], $0xffff  }
0xae: {  	v5 =	vld [tilespmem:s30+$0x0]  }
0xaf: {  	v13 =	vld [tilespmem:s31+$0xFFFFFFF0]  }
0xb0: {  	v20 =	vshrl.u32 v3, $0xE;
	v3 =	vld.idx.msk [tilespmem:v9+s14+$0x0], $0xffff  }
0xb1: {  	v1 =	vshrl.u32 v6, $0xE;
	v6 =	vld.idx.msk [tilespmem:v7+s14+$0x0], $0xffff  }
0xb2: {  	v9 =	vld [tilespmem:s31+$0x20]  }
0xb3: {  	v2 =	vmul.f32 v2, v11;
	v7 =	vmul.f32 v14, v5;
	v14 =	vld [tilespmem:s31+$0x0]  }
0xb4: {  	v11 =	vld [tilespmem:s26+$0xFFFFFFE0]  }
0xb5: {  	[tilespmem:v15+s22+$0x0] =	vst.idx.add.f32.msk $0xffff, v2  }
0xb6: {  	v3 =	vmul.f32 v3, v16;
	[tilespmem:v20+s21+$0x0] =	vst.idx.add.f32.msk $0xffff, v7  }
0xb7: {  	v59 =	vand.u32 $0x3FFF, v13;
	v7 =	vld [tilespmem:s31+$0xFFFFFFE0]  }
0xb8: {  	v2 =	vmul.f32 v18, v10;
	[tilespmem:v4+s22+$0x0] =	vst.idx.add.f32.msk $0xffff, v3  }
0xb9: {  	v15 =	vand.u32 $0x3FFF, v9;
	v3 =	vmul.f32 v6, v17;
	v8 =	vld.idx.msk [tilespmem:v8+s14+$0x0], $0xffff  }
0xba: {  	[tilespmem:v1+s21+$0x0] =	vst.idx.add.f32.msk $0xffff, v2  }
0xbb: {  	[tilespmem:v19+s22+$0x0] =	vst.idx.add.f32.msk $0xffff, v3  }
0xbc: {  	v61 =	vld.idx.msk [tilespmem:v59+s2+$0x0], $0xffff;
	v2 =	vand.u32 $0x3FFF, v14  }
0xbd: {  	v21 =	vld.idx.msk [tilespmem:v12+s14+$0x0], $0xffff;
	v60 =	vand.u32 $0x3FFF, v7  }
0xbe: {  	v4 =	vand.u32 $0x3FFF, v58;
	v6 =	vld.idx.msk [tilespmem:v15+s2+$0x0], $0xffff  }
0xbf: {  	v12 =	vld [tilespmem:s26+$0xFFFFFFF0]  }
0xc0: {  	v23 =	vshrl.u32 v9, $0xE;
	v5 =	vmul.f32 v8, v5;
	v8 =	vld [tilespmem:s26+$0x0]  }
0xc1: {  	v24 =	vld.idx.msk [tilespmem:v2+s2+$0x0], $0xffff  }
0xc2: {  	v9 =	vld.idx.msk [tilespmem:v60+s2+$0x0], $0xffff  }
0xc3: {  	v25 =	vld.idx.msk [tilespmem:v4+s2+$0x0], $0xffff;
	v3 =	vmul.f32 v6, v22;
	v6 =	vshrl.u32 v14, $0xE  }
0xc4: {  	v7 =	vshrl.u32 v7, $0xE;
	[tilespmem:v20+s22+$0x0] =	vst.idx.add.f32.msk $0xffff, v5  }
0xc5: {  	[tilespmem:v23+s21+$0x0] =	vst.idx.add.f32.msk $0xffff, v3;
	v3 =	vshrl.u32 v13, $0xE  }
0xc6: {  	v15 =	vld.idx.msk [tilespmem:v15+s14+$0x0], $0xffff;
	v62 =	vmul.f32 v24, v8  }
0xc7: {  	v13 =	vmul.f32 v9, v11;
	v9 =	vld [tilespmem:s26+$0x10]  }
0xc8: {  	v19 =	vmul.f32 v61, v12;
	[tilespmem:v6+s21+$0x0] =	vst.idx.add.f32.msk $0xffff, v62  }
0xc9: {  	v5 =	vshrl.u32 v58, $0xE;
	[tilespmem:v7+s21+$0x0] =	vst.idx.add.f32.msk $0xffff, v13  }
0xca: {  	[tilespmem:v3+s21+$0x0] =	vst.idx.add.f32.msk $0xffff, v19  }
0xcb: {  	v13 =	vld.idx.msk [tilespmem:v60+s14+$0x0], $0xffff;
	v15 =	vmul.f32 v15, v22  }
0xcc: {  	v14 =	vld.idx.msk [tilespmem:v59+s14+$0x0], $0xffff;
	v63 =	vmul.f32 v25, v9  }
0xcd: {  	[tilespmem:v23+s22+$0x0] =	vst.idx.add.f32.msk $0xffff, v15  }
0xce: {  	s28 =	simm.s32 $0x5;
	s29 =	simm.s32 $0xE5C0;
	v10 =	vmul.f32 v21, v10;
	[tilespmem:v5+s21+$0x0] =	vst.idx.add.f32.msk $0xffff, v63  }
.LBB2_7:
0xcf: {  	v15 =	vld [tilespmem:s29+$0x20];
	s28 =	sadd.s32 $0x5, s28  }
0xd0: {  	v11 =	vmul.f32 v13, v11;
	v16 =	vld [tilespmem:s29+$0xFFFFFFF0];
	p0 =	slt.u32 s28, $0x1EF  }
0xd1: {  	v12 =	vmul.f32 v14, v12;
	v13 =	vld [tilespmem:s29+$0x0]  }
0xd2: {  	v14 =	vld [tilespmem:s29+$0x10]  }
0xd3: {  	v17 =	vld [tilespmem:s29+$0xFFFFFFE0]  }
0xd4: {  	v18 =	vand.u32 $0x3FFF, v15;
	v19 =	vld.idx.msk [tilespmem:v2+s14+$0x0], $0xffff  }
0xd5: {  	v20 =	vshrl.u32 v16, $0xE;
	v16 =	vand.u32 $0x3FFF, v16;
	v21 =	vld.idx.msk [tilespmem:v4+s14+$0x0], $0xffff  }
0xd6: {  	v22 =	vshrl.u32 v13, $0xE;
	v2 =	vand.u32 $0x3FFF, v13;
	[tilespmem:v7+s22+$0x0] =	vst.idx.add.f32.msk $0xffff, v11  }
0xd7: {  	v11 =	vshrl.u32 v14, $0xE;
	v4 =	vand.u32 $0x3FFF, v14;
	[tilespmem:v3+s22+$0x0] =	vst.idx.add.f32.msk $0xffff, v12;
	v3 =	vmov v20  }
0xd8: {  	v7 =	vshrl.u32 v17, $0xE;
	v13 =	vand.u32 $0x3FFF, v17;
	[tilespmem:v1+s22+$0x0] =	vst.idx.add.f32.msk $0xffff, v10;
	v1 =	vmovc v5;
	v5 =	vmov v11  }
0xd9: {  	s26 =	sadd.s32 $0x50, s26;
	v12 =	vld.idx.msk [tilespmem:v18+s2+$0x0], $0xffff  }
0xda: {  	v17 =	vmul.f32 v19, v8;
	v14 =	vld [tilespmem:s26+$0x20]  }
0xdb: {  	v10 =	vmul.f32 v21, v9;
	v19 =	vld.idx.msk [tilespmem:v16+s2+$0x0], $0xffff  }
0xdc: {  	v15 =	vshrl.u32 v15, $0xE;
	v20 =	vld.idx.msk [tilespmem:v2+s2+$0x0], $0xffff  }
0xdd: {  	v9 =	vld.idx.msk [tilespmem:v13+s2+$0x0], $0xffff  }
0xde: {  	v21 =	vld.idx.msk [tilespmem:v4+s2+$0x0], $0xffff  }
0xdf: {  	v11 =	vld [tilespmem:s26+$0xFFFFFFE0];
	v8 =	vmul.f32 v12, v14  }
0xe0: {  	v12 =	vld [tilespmem:s26+$0xFFFFFFF0]  }
0xe1: {  	[tilespmem:v15+s21+$0x0] =	vst.idx.add.f32.msk $0xffff, v8  }
0xe2: {  	v18 =	vld.idx.msk [tilespmem:v18+s14+$0x0], $0xffff  }
0xe3: {  	v8 =	vld [tilespmem:s26+$0x0]  }
0xe4: {  	v23 =	vmul.f32 v9, v11;
	v9 =	vld [tilespmem:s26+$0x10]  }
0xe5: {  	v19 =	vmul.f32 v19, v12;
	[tilespmem:v6+s22+$0x0] =	vst.idx.add.f32.msk $0xffff, v17;
	v6 =	vmov v22  }
0xe6: {  	[tilespmem:v7+s21+$0x0] =	vst.idx.add.f32.msk $0xffff, v23  }
0xe7: {  	[tilespmem:v3+s21+$0x0] =	vst.idx.add.f32.msk $0xffff, v19  }
.Ltmp2:
0xe8: {  	v18 =	vmul.f32 v18, v14;
	v13 =	vld.idx.msk [tilespmem:v13+s14+$0x0], $0xffff;
	v17 =	vmul.f32 v20, v8;
	(pc) =	sbr.rel @p0 .LBB2_7-.Ltmp2, $4  }
0xe9: {  	v14 =	vld.idx.msk [tilespmem:v16+s14+$0x0], $0xffff;
	v16 =	vmul.f32 v21, v9  }
0xea: {  	[tilespmem:v15+s22+$0x0] =	vst.idx.add.f32.msk $0xffff, v18  }
0xeb: {  	[tilespmem:v22+s21+$0x0] =	vst.idx.add.f32.msk $0xffff, v17  }
0xec: {  	s29 =	sadd.s32 $0x50, s29;
	[tilespmem:v5+s21+$0x0] =	vst.idx.add.f32.msk $0xffff, v16  }
0xed: {  	_ =	sdelay $0x3  }
0xee: {  	v2 =	vld.idx.msk [tilespmem:v2+s14+$0x0], $0xffff  }
0xef: {  	v4 =	vld.idx.msk [tilespmem:v4+s14+$0x0], $0xffff  }
0xf0: {  	s25 =	sadd.s32 $0x1, s25  }
0xf1: {  	v11 =	vmul.f32 v13, v11;
	p0 =	sne.s32 s25, $0x14  }
.Ltmp3:
0xf2: {  	[tilespmem:v1+s22+$0x0] =	vst.idx.add.f32.msk $0xffff, v10;
	v12 =	vmul.f32 v14, v12;
	(pc) =	sbr.rel @p0 .LBB2_4-.Ltmp3, $4  }
0xf3: {  	[tilespmem:v7+s22+$0x0] =	vst.idx.add.f32.msk $0xffff, v11;
	v2 =	vmul.f32 v2, v8  }
0xf4: {  	[tilespmem:v3+s22+$0x0] =	vst.idx.add.f32.msk $0xffff, v12;
	v1 =	vmul.f32 v4, v9  }
0xf5: {  	[tilespmem:v6+s22+$0x0] =	vst.idx.add.f32.msk $0xffff, v2  }
0xf6: {  	[tilespmem:v5+s22+$0x0] =	vst.idx.add.f32.msk $0xffff, v1  }
0xf7: {  	s25 =	simm.s32 $0x9E20  }
0xf8: {  	v1 =	vld [tilespmem:s25+$0x20]  }
0xf9: {  	v2 =	vld [tilespmem:s25+$0xFFFFFFF0]  }
0xfa: {  	v3 =	vld [tilespmem:s25+$0x0]  }
0xfb: {  	v4 =	vld [tilespmem:s25+$0x10]  }
0xfc: {  	v5 =	vld [tilespmem:s25+$0xFFFFFFE0]  }
0xfd: {  	vm0 =	vgt.f32 v1, $0.0e+00  }
0xfe: {  	vm1 =	vgt.f32 v2, $0.0e+00;
	v1 =	vnsel vm0, $0x3F800000, v1  }
0xff: {  	vm15 =	vgt.f32 v3, $0.0e+00;
	v2 =	vnsel vm1, $0x3F800000, v2;
	(erf) = vrcp.f32 v1  }
0x100: {  	vm4 =	vgt.f32 v4, $0.0e+00;
	v1 =	vnsel vm15, $0x3F800000, v3;
	(erf) = vrcp.f32 v2  }
0x101: {  	s26 =	simm.s32 $0x9E70;
	vm5 =	vgt.f32 v5, $0.0e+00;
	v2 =	vnsel vm4, $0x3F800000, v4;
	(erf) = vrcp.f32 v1  }
0x102: {  	v6 =	vld [tilespmem:s26+$0xFFFFFFF0];
	v1 =	vnsel vm5, $0x3F800000, v5;
	(erf) = vrcp.f32 v2  }
0x103: {  	v8 =	vld [tilespmem:s26+$0x0];
	(erf) = vrcp.f32 v1  }
0x104: {  	v5 =	vld [tilespmem:s26+$0x20]  }
0x105: {  	s28 =	simm.s32 $0x4F20;
	v10 =	vld [tilespmem:s26+$0x10]  }
0x106: {  	v1 =	vld [tilespmem:s28+$0x20]  }
0x107: {  	v4 =	vld [tilespmem:s28+$0xFFFFFFF0]  }
0x108: {  	v3 =	vld [tilespmem:s28+$0xFFFFFFE0];
	v7 =	vpop (erf)  }
0x109: {  	v12 =	vld [tilespmem:s26+$0xFFFFFFE0];
	vm6 =	vgt.f32 v5, $0.0e+00;
	v9 =	vpop (erf)  }
0x10a: {  	vm7 =	vgt.f32 v6, $0.0e+00;
	v5 =	vnsel vm6, $0x3F800000, v5;
	v2 =	vpop (erf)  }
0x10b: {  	vm8 =	vgt.f32 v8, $0.0e+00;
	(erf) = vrcp.f32 v5;
	v11 =	vmul.f32 v7, v1;
	v1 =	vpop (erf)  }
0x10c: {  	s29 =	simm.s32 $0x4F70;
	vm9 =	vgt.f32 v10, $0.0e+00;
	v6 =	vnsel vm7, $0x3F800000, v6;
	v4 =	vmul.f32 v9, v4;
	v13 =	vpop (erf)  }
0x10d: {  	v57 =	vld [tilespmem:s29+$0xFFFFFFE0];
	v8 =	vnsel vm8, $0x3F800000, v8;
	(erf) = vrcp.f32 v6;
	v3 =	vmul.f32 v13, v3  }
0x10e: {  	v14 =	vld [tilespmem:s29+$0xFFFFFFF0];
	vm10 =	vgt.f32 v12, $0.0e+00;
	s26 =	simm.s32 $0x9EC0;
	(erf) = vrcp.f32 v8;
	[tilespmem:s28+$0xFFFFFFF0] =	vst v4;
	v4 =	vnsel vm9, $0x3F800000, v10  }
0x10f: {  	v15 =	vld [tilespmem:s26+$0x20];
	(erf) = vrcp.f32 v4;
	[tilespmem:s28+$0xFFFFFFE0] =	vst v3;
	v3 =	vnsel vm10, $0x3F800000, v12  }
0x110: {  	(erf) = vrcp.f32 v3;
	v3 =	vld [tilespmem:s29+$0x20]  }
0x111: {  	v5 =	vld [tilespmem:s28+$0x0]  }
0x112: {  	s25 =	simm.s32 $0x76A0;
	v16 =	vld [tilespmem:s26+$0xFFFFFFF0];
	[tilespmem:s28+$0x20] =	vst v11  }
0x113: {  	v11 =	vld [tilespmem:s25+$0x20]  }
0x114: {  	v6 =	vld [tilespmem:s28+$0x10];
	v17 =	vpop (erf)  }
0x115: {  	v8 =	vld [tilespmem:s25+$0xFFFFFFF0];
	v4 =	vmul.f32 v17, v3  }
0x116: {  	v18 =	vld [tilespmem:s26+$0x0];
	v5 =	vmul.f32 v2, v5  }
0x117: {  	v20 =	vld [tilespmem:s26+$0xFFFFFFE0];
	v19 =	vpop (erf)  }
0x118: {  	[tilespmem:s28+$0x0] =	vst v5;
	v7 =	vmul.f32 v7, v11;
	v11 =	vld [tilespmem:s26+$0x10];
	v3 =	vpop (erf)  }
0x119: {  	vm11 =	vgt.f32 v15, $0.0e+00;
	v6 =	vmul.f32 v1, v6;
	v10 =	vld [tilespmem:s25+$0xFFFFFFE0];
	[tilespmem:s29+$0x20] =	vst v4;
	v4 =	vpop (erf)  }
0x11a: {  	vm12 =	vgt.f32 v16, $0.0e+00;
	v8 =	vmul.f32 v9, v8;
	v9 =	vld [tilespmem:s29+$0x0];
	[tilespmem:s25+$0x20] =	vst v7;
	v7 =	vmul.f32 v19, v14;
	v21 =	vpop (erf)  }
0x11b: {  	v60 =	vld [tilespmem:s29+$0x10];
	vm13 =	vgt.f32 v18, $0.0e+00;
	v59 =	vnsel vm11, $0x3F800000, v15;
	[tilespmem:s28+$0x10] =	vst v6;
	s26 =	simm.s32 $0x76F0;
	v5 =	vmul.f32 v21, v57  }
0x11c: {  	vm15 =	vgt.f32 v20, $0.0e+00;
	(erf) = vrcp.f32 v59;
	[tilespmem:s29+$0xFFFFFFF0] =	vst v7;
	v7 =	vnsel vm12, $0x3F800000, v16;
	v58 =	vld [tilespmem:s26+$0x20]  }
0x11d: {  	v6 =	vnsel vm13, $0x3F800000, v18;
	v61 =	vld [tilespmem:s26+$0xFFFFFFF0];
	(erf) = vrcp.f32 v7;
	vm14 =	vgt.f32 v11, $0.0e+00;
	[tilespmem:s29+$0xFFFFFFE0] =	vst v5  }
0x11e: {  	[tilespmem:s25+$0xFFFFFFF0] =	vst v8;
	v8 =	vnsel vm14, $0x3F800000, v11;
	(erf) = vrcp.f32 v6;
	v5 =	vmul.f32 v13, v10;
	v10 =	vld [tilespmem:s26+$0xFFFFFFE0]  }
0x11f: {  	v7 =	vld [tilespmem:s25+$0x0];
	v9 =	vmul.f32 v3, v9;
	v6 =	vnsel vm15, $0x3F800000, v20;
	(erf) = vrcp.f32 v8  }
0x120: {  	s28 =	simm.s32 $0x4FC0;
	v63 =	vmul.f32 v4, v60;
	(erf) = vrcp.f32 v6;
	[tilespmem:s25+$0xFFFFFFE0] =	vst v5;
	v5 =	vld [tilespmem:s25+$0x10]  }
0x121: {  	v8 =	vld [tilespmem:s28+$0x20];
	[tilespmem:s29+$0x0] =	vst v9;
	v62 =	vmul.f32 v17, v58  }
0x122: {  	v9 =	vld [tilespmem:s28+$0xFFFFFFF0];
	v11 =	vmul.f32 v19, v61;
	[tilespmem:s29+$0x10] =	vst v63  }
0x123: {  	s30 =	simm.s32 $0xA;
	s31 =	simm.s32 $0x9F10;
	v6 =	vld [tilespmem:s28+$0xFFFFFFE0];
	s29 =	simm.s32 $0x4FC0;
	[tilespmem:s26+$0x20] =	vst v62;
	v10 =	vmul.f32 v21, v10  }
.LBB2_10:
0x124: {  	v12 =	vld [tilespmem:s31+$0x20];
	s30 =	sadd.s32 $0x5, s30;
	[tilespmem:s26+$0xFFFFFFF0] =	vst v11;
	v7 =	vmul.f32 v2, v7;
	v2 =	vmov v3  }
0x125: {  	v11 =	vld [tilespmem:s31+$0xFFFFFFF0];
	p0 =	slt.u32 s30, $0x26C;
	v13 =	vpop (erf);
	[tilespmem:s26+$0xFFFFFFE0] =	vst v10;
	v5 =	vmul.f32 v1, v5;
	v1 =	vmov v4  }
0x126: {  	v10 =	vld [tilespmem:s31+$0x0];
	v16 =	vmul.f32 v13, v8;
	v14 =	vpop (erf);
	[tilespmem:s25+$0x0] =	vst v7  }
0x127: {  	v7 =	vld [tilespmem:s31+$0x10];
	v3 =	vpop (erf);
	[tilespmem:s25+$0x10] =	vst v5;
	s25 =	smov.u32 s26  }
0x128: {  	s26 =	sadd.s32 $0x50, s26;
	v5 =	vld [tilespmem:s31+$0xFFFFFFE0];
	v8 =	vmul.f32 v14, v9;
	[tilespmem:s28+$0x20] =	vst v16;
	v4 =	vpop (erf)  }
0x129: {  	vm0 =	vgt.f32 v12, $0.0e+00;
	v9 =	vld [tilespmem:s26+$0x20];
	v15 =	vpop (erf)  }
0x12a: {  	vm1 =	vgt.f32 v11, $0.0e+00;
	v12 =	vnsel vm0, $0x3F800000, v12;
	v6 =	vmul.f32 v15, v6;
	[tilespmem:s28+$0xFFFFFFF0] =	vst v8;
	v8 =	vld [tilespmem:s28+$0x0]  }
0x12b: {  	v11 =	vnsel vm1, $0x3F800000, v11;
	vm0 =	vgt.f32 v10, $0.0e+00;
	(erf) = vrcp.f32 v12;
	v12 =	vld [tilespmem:s28+$0x10]  }
0x12c: {  	v10 =	vnsel vm0, $0x3F800000, v10;
	vm0 =	vgt.f32 v7, $0.0e+00;
	(erf) = vrcp.f32 v11;
	[tilespmem:s28+$0xFFFFFFE0] =	vst v6;
	v11 =	vld [tilespmem:s26+$0xFFFFFFF0]  }
0x12d: {  	vm1 =	vgt.f32 v5, $0.0e+00;
	v6 =	vnsel vm0, $0x3F800000, v7;
	(erf) = vrcp.f32 v10;
	v10 =	vld [tilespmem:s26+$0xFFFFFFE0]  }
.Ltmp4:
0x12e: {  	v5 =	vnsel vm1, $0x3F800000, v5;
	(erf) = vrcp.f32 v6;
	v6 =	vmul.f32 v13, v9;
	v7 =	vld [tilespmem:s25+$0x0];
	(pc) =	sbr.rel @p0 .LBB2_10-.Ltmp4, $4  }
0x12f: {  	s28 =	sadd.s32 $0x50, s28;
	(erf) = vrcp.f32 v5;
	v9 =	vmul.f32 v3, v8;
	v5 =	vld [tilespmem:s25+$0x10]  }
0x130: {  	v8 =	vld [tilespmem:s28+$0x20];
	v12 =	vmul.f32 v4, v12;
	[tilespmem:s26+$0x20] =	vst v6  }
0x131: {  	v6 =	vld [tilespmem:s28+$0xFFFFFFE0];
	v11 =	vmul.f32 v14, v11;
	[tilespmem:s29+$0x0] =	vst v9  }
0x132: {  	s31 =	sadd.s32 $0x50, s31;
	v9 =	vld [tilespmem:s28+$0xFFFFFFF0];
	v10 =	vmul.f32 v15, v10;
	[tilespmem:s29+$0x10] =	vst v12;
	s29 =	smov.u32 s28  }
0x133: {  	_ = 	snop  }
0x134: {  	v12 =	vpop (erf)  }
0x135: {  	v13 =	vpop (erf)  }
0x136: {  	v14 =	vpop (erf)  }
0x137: {  	v17 =	vld [tilespmem:s28+$0x0];
	v8 =	vmul.f32 v12, v8;
	v15 =	vpop (erf)  }
0x138: {  	v55 =	vld [tilespmem:s28+$0x10];
	[tilespmem:s26+$0xFFFFFFF0] =	vst v11;
	v9 =	vmul.f32 v13, v9;
	v16 =	vpop (erf)  }
0x139: {  	s30 =	sadd.s32 $0x50, s26;
	[tilespmem:s28+$0x20] =	vst v8;
	v6 =	vmul.f32 v16, v6  }
0x13a: {  	v56 =	vld [tilespmem:s30+$0x20];
	[tilespmem:s28+$0xFFFFFFF0] =	vst v9  }
0x13b: {  	v2 =	vmul.f32 v2, v7;
	v57 =	vld [tilespmem:s30+$0xFFFFFFF0];
	[tilespmem:s28+$0xFFFFFFE0] =	vst v6  }
0x13c: {  	[tilespmem:s26+$0xFFFFFFE0] =	vst v10;
	v59 =	vmul.f32 v14, v17;
	v58 =	vld [tilespmem:s30+$0xFFFFFFE0]  }
0x13d: {  	[tilespmem:s25+$0x0] =	vst v2;
	v2 =	vld [tilespmem:s26+$0x0];
	v8 =	vmul.f32 v15, v55  }
0x13e: {  	v60 =	vld [tilespmem:s26+$0x10];
	v1 =	vmul.f32 v1, v5;
	[tilespmem:s29+$0x0] =	vst v59  }
0x13f: {  	[tilespmem:s29+$0x10] =	vst v8;
	v61 =	vld [tilespmem:s30+$0x0];
	v6 =	vmul.f32 v12, v56  }
0x140: {  	[tilespmem:s25+$0x10] =	vst v1;
	v62 =	vld [tilespmem:s30+$0x10];
	v1 =	vmul.f32 v13, v57  }
0x141: {  	[tilespmem:s30+$0x20] =	vst v6;
	v63 =	vmul.f32 v16, v58  }
0x142: {  	[tilespmem:s30+$0xFFFFFFF0] =	vst v1;
	v1 =	vmul.f32 v3, v2  }
0x143: {  	v2 =	vmul.f32 v4, v60;
	[tilespmem:s30+$0xFFFFFFE0] =	vst v63  }
0x144: {  	[tilespmem:s26+$0x0] =	vst v1;
	v1 =	vmul.f32 v14, v61  }
0x145: {  	[tilespmem:s26+$0x10] =	vst v2;
	v2 =	vmul.f32 v15, v62  }
0x146: {  	[tilespmem:s30+$0x0] =	vst v1  }
0x147: {  	[tilespmem:s30+$0x10] =	vst v2  }
0x148: {  	[hbm4b:s8+s11] =	stream.strided.scatter [tilespmem:s21], [sflag:$0x3], $0x2780, s12, s11, $0x38;
	[tilespmem:$0x14380] =	vst v63  }
0x149: {  	s24 =	sadd.s32 $0x1, s24;
	_ =	swait.ge [sflag:s13], $0x2780  }
0x14a: {  	p0 =	sne.s32 s24, s10;
	[sflag:s13] =	ssyncset.done $0x0  }
.Ltmp5:
0x14b: {  	[sflag:s13] =	ssyncadd.s32 $0xFFFFD880;
	(pc) =	sbr.rel @p0 .LBB2_1-.Ltmp5, $4  }
0x14c: {  	[hbm4b:s9+s11] =	stream.strided.scatter [tilespmem:s22], [sflag:$0x3], $0x2780, s12, s11, $0x38;
	[tilespmem:$0x14380] =	vst v63  }
0x14d: {  	_ =	swait.ge [sflag:s13], $0x2780  }
0x14e: {  	[sflag:s13] =	ssyncset.done $0x0  }
0x14f: {  	[sflag:s13] =	ssyncadd.s32 $0xFFFFD880  }
0x150: {  	_ =	sfence.sel $0x180000  }
0x151: {  	[bflag:$0x0] =	sbarrier.arrive $0xFFFF  }
0x152: {  	p0 =	sne.s32 s1, $0x0;
	_ =	strace $0x90000056  }
0x153: {  	s0 =	sadd.s32 @!p0 $0x100000, s0;
	[bflag:$0x2] =	sbarrier.arrive $0xFFFF  }
0x154: {  	[sflag:s0] =	ssyncadd.tile.s32 @!p0 $0x1;
	_ =	shalt  }
.Lfunc_end2:
_tile_overlayer_lowered:
.L_overlay_start_2:
0x155: {  	(tag) =	ssettag $0x2  }
0x156: {  	s0 =	rddreg [dreg:$0x0];
	s2 =	stileid.u32  }
0x157: {  	s1 =	rddreg [dreg:$0x1];
	p0 =	sne.s32 s2, $0x0  }
0x158: {  	s3 =	rddreg [dreg:$0x2];
	[bflag:$0x3] =	sbarrier.arrive $0xFFFF;
	s2 =	simm.s32 @!p0 $0x1C03  }
0x159: {  	[timem:s3], [sflag:s2] =	dma.local @!p0 [hbm:s0], s1  }
0x15a: {  	s0 =	simm.s32 @!p0 $0x3  }
0x15b: {  	_ =	swait.ge @!p0 [sflag:s0], s1  }
0x15c: {  	s1 =	ssub.s32 @!p0 $0x0, s1;
	[sflag:s0] =	ssyncset.done @!p0 $0x0  }
0x15d: {  	[sflag:s0] =	ssyncadd.s32 @!p0 s1  }
0x15e: {  	[bflag:$0x3] =	sbarrier.arrive $0xFFFF  }
0x15f: {  	_ =	shalt  }

</sc_bundles>
